<compile_context>
chip_gen: v7x
topology: tpu7x:2x2x1
jax: 0.10.2.dev20260603
libtpu: 0.0.44.dev20260713+nightly
codegen_flags: <defaults>
</compile_context>

<pallas_src>
import functools

import jax
import jax.numpy as jnp
from jax import lax
from jax.experimental import pallas as pl
from jax.experimental.pallas import tpu as pltpu
import jax.experimental.pallas.tpu_sc as plsc

D = H = W = 192
N_LM = 512
V = D * H * W
NC, NS = 2, 16
NW = NC * NS
LPT = N_LM // NW
NCH = LPT // 16


def _sc_gather_body(mlT_hbm, field_hbm, out_hbm, ml_v, rows_v, g_v, sem):
    cid = lax.axis_index("c")
    sid = lax.axis_index("s")
    wid = sid * NC + cid
    base = wid * LPT
    for d in range(3):
        pltpu.sync_copy(mlT_hbm.at[d, pl.ds(base, LPT)], ml_v.at[d])

    def floor_ceil(v):
        f = v.astype(jnp.int32)
        c = jnp.minimum(f + jnp.where(v > f.astype(jnp.float32), 1, 0), D - 1)
        return f, c

    lanes = lax.iota(jnp.int32, 16)

    def lane_scalar(vec, l):
        return vec[l]

    copies = []
    picks = []
    for h in range(NCH):
        xf, xc = floor_ceil(ml_v[0, pl.ds(h * 16, 16)])
        yf, yc = floor_ceil(ml_v[1, pl.ds(h * 16, 16)])
        zf, zc = floor_ceil(ml_v[2, pl.ds(h * 16, 16)])
        for s, (xs, ys, zs) in enumerate(((xf, yf, zf), (xc, yc, zc))):
            for l in range(16):
                x = lane_scalar(xs, l)
                y = lane_scalar(ys, l)
                za = pl.multiple_of((lane_scalar(zs, l) // 16) * 16, 16)
                for c in range(3):
                    e = ((c * 2 + s) * NCH + h) * 16 + l
                    copies.append(pltpu.async_copy(
                        field_hbm.at[c * D + x, y, pl.ds(za, 16)],
                        rows_v.at[pl.ds(e * 16, 16)], sem))
            picks.append((h, s, zf if s == 0 else zc))
    for cp in copies:
        cp.wait()
    for h, s, z in picks:
        for c in range(3):
            eb = ((c * 2 + s) * NCH + h) * 16
            flat = (lanes + eb) * 16 + (z & 15)
            g_v[pl.ds(eb, 16)] = plsc.load_gather(rows_v, [flat])
    for c in range(3):
        for s in range(2):
            pltpu.sync_copy(g_v.at[pl.ds((c * 2 + s) * LPT, LPT)],
                            out_hbm.at[c, s, pl.ds(base, LPT)])


@functools.cache
def _sc_gather():
    return pl.kernel(
        _sc_gather_body,
        out_type=jax.ShapeDtypeStruct((3, 2, N_LM), jnp.float32),
        mesh=plsc.VectorSubcoreMesh(
            core_axis_name="c", subcore_axis_name="s",
            num_cores=NC, num_subcores=NS),
        compiler_params=pltpu.CompilerParams(needs_layout_passes=False),
        scratch_types=[
            pltpu.VMEM((3, LPT), jnp.float32),
            pltpu.VMEM((6 * LPT * 16,), jnp.float32),
            pltpu.VMEM((6 * LPT,), jnp.float32),
            pltpu.SemaphoreType.DMA,
        ],
    )


def _tc_weights_body(ml_ref, fl_ref, ms_ref, w2_ref, aux_ref):
    ml = ml_ref[:]
    fl = fl_ref[:]
    ms = ms_ref[0]
    fc = jnp.floor(ml).astype(jnp.int32)
    cc = jnp.minimum(fc + (ml > fc.astype(jnp.float32)).astype(jnp.int32), D - 1)
    j3 = lax.broadcasted_iota(jnp.int32, (1, 3), 1)
    stride = jnp.where(j3 == 0, H * W, jnp.where(j3 == 1, W, 1))
    lin_f = jnp.sum(fc * stride, axis=1)
    lin_c = jnp.sum(cc * stride, axis=1)
    w2_ref[0, :] = 0.5 / jnp.sum(
        (lin_f[:, None] == lin_f[None, :]).astype(jnp.float32), axis=0)
    w2_ref[1, :] = 0.5 / jnp.sum(
        (lin_c[:, None] == lin_c[None, :]).astype(jnp.float32), axis=0)
    dd = ml - fl
    sq = (dd * ms[None, :]) ** 2
    base = jnp.sum(sq) - jnp.sum(sq[2, :])
    d2 = dd[2, :]
    aux_ref[0, 0] = base
    for c in range(3):
        aux_ref[0, 1 + c] = d2[c]
        aux_ref[0, 4 + c] = ms[c]


_tc_weights = pl.pallas_call(
    _tc_weights_body,
    out_shape=(jax.ShapeDtypeStruct((2, N_LM), jnp.float32),
               jax.ShapeDtypeStruct((1, 8), jnp.float32)),
    out_specs=(pl.BlockSpec(memory_space=pltpu.VMEM),
               pl.BlockSpec(memory_space=pltpu.SMEM)),
)


def _tc_combine_body(g_ref, w2_ref, aux_ref, out_ref):
    g = g_ref[:]
    w2 = w2_ref[:]
    row2 = jnp.sum(g[:, 0, :] * w2[0][None, :]
                   + g[:, 1, :] * w2[1][None, :], axis=1)
    err2 = aux_ref[0, 0]
    for c in range(3):
        err2 = err2 + ((row2[c] + aux_ref[0, 1 + c]) * aux_ref[0, 4 + c]) ** 2
    out_ref[0, 0] = jnp.sqrt(err2)


_tc_combine = pl.pallas_call(
    _tc_combine_body,
    out_shape=jax.ShapeDtypeStruct((1, 1), jnp.float32),
    in_specs=(pl.BlockSpec(memory_space=pltpu.VMEM),
              pl.BlockSpec(memory_space=pltpu.VMEM),
              pl.BlockSpec(memory_space=pltpu.SMEM)),
    out_specs=pl.BlockSpec(memory_space=pltpu.SMEM),
)


def kernel(fixed_landmarks, moving_landmarks, displacement_field, fixed_spacing,
           moving_spacing):
    mlT = moving_landmarks.T
    field3 = displacement_field.reshape(3 * D, H, W)
    g = _sc_gather()(mlT, field3)
    w2, aux = _tc_weights(moving_landmarks, fixed_landmarks,
                          moving_spacing[None, :])
    out = _tc_combine(g, w2, aux)
    return out[0, 0]

# --- scband reference (transcript-rebuilt; emitter-appended) ---
"""Pipeline reference for scband-total-registration-loss-22565758173292 (READ-ONLY COPY).

The authoritative reference and input builder live on the scoring server;
editing this copy changes nothing except your own understanding.
"""

import jax, jax.numpy as jnp
import numpy as np

D, H, W = 192, 192, 192
N_LM = 512

def setup_inputs(seed: int = 0) -> dict:
    key = jax.random.key(seed)
    k1, k2, k3, k4, k5 = jax.random.split(key, 5)
    dims = jnp.array([D - 1, H - 1, W - 1], dtype=jnp.float32)
    fixed_landmarks = jax.random.uniform(k1, (N_LM, 3), dtype=jnp.float32) * dims
    moving_landmarks = jax.random.uniform(k2, (N_LM, 3), dtype=jnp.float32) * dims
    displacement_field = jax.random.normal(k3, (1, 3, D, H, W), dtype=jnp.float32)
    fixed_spacing = jax.random.uniform(k4, (3,), dtype=jnp.float32, minval=0.5, maxval=2.0)
    moving_spacing = jax.random.uniform(k5, (3,), dtype=jnp.float32, minval=0.5, maxval=2.0)
    return {
        'fixed_landmarks': fixed_landmarks,
        'moving_landmarks': moving_landmarks,
        'displacement_field': displacement_field,
        'fixed_spacing': fixed_spacing,
        'moving_spacing': moving_spacing,
    }

def reference(fixed_landmarks, moving_landmarks, displacement_field, fixed_spacing, moving_spacing):
    n_coords = fixed_landmarks.shape[0]
    spatial = displacement_field.shape[2:]
    # coordinates computed under no_grad in the original torch code
    ml = jax.lax.stop_gradient(moving_landmarks)
    floor_coords = jnp.floor(ml).astype(jnp.int32)            # [N, 3]
    ceil_coords = jnp.ceil(ml).astype(jnp.int32)              # [N, 3]
    maxdims = jnp.array([spatial[0] - 1, spatial[1] - 1, spatial[2] - 1], dtype=jnp.int32)
    ceil_coords = jnp.minimum(ceil_coords, maxdims)
    # NOTE: the original torch code shadows the outer loop variable `i` with the inner
    # clamp loop, so `i` is always 2 when writing into floor_arr/ceil_arr. Hence ONLY
    # row 2 of the one-hot arrays is populated, with the UNION (overwrite-with-1) of
    # every landmark's floor/ceil voxel. We reproduce that behavior exactly.
    floor_mask = jnp.zeros(spatial, dtype=displacement_field.dtype).at[
        floor_coords[:, 0], floor_coords[:, 1], floor_coords[:, 2]].set(1.0)
    ceil_mask = jnp.zeros(spatial, dtype=displacement_field.dtype).at[
        ceil_coords[:, 0], ceil_coords[:, 1], ceil_coords[:, 2]].set(1.0)
    # floor_arr[i] is zero for i != 2; row 2 holds the mask broadcast over channels.
    # sum(floor_arr * field, dims=(-1,-2,-3)) therefore only fills row 2.
    floor_row = jnp.sum(floor_mask[None, :, :, :] * displacement_field[0], axis=(1, 2, 3))  # [3]
    ceil_row = jnp.sum(ceil_mask[None, :, :, :] * displacement_field[0], axis=(1, 2, 3))    # [3]
    floor_disp = jnp.zeros((n_coords, 3), dtype=displacement_field.dtype).at[2].set(floor_row)
    ceil_disp = jnp.zeros((n_coords, 3), dtype=displacement_field.dtype).at[2].set(ceil_row)
    disp = (floor_disp + ceil_disp) / 2.0
    err = jnp.linalg.norm((disp + moving_landmarks - fixed_landmarks) * moving_spacing)
    return err

if __name__ == "__main__":
    import jax
    _d = setup_inputs()
    print(jax.jit(kernel)(*tuple(_d.values())))

</pallas_src>

<mosaic_0001>
#map = affine_map<(d0, d1) -> (0, 0)>
#map1 = affine_map<(d0, d1) -> (0, 0, 0)>
module attributes {stable_mosaic.version = 14 : i64} {
  func.func @_sc_gather_body(%arg0: i32, %arg1: i32, %arg2: memref<3x512xf32, #tpu.memory_space<hbm>>, %arg3: memref<576x192x192xf32, #tpu.memory_space<hbm>>, %arg4: memref<3x2x512xf32, #tpu.memory_space<hbm>>, %arg5: memref<3x16xf32, #tpu.memory_space<vmem>>, %arg6: memref<1536xf32, #tpu.memory_space<vmem>>, %arg7: memref<96xf32, #tpu.memory_space<vmem>>, %arg8: memref<!tpu.dma_semaphore, #tpu.memory_space<semaphore_mem>>) attributes {dimension_semantics = [#tpu.dimension_semantics<core_parallel>, #tpu.dimension_semantics<subcore_parallel>], iteration_bounds = array<i64: 2, 16>, scalar_prefetch = 0 : i64, scratch_operands = 4 : i64, tpu.core_type = #tpu.core_type<sc_vector_subcore>, window_params = [{transform_indices = #map}, {transform_indices = #map1}, {transform_indices = #map1}]} {
    %mul3A = arith.constant 2 : i32
    %mul3A_0 = arith.muli %arg1, %mul3A : i32
    %add3A = arith.addi %mul3A_0, %arg0 : i32
    %mul3A_1 = arith.constant 16 : i32
    %mul3A_2 = arith.muli %add3A, %mul3A_1 : i32
    %run_scoped3A = arith.constant 0 : i32
    %run_scoped3A_3 = arith.constant 0 : i32
    "tpu.region"() ({
      %run_scoped3A_2910 = tpu.sem_alloc : memref<!tpu.dma_semaphore, #tpu.memory_space<semaphore_mem>>
      %dma_start3A_2911 = arith.constant 0 : i32
      %dma_start3A_2912 = tpu.memref_slice %arg5[%run_scoped3A_3, %dma_start3A_2911] : memref<3x16xf32, #tpu.memory_space<vmem>> -> memref<1x16xf32, #tpu.memory_space<vmem>>
      %dma_start3A_2913 = tpu.memref_squeeze %dma_start3A_2912 : memref<1x16xf32, #tpu.memory_space<vmem>> -> memref<16xf32, #tpu.memory_space<vmem>>
      %dma_start3A_2914 = tpu.memref_slice %arg2[%run_scoped3A, %mul3A_2] : memref<3x512xf32, #tpu.memory_space<hbm>> -> memref<1x16xf32, #tpu.memory_space<hbm>>
      %dma_start3A_2915 = tpu.memref_squeeze %dma_start3A_2914 : memref<1x16xf32, #tpu.memory_space<hbm>> -> memref<16xf32, #tpu.memory_space<hbm>>
      %dma_start3A_2916 = arith.constant 0 : i32
      %dma_start3A_2917 = tpu.memref_slice %arg5[%run_scoped3A_3, %dma_start3A_2916] : memref<3x16xf32, #tpu.memory_space<vmem>> -> memref<1x16xf32, #tpu.memory_space<vmem>>
      %dma_start3A_2918 = tpu.memref_squeeze %dma_start3A_2917 : memref<1x16xf32, #tpu.memory_space<vmem>> -> memref<16xf32, #tpu.memory_space<vmem>>
      %dma_start3A_2919 = tpu.memref_slice %arg2[%run_scoped3A, %mul3A_2] : memref<3x512xf32, #tpu.memory_space<hbm>> -> memref<1x16xf32, #tpu.memory_space<hbm>>
      %dma_start3A_2920 = tpu.memref_squeeze %dma_start3A_2919 : memref<1x16xf32, #tpu.memory_space<hbm>> -> memref<16xf32, #tpu.memory_space<hbm>>
      tpu.enqueue_dma source(%dma_start3A_2920 : memref<16xf32, #tpu.memory_space<hbm>>) target(%dma_start3A_2918 : memref<16xf32, #tpu.memory_space<vmem>>) target_semaphore(%run_scoped3A_2910 : memref<!tpu.dma_semaphore, #tpu.memory_space<semaphore_mem>>)
      %dma_wait3A_2921 = arith.constant 0 : i32
      %dma_wait3A_2922 = tpu.memref_slice %arg5[%run_scoped3A_3, %dma_wait3A_2921] : memref<3x16xf32, #tpu.memory_space<vmem>> -> memref<1x16xf32, #tpu.memory_space<vmem>>
      %dma_wait3A_2923 = tpu.memref_squeeze %dma_wait3A_2922 : memref<1x16xf32, #tpu.memory_space<vmem>> -> memref<16xf32, #tpu.memory_space<vmem>>
      %dma_wait3A_2924 = tpu.memref_slice %arg2[%run_scoped3A, %mul3A_2] : memref<3x512xf32, #tpu.memory_space<hbm>> -> memref<1x16xf32, #tpu.memory_space<hbm>>
      %dma_wait3A_2925 = tpu.memref_squeeze %dma_wait3A_2924 : memref<1x16xf32, #tpu.memory_space<hbm>> -> memref<16xf32, #tpu.memory_space<hbm>>
      %dma_wait3A_2926 = arith.constant 0 : i32
      %dma_wait3A_2927 = tpu.memref_slice %arg5[%run_scoped3A_3, %dma_wait3A_2926] : memref<3x16xf32, #tpu.memory_space<vmem>> -> memref<1x16xf32, #tpu.memory_space<vmem>>
      %dma_wait3A_2928 = tpu.memref_squeeze %dma_wait3A_2927 : memref<1x16xf32, #tpu.memory_space<vmem>> -> memref<16xf32, #tpu.memory_space<vmem>>
      %dma_wait3A_2929 = tpu.memref_slice %arg2[%run_scoped3A, %mul3A_2] : memref<3x512xf32, #tpu.memory_space<hbm>> -> memref<1x16xf32, #tpu.memory_space<hbm>>
      %dma_wait3A_2930 = tpu.memref_squeeze %dma_wait3A_2929 : memref<1x16xf32, #tpu.memory_space<hbm>> -> memref<16xf32, #tpu.memory_space<hbm>>
      tpu.wait_dma2 semaphore(%run_scoped3A_2910 : memref<!tpu.dma_semaphore, #tpu.memory_space<semaphore_mem>>) src(%dma_wait3A_2930 : memref<16xf32, #tpu.memory_space<hbm>>) dst(%dma_wait3A_2928 : memref<16xf32, #tpu.memory_space<vmem>>)
      tpu.yield
    }) : () -> ()
    %run_scoped3A_4 = arith.constant 1 : i32
    %run_scoped3A_5 = arith.constant 1 : i32
    "tpu.region"() ({
      %run_scoped3A_2910 = tpu.sem_alloc : memref<!tpu.dma_semaphore, #tpu.memory_space<semaphore_mem>>
      %dma_start3A_2911 = arith.constant 0 : i32
      %dma_start3A_2912 = tpu.memref_slice %arg5[%run_scoped3A_5, %dma_start3A_2911] : memref<3x16xf32, #tpu.memory_space<vmem>> -> memref<1x16xf32, #tpu.memory_space<vmem>>
      %dma_start3A_2913 = tpu.memref_squeeze %dma_start3A_2912 : memref<1x16xf32, #tpu.memory_space<vmem>> -> memref<16xf32, #tpu.memory_space<vmem>>
      %dma_start3A_2914 = tpu.memref_slice %arg2[%run_scoped3A_4, %mul3A_2] : memref<3x512xf32, #tpu.memory_space<hbm>> -> memref<1x16xf32, #tpu.memory_space<hbm>>
      %dma_start3A_2915 = tpu.memref_squeeze %dma_start3A_2914 : memref<1x16xf32, #tpu.memory_space<hbm>> -> memref<16xf32, #tpu.memory_space<hbm>>
      %dma_start3A_2916 = arith.constant 0 : i32
      %dma_start3A_2917 = tpu.memref_slice %arg5[%run_scoped3A_5, %dma_start3A_2916] : memref<3x16xf32, #tpu.memory_space<vmem>> -> memref<1x16xf32, #tpu.memory_space<vmem>>
      %dma_start3A_2918 = tpu.memref_squeeze %dma_start3A_2917 : memref<1x16xf32, #tpu.memory_space<vmem>> -> memref<16xf32, #tpu.memory_space<vmem>>
      %dma_start3A_2919 = tpu.memref_slice %arg2[%run_scoped3A_4, %mul3A_2] : memref<3x512xf32, #tpu.memory_space<hbm>> -> memref<1x16xf32, #tpu.memory_space<hbm>>
      %dma_start3A_2920 = tpu.memref_squeeze %dma_start3A_2919 : memref<1x16xf32, #tpu.memory_space<hbm>> -> memref<16xf32, #tpu.memory_space<hbm>>
      tpu.enqueue_dma source(%dma_start3A_2920 : memref<16xf32, #tpu.memory_space<hbm>>) target(%dma_start3A_2918 : memref<16xf32, #tpu.memory_space<vmem>>) target_semaphore(%run_scoped3A_2910 : memref<!tpu.dma_semaphore, #tpu.memory_space<semaphore_mem>>)
      %dma_wait3A_2921 = arith.constant 0 : i32
      %dma_wait3A_2922 = tpu.memref_slice %arg5[%run_scoped3A_5, %dma_wait3A_2921] : memref<3x16xf32, #tpu.memory_space<vmem>> -> memref<1x16xf32, #tpu.memory_space<vmem>>
      %dma_wait3A_2923 = tpu.memref_squeeze %dma_wait3A_2922 : memref<1x16xf32, #tpu.memory_space<vmem>> -> memref<16xf32, #tpu.memory_space<vmem>>
      %dma_wait3A_2924 = tpu.memref_slice %arg2[%run_scoped3A_4, %mul3A_2] : memref<3x512xf32, #tpu.memory_space<hbm>> -> memref<1x16xf32, #tpu.memory_space<hbm>>
      %dma_wait3A_2925 = tpu.memref_squeeze %dma_wait3A_2924 : memref<1x16xf32, #tpu.memory_space<hbm>> -> memref<16xf32, #tpu.memory_space<hbm>>
      %dma_wait3A_2926 = arith.constant 0 : i32
      %dma_wait3A_2927 = tpu.memref_slice %arg5[%run_scoped3A_5, %dma_wait3A_2926] : memref<3x16xf32, #tpu.memory_space<vmem>> -> memref<1x16xf32, #tpu.memory_space<vmem>>
      %dma_wait3A_2928 = tpu.memref_squeeze %dma_wait3A_2927 : memref<1x16xf32, #tpu.memory_space<vmem>> -> memref<16xf32, #tpu.memory_space<vmem>>
      %dma_wait3A_2929 = tpu.memref_slice %arg2[%run_scoped3A_4, %mul3A_2] : memref<3x512xf32, #tpu.memory_space<hbm>> -> memref<1x16xf32, #tpu.memory_space<hbm>>
      %dma_wait3A_2930 = tpu.memref_squeeze %dma_wait3A_2929 : memref<1x16xf32, #tpu.memory_space<hbm>> -> memref<16xf32, #tpu.memory_space<hbm>>
      tpu.wait_dma2 semaphore(%run_scoped3A_2910 : memref<!tpu.dma_semaphore, #tpu.memory_space<semaphore_mem>>) src(%dma_wait3A_2930 : memref<16xf32, #tpu.memory_space<hbm>>) dst(%dma_wait3A_2928 : memref<16xf32, #tpu.memory_space<vmem>>)
      tpu.yield
    }) : () -> ()
    %run_scoped3A_6 = arith.constant 2 : i32
    %run_scoped3A_7 = arith.constant 2 : i32
    "tpu.region"() ({
      %run_scoped3A_2910 = tpu.sem_alloc : memref<!tpu.dma_semaphore, #tpu.memory_space<semaphore_mem>>
      %dma_start3A_2911 = arith.constant 0 : i32
      %dma_start3A_2912 = tpu.memref_slice %arg5[%run_scoped3A_7, %dma_start3A_2911] : memref<3x16xf32, #tpu.memory_space<vmem>> -> memref<1x16xf32, #tpu.memory_space<vmem>>
      %dma_start3A_2913 = tpu.memref_squeeze %dma_start3A_2912 : memref<1x16xf32, #tpu.memory_space<vmem>> -> memref<16xf32, #tpu.memory_space<vmem>>
      %dma_start3A_2914 = tpu.memref_slice %arg2[%run_scoped3A_6, %mul3A_2] : memref<3x512xf32, #tpu.memory_space<hbm>> -> memref<1x16xf32, #tpu.memory_space<hbm>>
      %dma_start3A_2915 = tpu.memref_squeeze %dma_start3A_2914 : memref<1x16xf32, #tpu.memory_space<hbm>> -> memref<16xf32, #tpu.memory_space<hbm>>
      %dma_start3A_2916 = arith.constant 0 : i32
      %dma_start3A_2917 = tpu.memref_slice %arg5[%run_scoped3A_7, %dma_start3A_2916] : memref<3x16xf32, #tpu.memory_space<vmem>> -> memref<1x16xf32, #tpu.memory_space<vmem>>
      %dma_start3A_2918 = tpu.memref_squeeze %dma_start3A_2917 : memref<1x16xf32, #tpu.memory_space<vmem>> -> memref<16xf32, #tpu.memory_space<vmem>>
      %dma_start3A_2919 = tpu.memref_slice %arg2[%run_scoped3A_6, %mul3A_2] : memref<3x512xf32, #tpu.memory_space<hbm>> -> memref<1x16xf32, #tpu.memory_space<hbm>>
      %dma_start3A_2920 = tpu.memref_squeeze %dma_start3A_2919 : memref<1x16xf32, #tpu.memory_space<hbm>> -> memref<16xf32, #tpu.memory_space<hbm>>
      tpu.enqueue_dma source(%dma_start3A_2920 : memref<16xf32, #tpu.memory_space<hbm>>) target(%dma_start3A_2918 : memref<16xf32, #tpu.memory_space<vmem>>) target_semaphore(%run_scoped3A_2910 : memref<!tpu.dma_semaphore, #tpu.memory_space<semaphore_mem>>)
      %dma_wait3A_2921 = arith.constant 0 : i32
      %dma_wait3A_2922 = tpu.memref_slice %arg5[%run_scoped3A_7, %dma_wait3A_2921] : memref<3x16xf32, #tpu.memory_space<vmem>> -> memref<1x16xf32, #tpu.memory_space<vmem>>
      %dma_wait3A_2923 = tpu.memref_squeeze %dma_wait3A_2922 : memref<1x16xf32, #tpu.memory_space<vmem>> -> memref<16xf32, #tpu.memory_space<vmem>>
      %dma_wait3A_2924 = tpu.memref_slice %arg2[%run_scoped3A_6, %mul3A_2] : memref<3x512xf32, #tpu.memory_space<hbm>> -> memref<1x16xf32, #tpu.memory_space<hbm>>
      %dma_wait3A_2925 = tpu.memref_squeeze %dma_wait3A_2924 : memref<1x16xf32, #tpu.memory_space<hbm>> -> memref<16xf32, #tpu.memory_space<hbm>>
      %dma_wait3A_2926 = arith.constant 0 : i32
      %dma_wait3A_2927 = tpu.memref_slice %arg5[%run_scoped3A_7, %dma_wait3A_2926] : memref<3x16xf32, #tpu.memory_space<vmem>> -> memref<1x16xf32, #tpu.memory_space<vmem>>
      %dma_wait3A_2928 = tpu.memref_squeeze %dma_wait3A_2927 : memref<1x16xf32, #tpu.memory_space<vmem>> -> memref<16xf32, #tpu.memory_space<vmem>>
      %dma_wait3A_2929 = tpu.memref_slice %arg2[%run_scoped3A_6, %mul3A_2] : memref<3x512xf32, #tpu.memory_space<hbm>> -> memref<1x16xf32, #tpu.memory_space<hbm>>
      %dma_wait3A_2930 = tpu.memref_squeeze %dma_wait3A_2929 : memref<1x16xf32, #tpu.memory_space<hbm>> -> memref<16xf32, #tpu.memory_space<hbm>>
      tpu.wait_dma2 semaphore(%run_scoped3A_2910 : memref<!tpu.dma_semaphore, #tpu.memory_space<semaphore_mem>>) src(%dma_wait3A_2930 : memref<16xf32, #tpu.memory_space<hbm>>) dst(%dma_wait3A_2928 : memref<16xf32, #tpu.memory_space<vmem>>)
      tpu.yield
    }) : () -> ()
    %iota3A = tpu.iota {dimensions = array<i32: 0>} : vector<16xi32>
    %get3A = arith.constant 0 : i32
    %get3A_8 = arith.index_cast %get3A : i32 to index
    %get3A_9 = arith.constant 0 : index
    %get3A_10 = tpu.vector_load %arg5[%get3A_8, %get3A_9] {strides = array<i32>} : memref<3x16xf32, #tpu.memory_space<vmem>>, vector<16xf32>,
    %convert_element_type3A = arith.fptosi %get3A_10 : vector<16xf32> to vector<16xi32>
    %convert_element_type3A_11 = arith.sitofp %convert_element_type3A : vector<16xi32> to vector<16xf32>
    %gt3A = arith.cmpf ogt, %get3A_10, %convert_element_type3A_11 : vector<16xf32>
    %jit3A = arith.constant 1 : i32
    %jit3A_12 = arith.constant 0 : i32
    %broadcast_in_dim3A = vector.broadcast %jit3A : i32 to vector<16xi32>
    %broadcast_in_dim3A_13 = vector.broadcast %jit3A_12 : i32 to vector<16xi32>
    %select_n3A = arith.select %gt3A, %broadcast_in_dim3A, %broadcast_in_dim3A_13 : vector<16xi1>, vector<16xi32>
    %add3A_14 = arith.addi %convert_element_type3A, %select_n3A : vector<16xi32>
    %min3A = arith.constant 191 : i32
    %min3A_15 = vector.broadcast %min3A : i32 to vector<16xi32>
    %min3A_16 = arith.minsi %add3A_14, %min3A_15 : vector<16xi32>
    %get3A_17 = arith.constant 1 : i32
    %get3A_18 = arith.index_cast %get3A_17 : i32 to index
    %get3A_19 = arith.constant 0 : index
    %get3A_20 = tpu.vector_load %arg5[%get3A_18, %get3A_19] {strides = array<i32>} : memref<3x16xf32, #tpu.memory_space<vmem>>, vector<16xf32>,
    %convert_element_type3A_21 = arith.fptosi %get3A_20 : vector<16xf32> to vector<16xi32>
    %convert_element_type3A_22 = arith.sitofp %convert_element_type3A_21 : vector<16xi32> to vector<16xf32>
    %gt3A_23 = arith.cmpf ogt, %get3A_20, %convert_element_type3A_22 : vector<16xf32>
    %jit3A_24 = arith.constant 1 : i32
    %jit3A_25 = arith.constant 0 : i32
    %broadcast_in_dim3A_26 = vector.broadcast %jit3A_24 : i32 to vector<16xi32>
    %broadcast_in_dim3A_27 = vector.broadcast %jit3A_25 : i32 to vector<16xi32>
    %select_n3A_28 = arith.select %gt3A_23, %broadcast_in_dim3A_26, %broadcast_in_dim3A_27 : vector<16xi1>, vector<16xi32>
    %add3A_29 = arith.addi %convert_element_type3A_21, %select_n3A_28 : vector<16xi32>
    %min3A_30 = arith.constant 191 : i32
    %min3A_31 = vector.broadcast %min3A_30 : i32 to vector<16xi32>
    %min3A_32 = arith.minsi %add3A_29, %min3A_31 : vector<16xi32>
    %get3A_33 = arith.constant 2 : i32
    %get3A_34 = arith.index_cast %get3A_33 : i32 to index
    %get3A_35 = arith.constant 0 : index
    %get3A_36 = tpu.vector_load %arg5[%get3A_34, %get3A_35] {strides = array<i32>} : memref<3x16xf32, #tpu.memory_space<vmem>>, vector<16xf32>,
    %convert_element_type3A_37 = arith.fptosi %get3A_36 : vector<16xf32> to vector<16xi32>
    %convert_element_type3A_38 = arith.sitofp %convert_element_type3A_37 : vector<16xi32> to vector<16xf32>
    %gt3A_39 = arith.cmpf ogt, %get3A_36, %convert_element_type3A_38 : vector<16xf32>
    %jit3A_40 = arith.constant 1 : i32
    %jit3A_41 = arith.constant 0 : i32
    %broadcast_in_dim3A_42 = vector.broadcast %jit3A_40 : i32 to vector<16xi32>
    %broadcast_in_dim3A_43 = vector.broadcast %jit3A_41 : i32 to vector<16xi32>
    %select_n3A_44 = arith.select %gt3A_39, %broadcast_in_dim3A_42, %broadcast_in_dim3A_43 : vector<16xi1>, vector<16xi32>
    %add3A_45 = arith.addi %convert_element_type3A_37, %select_n3A_44 : vector<16xi32>
    %min3A_46 = arith.constant 191 : i32
    %min3A_47 = vector.broadcast %min3A_46 : i32 to vector<16xi32>
    %min3A_48 = arith.minsi %add3A_45, %min3A_47 : vector<16xi32>
    %slice3A = vector.extract_strided_slice %convert_element_type3A {offsets = [0], sizes = [1], strides = [1]} : vector<16xi32> to vector<1xi32>
    %squeeze3A = vector.extract %slice3A[0] : i32 from vector<1xi32>
    %slice3A_49 = vector.extract_strided_slice %convert_element_type3A_21 {offsets = [0], sizes = [1], strides = [1]} : vector<16xi32> to vector<1xi32>
    %squeeze3A_50 = vector.extract %slice3A_49[0] : i32 from vector<1xi32>
    %slice3A_51 = vector.extract_strided_slice %convert_element_type3A_37 {offsets = [0], sizes = [1], strides = [1]} : vector<16xi32> to vector<1xi32>
    %squeeze3A_52 = vector.extract %slice3A_51[0] : i32 from vector<1xi32>
    %jit3A_53 = arith.constant 16 : i32
    %div3A = arith.divsi %squeeze3A_52, %jit3A_53 : i32
    %sign3A = arith.constant 0 : i32
    %sign3A_54 = arith.cmpi sgt, %squeeze3A_52, %sign3A : i32
    %sign3A_55 = arith.extui %sign3A_54 : i1 to i32
    %sign3A_56 = arith.constant 0 : i32
    %sign3A_57 = arith.cmpi slt, %squeeze3A_52, %sign3A_56 : i32
    %sign3A_58 = arith.extui %sign3A_57 : i1 to i32
    %sign3A_59 = arith.subi %sign3A_55, %sign3A_58 : i32
    %sign3A_60 = arith.constant 0 : i32
    %sign3A_61 = arith.cmpi sgt, %jit3A_53, %sign3A_60 : i32
    %sign3A_62 = arith.extui %sign3A_61 : i1 to i32
    %sign3A_63 = arith.constant 0 : i32
    %sign3A_64 = arith.cmpi slt, %jit3A_53, %sign3A_63 : i32
    %sign3A_65 = arith.extui %sign3A_64 : i1 to i32
    %sign3A_66 = arith.subi %sign3A_62, %sign3A_65 : i32
    %ne3A = arith.cmpi ne, %sign3A_59, %sign3A_66 : i32
    %rem3A = arith.remsi %squeeze3A_52, %jit3A_53 : i32
    %ne3A_67 = arith.constant 0 : i32
    %ne3A_68 = arith.cmpi ne, %rem3A, %ne3A_67 : i32
    %and3A = arith.andi %ne3A, %ne3A_68 : i1
    %sub3A = arith.constant 1 : i32
    %sub3A_69 = arith.subi %div3A, %sub3A : i32
    %select_n3A_70 = arith.select %and3A, %sub3A_69, %div3A : i32
    %mul3A_71 = arith.constant 16 : i32
    %mul3A_72 = arith.muli %select_n3A_70, %mul3A_71 : i32
    %multiple_of3A = tpu.assume_multiple %mul3A_72, 16 : i32
    %add3A_73 = arith.constant 0 : i32
    %add3A_74 = arith.addi %add3A_73, %squeeze3A : i32
    %dma_start3A = arith.constant 0 : i32
    %dma_start3A_75 = tpu.memref_slice %arg6[%dma_start3A] : memref<1536xf32, #tpu.memory_space<vmem>> -> memref<16xf32, #tpu.memory_space<vmem>>
    %dma_start3A_76 = tpu.memref_slice %arg3[%add3A_74, %squeeze3A_50, %multiple_of3A] : memref<576x192x192xf32, #tpu.memory_space<hbm>> -> memref<1x1x16xf32, #tpu.memory_space<hbm>>
    %dma_start3A_77 = tpu.memref_squeeze %dma_start3A_76 : memref<1x1x16xf32, #tpu.memory_space<hbm>> -> memref<16xf32, #tpu.memory_space<hbm>>
    %dma_start3A_78 = arith.constant 0 : i32
    %dma_start3A_79 = tpu.memref_slice %arg6[%dma_start3A_78] : memref<1536xf32, #tpu.memory_space<vmem>> -> memref<16xf32, #tpu.memory_space<vmem>>
    %dma_start3A_80 = tpu.memref_slice %arg3[%add3A_74, %squeeze3A_50, %multiple_of3A] : memref<576x192x192xf32, #tpu.memory_space<hbm>> -> memref<1x1x16xf32, #tpu.memory_space<hbm>>
    %dma_start3A_81 = tpu.memref_squeeze %dma_start3A_80 : memref<1x1x16xf32, #tpu.memory_space<hbm>> -> memref<16xf32, #tpu.memory_space<hbm>>
    tpu.enqueue_dma source(%dma_start3A_81 : memref<16xf32, #tpu.memory_space<hbm>>) target(%dma_start3A_79 : memref<16xf32, #tpu.memory_space<vmem>>) target_semaphore(%arg8 : memref<!tpu.dma_semaphore, #tpu.memory_space<semaphore_mem>>)
    %add3A_82 = arith.constant 192 : i32
    %add3A_83 = arith.addi %add3A_82, %squeeze3A : i32
    %dma_start3A_84 = arith.constant 512 : i32
    %dma_start3A_85 = tpu.memref_slice %arg6[%dma_start3A_84] : memref<1536xf32, #tpu.memory_space<vmem>> -> memref<16xf32, #tpu.memory_space<vmem>>
    %dma_start3A_86 = tpu.memref_slice %arg3[%add3A_83, %squeeze3A_50, %multiple_of3A] : memref<576x192x192xf32, #tpu.memory_space<hbm>> -> memref<1x1x16xf32, #tpu.memory_space<hbm>>
    %dma_start3A_87 = tpu.memref_squeeze %dma_start3A_86 : memref<1x1x16xf32, #tpu.memory_space<hbm>> -> memref<16xf32, #tpu.memory_space<hbm>>
    %dma_start3A_88 = arith.constant 512 : i32
    %dma_start3A_89 = tpu.memref_slice %arg6[%dma_start3A_88] : memref<1536xf32, #tpu.memory_space<vmem>> -> memref<16xf32, #tpu.memory_space<vmem>>
    %dma_start3A_90 = tpu.memref_slice %arg3[%add3A_83, %squeeze3A_50, %multiple_of3A] : memref<576x192x192xf32, #tpu.memory_space<hbm>> -> memref<1x1x16xf32, #tpu.memory_space<hbm>>
    %dma_start3A_91 = tpu.memref_squeeze %dma_start3A_90 : memref<1x1x16xf32, #tpu.memory_space<hbm>> -> memref<16xf32, #tpu.memory_space<hbm>>
    tpu.enqueue_dma source(%dma_start3A_91 : memref<16xf32, #tpu.memory_space<hbm>>) target(%dma_start3A_89 : memref<16xf32, #tpu.memory_space<vmem>>) target_semaphore(%arg8 : memref<!tpu.dma_semaphore, #tpu.memory_space<semaphore_mem>>)
    %add3A_92 = arith.constant 384 : i32
    %add3A_93 = arith.addi %add3A_92, %squeeze3A : i32
    %dma_start3A_94 = arith.constant 1024 : i32
    %dma_start3A_95 = tpu.memref_slice %arg6[%dma_start3A_94] : memref<1536xf32, #tpu.memory_space<vmem>> -> memref<16xf32, #tpu.memory_space<vmem>>
    %dma_start3A_96 = tpu.memref_slice %arg3[%add3A_93, %squeeze3A_50, %multiple_of3A] : memref<576x192x192xf32, #tpu.memory_space<hbm>> -> memref<1x1x16xf32, #tpu.memory_space<hbm>>
    %dma_start3A_97 = tpu.memref_squeeze %dma_start3A_96 : memref<1x1x16xf32, #tpu.memory_space<hbm>> -> memref<16xf32, #tpu.memory_space<hbm>>
    %dma_start3A_98 = arith.constant 1024 : i32
    %dma_start3A_99 = tpu.memref_slice %arg6[%dma_start3A_98] : memref<1536xf32, #tpu.memory_space<vmem>> -> memref<16xf32, #tpu.memory_space<vmem>>
    %dma_start3A_100 = tpu.memref_slice %arg3[%add3A_93, %squeeze3A_50, %multiple_of3A] : memref<576x192x192xf32, #tpu.memory_space<hbm>> -> memref<1x1x16xf32, #tpu.memory_space<hbm>>
    %dma_start3A_101 = tpu.memref_squeeze %dma_start3A_100 : memref<1x1x16xf32, #tpu.memory_space<hbm>> -> memref<16xf32, #tpu.memory_space<hbm>>
    tpu.enqueue_dma source(%dma_start3A_101 : memref<16xf32, #tpu.memory_space<hbm>>) target(%dma_start3A_99 : memref<16xf32, #tpu.memory_space<vmem>>) target_semaphore(%arg8 : memref<!tpu.dma_semaphore, #tpu.memory_space<semaphore_mem>>)
    %slice3A_102 = vector.extract_strided_slice %convert_element_type3A {offsets = [1], sizes = [1], strides = [1]} : vector<16xi32> to vector<1xi32>
    %squeeze3A_103 = vector.extract %slice3A_102[0] : i32 from vector<1xi32>
    %slice3A_104 = vector.extract_strided_slice %convert_element_type3A_21 {offsets = [1], sizes = [1], strides = [1]} : vector<16xi32> to vector<1xi32>
    %squeeze3A_105 = vector.extract %slice3A_104[0] : i32 from vector<1xi32>
    %slice3A_106 = vector.extract_strided_slice %convert_element_type3A_37 {offsets = [1], sizes = [1], strides = [1]} : vector<16xi32> to vector<1xi32>
    %squeeze3A_107 = vector.extract %slice3A_106[0] : i32 from vector<1xi32>
    %jit3A_108 = arith.constant 16 : i32
    %div3A_109 = arith.divsi %squeeze3A_107, %jit3A_108 : i32
    %sign3A_110 = arith.constant 0 : i32
    %sign3A_111 = arith.cmpi sgt, %squeeze3A_107, %sign3A_110 : i32
    %sign3A_112 = arith.extui %sign3A_111 : i1 to i32
    %sign3A_113 = arith.constant 0 : i32
    %sign3A_114 = arith.cmpi slt, %squeeze3A_107, %sign3A_113 : i32
    %sign3A_115 = arith.extui %sign3A_114 : i1 to i32
    %sign3A_116 = arith.subi %sign3A_112, %sign3A_115 : i32
    %sign3A_117 = arith.constant 0 : i32
    %sign3A_118 = arith.cmpi sgt, %jit3A_108, %sign3A_117 : i32
    %sign3A_119 = arith.extui %sign3A_118 : i1 to i32
    %sign3A_120 = arith.constant 0 : i32
    %sign3A_121 = arith.cmpi slt, %jit3A_108, %sign3A_120 : i32
    %sign3A_122 = arith.extui %sign3A_121 : i1 to i32
    %sign3A_123 = arith.subi %sign3A_119, %sign3A_122 : i32
    %ne3A_124 = arith.cmpi ne, %sign3A_116, %sign3A_123 : i32
    %rem3A_125 = arith.remsi %squeeze3A_107, %jit3A_108 : i32
    %ne3A_126 = arith.constant 0 : i32
    %ne3A_127 = arith.cmpi ne, %rem3A_125, %ne3A_126 : i32
    %and3A_128 = arith.andi %ne3A_124, %ne3A_127 : i1
    %sub3A_129 = arith.constant 1 : i32
    %sub3A_130 = arith.subi %div3A_109, %sub3A_129 : i32
    %select_n3A_131 = arith.select %and3A_128, %sub3A_130, %div3A_109 : i32
    %mul3A_132 = arith.constant 16 : i32
    %mul3A_133 = arith.muli %select_n3A_131, %mul3A_132 : i32
    %multiple_of3A_134 = tpu.assume_multiple %mul3A_133, 16 : i32
    %add3A_135 = arith.constant 0 : i32
    %add3A_136 = arith.addi %add3A_135, %squeeze3A_103 : i32
    %dma_start3A_137 = arith.constant 16 : i32
    %dma_start3A_138 = tpu.memref_slice %arg6[%dma_start3A_137] : memref<1536xf32, #tpu.memory_space<vmem>> -> memref<16xf32, #tpu.memory_space<vmem>>
    %dma_start3A_139 = tpu.memref_slice %arg3[%add3A_136, %squeeze3A_105, %multiple_of3A_134] : memref<576x192x192xf32, #tpu.memory_space<hbm>> -> memref<1x1x16xf32, #tpu.memory_space<hbm>>
    %dma_start3A_140 = tpu.memref_squeeze %dma_start3A_139 : memref<1x1x16xf32, #tpu.memory_space<hbm>> -> memref<16xf32, #tpu.memory_space<hbm>>
    %dma_start3A_141 = arith.constant 16 : i32
    %dma_start3A_142 = tpu.memref_slice %arg6[%dma_start3A_141] : memref<1536xf32, #tpu.memory_space<vmem>> -> memref<16xf32, #tpu.memory_space<vmem>>
    %dma_start3A_143 = tpu.memref_slice %arg3[%add3A_136, %squeeze3A_105, %multiple_of3A_134] : memref<576x192x192xf32, #tpu.memory_space<hbm>> -> memref<1x1x16xf32, #tpu.memory_space<hbm>>
    %dma_start3A_144 = tpu.memref_squeeze %dma_start3A_143 : memref<1x1x16xf32, #tpu.memory_space<hbm>> -> memref<16xf32, #tpu.memory_space<hbm>>
    tpu.enqueue_dma source(%dma_start3A_144 : memref<16xf32, #tpu.memory_space<hbm>>) target(%dma_start3A_142 : memref<16xf32, #tpu.memory_space<vmem>>) target_semaphore(%arg8 : memref<!tpu.dma_semaphore, #tpu.memory_space<semaphore_mem>>)
    %add3A_145 = arith.constant 192 : i32
    %add3A_146 = arith.addi %add3A_145, %squeeze3A_103 : i32
    %dma_start3A_147 = arith.constant 528 : i32
    %dma_start3A_148 = tpu.memref_slice %arg6[%dma_start3A_147] : memref<1536xf32, #tpu.memory_space<vmem>> -> memref<16xf32, #tpu.memory_space<vmem>>
    %dma_start3A_149 = tpu.memref_slice %arg3[%add3A_146, %squeeze3A_105, %multiple_of3A_134] : memref<576x192x192xf32, #tpu.memory_space<hbm>> -> memref<1x1x16xf32, #tpu.memory_space<hbm>>
    %dma_start3A_150 = tpu.memref_squeeze %dma_start3A_149 : memref<1x1x16xf32, #tpu.memory_space<hbm>> -> memref<16xf32, #tpu.memory_space<hbm>>
    %dma_start3A_151 = arith.constant 528 : i32
    %dma_start3A_152 = tpu.memref_slice %arg6[%dma_start3A_151] : memref<1536xf32, #tpu.memory_space<vmem>> -> memref<16xf32, #tpu.memory_space<vmem>>
    %dma_start3A_153 = tpu.memref_slice %arg3[%add3A_146, %squeeze3A_105, %multiple_of3A_134] : memref<576x192x192xf32, #tpu.memory_space<hbm>> -> memref<1x1x16xf32, #tpu.memory_space<hbm>>
    %dma_start3A_154 = tpu.memref_squeeze %dma_start3A_153 : memref<1x1x16xf32, #tpu.memory_space<hbm>> -> memref<16xf32, #tpu.memory_space<hbm>>
    tpu.enqueue_dma source(%dma_start3A_154 : memref<16xf32, #tpu.memory_space<hbm>>) target(%dma_start3A_152 : memref<16xf32, #tpu.memory_space<vmem>>) target_semaphore(%arg8 : memref<!tpu.dma_semaphore, #tpu.memory_space<semaphore_mem>>)
    %add3A_155 = arith.constant 384 : i32
    %add3A_156 = arith.addi %add3A_155, %squeeze3A_103 : i32
    %dma_start3A_157 = arith.constant 1040 : i32
    %dma_start3A_158 = tpu.memref_slice %arg6[%dma_start3A_157] : memref<1536xf32, #tpu.memory_space<vmem>> -> memref<16xf32, #tpu.memory_space<vmem>>
    %dma_start3A_159 = tpu.memref_slice %arg3[%add3A_156, %squeeze3A_105, %multiple_of3A_134] : memref<576x192x192xf32, #tpu.memory_space<hbm>> -> memref<1x1x16xf32, #tpu.memory_space<hbm>>
    %dma_start3A_160 = tpu.memref_squeeze %dma_start3A_159 : memref<1x1x16xf32, #tpu.memory_space<hbm>> -> memref<16xf32, #tpu.memory_space<hbm>>
    %dma_start3A_161 = arith.constant 1040 : i32
    %dma_start3A_162 = tpu.memref_slice %arg6[%dma_start3A_161] : memref<1536xf32, #tpu.memory_space<vmem>> -> memref<16xf32, #tpu.memory_space<vmem>>
    %dma_start3A_163 = tpu.memref_slice %arg3[%add3A_156, %squeeze3A_105, %multiple_of3A_134] : memref<576x192x192xf32, #tpu.memory_space<hbm>> -> memref<1x1x16xf32, #tpu.memory_space<hbm>>
    %dma_start3A_164 = tpu.memref_squeeze %dma_start3A_163 : memref<1x1x16xf32, #tpu.memory_space<hbm>> -> memref<16xf32, #tpu.memory_space<hbm>>
    tpu.enqueue_dma source(%dma_start3A_164 : memref<16xf32, #tpu.memory_space<hbm>>) target(%dma_start3A_162 : memref<16xf32, #tpu.memory_space<vmem>>) target_semaphore(%arg8 : memref<!tpu.dma_semaphore, #tpu.memory_space<semaphore_mem>>)
    %slice3A_165 = vector.extract_strided_slice %convert_element_type3A {offsets = [2], sizes = [1], strides = [1]} : vector<16xi32> to vector<1xi32>
    %squeeze3A_166 = vector.extract %slice3A_165[0] : i32 from vector<1xi32>
    %slice3A_167 = vector.extract_strided_slice %convert_element_type3A_21 {offsets = [2], sizes = [1], strides = [1]} : vector<16xi32> to vector<1xi32>
    %squeeze3A_168 = vector.extract %slice3A_167[0] : i32 from vector<1xi32>
    %slice3A_169 = vector.extract_strided_slice %convert_element_type3A_37 {offsets = [2], sizes = [1], strides = [1]} : vector<16xi32> to vector<1xi32>
    %squeeze3A_170 = vector.extract %slice3A_169[0] : i32 from vector<1xi32>
    %jit3A_171 = arith.constant 16 : i32
    %div3A_172 = arith.divsi %squeeze3A_170, %jit3A_171 : i32
    %sign3A_173 = arith.constant 0 : i32
    %sign3A_174 = arith.cmpi sgt, %squeeze3A_170, %sign3A_173 : i32
    %sign3A_175 = arith.extui %sign3A_174 : i1 to i32
    %sign3A_176 = arith.constant 0 : i32
    %sign3A_177 = arith.cmpi slt, %squeeze3A_170, %sign3A_176 : i32
    %sign3A_178 = arith.extui %sign3A_177 : i1 to i32
    %sign3A_179 = arith.subi %sign3A_175, %sign3A_178 : i32
    %sign3A_180 = arith.constant 0 : i32
    %sign3A_181 = arith.cmpi sgt, %jit3A_171, %sign3A_180 : i32
    %sign3A_182 = arith.extui %sign3A_181 : i1 to i32
    %sign3A_183 = arith.constant 0 : i32
    %sign3A_184 = arith.cmpi slt, %jit3A_171, %sign3A_183 : i32
    %sign3A_185 = arith.extui %sign3A_184 : i1 to i32
    %sign3A_186 = arith.subi %sign3A_182, %sign3A_185 : i32
    %ne3A_187 = arith.cmpi ne, %sign3A_179, %sign3A_186 : i32
    %rem3A_188 = arith.remsi %squeeze3A_170, %jit3A_171 : i32
    %ne3A_189 = arith.constant 0 : i32
    %ne3A_190 = arith.cmpi ne, %rem3A_188, %ne3A_189 : i32
    %and3A_191 = arith.andi %ne3A_187, %ne3A_190 : i1
    %sub3A_192 = arith.constant 1 : i32
    %sub3A_193 = arith.subi %div3A_172, %sub3A_192 : i32
    %select_n3A_194 = arith.select %and3A_191, %sub3A_193, %div3A_172 : i32
    %mul3A_195 = arith.constant 16 : i32
    %mul3A_196 = arith.muli %select_n3A_194, %mul3A_195 : i32
    %multiple_of3A_197 = tpu.assume_multiple %mul3A_196, 16 : i32
    %add3A_198 = arith.constant 0 : i32
    %add3A_199 = arith.addi %add3A_198, %squeeze3A_166 : i32
    %dma_start3A_200 = arith.constant 32 : i32
    %dma_start3A_201 = tpu.memref_slice %arg6[%dma_start3A_200] : memref<1536xf32, #tpu.memory_space<vmem>> -> memref<16xf32, #tpu.memory_space<vmem>>
    %dma_start3A_202 = tpu.memref_slice %arg3[%add3A_199, %squeeze3A_168, %multiple_of3A_197] : memref<576x192x192xf32, #tpu.memory_space<hbm>> -> memref<1x1x16xf32, #tpu.memory_space<hbm>>
    %dma_start3A_203 = tpu.memref_squeeze %dma_start3A_202 : memref<1x1x16xf32, #tpu.memory_space<hbm>> -> memref<16xf32, #tpu.memory_space<hbm>>
    %dma_start3A_204 = arith.constant 32 : i32
    %dma_start3A_205 = tpu.memref_slice %arg6[%dma_start3A_204] : memref<1536xf32, #tpu.memory_space<vmem>> -> memref<16xf32, #tpu.memory_space<vmem>>
    %dma_start3A_206 = tpu.memref_slice %arg3[%add3A_199, %squeeze3A_168, %multiple_of3A_197] : memref<576x192x192xf32, #tpu.memory_space<hbm>> -> memref<1x1x16xf32, #tpu.memory_space<hbm>>
    %dma_start3A_207 = tpu.memref_squeeze %dma_start3A_206 : memref<1x1x16xf32, #tpu.memory_space<hbm>> -> memref<16xf32, #tpu.memory_space<hbm>>
    tpu.enqueue_dma source(%dma_start3A_207 : memref<16xf32, #tpu.memory_space<hbm>>) target(%dma_start3A_205 : memref<16xf32, #tpu.memory_space<vmem>>) target_semaphore(%arg8 : memref<!tpu.dma_semaphore, #tpu.memory_space<semaphore_mem>>)
    %add3A_208 = arith.constant 192 : i32
    %add3A_209 = arith.addi %add3A_208, %squeeze3A_166 : i32
    %dma_start3A_210 = arith.constant 544 : i32
    %dma_start3A_211 = tpu.memref_slice %arg6[%dma_start3A_210] : memref<1536xf32, #tpu.memory_space<vmem>> -> memref<16xf32, #tpu.memory_space<vmem>>
    %dma_start3A_212 = tpu.memref_slice %arg3[%add3A_209, %squeeze3A_168, %multiple_of3A_197] : memref<576x192x192xf32, #tpu.memory_space<hbm>> -> memref<1x1x16xf32, #tpu.memory_space<hbm>>
    %dma_start3A_213 = tpu.memref_squeeze %dma_start3A_212 : memref<1x1x16xf32, #tpu.memory_space<hbm>> -> memref<16xf32, #tpu.memory_space<hbm>>
    %dma_start3A_214 = arith.constant 544 : i32
    %dma_start3A_215 = tpu.memref_slice %arg6[%dma_start3A_214] : memref<1536xf32, #tpu.memory_space<vmem>> -> memref<16xf32, #tpu.memory_space<vmem>>
    %dma_start3A_216 = tpu.memref_slice %arg3[%add3A_209, %squeeze3A_168, %multiple_of3A_197] : memref<576x192x192xf32, #tpu.memory_space<hbm>> -> memref<1x1x16xf32, #tpu.memory_space<hbm>>
    %dma_start3A_217 = tpu.memref_squeeze %dma_start3A_216 : memref<1x1x16xf32, #tpu.memory_space<hbm>> -> memref<16xf32, #tpu.memory_space<hbm>>
    tpu.enqueue_dma source(%dma_start3A_217 : memref<16xf32, #tpu.memory_space<hbm>>) target(%dma_start3A_215 : memref<16xf32, #tpu.memory_space<vmem>>) target_semaphore(%arg8 : memref<!tpu.dma_semaphore, #tpu.memory_space<semaphore_mem>>)
    %add3A_218 = arith.constant 384 : i32
    %add3A_219 = arith.addi %add3A_218, %squeeze3A_166 : i32
    %dma_start3A_220 = arith.constant 1056 : i32
    %dma_start3A_221 = tpu.memref_slice %arg6[%dma_start3A_220] : memref<1536xf32, #tpu.memory_space<vmem>> -> memref<16xf32, #tpu.memory_space<vmem>>
    %dma_start3A_222 = tpu.memref_slice %arg3[%add3A_219, %squeeze3A_168, %multiple_of3A_197] : memref<576x192x192xf32, #tpu.memory_space<hbm>> -> memref<1x1x16xf32, #tpu.memory_space<hbm>>
    %dma_start3A_223 = tpu.memref_squeeze %dma_start3A_222 : memref<1x1x16xf32, #tpu.memory_space<hbm>> -> memref<16xf32, #tpu.memory_space<hbm>>
    %dma_start3A_224 = arith.constant 1056 : i32
    %dma_start3A_225 = tpu.memref_slice %arg6[%dma_start3A_224] : memref<1536xf32, #tpu.memory_space<vmem>> -> memref<16xf32, #tpu.memory_space<vmem>>
    %dma_start3A_226 = tpu.memref_slice %arg3[%add3A_219, %squeeze3A_168, %multiple_of3A_197] : memref<576x192x192xf32, #tpu.memory_space<hbm>> -> memref<1x1x16xf32, #tpu.memory_space<hbm>>
    %dma_start3A_227 = tpu.memref_squeeze %dma_start3A_226 : memref<1x1x16xf32, #tpu.memory_space<hbm>> -> memref<16xf32, #tpu.memory_space<hbm>>
    tpu.enqueue_dma source(%dma_start3A_227 : memref<16xf32, #tpu.memory_space<hbm>>) target(%dma_start3A_225 : memref<16xf32, #tpu.memory_space<vmem>>) target_semaphore(%arg8 : memref<!tpu.dma_semaphore, #tpu.memory_space<semaphore_mem>>)
    %slice3A_228 = vector.extract_strided_slice %convert_element_type3A {offsets = [3], sizes = [1], strides = [1]} : vector<16xi32> to vector<1xi32>
    %squeeze3A_229 = vector.extract %slice3A_228[0] : i32 from vector<1xi32>
    %slice3A_230 = vector.extract_strided_slice %convert_element_type3A_21 {offsets = [3], sizes = [1], strides = [1]} : vector<16xi32> to vector<1xi32>
    %squeeze3A_231 = vector.extract %slice3A_230[0] : i32 from vector<1xi32>
    %slice3A_232 = vector.extract_strided_slice %convert_element_type3A_37 {offsets = [3], sizes = [1], strides = [1]} : vector<16xi32> to vector<1xi32>
    %squeeze3A_233 = vector.extract %slice3A_232[0] : i32 from vector<1xi32>
    %jit3A_234 = arith.constant 16 : i32
    %div3A_235 = arith.divsi %squeeze3A_233, %jit3A_234 : i32
    %sign3A_236 = arith.constant 0 : i32
    %sign3A_237 = arith.cmpi sgt, %squeeze3A_233, %sign3A_236 : i32
    %sign3A_238 = arith.extui %sign3A_237 : i1 to i32
    %sign3A_239 = arith.constant 0 : i32
    %sign3A_240 = arith.cmpi slt, %squeeze3A_233, %sign3A_239 : i32
    %sign3A_241 = arith.extui %sign3A_240 : i1 to i32
    %sign3A_242 = arith.subi %sign3A_238, %sign3A_241 : i32
    %sign3A_243 = arith.constant 0 : i32
    %sign3A_244 = arith.cmpi sgt, %jit3A_234, %sign3A_243 : i32
    %sign3A_245 = arith.extui %sign3A_244 : i1 to i32
    %sign3A_246 = arith.constant 0 : i32
    %sign3A_247 = arith.cmpi slt, %jit3A_234, %sign3A_246 : i32
    %sign3A_248 = arith.extui %sign3A_247 : i1 to i32
    %sign3A_249 = arith.subi %sign3A_245, %sign3A_248 : i32
    %ne3A_250 = arith.cmpi ne, %sign3A_242, %sign3A_249 : i32
    %rem3A_251 = arith.remsi %squeeze3A_233, %jit3A_234 : i32
    %ne3A_252 = arith.constant 0 : i32
    %ne3A_253 = arith.cmpi ne, %rem3A_251, %ne3A_252 : i32
    %and3A_254 = arith.andi %ne3A_250, %ne3A_253 : i1
    %sub3A_255 = arith.constant 1 : i32
    %sub3A_256 = arith.subi %div3A_235, %sub3A_255 : i32
    %select_n3A_257 = arith.select %and3A_254, %sub3A_256, %div3A_235 : i32
    %mul3A_258 = arith.constant 16 : i32
    %mul3A_259 = arith.muli %select_n3A_257, %mul3A_258 : i32
    %multiple_of3A_260 = tpu.assume_multiple %mul3A_259, 16 : i32
    %add3A_261 = arith.constant 0 : i32
    %add3A_262 = arith.addi %add3A_261, %squeeze3A_229 : i32
    %dma_start3A_263 = arith.constant 48 : i32
    %dma_start3A_264 = tpu.memref_slice %arg6[%dma_start3A_263] : memref<1536xf32, #tpu.memory_space<vmem>> -> memref<16xf32, #tpu.memory_space<vmem>>
    %dma_start3A_265 = tpu.memref_slice %arg3[%add3A_262, %squeeze3A_231, %multiple_of3A_260] : memref<576x192x192xf32, #tpu.memory_space<hbm>> -> memref<1x1x16xf32, #tpu.memory_space<hbm>>
    %dma_start3A_266 = tpu.memref_squeeze %dma_start3A_265 : memref<1x1x16xf32, #tpu.memory_space<hbm>> -> memref<16xf32, #tpu.memory_space<hbm>>
    %dma_start3A_267 = arith.constant 48 : i32
    %dma_start3A_268 = tpu.memref_slice %arg6[%dma_start3A_267] : memref<1536xf32, #tpu.memory_space<vmem>> -> memref<16xf32, #tpu.memory_space<vmem>>
    %dma_start3A_269 = tpu.memref_slice %arg3[%add3A_262, %squeeze3A_231, %multiple_of3A_260] : memref<576x192x192xf32, #tpu.memory_space<hbm>> -> memref<1x1x16xf32, #tpu.memory_space<hbm>>
    %dma_start3A_270 = tpu.memref_squeeze %dma_start3A_269 : memref<1x1x16xf32, #tpu.memory_space<hbm>> -> memref<16xf32, #tpu.memory_space<hbm>>
    tpu.enqueue_dma source(%dma_start3A_270 : memref<16xf32, #tpu.memory_space<hbm>>) target(%dma_start3A_268 : memref<16xf32, #tpu.memory_space<vmem>>) target_semaphore(%arg8 : memref<!tpu.dma_semaphore, #tpu.memory_space<semaphore_mem>>)
    %add3A_271 = arith.constant 192 : i32
    %add3A_272 = arith.addi %add3A_271, %squeeze3A_229 : i32
    %dma_start3A_273 = arith.constant 560 : i32
    %dma_start3A_274 = tpu.memref_slice %arg6[%dma_start3A_273] : memref<1536xf32, #tpu.memory_space<vmem>> -> memref<16xf32, #tpu.memory_space<vmem>>
    %dma_start3A_275 = tpu.memref_slice %arg3[%add3A_272, %squeeze3A_231, %multiple_of3A_260] : memref<576x192x192xf32, #tpu.memory_space<hbm>> -> memref<1x1x16xf32, #tpu.memory_space<hbm>>
    %dma_start3A_276 = tpu.memref_squeeze %dma_start3A_275 : memref<1x1x16xf32, #tpu.memory_space<hbm>> -> memref<16xf32, #tpu.memory_space<hbm>>
    %dma_start3A_277 = arith.constant 560 : i32
    %dma_start3A_278 = tpu.memref_slice %arg6[%dma_start3A_277] : memref<1536xf32, #tpu.memory_space<vmem>> -> memref<16xf32, #tpu.memory_space<vmem>>
    %dma_start3A_279 = tpu.memref_slice %arg3[%add3A_272, %squeeze3A_231, %multiple_of3A_260] : memref<576x192x192xf32, #tpu.memory_space<hbm>> -> memref<1x1x16xf32, #tpu.memory_space<hbm>>
    %dma_start3A_280 = tpu.memref_squeeze %dma_start3A_279 : memref<1x1x16xf32, #tpu.memory_space<hbm>> -> memref<16xf32, #tpu.memory_space<hbm>>
    tpu.enqueue_dma source(%dma_start3A_280 : memref<16xf32, #tpu.memory_space<hbm>>) target(%dma_start3A_278 : memref<16xf32, #tpu.memory_space<vmem>>) target_semaphore(%arg8 : memref<!tpu.dma_semaphore, #tpu.memory_space<semaphore_mem>>)
    %add3A_281 = arith.constant 384 : i32
    %add3A_282 = arith.addi %add3A_281, %squeeze3A_229 : i32
    %dma_start3A_283 = arith.constant 1072 : i32
    %dma_start3A_284 = tpu.memref_slice %arg6[%dma_start3A_283] : memref<1536xf32, #tpu.memory_space<vmem>> -> memref<16xf32, #tpu.memory_space<vmem>>
    %dma_start3A_285 = tpu.memref_slice %arg3[%add3A_282, %squeeze3A_231, %multiple_of3A_260] : memref<576x192x192xf32, #tpu.memory_space<hbm>> -> memref<1x1x16xf32, #tpu.memory_space<hbm>>
    %dma_start3A_286 = tpu.memref_squeeze %dma_start3A_285 : memref<1x1x16xf32, #tpu.memory_space<hbm>> -> memref<16xf32, #tpu.memory_space<hbm>>
    %dma_start3A_287 = arith.constant 1072 : i32
    %dma_start3A_288 = tpu.memref_slice %arg6[%dma_start3A_287] : memref<1536xf32, #tpu.memory_space<vmem>> -> memref<16xf32, #tpu.memory_space<vmem>>
    %dma_start3A_289 = tpu.memref_slice %arg3[%add3A_282, %squeeze3A_231, %multiple_of3A_260] : memref<576x192x192xf32, #tpu.memory_space<hbm>> -> memref<1x1x16xf32, #tpu.memory_space<hbm>>
    %dma_start3A_290 = tpu.memref_squeeze %dma_start3A_289 : memref<1x1x16xf32, #tpu.memory_space<hbm>> -> memref<16xf32, #tpu.memory_space<hbm>>
    tpu.enqueue_dma source(%dma_start3A_290 : memref<16xf32, #tpu.memory_space<hbm>>) target(%dma_start3A_288 : memref<16xf32, #tpu.memory_space<vmem>>) target_semaphore(%arg8 : memref<!tpu.dma_semaphore, #tpu.memory_space<semaphore_mem>>)
    %slice3A_291 = vector.extract_strided_slice %convert_element_type3A {offsets = [4], sizes = [1], strides = [1]} : vector<16xi32> to vector<1xi32>
    %squeeze3A_292 = vector.extract %slice3A_291[0] : i32 from vector<1xi32>
    %slice3A_293 = vector.extract_strided_slice %convert_element_type3A_21 {offsets = [4], sizes = [1], strides = [1]} : vector<16xi32> to vector<1xi32>
    %squeeze3A_294 = vector.extract %slice3A_293[0] : i32 from vector<1xi32>
    %slice3A_295 = vector.extract_strided_slice %convert_element_type3A_37 {offsets = [4], sizes = [1], strides = [1]} : vector<16xi32> to vector<1xi32>
    %squeeze3A_296 = vector.extract %slice3A_295[0] : i32 from vector<1xi32>
    %jit3A_297 = arith.constant 16 : i32
    %div3A_298 = arith.divsi %squeeze3A_296, %jit3A_297 : i32
    %sign3A_299 = arith.constant 0 : i32
    %sign3A_300 = arith.cmpi sgt, %squeeze3A_296, %sign3A_299 : i32
    %sign3A_301 = arith.extui %sign3A_300 : i1 to i32
    %sign3A_302 = arith.constant 0 : i32
    %sign3A_303 = arith.cmpi slt, %squeeze3A_296, %sign3A_302 : i32
    %sign3A_304 = arith.extui %sign3A_303 : i1 to i32
    %sign3A_305 = arith.subi %sign3A_301, %sign3A_304 : i32
    %sign3A_306 = arith.constant 0 : i32
    %sign3A_307 = arith.cmpi sgt, %jit3A_297, %sign3A_306 : i32
    %sign3A_308 = arith.extui %sign3A_307 : i1 to i32
    %sign3A_309 = arith.constant 0 : i32
    %sign3A_310 = arith.cmpi slt, %jit3A_297, %sign3A_309 : i32
    %sign3A_311 = arith.extui %sign3A_310 : i1 to i32
    %sign3A_312 = arith.subi %sign3A_308, %sign3A_311 : i32
    %ne3A_313 = arith.cmpi ne, %sign3A_305, %sign3A_312 : i32
    %rem3A_314 = arith.remsi %squeeze3A_296, %jit3A_297 : i32
    %ne3A_315 = arith.constant 0 : i32
    %ne3A_316 = arith.cmpi ne, %rem3A_314, %ne3A_315 : i32
    %and3A_317 = arith.andi %ne3A_313, %ne3A_316 : i1
    %sub3A_318 = arith.constant 1 : i32
    %sub3A_319 = arith.subi %div3A_298, %sub3A_318 : i32
    %select_n3A_320 = arith.select %and3A_317, %sub3A_319, %div3A_298 : i32
    %mul3A_321 = arith.constant 16 : i32
    %mul3A_322 = arith.muli %select_n3A_320, %mul3A_321 : i32
    %multiple_of3A_323 = tpu.assume_multiple %mul3A_322, 16 : i32
    %add3A_324 = arith.constant 0 : i32
    %add3A_325 = arith.addi %add3A_324, %squeeze3A_292 : i32
    %dma_start3A_326 = arith.constant 64 : i32
    %dma_start3A_327 = tpu.memref_slice %arg6[%dma_start3A_326] : memref<1536xf32, #tpu.memory_space<vmem>> -> memref<16xf32, #tpu.memory_space<vmem>>
    %dma_start3A_328 = tpu.memref_slice %arg3[%add3A_325, %squeeze3A_294, %multiple_of3A_323] : memref<576x192x192xf32, #tpu.memory_space<hbm>> -> memref<1x1x16xf32, #tpu.memory_space<hbm>>
    %dma_start3A_329 = tpu.memref_squeeze %dma_start3A_328 : memref<1x1x16xf32, #tpu.memory_space<hbm>> -> memref<16xf32, #tpu.memory_space<hbm>>
    %dma_start3A_330 = arith.constant 64 : i32
    %dma_start3A_331 = tpu.memref_slice %arg6[%dma_start3A_330] : memref<1536xf32, #tpu.memory_space<vmem>> -> memref<16xf32, #tpu.memory_space<vmem>>
    %dma_start3A_332 = tpu.memref_slice %arg3[%add3A_325, %squeeze3A_294, %multiple_of3A_323] : memref<576x192x192xf32, #tpu.memory_space<hbm>> -> memref<1x1x16xf32, #tpu.memory_space<hbm>>
    %dma_start3A_333 = tpu.memref_squeeze %dma_start3A_332 : memref<1x1x16xf32, #tpu.memory_space<hbm>> -> memref<16xf32, #tpu.memory_space<hbm>>
    tpu.enqueue_dma source(%dma_start3A_333 : memref<16xf32, #tpu.memory_space<hbm>>) target(%dma_start3A_331 : memref<16xf32, #tpu.memory_space<vmem>>) target_semaphore(%arg8 : memref<!tpu.dma_semaphore, #tpu.memory_space<semaphore_mem>>)
    %add3A_334 = arith.constant 192 : i32
    %add3A_335 = arith.addi %add3A_334, %squeeze3A_292 : i32
    %dma_start3A_336 = arith.constant 576 : i32
    %dma_start3A_337 = tpu.memref_slice %arg6[%dma_start3A_336] : memref<1536xf32, #tpu.memory_space<vmem>> -> memref<16xf32, #tpu.memory_space<vmem>>
    %dma_start3A_338 = tpu.memref_slice %arg3[%add3A_335, %squeeze3A_294, %multiple_of3A_323] : memref<576x192x192xf32, #tpu.memory_space<hbm>> -> memref<1x1x16xf32, #tpu.memory_space<hbm>>
    %dma_start3A_339 = tpu.memref_squeeze %dma_start3A_338 : memref<1x1x16xf32, #tpu.memory_space<hbm>> -> memref<16xf32, #tpu.memory_space<hbm>>
    %dma_start3A_340 = arith.constant 576 : i32
    %dma_start3A_341 = tpu.memref_slice %arg6[%dma_start3A_340] : memref<1536xf32, #tpu.memory_space<vmem>> -> memref<16xf32, #tpu.memory_space<vmem>>
    %dma_start3A_342 = tpu.memref_slice %arg3[%add3A_335, %squeeze3A_294, %multiple_of3A_323] : memref<576x192x192xf32, #tpu.memory_space<hbm>> -> memref<1x1x16xf32, #tpu.memory_space<hbm>>
    %dma_start3A_343 = tpu.memref_squeeze %dma_start3A_342 : memref<1x1x16xf32, #tpu.memory_space<hbm>> -> memref<16xf32, #tpu.memory_space<hbm>>
    tpu.enqueue_dma source(%dma_start3A_343 : memref<16xf32, #tpu.memory_space<hbm>>) target(%dma_start3A_341 : memref<16xf32, #tpu.memory_space<vmem>>) target_semaphore(%arg8 : memref<!tpu.dma_semaphore, #tpu.memory_space<semaphore_mem>>)
    %add3A_344 = arith.constant 384 : i32
    %add3A_345 = arith.addi %add3A_344, %squeeze3A_292 : i32
    %dma_start3A_346 = arith.constant 1088 : i32
    %dma_start3A_347 = tpu.memref_slice %arg6[%dma_start3A_346] : memref<1536xf32, #tpu.memory_space<vmem>> -> memref<16xf32, #tpu.memory_space<vmem>>
    %dma_start3A_348 = tpu.memref_slice %arg3[%add3A_345, %squeeze3A_294, %multiple_of3A_323] : memref<576x192x192xf32, #tpu.memory_space<hbm>> -> memref<1x1x16xf32, #tpu.memory_space<hbm>>
    %dma_start3A_349 = tpu.memref_squeeze %dma_start3A_348 : memref<1x1x16xf32, #tpu.memory_space<hbm>> -> memref<16xf32, #tpu.memory_space<hbm>>
    %dma_start3A_350 = arith.constant 1088 : i32
    %dma_start3A_351 = tpu.memref_slice %arg6[%dma_start3A_350] : memref<1536xf32, #tpu.memory_space<vmem>> -> memref<16xf32, #tpu.memory_space<vmem>>
    %dma_start3A_352 = tpu.memref_slice %arg3[%add3A_345, %squeeze3A_294, %multiple_of3A_323] : memref<576x192x192xf32, #tpu.memory_space<hbm>> -> memref<1x1x16xf32, #tpu.memory_space<hbm>>
    %dma_start3A_353 = tpu.memref_squeeze %dma_start3A_352 : memref<1x1x16xf32, #tpu.memory_space<hbm>> -> memref<16xf32, #tpu.memory_space<hbm>>
    tpu.enqueue_dma source(%dma_start3A_353 : memref<16xf32, #tpu.memory_space<hbm>>) target(%dma_start3A_351 : memref<16xf32, #tpu.memory_space<vmem>>) target_semaphore(%arg8 : memref<!tpu.dma_semaphore, #tpu.memory_space<semaphore_mem>>)
    %slice3A_354 = vector.extract_strided_slice %convert_element_type3A {offsets = [5], sizes = [1], strides = [1]} : vector<16xi32> to vector<1xi32>
    %squeeze3A_355 = vector.extract %slice3A_354[0] : i32 from vector<1xi32>
    %slice3A_356 = vector.extract_strided_slice %convert_element_type3A_21 {offsets = [5], sizes = [1], strides = [1]} : vector<16xi32> to vector<1xi32>
    %squeeze3A_357 = vector.extract %slice3A_356[0] : i32 from vector<1xi32>
    %slice3A_358 = vector.extract_strided_slice %convert_element_type3A_37 {offsets = [5], sizes = [1], strides = [1]} : vector<16xi32> to vector<1xi32>
    %squeeze3A_359 = vector.extract %slice3A_358[0] : i32 from vector<1xi32>
    %jit3A_360 = arith.constant 16 : i32
    %div3A_361 = arith.divsi %squeeze3A_359, %jit3A_360 : i32
    %sign3A_362 = arith.constant 0 : i32
    %sign3A_363 = arith.cmpi sgt, %squeeze3A_359, %sign3A_362 : i32
    %sign3A_364 = arith.extui %sign3A_363 : i1 to i32
    %sign3A_365 = arith.constant 0 : i32
    %sign3A_366 = arith.cmpi slt, %squeeze3A_359, %sign3A_365 : i32
    %sign3A_367 = arith.extui %sign3A_366 : i1 to i32
    %sign3A_368 = arith.subi %sign3A_364, %sign3A_367 : i32
    %sign3A_369 = arith.constant 0 : i32
    %sign3A_370 = arith.cmpi sgt, %jit3A_360, %sign3A_369 : i32
    %sign3A_371 = arith.extui %sign3A_370 : i1 to i32
    %sign3A_372 = arith.constant 0 : i32
    %sign3A_373 = arith.cmpi slt, %jit3A_360, %sign3A_372 : i32
    %sign3A_374 = arith.extui %sign3A_373 : i1 to i32
    %sign3A_375 = arith.subi %sign3A_371, %sign3A_374 : i32
    %ne3A_376 = arith.cmpi ne, %sign3A_368, %sign3A_375 : i32
    %rem3A_377 = arith.remsi %squeeze3A_359, %jit3A_360 : i32
    %ne3A_378 = arith.constant 0 : i32
    %ne3A_379 = arith.cmpi ne, %rem3A_377, %ne3A_378 : i32
    %and3A_380 = arith.andi %ne3A_376, %ne3A_379 : i1
    %sub3A_381 = arith.constant 1 : i32
    %sub3A_382 = arith.subi %div3A_361, %sub3A_381 : i32
    %select_n3A_383 = arith.select %and3A_380, %sub3A_382, %div3A_361 : i32
    %mul3A_384 = arith.constant 16 : i32
    %mul3A_385 = arith.muli %select_n3A_383, %mul3A_384 : i32
    %multiple_of3A_386 = tpu.assume_multiple %mul3A_385, 16 : i32
    %add3A_387 = arith.constant 0 : i32
    %add3A_388 = arith.addi %add3A_387, %squeeze3A_355 : i32
    %dma_start3A_389 = arith.constant 80 : i32
    %dma_start3A_390 = tpu.memref_slice %arg6[%dma_start3A_389] : memref<1536xf32, #tpu.memory_space<vmem>> -> memref<16xf32, #tpu.memory_space<vmem>>
    %dma_start3A_391 = tpu.memref_slice %arg3[%add3A_388, %squeeze3A_357, %multiple_of3A_386] : memref<576x192x192xf32, #tpu.memory_space<hbm>> -> memref<1x1x16xf32, #tpu.memory_space<hbm>>
    %dma_start3A_392 = tpu.memref_squeeze %dma_start3A_391 : memref<1x1x16xf32, #tpu.memory_space<hbm>> -> memref<16xf32, #tpu.memory_space<hbm>>
    %dma_start3A_393 = arith.constant 80 : i32
    %dma_start3A_394 = tpu.memref_slice %arg6[%dma_start3A_393] : memref<1536xf32, #tpu.memory_space<vmem>> -> memref<16xf32, #tpu.memory_space<vmem>>
    %dma_start3A_395 = tpu.memref_slice %arg3[%add3A_388, %squeeze3A_357, %multiple_of3A_386] : memref<576x192x192xf32, #tpu.memory_space<hbm>> -> memref<1x1x16xf32, #tpu.memory_space<hbm>>
    %dma_start3A_396 = tpu.memref_squeeze %dma_start3A_395 : memref<1x1x16xf32, #tpu.memory_space<hbm>> -> memref<16xf32, #tpu.memory_space<hbm>>
    tpu.enqueue_dma source(%dma_start3A_396 : memref<16xf32, #tpu.memory_space<hbm>>) target(%dma_start3A_394 : memref<16xf32, #tpu.memory_space<vmem>>) target_semaphore(%arg8 : memref<!tpu.dma_semaphore, #tpu.memory_space<semaphore_mem>>)
    %add3A_397 = arith.constant 192 : i32
    %add3A_398 = arith.addi %add3A_397, %squeeze3A_355 : i32
    %dma_start3A_399 = arith.constant 592 : i32
    %dma_start3A_400 = tpu.memref_slice %arg6[%dma_start3A_399] : memref<1536xf32, #tpu.memory_space<vmem>> -> memref<16xf32, #tpu.memory_space<vmem>>
    %dma_start3A_401 = tpu.memref_slice %arg3[%add3A_398, %squeeze3A_357, %multiple_of3A_386] : memref<576x192x192xf32, #tpu.memory_space<hbm>> -> memref<1x1x16xf32, #tpu.memory_space<hbm>>
    %dma_start3A_402 = tpu.memref_squeeze %dma_start3A_401 : memref<1x1x16xf32, #tpu.memory_space<hbm>> -> memref<16xf32, #tpu.memory_space<hbm>>
    %dma_start3A_403 = arith.constant 592 : i32
    %dma_start3A_404 = tpu.memref_slice %arg6[%dma_start3A_403] : memref<1536xf32, #tpu.memory_space<vmem>> -> memref<16xf32, #tpu.memory_space<vmem>>
    %dma_start3A_405 = tpu.memref_slice %arg3[%add3A_398, %squeeze3A_357, %multiple_of3A_386] : memref<576x192x192xf32, #tpu.memory_space<hbm>> -> memref<1x1x16xf32, #tpu.memory_space<hbm>>
    %dma_start3A_406 = tpu.memref_squeeze %dma_start3A_405 : memref<1x1x16xf32, #tpu.memory_space<hbm>> -> memref<16xf32, #tpu.memory_space<hbm>>
    tpu.enqueue_dma source(%dma_start3A_406 : memref<16xf32, #tpu.memory_space<hbm>>) target(%dma_start3A_404 : memref<16xf32, #tpu.memory_space<vmem>>) target_semaphore(%arg8 : memref<!tpu.dma_semaphore, #tpu.memory_space<semaphore_mem>>)
    %add3A_407 = arith.constant 384 : i32
    %add3A_408 = arith.addi %add3A_407, %squeeze3A_355 : i32
    %dma_start3A_409 = arith.constant 1104 : i32
    %dma_start3A_410 = tpu.memref_slice %arg6[%dma_start3A_409] : memref<1536xf32, #tpu.memory_space<vmem>> -> memref<16xf32, #tpu.memory_space<vmem>>
    %dma_start3A_411 = tpu.memref_slice %arg3[%add3A_408, %squeeze3A_357, %multiple_of3A_386] : memref<576x192x192xf32, #tpu.memory_space<hbm>> -> memref<1x1x16xf32, #tpu.memory_space<hbm>>
    %dma_start3A_412 = tpu.memref_squeeze %dma_start3A_411 : memref<1x1x16xf32, #tpu.memory_space<hbm>> -> memref<16xf32, #tpu.memory_space<hbm>>
    %dma_start3A_413 = arith.constant 1104 : i32
    %dma_start3A_414 = tpu.memref_slice %arg6[%dma_start3A_413] : memref<1536xf32, #tpu.memory_space<vmem>> -> memref<16xf32, #tpu.memory_space<vmem>>
    %dma_start3A_415 = tpu.memref_slice %arg3[%add3A_408, %squeeze3A_357, %multiple_of3A_386] : memref<576x192x192xf32, #tpu.memory_space<hbm>> -> memref<1x1x16xf32, #tpu.memory_space<hbm>>
    %dma_start3A_416 = tpu.memref_squeeze %dma_start3A_415 : memref<1x1x16xf32, #tpu.memory_space<hbm>> -> memref<16xf32, #tpu.memory_space<hbm>>
    tpu.enqueue_dma source(%dma_start3A_416 : memref<16xf32, #tpu.memory_space<hbm>>) target(%dma_start3A_414 : memref<16xf32, #tpu.memory_space<vmem>>) target_semaphore(%arg8 : memref<!tpu.dma_semaphore, #tpu.memory_space<semaphore_mem>>)
    %slice3A_417 = vector.extract_strided_slice %convert_element_type3A {offsets = [6], sizes = [1], strides = [1]} : vector<16xi32> to vector<1xi32>
    %squeeze3A_418 = vector.extract %slice3A_417[0] : i32 from vector<1xi32>
    %slice3A_419 = vector.extract_strided_slice %convert_element_type3A_21 {offsets = [6], sizes = [1], strides = [1]} : vector<16xi32> to vector<1xi32>
    %squeeze3A_420 = vector.extract %slice3A_419[0] : i32 from vector<1xi32>
    %slice3A_421 = vector.extract_strided_slice %convert_element_type3A_37 {offsets = [6], sizes = [1], strides = [1]} : vector<16xi32> to vector<1xi32>
    %squeeze3A_422 = vector.extract %slice3A_421[0] : i32 from vector<1xi32>
    %jit3A_423 = arith.constant 16 : i32
    %div3A_424 = arith.divsi %squeeze3A_422, %jit3A_423 : i32
    %sign3A_425 = arith.constant 0 : i32
    %sign3A_426 = arith.cmpi sgt, %squeeze3A_422, %sign3A_425 : i32
    %sign3A_427 = arith.extui %sign3A_426 : i1 to i32
    %sign3A_428 = arith.constant 0 : i32
    %sign3A_429 = arith.cmpi slt, %squeeze3A_422, %sign3A_428 : i32
    %sign3A_430 = arith.extui %sign3A_429 : i1 to i32
    %sign3A_431 = arith.subi %sign3A_427, %sign3A_430 : i32
    %sign3A_432 = arith.constant 0 : i32
    %sign3A_433 = arith.cmpi sgt, %jit3A_423, %sign3A_432 : i32
    %sign3A_434 = arith.extui %sign3A_433 : i1 to i32
    %sign3A_435 = arith.constant 0 : i32
    %sign3A_436 = arith.cmpi slt, %jit3A_423, %sign3A_435 : i32
    %sign3A_437 = arith.extui %sign3A_436 : i1 to i32
    %sign3A_438 = arith.subi %sign3A_434, %sign3A_437 : i32
    %ne3A_439 = arith.cmpi ne, %sign3A_431, %sign3A_438 : i32
    %rem3A_440 = arith.remsi %squeeze3A_422, %jit3A_423 : i32
    %ne3A_441 = arith.constant 0 : i32
    %ne3A_442 = arith.cmpi ne, %rem3A_440, %ne3A_441 : i32
    %and3A_443 = arith.andi %ne3A_439, %ne3A_442 : i1
    %sub3A_444 = arith.constant 1 : i32
    %sub3A_445 = arith.subi %div3A_424, %sub3A_444 : i32
    %select_n3A_446 = arith.select %and3A_443, %sub3A_445, %div3A_424 : i32
    %mul3A_447 = arith.constant 16 : i32
    %mul3A_448 = arith.muli %select_n3A_446, %mul3A_447 : i32
    %multiple_of3A_449 = tpu.assume_multiple %mul3A_448, 16 : i32
    %add3A_450 = arith.constant 0 : i32
    %add3A_451 = arith.addi %add3A_450, %squeeze3A_418 : i32
    %dma_start3A_452 = arith.constant 96 : i32
    %dma_start3A_453 = tpu.memref_slice %arg6[%dma_start3A_452] : memref<1536xf32, #tpu.memory_space<vmem>> -> memref<16xf32, #tpu.memory_space<vmem>>
    %dma_start3A_454 = tpu.memref_slice %arg3[%add3A_451, %squeeze3A_420, %multiple_of3A_449] : memref<576x192x192xf32, #tpu.memory_space<hbm>> -> memref<1x1x16xf32, #tpu.memory_space<hbm>>
    %dma_start3A_455 = tpu.memref_squeeze %dma_start3A_454 : memref<1x1x16xf32, #tpu.memory_space<hbm>> -> memref<16xf32, #tpu.memory_space<hbm>>
    %dma_start3A_456 = arith.constant 96 : i32
    %dma_start3A_457 = tpu.memref_slice %arg6[%dma_start3A_456] : memref<1536xf32, #tpu.memory_space<vmem>> -> memref<16xf32, #tpu.memory_space<vmem>>
    %dma_start3A_458 = tpu.memref_slice %arg3[%add3A_451, %squeeze3A_420, %multiple_of3A_449] : memref<576x192x192xf32, #tpu.memory_space<hbm>> -> memref<1x1x16xf32, #tpu.memory_space<hbm>>
    %dma_start3A_459 = tpu.memref_squeeze %dma_start3A_458 : memref<1x1x16xf32, #tpu.memory_space<hbm>> -> memref<16xf32, #tpu.memory_space<hbm>>
    tpu.enqueue_dma source(%dma_start3A_459 : memref<16xf32, #tpu.memory_space<hbm>>) target(%dma_start3A_457 : memref<16xf32, #tpu.memory_space<vmem>>) target_semaphore(%arg8 : memref<!tpu.dma_semaphore, #tpu.memory_space<semaphore_mem>>)
    %add3A_460 = arith.constant 192 : i32
    %add3A_461 = arith.addi %add3A_460, %squeeze3A_418 : i32
    %dma_start3A_462 = arith.constant 608 : i32
    %dma_start3A_463 = tpu.memref_slice %arg6[%dma_start3A_462] : memref<1536xf32, #tpu.memory_space<vmem>> -> memref<16xf32, #tpu.memory_space<vmem>>
    %dma_start3A_464 = tpu.memref_slice %arg3[%add3A_461, %squeeze3A_420, %multiple_of3A_449] : memref<576x192x192xf32, #tpu.memory_space<hbm>> -> memref<1x1x16xf32, #tpu.memory_space<hbm>>
    %dma_start3A_465 = tpu.memref_squeeze %dma_start3A_464 : memref<1x1x16xf32, #tpu.memory_space<hbm>> -> memref<16xf32, #tpu.memory_space<hbm>>
    %dma_start3A_466 = arith.constant 608 : i32
    %dma_start3A_467 = tpu.memref_slice %arg6[%dma_start3A_466] : memref<1536xf32, #tpu.memory_space<vmem>> -> memref<16xf32, #tpu.memory_space<vmem>>
    %dma_start3A_468 = tpu.memref_slice %arg3[%add3A_461, %squeeze3A_420, %multiple_of3A_449] : memref<576x192x192xf32, #tpu.memory_space<hbm>> -> memref<1x1x16xf32, #tpu.memory_space<hbm>>
    %dma_start3A_469 = tpu.memref_squeeze %dma_start3A_468 : memref<1x1x16xf32, #tpu.memory_space<hbm>> -> memref<16xf32, #tpu.memory_space<hbm>>
    tpu.enqueue_dma source(%dma_start3A_469 : memref<16xf32, #tpu.memory_space<hbm>>) target(%dma_start3A_467 : memref<16xf32, #tpu.memory_space<vmem>>) target_semaphore(%arg8 : memref<!tpu.dma_semaphore, #tpu.memory_space<semaphore_mem>>)
    %add3A_470 = arith.constant 384 : i32
    %add3A_471 = arith.addi %add3A_470, %squeeze3A_418 : i32
    %dma_start3A_472 = arith.constant 1120 : i32
    %dma_start3A_473 = tpu.memref_slice %arg6[%dma_start3A_472] : memref<1536xf32, #tpu.memory_space<vmem>> -> memref<16xf32, #tpu.memory_space<vmem>>
    %dma_start3A_474 = tpu.memref_slice %arg3[%add3A_471, %squeeze3A_420, %multiple_of3A_449] : memref<576x192x192xf32, #tpu.memory_space<hbm>> -> memref<1x1x16xf32, #tpu.memory_space<hbm>>
    %dma_start3A_475 = tpu.memref_squeeze %dma_start3A_474 : memref<1x1x16xf32, #tpu.memory_space<hbm>> -> memref<16xf32, #tpu.memory_space<hbm>>
    %dma_start3A_476 = arith.constant 1120 : i32
    %dma_start3A_477 = tpu.memref_slice %arg6[%dma_start3A_476] : memref<1536xf32, #tpu.memory_space<vmem>> -> memref<16xf32, #tpu.memory_space<vmem>>
    %dma_start3A_478 = tpu.memref_slice %arg3[%add3A_471, %squeeze3A_420, %multiple_of3A_449] : memref<576x192x192xf32, #tpu.memory_space<hbm>> -> memref<1x1x16xf32, #tpu.memory_space<hbm>>
    %dma_start3A_479 = tpu.memref_squeeze %dma_start3A_478 : memref<1x1x16xf32, #tpu.memory_space<hbm>> -> memref<16xf32, #tpu.memory_space<hbm>>
    tpu.enqueue_dma source(%dma_start3A_479 : memref<16xf32, #tpu.memory_space<hbm>>) target(%dma_start3A_477 : memref<16xf32, #tpu.memory_space<vmem>>) target_semaphore(%arg8 : memref<!tpu.dma_semaphore, #tpu.memory_space<semaphore_mem>>)
    %slice3A_480 = vector.extract_strided_slice %convert_element_type3A {offsets = [7], sizes = [1], strides = [1]} : vector<16xi32> to vector<1xi32>
    %squeeze3A_481 = vector.extract %slice3A_480[0] : i32 from vector<1xi32>
    %slice3A_482 = vector.extract_strided_slice %convert_element_type3A_21 {offsets = [7], sizes = [1], strides = [1]} : vector<16xi32> to vector<1xi32>
    %squeeze3A_483 = vector.extract %slice3A_482[0] : i32 from vector<1xi32>
    %slice3A_484 = vector.extract_strided_slice %convert_element_type3A_37 {offsets = [7], sizes = [1], strides = [1]} : vector<16xi32> to vector<1xi32>
    %squeeze3A_485 = vector.extract %slice3A_484[0] : i32 from vector<1xi32>
    %jit3A_486 = arith.constant 16 : i32
    %div3A_487 = arith.divsi %squeeze3A_485, %jit3A_486 : i32
    %sign3A_488 = arith.constant 0 : i32
    %sign3A_489 = arith.cmpi sgt, %squeeze3A_485, %sign3A_488 : i32
    %sign3A_490 = arith.extui %sign3A_489 : i1 to i32
    %sign3A_491 = arith.constant 0 : i32
    %sign3A_492 = arith.cmpi slt, %squeeze3A_485, %sign3A_491 : i32
    %sign3A_493 = arith.extui %sign3A_492 : i1 to i32
    %sign3A_494 = arith.subi %sign3A_490, %sign3A_493 : i32
    %sign3A_495 = arith.constant 0 : i32
    %sign3A_496 = arith.cmpi sgt, %jit3A_486, %sign3A_495 : i32
    %sign3A_497 = arith.extui %sign3A_496 : i1 to i32
    %sign3A_498 = arith.constant 0 : i32
    %sign3A_499 = arith.cmpi slt, %jit3A_486, %sign3A_498 : i32
    %sign3A_500 = arith.extui %sign3A_499 : i1 to i32
    %sign3A_501 = arith.subi %sign3A_497, %sign3A_500 : i32
    %ne3A_502 = arith.cmpi ne, %sign3A_494, %sign3A_501 : i32
    %rem3A_503 = arith.remsi %squeeze3A_485, %jit3A_486 : i32
    %ne3A_504 = arith.constant 0 : i32
    %ne3A_505 = arith.cmpi ne, %rem3A_503, %ne3A_504 : i32
    %and3A_506 = arith.andi %ne3A_502, %ne3A_505 : i1
    %sub3A_507 = arith.constant 1 : i32
    %sub3A_508 = arith.subi %div3A_487, %sub3A_507 : i32
    %select_n3A_509 = arith.select %and3A_506, %sub3A_508, %div3A_487 : i32
    %mul3A_510 = arith.constant 16 : i32
    %mul3A_511 = arith.muli %select_n3A_509, %mul3A_510 : i32
    %multiple_of3A_512 = tpu.assume_multiple %mul3A_511, 16 : i32
    %add3A_513 = arith.constant 0 : i32
    %add3A_514 = arith.addi %add3A_513, %squeeze3A_481 : i32
    %dma_start3A_515 = arith.constant 112 : i32
    %dma_start3A_516 = tpu.memref_slice %arg6[%dma_start3A_515] : memref<1536xf32, #tpu.memory_space<vmem>> -> memref<16xf32, #tpu.memory_space<vmem>>
    %dma_start3A_517 = tpu.memref_slice %arg3[%add3A_514, %squeeze3A_483, %multiple_of3A_512] : memref<576x192x192xf32, #tpu.memory_space<hbm>> -> memref<1x1x16xf32, #tpu.memory_space<hbm>>
    %dma_start3A_518 = tpu.memref_squeeze %dma_start3A_517 : memref<1x1x16xf32, #tpu.memory_space<hbm>> -> memref<16xf32, #tpu.memory_space<hbm>>
    %dma_start3A_519 = arith.constant 112 : i32
    %dma_start3A_520 = tpu.memref_slice %arg6[%dma_start3A_519] : memref<1536xf32, #tpu.memory_space<vmem>> -> memref<16xf32, #tpu.memory_space<vmem>>
    %dma_start3A_521 = tpu.memref_slice %arg3[%add3A_514, %squeeze3A_483, %multiple_of3A_512] : memref<576x192x192xf32, #tpu.memory_space<hbm>> -> memref<1x1x16xf32, #tpu.memory_space<hbm>>
    %dma_start3A_522 = tpu.memref_squeeze %dma_start3A_521 : memref<1x1x16xf32, #tpu.memory_space<hbm>> -> memref<16xf32, #tpu.memory_space<hbm>>
    tpu.enqueue_dma source(%dma_start3A_522 : memref<16xf32, #tpu.memory_space<hbm>>) target(%dma_start3A_520 : memref<16xf32, #tpu.memory_space<vmem>>) target_semaphore(%arg8 : memref<!tpu.dma_semaphore, #tpu.memory_space<semaphore_mem>>)
    %add3A_523 = arith.constant 192 : i32
    %add3A_524 = arith.addi %add3A_523, %squeeze3A_481 : i32
    %dma_start3A_525 = arith.constant 624 : i32
    %dma_start3A_526 = tpu.memref_slice %arg6[%dma_start3A_525] : memref<1536xf32, #tpu.memory_space<vmem>> -> memref<16xf32, #tpu.memory_space<vmem>>
    %dma_start3A_527 = tpu.memref_slice %arg3[%add3A_524, %squeeze3A_483, %multiple_of3A_512] : memref<576x192x192xf32, #tpu.memory_space<hbm>> -> memref<1x1x16xf32, #tpu.memory_space<hbm>>
    %dma_start3A_528 = tpu.memref_squeeze %dma_start3A_527 : memref<1x1x16xf32, #tpu.memory_space<hbm>> -> memref<16xf32, #tpu.memory_space<hbm>>
    %dma_start3A_529 = arith.constant 624 : i32
    %dma_start3A_530 = tpu.memref_slice %arg6[%dma_start3A_529] : memref<1536xf32, #tpu.memory_space<vmem>> -> memref<16xf32, #tpu.memory_space<vmem>>
    %dma_start3A_531 = tpu.memref_slice %arg3[%add3A_524, %squeeze3A_483, %multiple_of3A_512] : memref<576x192x192xf32, #tpu.memory_space<hbm>> -> memref<1x1x16xf32, #tpu.memory_space<hbm>>
    %dma_start3A_532 = tpu.memref_squeeze %dma_start3A_531 : memref<1x1x16xf32, #tpu.memory_space<hbm>> -> memref<16xf32, #tpu.memory_space<hbm>>
    tpu.enqueue_dma source(%dma_start3A_532 : memref<16xf32, #tpu.memory_space<hbm>>) target(%dma_start3A_530 : memref<16xf32, #tpu.memory_space<vmem>>) target_semaphore(%arg8 : memref<!tpu.dma_semaphore, #tpu.memory_space<semaphore_mem>>)
    %add3A_533 = arith.constant 384 : i32
    %add3A_534 = arith.addi %add3A_533, %squeeze3A_481 : i32
    %dma_start3A_535 = arith.constant 1136 : i32
    %dma_start3A_536 = tpu.memref_slice %arg6[%dma_start3A_535] : memref<1536xf32, #tpu.memory_space<vmem>> -> memref<16xf32, #tpu.memory_space<vmem>>
    %dma_start3A_537 = tpu.memref_slice %arg3[%add3A_534, %squeeze3A_483, %multiple_of3A_512] : memref<576x192x192xf32, #tpu.memory_space<hbm>> -> memref<1x1x16xf32, #tpu.memory_space<hbm>>
    %dma_start3A_538 = tpu.memref_squeeze %dma_start3A_537 : memref<1x1x16xf32, #tpu.memory_space<hbm>> -> memref<16xf32, #tpu.memory_space<hbm>>
    %dma_start3A_539 = arith.constant 1136 : i32
    %dma_start3A_540 = tpu.memref_slice %arg6[%dma_start3A_539] : memref<1536xf32, #tpu.memory_space<vmem>> -> memref<16xf32, #tpu.memory_space<vmem>>
    %dma_start3A_541 = tpu.memref_slice %arg3[%add3A_534, %squeeze3A_483, %multiple_of3A_512] : memref<576x192x192xf32, #tpu.memory_space<hbm>> -> memref<1x1x16xf32, #tpu.memory_space<hbm>>
    %dma_start3A_542 = tpu.memref_squeeze %dma_start3A_541 : memref<1x1x16xf32, #tpu.memory_space<hbm>> -> memref<16xf32, #tpu.memory_space<hbm>>
    tpu.enqueue_dma source(%dma_start3A_542 : memref<16xf32, #tpu.memory_space<hbm>>) target(%dma_start3A_540 : memref<16xf32, #tpu.memory_space<vmem>>) target_semaphore(%arg8 : memref<!tpu.dma_semaphore, #tpu.memory_space<semaphore_mem>>)
    %slice3A_543 = vector.extract_strided_slice %convert_element_type3A {offsets = [8], sizes = [1], strides = [1]} : vector<16xi32> to vector<1xi32>
    %squeeze3A_544 = vector.extract %slice3A_543[0] : i32 from vector<1xi32>
    %slice3A_545 = vector.extract_strided_slice %convert_element_type3A_21 {offsets = [8], sizes = [1], strides = [1]} : vector<16xi32> to vector<1xi32>
    %squeeze3A_546 = vector.extract %slice3A_545[0] : i32 from vector<1xi32>
    %slice3A_547 = vector.extract_strided_slice %convert_element_type3A_37 {offsets = [8], sizes = [1], strides = [1]} : vector<16xi32> to vector<1xi32>
    %squeeze3A_548 = vector.extract %slice3A_547[0] : i32 from vector<1xi32>
    %jit3A_549 = arith.constant 16 : i32
    %div3A_550 = arith.divsi %squeeze3A_548, %jit3A_549 : i32
    %sign3A_551 = arith.constant 0 : i32
    %sign3A_552 = arith.cmpi sgt, %squeeze3A_548, %sign3A_551 : i32
    %sign3A_553 = arith.extui %sign3A_552 : i1 to i32
    %sign3A_554 = arith.constant 0 : i32
    %sign3A_555 = arith.cmpi slt, %squeeze3A_548, %sign3A_554 : i32
    %sign3A_556 = arith.extui %sign3A_555 : i1 to i32
    %sign3A_557 = arith.subi %sign3A_553, %sign3A_556 : i32
    %sign3A_558 = arith.constant 0 : i32
    %sign3A_559 = arith.cmpi sgt, %jit3A_549, %sign3A_558 : i32
    %sign3A_560 = arith.extui %sign3A_559 : i1 to i32
    %sign3A_561 = arith.constant 0 : i32
    %sign3A_562 = arith.cmpi slt, %jit3A_549, %sign3A_561 : i32
    %sign3A_563 = arith.extui %sign3A_562 : i1 to i32
    %sign3A_564 = arith.subi %sign3A_560, %sign3A_563 : i32
    %ne3A_565 = arith.cmpi ne, %sign3A_557, %sign3A_564 : i32
    %rem3A_566 = arith.remsi %squeeze3A_548, %jit3A_549 : i32
    %ne3A_567 = arith.constant 0 : i32
    %ne3A_568 = arith.cmpi ne, %rem3A_566, %ne3A_567 : i32
    %and3A_569 = arith.andi %ne3A_565, %ne3A_568 : i1
    %sub3A_570 = arith.constant 1 : i32
    %sub3A_571 = arith.subi %div3A_550, %sub3A_570 : i32
    %select_n3A_572 = arith.select %and3A_569, %sub3A_571, %div3A_550 : i32
    %mul3A_573 = arith.constant 16 : i32
    %mul3A_574 = arith.muli %select_n3A_572, %mul3A_573 : i32
    %multiple_of3A_575 = tpu.assume_multiple %mul3A_574, 16 : i32
    %add3A_576 = arith.constant 0 : i32
    %add3A_577 = arith.addi %add3A_576, %squeeze3A_544 : i32
    %dma_start3A_578 = arith.constant 128 : i32
    %dma_start3A_579 = tpu.memref_slice %arg6[%dma_start3A_578] : memref<1536xf32, #tpu.memory_space<vmem>> -> memref<16xf32, #tpu.memory_space<vmem>>
    %dma_start3A_580 = tpu.memref_slice %arg3[%add3A_577, %squeeze3A_546, %multiple_of3A_575] : memref<576x192x192xf32, #tpu.memory_space<hbm>> -> memref<1x1x16xf32, #tpu.memory_space<hbm>>
    %dma_start3A_581 = tpu.memref_squeeze %dma_start3A_580 : memref<1x1x16xf32, #tpu.memory_space<hbm>> -> memref<16xf32, #tpu.memory_space<hbm>>
    %dma_start3A_582 = arith.constant 128 : i32
    %dma_start3A_583 = tpu.memref_slice %arg6[%dma_start3A_582] : memref<1536xf32, #tpu.memory_space<vmem>> -> memref<16xf32, #tpu.memory_space<vmem>>
    %dma_start3A_584 = tpu.memref_slice %arg3[%add3A_577, %squeeze3A_546, %multiple_of3A_575] : memref<576x192x192xf32, #tpu.memory_space<hbm>> -> memref<1x1x16xf32, #tpu.memory_space<hbm>>
    %dma_start3A_585 = tpu.memref_squeeze %dma_start3A_584 : memref<1x1x16xf32, #tpu.memory_space<hbm>> -> memref<16xf32, #tpu.memory_space<hbm>>
    tpu.enqueue_dma source(%dma_start3A_585 : memref<16xf32, #tpu.memory_space<hbm>>) target(%dma_start3A_583 : memref<16xf32, #tpu.memory_space<vmem>>) target_semaphore(%arg8 : memref<!tpu.dma_semaphore, #tpu.memory_space<semaphore_mem>>)
    %add3A_586 = arith.constant 192 : i32
    %add3A_587 = arith.addi %add3A_586, %squeeze3A_544 : i32
    %dma_start3A_588 = arith.constant 640 : i32
    %dma_start3A_589 = tpu.memref_slice %arg6[%dma_start3A_588] : memref<1536xf32, #tpu.memory_space<vmem>> -> memref<16xf32, #tpu.memory_space<vmem>>
    %dma_start3A_590 = tpu.memref_slice %arg3[%add3A_587, %squeeze3A_546, %multiple_of3A_575] : memref<576x192x192xf32, #tpu.memory_space<hbm>> -> memref<1x1x16xf32, #tpu.memory_space<hbm>>
    %dma_start3A_591 = tpu.memref_squeeze %dma_start3A_590 : memref<1x1x16xf32, #tpu.memory_space<hbm>> -> memref<16xf32, #tpu.memory_space<hbm>>
    %dma_start3A_592 = arith.constant 640 : i32
    %dma_start3A_593 = tpu.memref_slice %arg6[%dma_start3A_592] : memref<1536xf32, #tpu.memory_space<vmem>> -> memref<16xf32, #tpu.memory_space<vmem>>
    %dma_start3A_594 = tpu.memref_slice %arg3[%add3A_587, %squeeze3A_546, %multiple_of3A_575] : memref<576x192x192xf32, #tpu.memory_space<hbm>> -> memref<1x1x16xf32, #tpu.memory_space<hbm>>
    %dma_start3A_595 = tpu.memref_squeeze %dma_start3A_594 : memref<1x1x16xf32, #tpu.memory_space<hbm>> -> memref<16xf32, #tpu.memory_space<hbm>>
    tpu.enqueue_dma source(%dma_start3A_595 : memref<16xf32, #tpu.memory_space<hbm>>) target(%dma_start3A_593 : memref<16xf32, #tpu.memory_space<vmem>>) target_semaphore(%arg8 : memref<!tpu.dma_semaphore, #tpu.memory_space<semaphore_mem>>)
    %add3A_596 = arith.constant 384 : i32
    %add3A_597 = arith.addi %add3A_596, %squeeze3A_544 : i32
    %dma_start3A_598 = arith.constant 1152 : i32
    %dma_start3A_599 = tpu.memref_slice %arg6[%dma_start3A_598] : memref<1536xf32, #tpu.memory_space<vmem>> -> memref<16xf32, #tpu.memory_space<vmem>>
    %dma_start3A_600 = tpu.memref_slice %arg3[%add3A_597, %squeeze3A_546, %multiple_of3A_575] : memref<576x192x192xf32, #tpu.memory_space<hbm>> -> memref<1x1x16xf32, #tpu.memory_space<hbm>>
    %dma_start3A_601 = tpu.memref_squeeze %dma_start3A_600 : memref<1x1x16xf32, #tpu.memory_space<hbm>> -> memref<16xf32, #tpu.memory_space<hbm>>
    %dma_start3A_602 = arith.constant 1152 : i32
    %dma_start3A_603 = tpu.memref_slice %arg6[%dma_start3A_602] : memref<1536xf32, #tpu.memory_space<vmem>> -> memref<16xf32, #tpu.memory_space<vmem>>
    %dma_start3A_604 = tpu.memref_slice %arg3[%add3A_597, %squeeze3A_546, %multiple_of3A_575] : memref<576x192x192xf32, #tpu.memory_space<hbm>> -> memref<1x1x16xf32, #tpu.memory_space<hbm>>
    %dma_start3A_605 = tpu.memref_squeeze %dma_start3A_604 : memref<1x1x16xf32, #tpu.memory_space<hbm>> -> memref<16xf32, #tpu.memory_space<hbm>>
    tpu.enqueue_dma source(%dma_start3A_605 : memref<16xf32, #tpu.memory_space<hbm>>) target(%dma_start3A_603 : memref<16xf32, #tpu.memory_space<vmem>>) target_semaphore(%arg8 : memref<!tpu.dma_semaphore, #tpu.memory_space<semaphore_mem>>)
    %slice3A_606 = vector.extract_strided_slice %convert_element_type3A {offsets = [9], sizes = [1], strides = [1]} : vector<16xi32> to vector<1xi32>
    %squeeze3A_607 = vector.extract %slice3A_606[0] : i32 from vector<1xi32>
    %slice3A_608 = vector.extract_strided_slice %convert_element_type3A_21 {offsets = [9], sizes = [1], strides = [1]} : vector<16xi32> to vector<1xi32>
    %squeeze3A_609 = vector.extract %slice3A_608[0] : i32 from vector<1xi32>
    %slice3A_610 = vector.extract_strided_slice %convert_element_type3A_37 {offsets = [9], sizes = [1], strides = [1]} : vector<16xi32> to vector<1xi32>
    %squeeze3A_611 = vector.extract %slice3A_610[0] : i32 from vector<1xi32>
    %jit3A_612 = arith.constant 16 : i32
    %div3A_613 = arith.divsi %squeeze3A_611, %jit3A_612 : i32
    %sign3A_614 = arith.constant 0 : i32
    %sign3A_615 = arith.cmpi sgt, %squeeze3A_611, %sign3A_614 : i32
    %sign3A_616 = arith.extui %sign3A_615 : i1 to i32
    %sign3A_617 = arith.constant 0 : i32
    %sign3A_618 = arith.cmpi slt, %squeeze3A_611, %sign3A_617 : i32
    %sign3A_619 = arith.extui %sign3A_618 : i1 to i32
    %sign3A_620 = arith.subi %sign3A_616, %sign3A_619 : i32
    %sign3A_621 = arith.constant 0 : i32
    %sign3A_622 = arith.cmpi sgt, %jit3A_612, %sign3A_621 : i32
    %sign3A_623 = arith.extui %sign3A_622 : i1 to i32
    %sign3A_624 = arith.constant 0 : i32
    %sign3A_625 = arith.cmpi slt, %jit3A_612, %sign3A_624 : i32
    %sign3A_626 = arith.extui %sign3A_625 : i1 to i32
    %sign3A_627 = arith.subi %sign3A_623, %sign3A_626 : i32
    %ne3A_628 = arith.cmpi ne, %sign3A_620, %sign3A_627 : i32
    %rem3A_629 = arith.remsi %squeeze3A_611, %jit3A_612 : i32
    %ne3A_630 = arith.constant 0 : i32
    %ne3A_631 = arith.cmpi ne, %rem3A_629, %ne3A_630 : i32
    %and3A_632 = arith.andi %ne3A_628, %ne3A_631 : i1
    %sub3A_633 = arith.constant 1 : i32
    %sub3A_634 = arith.subi %div3A_613, %sub3A_633 : i32
    %select_n3A_635 = arith.select %and3A_632, %sub3A_634, %div3A_613 : i32
    %mul3A_636 = arith.constant 16 : i32
    %mul3A_637 = arith.muli %select_n3A_635, %mul3A_636 : i32
    %multiple_of3A_638 = tpu.assume_multiple %mul3A_637, 16 : i32
    %add3A_639 = arith.constant 0 : i32
    %add3A_640 = arith.addi %add3A_639, %squeeze3A_607 : i32
    %dma_start3A_641 = arith.constant 144 : i32
    %dma_start3A_642 = tpu.memref_slice %arg6[%dma_start3A_641] : memref<1536xf32, #tpu.memory_space<vmem>> -> memref<16xf32, #tpu.memory_space<vmem>>
    %dma_start3A_643 = tpu.memref_slice %arg3[%add3A_640, %squeeze3A_609, %multiple_of3A_638] : memref<576x192x192xf32, #tpu.memory_space<hbm>> -> memref<1x1x16xf32, #tpu.memory_space<hbm>>
    %dma_start3A_644 = tpu.memref_squeeze %dma_start3A_643 : memref<1x1x16xf32, #tpu.memory_space<hbm>> -> memref<16xf32, #tpu.memory_space<hbm>>
    %dma_start3A_645 = arith.constant 144 : i32
    %dma_start3A_646 = tpu.memref_slice %arg6[%dma_start3A_645] : memref<1536xf32, #tpu.memory_space<vmem>> -> memref<16xf32, #tpu.memory_space<vmem>>
    %dma_start3A_647 = tpu.memref_slice %arg3[%add3A_640, %squeeze3A_609, %multiple_of3A_638] : memref<576x192x192xf32, #tpu.memory_space<hbm>> -> memref<1x1x16xf32, #tpu.memory_space<hbm>>
    %dma_start3A_648 = tpu.memref_squeeze %dma_start3A_647 : memref<1x1x16xf32, #tpu.memory_space<hbm>> -> memref<16xf32, #tpu.memory_space<hbm>>
    tpu.enqueue_dma source(%dma_start3A_648 : memref<16xf32, #tpu.memory_space<hbm>>) target(%dma_start3A_646 : memref<16xf32, #tpu.memory_space<vmem>>) target_semaphore(%arg8 : memref<!tpu.dma_semaphore, #tpu.memory_space<semaphore_mem>>)
    %add3A_649 = arith.constant 192 : i32
    %add3A_650 = arith.addi %add3A_649, %squeeze3A_607 : i32
    %dma_start3A_651 = arith.constant 656 : i32
    %dma_start3A_652 = tpu.memref_slice %arg6[%dma_start3A_651] : memref<1536xf32, #tpu.memory_space<vmem>> -> memref<16xf32, #tpu.memory_space<vmem>>
    %dma_start3A_653 = tpu.memref_slice %arg3[%add3A_650, %squeeze3A_609, %multiple_of3A_638] : memref<576x192x192xf32, #tpu.memory_space<hbm>> -> memref<1x1x16xf32, #tpu.memory_space<hbm>>
    %dma_start3A_654 = tpu.memref_squeeze %dma_start3A_653 : memref<1x1x16xf32, #tpu.memory_space<hbm>> -> memref<16xf32, #tpu.memory_space<hbm>>
    %dma_start3A_655 = arith.constant 656 : i32
    %dma_start3A_656 = tpu.memref_slice %arg6[%dma_start3A_655] : memref<1536xf32, #tpu.memory_space<vmem>> -> memref<16xf32, #tpu.memory_space<vmem>>
    %dma_start3A_657 = tpu.memref_slice %arg3[%add3A_650, %squeeze3A_609, %multiple_of3A_638] : memref<576x192x192xf32, #tpu.memory_space<hbm>> -> memref<1x1x16xf32, #tpu.memory_space<hbm>>
    %dma_start3A_658 = tpu.memref_squeeze %dma_start3A_657 : memref<1x1x16xf32, #tpu.memory_space<hbm>> -> memref<16xf32, #tpu.memory_space<hbm>>
    tpu.enqueue_dma source(%dma_start3A_658 : memref<16xf32, #tpu.memory_space<hbm>>) target(%dma_start3A_656 : memref<16xf32, #tpu.memory_space<vmem>>) target_semaphore(%arg8 : memref<!tpu.dma_semaphore, #tpu.memory_space<semaphore_mem>>)
    %add3A_659 = arith.constant 384 : i32
    %add3A_660 = arith.addi %add3A_659, %squeeze3A_607 : i32
    %dma_start3A_661 = arith.constant 1168 : i32
    %dma_start3A_662 = tpu.memref_slice %arg6[%dma_start3A_661] : memref<1536xf32, #tpu.memory_space<vmem>> -> memref<16xf32, #tpu.memory_space<vmem>>
    %dma_start3A_663 = tpu.memref_slice %arg3[%add3A_660, %squeeze3A_609, %multiple_of3A_638] : memref<576x192x192xf32, #tpu.memory_space<hbm>> -> memref<1x1x16xf32, #tpu.memory_space<hbm>>
    %dma_start3A_664 = tpu.memref_squeeze %dma_start3A_663 : memref<1x1x16xf32, #tpu.memory_space<hbm>> -> memref<16xf32, #tpu.memory_space<hbm>>
    %dma_start3A_665 = arith.constant 1168 : i32
    %dma_start3A_666 = tpu.memref_slice %arg6[%dma_start3A_665] : memref<1536xf32, #tpu.memory_space<vmem>> -> memref<16xf32, #tpu.memory_space<vmem>>
    %dma_start3A_667 = tpu.memref_slice %arg3[%add3A_660, %squeeze3A_609, %multiple_of3A_638] : memref<576x192x192xf32, #tpu.memory_space<hbm>> -> memref<1x1x16xf32, #tpu.memory_space<hbm>>
    %dma_start3A_668 = tpu.memref_squeeze %dma_start3A_667 : memref<1x1x16xf32, #tpu.memory_space<hbm>> -> memref<16xf32, #tpu.memory_space<hbm>>
    tpu.enqueue_dma source(%dma_start3A_668 : memref<16xf32, #tpu.memory_space<hbm>>) target(%dma_start3A_666 : memref<16xf32, #tpu.memory_space<vmem>>) target_semaphore(%arg8 : memref<!tpu.dma_semaphore, #tpu.memory_space<semaphore_mem>>)
    %slice3A_669 = vector.extract_strided_slice %convert_element_type3A {offsets = [10], sizes = [1], strides = [1]} : vector<16xi32> to vector<1xi32>
    %squeeze3A_670 = vector.extract %slice3A_669[0] : i32 from vector<1xi32>
    %slice3A_671 = vector.extract_strided_slice %convert_element_type3A_21 {offsets = [10], sizes = [1], strides = [1]} : vector<16xi32> to vector<1xi32>
    %squeeze3A_672 = vector.extract %slice3A_671[0] : i32 from vector<1xi32>
    %slice3A_673 = vector.extract_strided_slice %convert_element_type3A_37 {offsets = [10], sizes = [1], strides = [1]} : vector<16xi32> to vector<1xi32>
    %squeeze3A_674 = vector.extract %slice3A_673[0] : i32 from vector<1xi32>
    %jit3A_675 = arith.constant 16 : i32
    %div3A_676 = arith.divsi %squeeze3A_674, %jit3A_675 : i32
    %sign3A_677 = arith.constant 0 : i32
    %sign3A_678 = arith.cmpi sgt, %squeeze3A_674, %sign3A_677 : i32
    %sign3A_679 = arith.extui %sign3A_678 : i1 to i32
    %sign3A_680 = arith.constant 0 : i32
    %sign3A_681 = arith.cmpi slt, %squeeze3A_674, %sign3A_680 : i32
    %sign3A_682 = arith.extui %sign3A_681 : i1 to i32
    %sign3A_683 = arith.subi %sign3A_679, %sign3A_682 : i32
    %sign3A_684 = arith.constant 0 : i32
    %sign3A_685 = arith.cmpi sgt, %jit3A_675, %sign3A_684 : i32
    %sign3A_686 = arith.extui %sign3A_685 : i1 to i32
    %sign3A_687 = arith.constant 0 : i32
    %sign3A_688 = arith.cmpi slt, %jit3A_675, %sign3A_687 : i32
    %sign3A_689 = arith.extui %sign3A_688 : i1 to i32
    %sign3A_690 = arith.subi %sign3A_686, %sign3A_689 : i32
    %ne3A_691 = arith.cmpi ne, %sign3A_683, %sign3A_690 : i32
    %rem3A_692 = arith.remsi %squeeze3A_674, %jit3A_675 : i32
    %ne3A_693 = arith.constant 0 : i32
    %ne3A_694 = arith.cmpi ne, %rem3A_692, %ne3A_693 : i32
    %and3A_695 = arith.andi %ne3A_691, %ne3A_694 : i1
    %sub3A_696 = arith.constant 1 : i32
    %sub3A_697 = arith.subi %div3A_676, %sub3A_696 : i32
    %select_n3A_698 = arith.select %and3A_695, %sub3A_697, %div3A_676 : i32
    %mul3A_699 = arith.constant 16 : i32
    %mul3A_700 = arith.muli %select_n3A_698, %mul3A_699 : i32
    %multiple_of3A_701 = tpu.assume_multiple %mul3A_700, 16 : i32
    %add3A_702 = arith.constant 0 : i32
    %add3A_703 = arith.addi %add3A_702, %squeeze3A_670 : i32
    %dma_start3A_704 = arith.constant 160 : i32
    %dma_start3A_705 = tpu.memref_slice %arg6[%dma_start3A_704] : memref<1536xf32, #tpu.memory_space<vmem>> -> memref<16xf32, #tpu.memory_space<vmem>>
    %dma_start3A_706 = tpu.memref_slice %arg3[%add3A_703, %squeeze3A_672, %multiple_of3A_701] : memref<576x192x192xf32, #tpu.memory_space<hbm>> -> memref<1x1x16xf32, #tpu.memory_space<hbm>>
    %dma_start3A_707 = tpu.memref_squeeze %dma_start3A_706 : memref<1x1x16xf32, #tpu.memory_space<hbm>> -> memref<16xf32, #tpu.memory_space<hbm>>
    %dma_start3A_708 = arith.constant 160 : i32
    %dma_start3A_709 = tpu.memref_slice %arg6[%dma_start3A_708] : memref<1536xf32, #tpu.memory_space<vmem>> -> memref<16xf32, #tpu.memory_space<vmem>>
    %dma_start3A_710 = tpu.memref_slice %arg3[%add3A_703, %squeeze3A_672, %multiple_of3A_701] : memref<576x192x192xf32, #tpu.memory_space<hbm>> -> memref<1x1x16xf32, #tpu.memory_space<hbm>>
    %dma_start3A_711 = tpu.memref_squeeze %dma_start3A_710 : memref<1x1x16xf32, #tpu.memory_space<hbm>> -> memref<16xf32, #tpu.memory_space<hbm>>
    tpu.enqueue_dma source(%dma_start3A_711 : memref<16xf32, #tpu.memory_space<hbm>>) target(%dma_start3A_709 : memref<16xf32, #tpu.memory_space<vmem>>) target_semaphore(%arg8 : memref<!tpu.dma_semaphore, #tpu.memory_space<semaphore_mem>>)
    %add3A_712 = arith.constant 192 : i32
    %add3A_713 = arith.addi %add3A_712, %squeeze3A_670 : i32
    %dma_start3A_714 = arith.constant 672 : i32
    %dma_start3A_715 = tpu.memref_slice %arg6[%dma_start3A_714] : memref<1536xf32, #tpu.memory_space<vmem>> -> memref<16xf32, #tpu.memory_space<vmem>>
    %dma_start3A_716 = tpu.memref_slice %arg3[%add3A_713, %squeeze3A_672, %multiple_of3A_701] : memref<576x192x192xf32, #tpu.memory_space<hbm>> -> memref<1x1x16xf32, #tpu.memory_space<hbm>>
    %dma_start3A_717 = tpu.memref_squeeze %dma_start3A_716 : memref<1x1x16xf32, #tpu.memory_space<hbm>> -> memref<16xf32, #tpu.memory_space<hbm>>
    %dma_start3A_718 = arith.constant 672 : i32
    %dma_start3A_719 = tpu.memref_slice %arg6[%dma_start3A_718] : memref<1536xf32, #tpu.memory_space<vmem>> -> memref<16xf32, #tpu.memory_space<vmem>>
    %dma_start3A_720 = tpu.memref_slice %arg3[%add3A_713, %squeeze3A_672, %multiple_of3A_701] : memref<576x192x192xf32, #tpu.memory_space<hbm>> -> memref<1x1x16xf32, #tpu.memory_space<hbm>>
    %dma_start3A_721 = tpu.memref_squeeze %dma_start3A_720 : memref<1x1x16xf32, #tpu.memory_space<hbm>> -> memref<16xf32, #tpu.memory_space<hbm>>
    tpu.enqueue_dma source(%dma_start3A_721 : memref<16xf32, #tpu.memory_space<hbm>>) target(%dma_start3A_719 : memref<16xf32, #tpu.memory_space<vmem>>) target_semaphore(%arg8 : memref<!tpu.dma_semaphore, #tpu.memory_space<semaphore_mem>>)
    %add3A_722 = arith.constant 384 : i32
    %add3A_723 = arith.addi %add3A_722, %squeeze3A_670 : i32
    %dma_start3A_724 = arith.constant 1184 : i32
    %dma_start3A_725 = tpu.memref_slice %arg6[%dma_start3A_724] : memref<1536xf32, #tpu.memory_space<vmem>> -> memref<16xf32, #tpu.memory_space<vmem>>
    %dma_start3A_726 = tpu.memref_slice %arg3[%add3A_723, %squeeze3A_672, %multiple_of3A_701] : memref<576x192x192xf32, #tpu.memory_space<hbm>> -> memref<1x1x16xf32, #tpu.memory_space<hbm>>
    %dma_start3A_727 = tpu.memref_squeeze %dma_start3A_726 : memref<1x1x16xf32, #tpu.memory_space<hbm>> -> memref<16xf32, #tpu.memory_space<hbm>>
    %dma_start3A_728 = arith.constant 1184 : i32
    %dma_start3A_729 = tpu.memref_slice %arg6[%dma_start3A_728] : memref<1536xf32, #tpu.memory_space<vmem>> -> memref<16xf32, #tpu.memory_space<vmem>>
    %dma_start3A_730 = tpu.memref_slice %arg3[%add3A_723, %squeeze3A_672, %multiple_of3A_701] : memref<576x192x192xf32, #tpu.memory_space<hbm>> -> memref<1x1x16xf32, #tpu.memory_space<hbm>>
    %dma_start3A_731 = tpu.memref_squeeze %dma_start3A_730 : memref<1x1x16xf32, #tpu.memory_space<hbm>> -> memref<16xf32, #tpu.memory_space<hbm>>
    tpu.enqueue_dma source(%dma_start3A_731 : memref<16xf32, #tpu.memory_space<hbm>>) target(%dma_start3A_729 : memref<16xf32, #tpu.memory_space<vmem>>) target_semaphore(%arg8 : memref<!tpu.dma_semaphore, #tpu.memory_space<semaphore_mem>>)
    %slice3A_732 = vector.extract_strided_slice %convert_element_type3A {offsets = [11], sizes = [1], strides = [1]} : vector<16xi32> to vector<1xi32>
    %squeeze3A_733 = vector.extract %slice3A_732[0] : i32 from vector<1xi32>
    %slice3A_734 = vector.extract_strided_slice %convert_element_type3A_21 {offsets = [11], sizes = [1], strides = [1]} : vector<16xi32> to vector<1xi32>
    %squeeze3A_735 = vector.extract %slice3A_734[0] : i32 from vector<1xi32>
    %slice3A_736 = vector.extract_strided_slice %convert_element_type3A_37 {offsets = [11], sizes = [1], strides = [1]} : vector<16xi32> to vector<1xi32>
    %squeeze3A_737 = vector.extract %slice3A_736[0] : i32 from vector<1xi32>
    %jit3A_738 = arith.constant 16 : i32
    %div3A_739 = arith.divsi %squeeze3A_737, %jit3A_738 : i32
    %sign3A_740 = arith.constant 0 : i32
    %sign3A_741 = arith.cmpi sgt, %squeeze3A_737, %sign3A_740 : i32
    %sign3A_742 = arith.extui %sign3A_741 : i1 to i32
    %sign3A_743 = arith.constant 0 : i32
    %sign3A_744 = arith.cmpi slt, %squeeze3A_737, %sign3A_743 : i32
    %sign3A_745 = arith.extui %sign3A_744 : i1 to i32
    %sign3A_746 = arith.subi %sign3A_742, %sign3A_745 : i32
    %sign3A_747 = arith.constant 0 : i32
    %sign3A_748 = arith.cmpi sgt, %jit3A_738, %sign3A_747 : i32
    %sign3A_749 = arith.extui %sign3A_748 : i1 to i32
    %sign3A_750 = arith.constant 0 : i32
    %sign3A_751 = arith.cmpi slt, %jit3A_738, %sign3A_750 : i32
    %sign3A_752 = arith.extui %sign3A_751 : i1 to i32
    %sign3A_753 = arith.subi %sign3A_749, %sign3A_752 : i32
    %ne3A_754 = arith.cmpi ne, %sign3A_746, %sign3A_753 : i32
    %rem3A_755 = arith.remsi %squeeze3A_737, %jit3A_738 : i32
    %ne3A_756 = arith.constant 0 : i32
    %ne3A_757 = arith.cmpi ne, %rem3A_755, %ne3A_756 : i32
    %and3A_758 = arith.andi %ne3A_754, %ne3A_757 : i1
    %sub3A_759 = arith.constant 1 : i32
    %sub3A_760 = arith.subi %div3A_739, %sub3A_759 : i32
    %select_n3A_761 = arith.select %and3A_758, %sub3A_760, %div3A_739 : i32
    %mul3A_762 = arith.constant 16 : i32
    %mul3A_763 = arith.muli %select_n3A_761, %mul3A_762 : i32
    %multiple_of3A_764 = tpu.assume_multiple %mul3A_763, 16 : i32
    %add3A_765 = arith.constant 0 : i32
    %add3A_766 = arith.addi %add3A_765, %squeeze3A_733 : i32
    %dma_start3A_767 = arith.constant 176 : i32
    %dma_start3A_768 = tpu.memref_slice %arg6[%dma_start3A_767] : memref<1536xf32, #tpu.memory_space<vmem>> -> memref<16xf32, #tpu.memory_space<vmem>>
    %dma_start3A_769 = tpu.memref_slice %arg3[%add3A_766, %squeeze3A_735, %multiple_of3A_764] : memref<576x192x192xf32, #tpu.memory_space<hbm>> -> memref<1x1x16xf32, #tpu.memory_space<hbm>>
    %dma_start3A_770 = tpu.memref_squeeze %dma_start3A_769 : memref<1x1x16xf32, #tpu.memory_space<hbm>> -> memref<16xf32, #tpu.memory_space<hbm>>
    %dma_start3A_771 = arith.constant 176 : i32
    %dma_start3A_772 = tpu.memref_slice %arg6[%dma_start3A_771] : memref<1536xf32, #tpu.memory_space<vmem>> -> memref<16xf32, #tpu.memory_space<vmem>>
    %dma_start3A_773 = tpu.memref_slice %arg3[%add3A_766, %squeeze3A_735, %multiple_of3A_764] : memref<576x192x192xf32, #tpu.memory_space<hbm>> -> memref<1x1x16xf32, #tpu.memory_space<hbm>>
    %dma_start3A_774 = tpu.memref_squeeze %dma_start3A_773 : memref<1x1x16xf32, #tpu.memory_space<hbm>> -> memref<16xf32, #tpu.memory_space<hbm>>
    tpu.enqueue_dma source(%dma_start3A_774 : memref<16xf32, #tpu.memory_space<hbm>>) target(%dma_start3A_772 : memref<16xf32, #tpu.memory_space<vmem>>) target_semaphore(%arg8 : memref<!tpu.dma_semaphore, #tpu.memory_space<semaphore_mem>>)
    %add3A_775 = arith.constant 192 : i32
    %add3A_776 = arith.addi %add3A_775, %squeeze3A_733 : i32
    %dma_start3A_777 = arith.constant 688 : i32
    %dma_start3A_778 = tpu.memref_slice %arg6[%dma_start3A_777] : memref<1536xf32, #tpu.memory_space<vmem>> -> memref<16xf32, #tpu.memory_space<vmem>>
    %dma_start3A_779 = tpu.memref_slice %arg3[%add3A_776, %squeeze3A_735, %multiple_of3A_764] : memref<576x192x192xf32, #tpu.memory_space<hbm>> -> memref<1x1x16xf32, #tpu.memory_space<hbm>>
    %dma_start3A_780 = tpu.memref_squeeze %dma_start3A_779 : memref<1x1x16xf32, #tpu.memory_space<hbm>> -> memref<16xf32, #tpu.memory_space<hbm>>
    %dma_start3A_781 = arith.constant 688 : i32
    %dma_start3A_782 = tpu.memref_slice %arg6[%dma_start3A_781] : memref<1536xf32, #tpu.memory_space<vmem>> -> memref<16xf32, #tpu.memory_space<vmem>>
    %dma_start3A_783 = tpu.memref_slice %arg3[%add3A_776, %squeeze3A_735, %multiple_of3A_764] : memref<576x192x192xf32, #tpu.memory_space<hbm>> -> memref<1x1x16xf32, #tpu.memory_space<hbm>>
    %dma_start3A_784 = tpu.memref_squeeze %dma_start3A_783 : memref<1x1x16xf32, #tpu.memory_space<hbm>> -> memref<16xf32, #tpu.memory_space<hbm>>
    tpu.enqueue_dma source(%dma_start3A_784 : memref<16xf32, #tpu.memory_space<hbm>>) target(%dma_start3A_782 : memref<16xf32, #tpu.memory_space<vmem>>) target_semaphore(%arg8 : memref<!tpu.dma_semaphore, #tpu.memory_space<semaphore_mem>>)
    %add3A_785 = arith.constant 384 : i32
    %add3A_786 = arith.addi %add3A_785, %squeeze3A_733 : i32
    %dma_start3A_787 = arith.constant 1200 : i32
    %dma_start3A_788 = tpu.memref_slice %arg6[%dma_start3A_787] : memref<1536xf32, #tpu.memory_space<vmem>> -> memref<16xf32, #tpu.memory_space<vmem>>
    %dma_start3A_789 = tpu.memref_slice %arg3[%add3A_786, %squeeze3A_735, %multiple_of3A_764] : memref<576x192x192xf32, #tpu.memory_space<hbm>> -> memref<1x1x16xf32, #tpu.memory_space<hbm>>
    %dma_start3A_790 = tpu.memref_squeeze %dma_start3A_789 : memref<1x1x16xf32, #tpu.memory_space<hbm>> -> memref<16xf32, #tpu.memory_space<hbm>>
    %dma_start3A_791 = arith.constant 1200 : i32
    %dma_start3A_792 = tpu.memref_slice %arg6[%dma_start3A_791] : memref<1536xf32, #tpu.memory_space<vmem>> -> memref<16xf32, #tpu.memory_space<vmem>>
    %dma_start3A_793 = tpu.memref_slice %arg3[%add3A_786, %squeeze3A_735, %multiple_of3A_764] : memref<576x192x192xf32, #tpu.memory_space<hbm>> -> memref<1x1x16xf32, #tpu.memory_space<hbm>>
    %dma_start3A_794 = tpu.memref_squeeze %dma_start3A_793 : memref<1x1x16xf32, #tpu.memory_space<hbm>> -> memref<16xf32, #tpu.memory_space<hbm>>
    tpu.enqueue_dma source(%dma_start3A_794 : memref<16xf32, #tpu.memory_space<hbm>>) target(%dma_start3A_792 : memref<16xf32, #tpu.memory_space<vmem>>) target_semaphore(%arg8 : memref<!tpu.dma_semaphore, #tpu.memory_space<semaphore_mem>>)
    %slice3A_795 = vector.extract_strided_slice %convert_element_type3A {offsets = [12], sizes = [1], strides = [1]} : vector<16xi32> to vector<1xi32>
    %squeeze3A_796 = vector.extract %slice3A_795[0] : i32 from vector<1xi32>
    %slice3A_797 = vector.extract_strided_slice %convert_element_type3A_21 {offsets = [12], sizes = [1], strides = [1]} : vector<16xi32> to vector<1xi32>
    %squeeze3A_798 = vector.extract %slice3A_797[0] : i32 from vector<1xi32>
    %slice3A_799 = vector.extract_strided_slice %convert_element_type3A_37 {offsets = [12], sizes = [1], strides = [1]} : vector<16xi32> to vector<1xi32>
    %squeeze3A_800 = vector.extract %slice3A_799[0] : i32 from vector<1xi32>
    %jit3A_801 = arith.constant 16 : i32
    %div3A_802 = arith.divsi %squeeze3A_800, %jit3A_801 : i32
    %sign3A_803 = arith.constant 0 : i32
    %sign3A_804 = arith.cmpi sgt, %squeeze3A_800, %sign3A_803 : i32
    %sign3A_805 = arith.extui %sign3A_804 : i1 to i32
    %sign3A_806 = arith.constant 0 : i32
    %sign3A_807 = arith.cmpi slt, %squeeze3A_800, %sign3A_806 : i32
    %sign3A_808 = arith.extui %sign3A_807 : i1 to i32
    %sign3A_809 = arith.subi %sign3A_805, %sign3A_808 : i32
    %sign3A_810 = arith.constant 0 : i32
    %sign3A_811 = arith.cmpi sgt, %jit3A_801, %sign3A_810 : i32
    %sign3A_812 = arith.extui %sign3A_811 : i1 to i32
    %sign3A_813 = arith.constant 0 : i32
    %sign3A_814 = arith.cmpi slt, %jit3A_801, %sign3A_813 : i32
    %sign3A_815 = arith.extui %sign3A_814 : i1 to i32
    %sign3A_816 = arith.subi %sign3A_812, %sign3A_815 : i32
    %ne3A_817 = arith.cmpi ne, %sign3A_809, %sign3A_816 : i32
    %rem3A_818 = arith.remsi %squeeze3A_800, %jit3A_801 : i32
    %ne3A_819 = arith.constant 0 : i32
    %ne3A_820 = arith.cmpi ne, %rem3A_818, %ne3A_819 : i32
    %and3A_821 = arith.andi %ne3A_817, %ne3A_820 : i1
    %sub3A_822 = arith.constant 1 : i32
    %sub3A_823 = arith.subi %div3A_802, %sub3A_822 : i32
    %select_n3A_824 = arith.select %and3A_821, %sub3A_823, %div3A_802 : i32
    %mul3A_825 = arith.constant 16 : i32
    %mul3A_826 = arith.muli %select_n3A_824, %mul3A_825 : i32
    %multiple_of3A_827 = tpu.assume_multiple %mul3A_826, 16 : i32
    %add3A_828 = arith.constant 0 : i32
    %add3A_829 = arith.addi %add3A_828, %squeeze3A_796 : i32
    %dma_start3A_830 = arith.constant 192 : i32
    %dma_start3A_831 = tpu.memref_slice %arg6[%dma_start3A_830] : memref<1536xf32, #tpu.memory_space<vmem>> -> memref<16xf32, #tpu.memory_space<vmem>>
    %dma_start3A_832 = tpu.memref_slice %arg3[%add3A_829, %squeeze3A_798, %multiple_of3A_827] : memref<576x192x192xf32, #tpu.memory_space<hbm>> -> memref<1x1x16xf32, #tpu.memory_space<hbm>>
    %dma_start3A_833 = tpu.memref_squeeze %dma_start3A_832 : memref<1x1x16xf32, #tpu.memory_space<hbm>> -> memref<16xf32, #tpu.memory_space<hbm>>
    %dma_start3A_834 = arith.constant 192 : i32
    %dma_start3A_835 = tpu.memref_slice %arg6[%dma_start3A_834] : memref<1536xf32, #tpu.memory_space<vmem>> -> memref<16xf32, #tpu.memory_space<vmem>>
    %dma_start3A_836 = tpu.memref_slice %arg3[%add3A_829, %squeeze3A_798, %multiple_of3A_827] : memref<576x192x192xf32, #tpu.memory_space<hbm>> -> memref<1x1x16xf32, #tpu.memory_space<hbm>>
    %dma_start3A_837 = tpu.memref_squeeze %dma_start3A_836 : memref<1x1x16xf32, #tpu.memory_space<hbm>> -> memref<16xf32, #tpu.memory_space<hbm>>
    tpu.enqueue_dma source(%dma_start3A_837 : memref<16xf32, #tpu.memory_space<hbm>>) target(%dma_start3A_835 : memref<16xf32, #tpu.memory_space<vmem>>) target_semaphore(%arg8 : memref<!tpu.dma_semaphore, #tpu.memory_space<semaphore_mem>>)
    %add3A_838 = arith.constant 192 : i32
    %add3A_839 = arith.addi %add3A_838, %squeeze3A_796 : i32
    %dma_start3A_840 = arith.constant 704 : i32
    %dma_start3A_841 = tpu.memref_slice %arg6[%dma_start3A_840] : memref<1536xf32, #tpu.memory_space<vmem>> -> memref<16xf32, #tpu.memory_space<vmem>>
    %dma_start3A_842 = tpu.memref_slice %arg3[%add3A_839, %squeeze3A_798, %multiple_of3A_827] : memref<576x192x192xf32, #tpu.memory_space<hbm>> -> memref<1x1x16xf32, #tpu.memory_space<hbm>>
    %dma_start3A_843 = tpu.memref_squeeze %dma_start3A_842 : memref<1x1x16xf32, #tpu.memory_space<hbm>> -> memref<16xf32, #tpu.memory_space<hbm>>
    %dma_start3A_844 = arith.constant 704 : i32
    %dma_start3A_845 = tpu.memref_slice %arg6[%dma_start3A_844] : memref<1536xf32, #tpu.memory_space<vmem>> -> memref<16xf32, #tpu.memory_space<vmem>>
    %dma_start3A_846 = tpu.memref_slice %arg3[%add3A_839, %squeeze3A_798, %multiple_of3A_827] : memref<576x192x192xf32, #tpu.memory_space<hbm>> -> memref<1x1x16xf32, #tpu.memory_space<hbm>>
    %dma_start3A_847 = tpu.memref_squeeze %dma_start3A_846 : memref<1x1x16xf32, #tpu.memory_space<hbm>> -> memref<16xf32, #tpu.memory_space<hbm>>
    tpu.enqueue_dma source(%dma_start3A_847 : memref<16xf32, #tpu.memory_space<hbm>>) target(%dma_start3A_845 : memref<16xf32, #tpu.memory_space<vmem>>) target_semaphore(%arg8 : memref<!tpu.dma_semaphore, #tpu.memory_space<semaphore_mem>>)
    %add3A_848 = arith.constant 384 : i32
    %add3A_849 = arith.addi %add3A_848, %squeeze3A_796 : i32
    %dma_start3A_850 = arith.constant 1216 : i32
    %dma_start3A_851 = tpu.memref_slice %arg6[%dma_start3A_850] : memref<1536xf32, #tpu.memory_space<vmem>> -> memref<16xf32, #tpu.memory_space<vmem>>
    %dma_start3A_852 = tpu.memref_slice %arg3[%add3A_849, %squeeze3A_798, %multiple_of3A_827] : memref<576x192x192xf32, #tpu.memory_space<hbm>> -> memref<1x1x16xf32, #tpu.memory_space<hbm>>
    %dma_start3A_853 = tpu.memref_squeeze %dma_start3A_852 : memref<1x1x16xf32, #tpu.memory_space<hbm>> -> memref<16xf32, #tpu.memory_space<hbm>>
    %dma_start3A_854 = arith.constant 1216 : i32
    %dma_start3A_855 = tpu.memref_slice %arg6[%dma_start3A_854] : memref<1536xf32, #tpu.memory_space<vmem>> -> memref<16xf32, #tpu.memory_space<vmem>>
    %dma_start3A_856 = tpu.memref_slice %arg3[%add3A_849, %squeeze3A_798, %multiple_of3A_827] : memref<576x192x192xf32, #tpu.memory_space<hbm>> -> memref<1x1x16xf32, #tpu.memory_space<hbm>>
    %dma_start3A_857 = tpu.memref_squeeze %dma_start3A_856 : memref<1x1x16xf32, #tpu.memory_space<hbm>> -> memref<16xf32, #tpu.memory_space<hbm>>
    tpu.enqueue_dma source(%dma_start3A_857 : memref<16xf32, #tpu.memory_space<hbm>>) target(%dma_start3A_855 : memref<16xf32, #tpu.memory_space<vmem>>) target_semaphore(%arg8 : memref<!tpu.dma_semaphore, #tpu.memory_space<semaphore_mem>>)
    %slice3A_858 = vector.extract_strided_slice %convert_element_type3A {offsets = [13], sizes = [1], strides = [1]} : vector<16xi32> to vector<1xi32>
    %squeeze3A_859 = vector.extract %slice3A_858[0] : i32 from vector<1xi32>
    %slice3A_860 = vector.extract_strided_slice %convert_element_type3A_21 {offsets = [13], sizes = [1], strides = [1]} : vector<16xi32> to vector<1xi32>
    %squeeze3A_861 = vector.extract %slice3A_860[0] : i32 from vector<1xi32>
    %slice3A_862 = vector.extract_strided_slice %convert_element_type3A_37 {offsets = [13], sizes = [1], strides = [1]} : vector<16xi32> to vector<1xi32>
    %squeeze3A_863 = vector.extract %slice3A_862[0] : i32 from vector<1xi32>
    %jit3A_864 = arith.constant 16 : i32
    %div3A_865 = arith.divsi %squeeze3A_863, %jit3A_864 : i32
    %sign3A_866 = arith.constant 0 : i32
    %sign3A_867 = arith.cmpi sgt, %squeeze3A_863, %sign3A_866 : i32
    %sign3A_868 = arith.extui %sign3A_867 : i1 to i32
    %sign3A_869 = arith.constant 0 : i32
    %sign3A_870 = arith.cmpi slt, %squeeze3A_863, %sign3A_869 : i32
    %sign3A_871 = arith.extui %sign3A_870 : i1 to i32
    %sign3A_872 = arith.subi %sign3A_868, %sign3A_871 : i32
    %sign3A_873 = arith.constant 0 : i32
    %sign3A_874 = arith.cmpi sgt, %jit3A_864, %sign3A_873 : i32
    %sign3A_875 = arith.extui %sign3A_874 : i1 to i32
    %sign3A_876 = arith.constant 0 : i32
    %sign3A_877 = arith.cmpi slt, %jit3A_864, %sign3A_876 : i32
    %sign3A_878 = arith.extui %sign3A_877 : i1 to i32
    %sign3A_879 = arith.subi %sign3A_875, %sign3A_878 : i32
    %ne3A_880 = arith.cmpi ne, %sign3A_872, %sign3A_879 : i32
    %rem3A_881 = arith.remsi %squeeze3A_863, %jit3A_864 : i32
    %ne3A_882 = arith.constant 0 : i32
    %ne3A_883 = arith.cmpi ne, %rem3A_881, %ne3A_882 : i32
    %and3A_884 = arith.andi %ne3A_880, %ne3A_883 : i1
    %sub3A_885 = arith.constant 1 : i32
    %sub3A_886 = arith.subi %div3A_865, %sub3A_885 : i32
    %select_n3A_887 = arith.select %and3A_884, %sub3A_886, %div3A_865 : i32
    %mul3A_888 = arith.constant 16 : i32
    %mul3A_889 = arith.muli %select_n3A_887, %mul3A_888 : i32
    %multiple_of3A_890 = tpu.assume_multiple %mul3A_889, 16 : i32
    %add3A_891 = arith.constant 0 : i32
    %add3A_892 = arith.addi %add3A_891, %squeeze3A_859 : i32
    %dma_start3A_893 = arith.constant 208 : i32
    %dma_start3A_894 = tpu.memref_slice %arg6[%dma_start3A_893] : memref<1536xf32, #tpu.memory_space<vmem>> -> memref<16xf32, #tpu.memory_space<vmem>>
    %dma_start3A_895 = tpu.memref_slice %arg3[%add3A_892, %squeeze3A_861, %multiple_of3A_890] : memref<576x192x192xf32, #tpu.memory_space<hbm>> -> memref<1x1x16xf32, #tpu.memory_space<hbm>>
    %dma_start3A_896 = tpu.memref_squeeze %dma_start3A_895 : memref<1x1x16xf32, #tpu.memory_space<hbm>> -> memref<16xf32, #tpu.memory_space<hbm>>
    %dma_start3A_897 = arith.constant 208 : i32
    %dma_start3A_898 = tpu.memref_slice %arg6[%dma_start3A_897] : memref<1536xf32, #tpu.memory_space<vmem>> -> memref<16xf32, #tpu.memory_space<vmem>>
    %dma_start3A_899 = tpu.memref_slice %arg3[%add3A_892, %squeeze3A_861, %multiple_of3A_890] : memref<576x192x192xf32, #tpu.memory_space<hbm>> -> memref<1x1x16xf32, #tpu.memory_space<hbm>>
    %dma_start3A_900 = tpu.memref_squeeze %dma_start3A_899 : memref<1x1x16xf32, #tpu.memory_space<hbm>> -> memref<16xf32, #tpu.memory_space<hbm>>
    tpu.enqueue_dma source(%dma_start3A_900 : memref<16xf32, #tpu.memory_space<hbm>>) target(%dma_start3A_898 : memref<16xf32, #tpu.memory_space<vmem>>) target_semaphore(%arg8 : memref<!tpu.dma_semaphore, #tpu.memory_space<semaphore_mem>>)
    %add3A_901 = arith.constant 192 : i32
    %add3A_902 = arith.addi %add3A_901, %squeeze3A_859 : i32
    %dma_start3A_903 = arith.constant 720 : i32
    %dma_start3A_904 = tpu.memref_slice %arg6[%dma_start3A_903] : memref<1536xf32, #tpu.memory_space<vmem>> -> memref<16xf32, #tpu.memory_space<vmem>>
    %dma_start3A_905 = tpu.memref_slice %arg3[%add3A_902, %squeeze3A_861, %multiple_of3A_890] : memref<576x192x192xf32, #tpu.memory_space<hbm>> -> memref<1x1x16xf32, #tpu.memory_space<hbm>>
    %dma_start3A_906 = tpu.memref_squeeze %dma_start3A_905 : memref<1x1x16xf32, #tpu.memory_space<hbm>> -> memref<16xf32, #tpu.memory_space<hbm>>
    %dma_start3A_907 = arith.constant 720 : i32
    %dma_start3A_908 = tpu.memref_slice %arg6[%dma_start3A_907] : memref<1536xf32, #tpu.memory_space<vmem>> -> memref<16xf32, #tpu.memory_space<vmem>>
    %dma_start3A_909 = tpu.memref_slice %arg3[%add3A_902, %squeeze3A_861, %multiple_of3A_890] : memref<576x192x192xf32, #tpu.memory_space<hbm>> -> memref<1x1x16xf32, #tpu.memory_space<hbm>>
    %dma_start3A_910 = tpu.memref_squeeze %dma_start3A_909 : memref<1x1x16xf32, #tpu.memory_space<hbm>> -> memref<16xf32, #tpu.memory_space<hbm>>
    tpu.enqueue_dma source(%dma_start3A_910 : memref<16xf32, #tpu.memory_space<hbm>>) target(%dma_start3A_908 : memref<16xf32, #tpu.memory_space<vmem>>) target_semaphore(%arg8 : memref<!tpu.dma_semaphore, #tpu.memory_space<semaphore_mem>>)
    %add3A_911 = arith.constant 384 : i32
    %add3A_912 = arith.addi %add3A_911, %squeeze3A_859 : i32
    %dma_start3A_913 = arith.constant 1232 : i32
    %dma_start3A_914 = tpu.memref_slice %arg6[%dma_start3A_913] : memref<1536xf32, #tpu.memory_space<vmem>> -> memref<16xf32, #tpu.memory_space<vmem>>
    %dma_start3A_915 = tpu.memref_slice %arg3[%add3A_912, %squeeze3A_861, %multiple_of3A_890] : memref<576x192x192xf32, #tpu.memory_space<hbm>> -> memref<1x1x16xf32, #tpu.memory_space<hbm>>
    %dma_start3A_916 = tpu.memref_squeeze %dma_start3A_915 : memref<1x1x16xf32, #tpu.memory_space<hbm>> -> memref<16xf32, #tpu.memory_space<hbm>>
    %dma_start3A_917 = arith.constant 1232 : i32
    %dma_start3A_918 = tpu.memref_slice %arg6[%dma_start3A_917] : memref<1536xf32, #tpu.memory_space<vmem>> -> memref<16xf32, #tpu.memory_space<vmem>>
    %dma_start3A_919 = tpu.memref_slice %arg3[%add3A_912, %squeeze3A_861, %multiple_of3A_890] : memref<576x192x192xf32, #tpu.memory_space<hbm>> -> memref<1x1x16xf32, #tpu.memory_space<hbm>>
    %dma_start3A_920 = tpu.memref_squeeze %dma_start3A_919 : memref<1x1x16xf32, #tpu.memory_space<hbm>> -> memref<16xf32, #tpu.memory_space<hbm>>
    tpu.enqueue_dma source(%dma_start3A_920 : memref<16xf32, #tpu.memory_space<hbm>>) target(%dma_start3A_918 : memref<16xf32, #tpu.memory_space<vmem>>) target_semaphore(%arg8 : memref<!tpu.dma_semaphore, #tpu.memory_space<semaphore_mem>>)
    %slice3A_921 = vector.extract_strided_slice %convert_element_type3A {offsets = [14], sizes = [1], strides = [1]} : vector<16xi32> to vector<1xi32>
    %squeeze3A_922 = vector.extract %slice3A_921[0] : i32 from vector<1xi32>
    %slice3A_923 = vector.extract_strided_slice %convert_element_type3A_21 {offsets = [14], sizes = [1], strides = [1]} : vector<16xi32> to vector<1xi32>
    %squeeze3A_924 = vector.extract %slice3A_923[0] : i32 from vector<1xi32>
    %slice3A_925 = vector.extract_strided_slice %convert_element_type3A_37 {offsets = [14], sizes = [1], strides = [1]} : vector<16xi32> to vector<1xi32>
    %squeeze3A_926 = vector.extract %slice3A_925[0] : i32 from vector<1xi32>
    %jit3A_927 = arith.constant 16 : i32
    %div3A_928 = arith.divsi %squeeze3A_926, %jit3A_927 : i32
    %sign3A_929 = arith.constant 0 : i32
    %sign3A_930 = arith.cmpi sgt, %squeeze3A_926, %sign3A_929 : i32
    %sign3A_931 = arith.extui %sign3A_930 : i1 to i32
    %sign3A_932 = arith.constant 0 : i32
    %sign3A_933 = arith.cmpi slt, %squeeze3A_926, %sign3A_932 : i32
    %sign3A_934 = arith.extui %sign3A_933 : i1 to i32
    %sign3A_935 = arith.subi %sign3A_931, %sign3A_934 : i32
    %sign3A_936 = arith.constant 0 : i32
    %sign3A_937 = arith.cmpi sgt, %jit3A_927, %sign3A_936 : i32
    %sign3A_938 = arith.extui %sign3A_937 : i1 to i32
    %sign3A_939 = arith.constant 0 : i32
    %sign3A_940 = arith.cmpi slt, %jit3A_927, %sign3A_939 : i32
    %sign3A_941 = arith.extui %sign3A_940 : i1 to i32
    %sign3A_942 = arith.subi %sign3A_938, %sign3A_941 : i32
    %ne3A_943 = arith.cmpi ne, %sign3A_935, %sign3A_942 : i32
    %rem3A_944 = arith.remsi %squeeze3A_926, %jit3A_927 : i32
    %ne3A_945 = arith.constant 0 : i32
    %ne3A_946 = arith.cmpi ne, %rem3A_944, %ne3A_945 : i32
    %and3A_947 = arith.andi %ne3A_943, %ne3A_946 : i1
    %sub3A_948 = arith.constant 1 : i32
    %sub3A_949 = arith.subi %div3A_928, %sub3A_948 : i32
    %select_n3A_950 = arith.select %and3A_947, %sub3A_949, %div3A_928 : i32
    %mul3A_951 = arith.constant 16 : i32
    %mul3A_952 = arith.muli %select_n3A_950, %mul3A_951 : i32
    %multiple_of3A_953 = tpu.assume_multiple %mul3A_952, 16 : i32
    %add3A_954 = arith.constant 0 : i32
    %add3A_955 = arith.addi %add3A_954, %squeeze3A_922 : i32
    %dma_start3A_956 = arith.constant 224 : i32
    %dma_start3A_957 = tpu.memref_slice %arg6[%dma_start3A_956] : memref<1536xf32, #tpu.memory_space<vmem>> -> memref<16xf32, #tpu.memory_space<vmem>>
    %dma_start3A_958 = tpu.memref_slice %arg3[%add3A_955, %squeeze3A_924, %multiple_of3A_953] : memref<576x192x192xf32, #tpu.memory_space<hbm>> -> memref<1x1x16xf32, #tpu.memory_space<hbm>>
    %dma_start3A_959 = tpu.memref_squeeze %dma_start3A_958 : memref<1x1x16xf32, #tpu.memory_space<hbm>> -> memref<16xf32, #tpu.memory_space<hbm>>
    %dma_start3A_960 = arith.constant 224 : i32
    %dma_start3A_961 = tpu.memref_slice %arg6[%dma_start3A_960] : memref<1536xf32, #tpu.memory_space<vmem>> -> memref<16xf32, #tpu.memory_space<vmem>>
    %dma_start3A_962 = tpu.memref_slice %arg3[%add3A_955, %squeeze3A_924, %multiple_of3A_953] : memref<576x192x192xf32, #tpu.memory_space<hbm>> -> memref<1x1x16xf32, #tpu.memory_space<hbm>>
    %dma_start3A_963 = tpu.memref_squeeze %dma_start3A_962 : memref<1x1x16xf32, #tpu.memory_space<hbm>> -> memref<16xf32, #tpu.memory_space<hbm>>
    tpu.enqueue_dma source(%dma_start3A_963 : memref<16xf32, #tpu.memory_space<hbm>>) target(%dma_start3A_961 : memref<16xf32, #tpu.memory_space<vmem>>) target_semaphore(%arg8 : memref<!tpu.dma_semaphore, #tpu.memory_space<semaphore_mem>>)
    %add3A_964 = arith.constant 192 : i32
    %add3A_965 = arith.addi %add3A_964, %squeeze3A_922 : i32
    %dma_start3A_966 = arith.constant 736 : i32
    %dma_start3A_967 = tpu.memref_slice %arg6[%dma_start3A_966] : memref<1536xf32, #tpu.memory_space<vmem>> -> memref<16xf32, #tpu.memory_space<vmem>>
    %dma_start3A_968 = tpu.memref_slice %arg3[%add3A_965, %squeeze3A_924, %multiple_of3A_953] : memref<576x192x192xf32, #tpu.memory_space<hbm>> -> memref<1x1x16xf32, #tpu.memory_space<hbm>>
    %dma_start3A_969 = tpu.memref_squeeze %dma_start3A_968 : memref<1x1x16xf32, #tpu.memory_space<hbm>> -> memref<16xf32, #tpu.memory_space<hbm>>
    %dma_start3A_970 = arith.constant 736 : i32
    %dma_start3A_971 = tpu.memref_slice %arg6[%dma_start3A_970] : memref<1536xf32, #tpu.memory_space<vmem>> -> memref<16xf32, #tpu.memory_space<vmem>>
    %dma_start3A_972 = tpu.memref_slice %arg3[%add3A_965, %squeeze3A_924, %multiple_of3A_953] : memref<576x192x192xf32, #tpu.memory_space<hbm>> -> memref<1x1x16xf32, #tpu.memory_space<hbm>>
    %dma_start3A_973 = tpu.memref_squeeze %dma_start3A_972 : memref<1x1x16xf32, #tpu.memory_space<hbm>> -> memref<16xf32, #tpu.memory_space<hbm>>
    tpu.enqueue_dma source(%dma_start3A_973 : memref<16xf32, #tpu.memory_space<hbm>>) target(%dma_start3A_971 : memref<16xf32, #tpu.memory_space<vmem>>) target_semaphore(%arg8 : memref<!tpu.dma_semaphore, #tpu.memory_space<semaphore_mem>>)
    %add3A_974 = arith.constant 384 : i32
    %add3A_975 = arith.addi %add3A_974, %squeeze3A_922 : i32
    %dma_start3A_976 = arith.constant 1248 : i32
    %dma_start3A_977 = tpu.memref_slice %arg6[%dma_start3A_976] : memref<1536xf32, #tpu.memory_space<vmem>> -> memref<16xf32, #tpu.memory_space<vmem>>
    %dma_start3A_978 = tpu.memref_slice %arg3[%add3A_975, %squeeze3A_924, %multiple_of3A_953] : memref<576x192x192xf32, #tpu.memory_space<hbm>> -> memref<1x1x16xf32, #tpu.memory_space<hbm>>
    %dma_start3A_979 = tpu.memref_squeeze %dma_start3A_978 : memref<1x1x16xf32, #tpu.memory_space<hbm>> -> memref<16xf32, #tpu.memory_space<hbm>>
    %dma_start3A_980 = arith.constant 1248 : i32
    %dma_start3A_981 = tpu.memref_slice %arg6[%dma_start3A_980] : memref<1536xf32, #tpu.memory_space<vmem>> -> memref<16xf32, #tpu.memory_space<vmem>>
    %dma_start3A_982 = tpu.memref_slice %arg3[%add3A_975, %squeeze3A_924, %multiple_of3A_953] : memref<576x192x192xf32, #tpu.memory_space<hbm>> -> memref<1x1x16xf32, #tpu.memory_space<hbm>>
    %dma_start3A_983 = tpu.memref_squeeze %dma_start3A_982 : memref<1x1x16xf32, #tpu.memory_space<hbm>> -> memref<16xf32, #tpu.memory_space<hbm>>
    tpu.enqueue_dma source(%dma_start3A_983 : memref<16xf32, #tpu.memory_space<hbm>>) target(%dma_start3A_981 : memref<16xf32, #tpu.memory_space<vmem>>) target_semaphore(%arg8 : memref<!tpu.dma_semaphore, #tpu.memory_space<semaphore_mem>>)
    %slice3A_984 = vector.extract_strided_slice %convert_element_type3A {offsets = [15], sizes = [1], strides = [1]} : vector<16xi32> to vector<1xi32>
    %squeeze3A_985 = vector.extract %slice3A_984[0] : i32 from vector<1xi32>
    %slice3A_986 = vector.extract_strided_slice %convert_element_type3A_21 {offsets = [15], sizes = [1], strides = [1]} : vector<16xi32> to vector<1xi32>
    %squeeze3A_987 = vector.extract %slice3A_986[0] : i32 from vector<1xi32>
    %slice3A_988 = vector.extract_strided_slice %convert_element_type3A_37 {offsets = [15], sizes = [1], strides = [1]} : vector<16xi32> to vector<1xi32>
    %squeeze3A_989 = vector.extract %slice3A_988[0] : i32 from vector<1xi32>
    %jit3A_990 = arith.constant 16 : i32
    %div3A_991 = arith.divsi %squeeze3A_989, %jit3A_990 : i32
    %sign3A_992 = arith.constant 0 : i32
    %sign3A_993 = arith.cmpi sgt, %squeeze3A_989, %sign3A_992 : i32
    %sign3A_994 = arith.extui %sign3A_993 : i1 to i32
    %sign3A_995 = arith.constant 0 : i32
    %sign3A_996 = arith.cmpi slt, %squeeze3A_989, %sign3A_995 : i32
    %sign3A_997 = arith.extui %sign3A_996 : i1 to i32
    %sign3A_998 = arith.subi %sign3A_994, %sign3A_997 : i32
    %sign3A_999 = arith.constant 0 : i32
    %sign3A_1000 = arith.cmpi sgt, %jit3A_990, %sign3A_999 : i32
    %sign3A_1001 = arith.extui %sign3A_1000 : i1 to i32
    %sign3A_1002 = arith.constant 0 : i32
    %sign3A_1003 = arith.cmpi slt, %jit3A_990, %sign3A_1002 : i32
    %sign3A_1004 = arith.extui %sign3A_1003 : i1 to i32
    %sign3A_1005 = arith.subi %sign3A_1001, %sign3A_1004 : i32
    %ne3A_1006 = arith.cmpi ne, %sign3A_998, %sign3A_1005 : i32
    %rem3A_1007 = arith.remsi %squeeze3A_989, %jit3A_990 : i32
    %ne3A_1008 = arith.constant 0 : i32
    %ne3A_1009 = arith.cmpi ne, %rem3A_1007, %ne3A_1008 : i32
    %and3A_1010 = arith.andi %ne3A_1006, %ne3A_1009 : i1
    %sub3A_1011 = arith.constant 1 : i32
    %sub3A_1012 = arith.subi %div3A_991, %sub3A_1011 : i32
    %select_n3A_1013 = arith.select %and3A_1010, %sub3A_1012, %div3A_991 : i32
    %mul3A_1014 = arith.constant 16 : i32
    %mul3A_1015 = arith.muli %select_n3A_1013, %mul3A_1014 : i32
    %multiple_of3A_1016 = tpu.assume_multiple %mul3A_1015, 16 : i32
    %add3A_1017 = arith.constant 0 : i32
    %add3A_1018 = arith.addi %add3A_1017, %squeeze3A_985 : i32
    %dma_start3A_1019 = arith.constant 240 : i32
    %dma_start3A_1020 = tpu.memref_slice %arg6[%dma_start3A_1019] : memref<1536xf32, #tpu.memory_space<vmem>> -> memref<16xf32, #tpu.memory_space<vmem>>
    %dma_start3A_1021 = tpu.memref_slice %arg3[%add3A_1018, %squeeze3A_987, %multiple_of3A_1016] : memref<576x192x192xf32, #tpu.memory_space<hbm>> -> memref<1x1x16xf32, #tpu.memory_space<hbm>>
    %dma_start3A_1022 = tpu.memref_squeeze %dma_start3A_1021 : memref<1x1x16xf32, #tpu.memory_space<hbm>> -> memref<16xf32, #tpu.memory_space<hbm>>
    %dma_start3A_1023 = arith.constant 240 : i32
    %dma_start3A_1024 = tpu.memref_slice %arg6[%dma_start3A_1023] : memref<1536xf32, #tpu.memory_space<vmem>> -> memref<16xf32, #tpu.memory_space<vmem>>
    %dma_start3A_1025 = tpu.memref_slice %arg3[%add3A_1018, %squeeze3A_987, %multiple_of3A_1016] : memref<576x192x192xf32, #tpu.memory_space<hbm>> -> memref<1x1x16xf32, #tpu.memory_space<hbm>>
    %dma_start3A_1026 = tpu.memref_squeeze %dma_start3A_1025 : memref<1x1x16xf32, #tpu.memory_space<hbm>> -> memref<16xf32, #tpu.memory_space<hbm>>
    tpu.enqueue_dma source(%dma_start3A_1026 : memref<16xf32, #tpu.memory_space<hbm>>) target(%dma_start3A_1024 : memref<16xf32, #tpu.memory_space<vmem>>) target_semaphore(%arg8 : memref<!tpu.dma_semaphore, #tpu.memory_space<semaphore_mem>>)
    %add3A_1027 = arith.constant 192 : i32
    %add3A_1028 = arith.addi %add3A_1027, %squeeze3A_985 : i32
    %dma_start3A_1029 = arith.constant 752 : i32
    %dma_start3A_1030 = tpu.memref_slice %arg6[%dma_start3A_1029] : memref<1536xf32, #tpu.memory_space<vmem>> -> memref<16xf32, #tpu.memory_space<vmem>>
    %dma_start3A_1031 = tpu.memref_slice %arg3[%add3A_1028, %squeeze3A_987, %multiple_of3A_1016] : memref<576x192x192xf32, #tpu.memory_space<hbm>> -> memref<1x1x16xf32, #tpu.memory_space<hbm>>
    %dma_start3A_1032 = tpu.memref_squeeze %dma_start3A_1031 : memref<1x1x16xf32, #tpu.memory_space<hbm>> -> memref<16xf32, #tpu.memory_space<hbm>>
    %dma_start3A_1033 = arith.constant 752 : i32
    %dma_start3A_1034 = tpu.memref_slice %arg6[%dma_start3A_1033] : memref<1536xf32, #tpu.memory_space<vmem>> -> memref<16xf32, #tpu.memory_space<vmem>>
    %dma_start3A_1035 = tpu.memref_slice %arg3[%add3A_1028, %squeeze3A_987, %multiple_of3A_1016] : memref<576x192x192xf32, #tpu.memory_space<hbm>> -> memref<1x1x16xf32, #tpu.memory_space<hbm>>
    %dma_start3A_1036 = tpu.memref_squeeze %dma_start3A_1035 : memref<1x1x16xf32, #tpu.memory_space<hbm>> -> memref<16xf32, #tpu.memory_space<hbm>>
    tpu.enqueue_dma source(%dma_start3A_1036 : memref<16xf32, #tpu.memory_space<hbm>>) target(%dma_start3A_1034 : memref<16xf32, #tpu.memory_space<vmem>>) target_semaphore(%arg8 : memref<!tpu.dma_semaphore, #tpu.memory_space<semaphore_mem>>)
    %add3A_1037 = arith.constant 384 : i32
    %add3A_1038 = arith.addi %add3A_1037, %squeeze3A_985 : i32
    %dma_start3A_1039 = arith.constant 1264 : i32
    %dma_start3A_1040 = tpu.memref_slice %arg6[%dma_start3A_1039] : memref<1536xf32, #tpu.memory_space<vmem>> -> memref<16xf32, #tpu.memory_space<vmem>>
    %dma_start3A_1041 = tpu.memref_slice %arg3[%add3A_1038, %squeeze3A_987, %multiple_of3A_1016] : memref<576x192x192xf32, #tpu.memory_space<hbm>> -> memref<1x1x16xf32, #tpu.memory_space<hbm>>
    %dma_start3A_1042 = tpu.memref_squeeze %dma_start3A_1041 : memref<1x1x16xf32, #tpu.memory_space<hbm>> -> memref<16xf32, #tpu.memory_space<hbm>>
    %dma_start3A_1043 = arith.constant 1264 : i32
    %dma_start3A_1044 = tpu.memref_slice %arg6[%dma_start3A_1043] : memref<1536xf32, #tpu.memory_space<vmem>> -> memref<16xf32, #tpu.memory_space<vmem>>
    %dma_start3A_1045 = tpu.memref_slice %arg3[%add3A_1038, %squeeze3A_987, %multiple_of3A_1016] : memref<576x192x192xf32, #tpu.memory_space<hbm>> -> memref<1x1x16xf32, #tpu.memory_space<hbm>>
    %dma_start3A_1046 = tpu.memref_squeeze %dma_start3A_1045 : memref<1x1x16xf32, #tpu.memory_space<hbm>> -> memref<16xf32, #tpu.memory_space<hbm>>
    tpu.enqueue_dma source(%dma_start3A_1046 : memref<16xf32, #tpu.memory_space<hbm>>) target(%dma_start3A_1044 : memref<16xf32, #tpu.memory_space<vmem>>) target_semaphore(%arg8 : memref<!tpu.dma_semaphore, #tpu.memory_space<semaphore_mem>>)
    %slice3A_1047 = vector.extract_strided_slice %min3A_16 {offsets = [0], sizes = [1], strides = [1]} : vector<16xi32> to vector<1xi32>
    %squeeze3A_1048 = vector.extract %slice3A_1047[0] : i32 from vector<1xi32>
    %slice3A_1049 = vector.extract_strided_slice %min3A_32 {offsets = [0], sizes = [1], strides = [1]} : vector<16xi32> to vector<1xi32>
    %squeeze3A_1050 = vector.extract %slice3A_1049[0] : i32 from vector<1xi32>
    %slice3A_1051 = vector.extract_strided_slice %min3A_48 {offsets = [0], sizes = [1], strides = [1]} : vector<16xi32> to vector<1xi32>
    %squeeze3A_1052 = vector.extract %slice3A_1051[0] : i32 from vector<1xi32>
    %jit3A_1053 = arith.constant 16 : i32
    %div3A_1054 = arith.divsi %squeeze3A_1052, %jit3A_1053 : i32
    %sign3A_1055 = arith.constant 0 : i32
    %sign3A_1056 = arith.cmpi sgt, %squeeze3A_1052, %sign3A_1055 : i32
    %sign3A_1057 = arith.extui %sign3A_1056 : i1 to i32
    %sign3A_1058 = arith.constant 0 : i32
    %sign3A_1059 = arith.cmpi slt, %squeeze3A_1052, %sign3A_1058 : i32
    %sign3A_1060 = arith.extui %sign3A_1059 : i1 to i32
    %sign3A_1061 = arith.subi %sign3A_1057, %sign3A_1060 : i32
    %sign3A_1062 = arith.constant 0 : i32
    %sign3A_1063 = arith.cmpi sgt, %jit3A_1053, %sign3A_1062 : i32
    %sign3A_1064 = arith.extui %sign3A_1063 : i1 to i32
    %sign3A_1065 = arith.constant 0 : i32
    %sign3A_1066 = arith.cmpi slt, %jit3A_1053, %sign3A_1065 : i32
    %sign3A_1067 = arith.extui %sign3A_1066 : i1 to i32
    %sign3A_1068 = arith.subi %sign3A_1064, %sign3A_1067 : i32
    %ne3A_1069 = arith.cmpi ne, %sign3A_1061, %sign3A_1068 : i32
    %rem3A_1070 = arith.remsi %squeeze3A_1052, %jit3A_1053 : i32
    %ne3A_1071 = arith.constant 0 : i32
    %ne3A_1072 = arith.cmpi ne, %rem3A_1070, %ne3A_1071 : i32
    %and3A_1073 = arith.andi %ne3A_1069, %ne3A_1072 : i1
    %sub3A_1074 = arith.constant 1 : i32
    %sub3A_1075 = arith.subi %div3A_1054, %sub3A_1074 : i32
    %select_n3A_1076 = arith.select %and3A_1073, %sub3A_1075, %div3A_1054 : i32
    %mul3A_1077 = arith.constant 16 : i32
    %mul3A_1078 = arith.muli %select_n3A_1076, %mul3A_1077 : i32
    %multiple_of3A_1079 = tpu.assume_multiple %mul3A_1078, 16 : i32
    %add3A_1080 = arith.constant 0 : i32
    %add3A_1081 = arith.addi %add3A_1080, %squeeze3A_1048 : i32
    %dma_start3A_1082 = arith.constant 256 : i32
    %dma_start3A_1083 = tpu.memref_slice %arg6[%dma_start3A_1082] : memref<1536xf32, #tpu.memory_space<vmem>> -> memref<16xf32, #tpu.memory_space<vmem>>
    %dma_start3A_1084 = tpu.memref_slice %arg3[%add3A_1081, %squeeze3A_1050, %multiple_of3A_1079] : memref<576x192x192xf32, #tpu.memory_space<hbm>> -> memref<1x1x16xf32, #tpu.memory_space<hbm>>
    %dma_start3A_1085 = tpu.memref_squeeze %dma_start3A_1084 : memref<1x1x16xf32, #tpu.memory_space<hbm>> -> memref<16xf32, #tpu.memory_space<hbm>>
    %dma_start3A_1086 = arith.constant 256 : i32
    %dma_start3A_1087 = tpu.memref_slice %arg6[%dma_start3A_1086] : memref<1536xf32, #tpu.memory_space<vmem>> -> memref<16xf32, #tpu.memory_space<vmem>>
    %dma_start3A_1088 = tpu.memref_slice %arg3[%add3A_1081, %squeeze3A_1050, %multiple_of3A_1079] : memref<576x192x192xf32, #tpu.memory_space<hbm>> -> memref<1x1x16xf32, #tpu.memory_space<hbm>>
    %dma_start3A_1089 = tpu.memref_squeeze %dma_start3A_1088 : memref<1x1x16xf32, #tpu.memory_space<hbm>> -> memref<16xf32, #tpu.memory_space<hbm>>
    tpu.enqueue_dma source(%dma_start3A_1089 : memref<16xf32, #tpu.memory_space<hbm>>) target(%dma_start3A_1087 : memref<16xf32, #tpu.memory_space<vmem>>) target_semaphore(%arg8 : memref<!tpu.dma_semaphore, #tpu.memory_space<semaphore_mem>>)
    %add3A_1090 = arith.constant 192 : i32
    %add3A_1091 = arith.addi %add3A_1090, %squeeze3A_1048 : i32
    %dma_start3A_1092 = arith.constant 768 : i32
    %dma_start3A_1093 = tpu.memref_slice %arg6[%dma_start3A_1092] : memref<1536xf32, #tpu.memory_space<vmem>> -> memref<16xf32, #tpu.memory_space<vmem>>
    %dma_start3A_1094 = tpu.memref_slice %arg3[%add3A_1091, %squeeze3A_1050, %multiple_of3A_1079] : memref<576x192x192xf32, #tpu.memory_space<hbm>> -> memref<1x1x16xf32, #tpu.memory_space<hbm>>
    %dma_start3A_1095 = tpu.memref_squeeze %dma_start3A_1094 : memref<1x1x16xf32, #tpu.memory_space<hbm>> -> memref<16xf32, #tpu.memory_space<hbm>>
    %dma_start3A_1096 = arith.constant 768 : i32
    %dma_start3A_1097 = tpu.memref_slice %arg6[%dma_start3A_1096] : memref<1536xf32, #tpu.memory_space<vmem>> -> memref<16xf32, #tpu.memory_space<vmem>>
    %dma_start3A_1098 = tpu.memref_slice %arg3[%add3A_1091, %squeeze3A_1050, %multiple_of3A_1079] : memref<576x192x192xf32, #tpu.memory_space<hbm>> -> memref<1x1x16xf32, #tpu.memory_space<hbm>>
    %dma_start3A_1099 = tpu.memref_squeeze %dma_start3A_1098 : memref<1x1x16xf32, #tpu.memory_space<hbm>> -> memref<16xf32, #tpu.memory_space<hbm>>
    tpu.enqueue_dma source(%dma_start3A_1099 : memref<16xf32, #tpu.memory_space<hbm>>) target(%dma_start3A_1097 : memref<16xf32, #tpu.memory_space<vmem>>) target_semaphore(%arg8 : memref<!tpu.dma_semaphore, #tpu.memory_space<semaphore_mem>>)
    %add3A_1100 = arith.constant 384 : i32
    %add3A_1101 = arith.addi %add3A_1100, %squeeze3A_1048 : i32
    %dma_start3A_1102 = arith.constant 1280 : i32
    %dma_start3A_1103 = tpu.memref_slice %arg6[%dma_start3A_1102] : memref<1536xf32, #tpu.memory_space<vmem>> -> memref<16xf32, #tpu.memory_space<vmem>>
    %dma_start3A_1104 = tpu.memref_slice %arg3[%add3A_1101, %squeeze3A_1050, %multiple_of3A_1079] : memref<576x192x192xf32, #tpu.memory_space<hbm>> -> memref<1x1x16xf32, #tpu.memory_space<hbm>>
    %dma_start3A_1105 = tpu.memref_squeeze %dma_start3A_1104 : memref<1x1x16xf32, #tpu.memory_space<hbm>> -> memref<16xf32, #tpu.memory_space<hbm>>
    %dma_start3A_1106 = arith.constant 1280 : i32
    %dma_start3A_1107 = tpu.memref_slice %arg6[%dma_start3A_1106] : memref<1536xf32, #tpu.memory_space<vmem>> -> memref<16xf32, #tpu.memory_space<vmem>>
    %dma_start3A_1108 = tpu.memref_slice %arg3[%add3A_1101, %squeeze3A_1050, %multiple_of3A_1079] : memref<576x192x192xf32, #tpu.memory_space<hbm>> -> memref<1x1x16xf32, #tpu.memory_space<hbm>>
    %dma_start3A_1109 = tpu.memref_squeeze %dma_start3A_1108 : memref<1x1x16xf32, #tpu.memory_space<hbm>> -> memref<16xf32, #tpu.memory_space<hbm>>
    tpu.enqueue_dma source(%dma_start3A_1109 : memref<16xf32, #tpu.memory_space<hbm>>) target(%dma_start3A_1107 : memref<16xf32, #tpu.memory_space<vmem>>) target_semaphore(%arg8 : memref<!tpu.dma_semaphore, #tpu.memory_space<semaphore_mem>>)
    %slice3A_1110 = vector.extract_strided_slice %min3A_16 {offsets = [1], sizes = [1], strides = [1]} : vector<16xi32> to vector<1xi32>
    %squeeze3A_1111 = vector.extract %slice3A_1110[0] : i32 from vector<1xi32>
    %slice3A_1112 = vector.extract_strided_slice %min3A_32 {offsets = [1], sizes = [1], strides = [1]} : vector<16xi32> to vector<1xi32>
    %squeeze3A_1113 = vector.extract %slice3A_1112[0] : i32 from vector<1xi32>
    %slice3A_1114 = vector.extract_strided_slice %min3A_48 {offsets = [1], sizes = [1], strides = [1]} : vector<16xi32> to vector<1xi32>
    %squeeze3A_1115 = vector.extract %slice3A_1114[0] : i32 from vector<1xi32>
    %jit3A_1116 = arith.constant 16 : i32
    %div3A_1117 = arith.divsi %squeeze3A_1115, %jit3A_1116 : i32
    %sign3A_1118 = arith.constant 0 : i32
    %sign3A_1119 = arith.cmpi sgt, %squeeze3A_1115, %sign3A_1118 : i32
    %sign3A_1120 = arith.extui %sign3A_1119 : i1 to i32
    %sign3A_1121 = arith.constant 0 : i32
    %sign3A_1122 = arith.cmpi slt, %squeeze3A_1115, %sign3A_1121 : i32
    %sign3A_1123 = arith.extui %sign3A_1122 : i1 to i32
    %sign3A_1124 = arith.subi %sign3A_1120, %sign3A_1123 : i32
    %sign3A_1125 = arith.constant 0 : i32
    %sign3A_1126 = arith.cmpi sgt, %jit3A_1116, %sign3A_1125 : i32
    %sign3A_1127 = arith.extui %sign3A_1126 : i1 to i32
    %sign3A_1128 = arith.constant 0 : i32
    %sign3A_1129 = arith.cmpi slt, %jit3A_1116, %sign3A_1128 : i32
    %sign3A_1130 = arith.extui %sign3A_1129 : i1 to i32
    %sign3A_1131 = arith.subi %sign3A_1127, %sign3A_1130 : i32
    %ne3A_1132 = arith.cmpi ne, %sign3A_1124, %sign3A_1131 : i32
    %rem3A_1133 = arith.remsi %squeeze3A_1115, %jit3A_1116 : i32
    %ne3A_1134 = arith.constant 0 : i32
    %ne3A_1135 = arith.cmpi ne, %rem3A_1133, %ne3A_1134 : i32
    %and3A_1136 = arith.andi %ne3A_1132, %ne3A_1135 : i1
    %sub3A_1137 = arith.constant 1 : i32
    %sub3A_1138 = arith.subi %div3A_1117, %sub3A_1137 : i32
    %select_n3A_1139 = arith.select %and3A_1136, %sub3A_1138, %div3A_1117 : i32
    %mul3A_1140 = arith.constant 16 : i32
    %mul3A_1141 = arith.muli %select_n3A_1139, %mul3A_1140 : i32
    %multiple_of3A_1142 = tpu.assume_multiple %mul3A_1141, 16 : i32
    %add3A_1143 = arith.constant 0 : i32
    %add3A_1144 = arith.addi %add3A_1143, %squeeze3A_1111 : i32
    %dma_start3A_1145 = arith.constant 272 : i32
    %dma_start3A_1146 = tpu.memref_slice %arg6[%dma_start3A_1145] : memref<1536xf32, #tpu.memory_space<vmem>> -> memref<16xf32, #tpu.memory_space<vmem>>
    %dma_start3A_1147 = tpu.memref_slice %arg3[%add3A_1144, %squeeze3A_1113, %multiple_of3A_1142] : memref<576x192x192xf32, #tpu.memory_space<hbm>> -> memref<1x1x16xf32, #tpu.memory_space<hbm>>
    %dma_start3A_1148 = tpu.memref_squeeze %dma_start3A_1147 : memref<1x1x16xf32, #tpu.memory_space<hbm>> -> memref<16xf32, #tpu.memory_space<hbm>>
    %dma_start3A_1149 = arith.constant 272 : i32
    %dma_start3A_1150 = tpu.memref_slice %arg6[%dma_start3A_1149] : memref<1536xf32, #tpu.memory_space<vmem>> -> memref<16xf32, #tpu.memory_space<vmem>>
    %dma_start3A_1151 = tpu.memref_slice %arg3[%add3A_1144, %squeeze3A_1113, %multiple_of3A_1142] : memref<576x192x192xf32, #tpu.memory_space<hbm>> -> memref<1x1x16xf32, #tpu.memory_space<hbm>>
    %dma_start3A_1152 = tpu.memref_squeeze %dma_start3A_1151 : memref<1x1x16xf32, #tpu.memory_space<hbm>> -> memref<16xf32, #tpu.memory_space<hbm>>
    tpu.enqueue_dma source(%dma_start3A_1152 : memref<16xf32, #tpu.memory_space<hbm>>) target(%dma_start3A_1150 : memref<16xf32, #tpu.memory_space<vmem>>) target_semaphore(%arg8 : memref<!tpu.dma_semaphore, #tpu.memory_space<semaphore_mem>>)
    %add3A_1153 = arith.constant 192 : i32
    %add3A_1154 = arith.addi %add3A_1153, %squeeze3A_1111 : i32
    %dma_start3A_1155 = arith.constant 784 : i32
    %dma_start3A_1156 = tpu.memref_slice %arg6[%dma_start3A_1155] : memref<1536xf32, #tpu.memory_space<vmem>> -> memref<16xf32, #tpu.memory_space<vmem>>
    %dma_start3A_1157 = tpu.memref_slice %arg3[%add3A_1154, %squeeze3A_1113, %multiple_of3A_1142] : memref<576x192x192xf32, #tpu.memory_space<hbm>> -> memref<1x1x16xf32, #tpu.memory_space<hbm>>
    %dma_start3A_1158 = tpu.memref_squeeze %dma_start3A_1157 : memref<1x1x16xf32, #tpu.memory_space<hbm>> -> memref<16xf32, #tpu.memory_space<hbm>>
    %dma_start3A_1159 = arith.constant 784 : i32
    %dma_start3A_1160 = tpu.memref_slice %arg6[%dma_start3A_1159] : memref<1536xf32, #tpu.memory_space<vmem>> -> memref<16xf32, #tpu.memory_space<vmem>>
    %dma_start3A_1161 = tpu.memref_slice %arg3[%add3A_1154, %squeeze3A_1113, %multiple_of3A_1142] : memref<576x192x192xf32, #tpu.memory_space<hbm>> -> memref<1x1x16xf32, #tpu.memory_space<hbm>>
    %dma_start3A_1162 = tpu.memref_squeeze %dma_start3A_1161 : memref<1x1x16xf32, #tpu.memory_space<hbm>> -> memref<16xf32, #tpu.memory_space<hbm>>
    tpu.enqueue_dma source(%dma_start3A_1162 : memref<16xf32, #tpu.memory_space<hbm>>) target(%dma_start3A_1160 : memref<16xf32, #tpu.memory_space<vmem>>) target_semaphore(%arg8 : memref<!tpu.dma_semaphore, #tpu.memory_space<semaphore_mem>>)
    %add3A_1163 = arith.constant 384 : i32
    %add3A_1164 = arith.addi %add3A_1163, %squeeze3A_1111 : i32
    %dma_start3A_1165 = arith.constant 1296 : i32
    %dma_start3A_1166 = tpu.memref_slice %arg6[%dma_start3A_1165] : memref<1536xf32, #tpu.memory_space<vmem>> -> memref<16xf32, #tpu.memory_space<vmem>>
    %dma_start3A_1167 = tpu.memref_slice %arg3[%add3A_1164, %squeeze3A_1113, %multiple_of3A_1142] : memref<576x192x192xf32, #tpu.memory_space<hbm>> -> memref<1x1x16xf32, #tpu.memory_space<hbm>>
    %dma_start3A_1168 = tpu.memref_squeeze %dma_start3A_1167 : memref<1x1x16xf32, #tpu.memory_space<hbm>> -> memref<16xf32, #tpu.memory_space<hbm>>
    %dma_start3A_1169 = arith.constant 1296 : i32
    %dma_start3A_1170 = tpu.memref_slice %arg6[%dma_start3A_1169] : memref<1536xf32, #tpu.memory_space<vmem>> -> memref<16xf32, #tpu.memory_space<vmem>>
    %dma_start3A_1171 = tpu.memref_slice %arg3[%add3A_1164, %squeeze3A_1113, %multiple_of3A_1142] : memref<576x192x192xf32, #tpu.memory_space<hbm>> -> memref<1x1x16xf32, #tpu.memory_space<hbm>>
    %dma_start3A_1172 = tpu.memref_squeeze %dma_start3A_1171 : memref<1x1x16xf32, #tpu.memory_space<hbm>> -> memref<16xf32, #tpu.memory_space<hbm>>
    tpu.enqueue_dma source(%dma_start3A_1172 : memref<16xf32, #tpu.memory_space<hbm>>) target(%dma_start3A_1170 : memref<16xf32, #tpu.memory_space<vmem>>) target_semaphore(%arg8 : memref<!tpu.dma_semaphore, #tpu.memory_space<semaphore_mem>>)
    %slice3A_1173 = vector.extract_strided_slice %min3A_16 {offsets = [2], sizes = [1], strides = [1]} : vector<16xi32> to vector<1xi32>
    %squeeze3A_1174 = vector.extract %slice3A_1173[0] : i32 from vector<1xi32>
    %slice3A_1175 = vector.extract_strided_slice %min3A_32 {offsets = [2], sizes = [1], strides = [1]} : vector<16xi32> to vector<1xi32>
    %squeeze3A_1176 = vector.extract %slice3A_1175[0] : i32 from vector<1xi32>
    %slice3A_1177 = vector.extract_strided_slice %min3A_48 {offsets = [2], sizes = [1], strides = [1]} : vector<16xi32> to vector<1xi32>
    %squeeze3A_1178 = vector.extract %slice3A_1177[0] : i32 from vector<1xi32>
    %jit3A_1179 = arith.constant 16 : i32
    %div3A_1180 = arith.divsi %squeeze3A_1178, %jit3A_1179 : i32
    %sign3A_1181 = arith.constant 0 : i32
    %sign3A_1182 = arith.cmpi sgt, %squeeze3A_1178, %sign3A_1181 : i32
    %sign3A_1183 = arith.extui %sign3A_1182 : i1 to i32
    %sign3A_1184 = arith.constant 0 : i32
    %sign3A_1185 = arith.cmpi slt, %squeeze3A_1178, %sign3A_1184 : i32
    %sign3A_1186 = arith.extui %sign3A_1185 : i1 to i32
    %sign3A_1187 = arith.subi %sign3A_1183, %sign3A_1186 : i32
    %sign3A_1188 = arith.constant 0 : i32
    %sign3A_1189 = arith.cmpi sgt, %jit3A_1179, %sign3A_1188 : i32
    %sign3A_1190 = arith.extui %sign3A_1189 : i1 to i32
    %sign3A_1191 = arith.constant 0 : i32
    %sign3A_1192 = arith.cmpi slt, %jit3A_1179, %sign3A_1191 : i32
    %sign3A_1193 = arith.extui %sign3A_1192 : i1 to i32
    %sign3A_1194 = arith.subi %sign3A_1190, %sign3A_1193 : i32
    %ne3A_1195 = arith.cmpi ne, %sign3A_1187, %sign3A_1194 : i32
    %rem3A_1196 = arith.remsi %squeeze3A_1178, %jit3A_1179 : i32
    %ne3A_1197 = arith.constant 0 : i32
    %ne3A_1198 = arith.cmpi ne, %rem3A_1196, %ne3A_1197 : i32
    %and3A_1199 = arith.andi %ne3A_1195, %ne3A_1198 : i1
    %sub3A_1200 = arith.constant 1 : i32
    %sub3A_1201 = arith.subi %div3A_1180, %sub3A_1200 : i32
    %select_n3A_1202 = arith.select %and3A_1199, %sub3A_1201, %div3A_1180 : i32
    %mul3A_1203 = arith.constant 16 : i32
    %mul3A_1204 = arith.muli %select_n3A_1202, %mul3A_1203 : i32
    %multiple_of3A_1205 = tpu.assume_multiple %mul3A_1204, 16 : i32
    %add3A_1206 = arith.constant 0 : i32
    %add3A_1207 = arith.addi %add3A_1206, %squeeze3A_1174 : i32
    %dma_start3A_1208 = arith.constant 288 : i32
    %dma_start3A_1209 = tpu.memref_slice %arg6[%dma_start3A_1208] : memref<1536xf32, #tpu.memory_space<vmem>> -> memref<16xf32, #tpu.memory_space<vmem>>
    %dma_start3A_1210 = tpu.memref_slice %arg3[%add3A_1207, %squeeze3A_1176, %multiple_of3A_1205] : memref<576x192x192xf32, #tpu.memory_space<hbm>> -> memref<1x1x16xf32, #tpu.memory_space<hbm>>
    %dma_start3A_1211 = tpu.memref_squeeze %dma_start3A_1210 : memref<1x1x16xf32, #tpu.memory_space<hbm>> -> memref<16xf32, #tpu.memory_space<hbm>>
    %dma_start3A_1212 = arith.constant 288 : i32
    %dma_start3A_1213 = tpu.memref_slice %arg6[%dma_start3A_1212] : memref<1536xf32, #tpu.memory_space<vmem>> -> memref<16xf32, #tpu.memory_space<vmem>>
    %dma_start3A_1214 = tpu.memref_slice %arg3[%add3A_1207, %squeeze3A_1176, %multiple_of3A_1205] : memref<576x192x192xf32, #tpu.memory_space<hbm>> -> memref<1x1x16xf32, #tpu.memory_space<hbm>>
    %dma_start3A_1215 = tpu.memref_squeeze %dma_start3A_1214 : memref<1x1x16xf32, #tpu.memory_space<hbm>> -> memref<16xf32, #tpu.memory_space<hbm>>
    tpu.enqueue_dma source(%dma_start3A_1215 : memref<16xf32, #tpu.memory_space<hbm>>) target(%dma_start3A_1213 : memref<16xf32, #tpu.memory_space<vmem>>) target_semaphore(%arg8 : memref<!tpu.dma_semaphore, #tpu.memory_space<semaphore_mem>>)
    %add3A_1216 = arith.constant 192 : i32
    %add3A_1217 = arith.addi %add3A_1216, %squeeze3A_1174 : i32
    %dma_start3A_1218 = arith.constant 800 : i32
    %dma_start3A_1219 = tpu.memref_slice %arg6[%dma_start3A_1218] : memref<1536xf32, #tpu.memory_space<vmem>> -> memref<16xf32, #tpu.memory_space<vmem>>
    %dma_start3A_1220 = tpu.memref_slice %arg3[%add3A_1217, %squeeze3A_1176, %multiple_of3A_1205] : memref<576x192x192xf32, #tpu.memory_space<hbm>> -> memref<1x1x16xf32, #tpu.memory_space<hbm>>
    %dma_start3A_1221 = tpu.memref_squeeze %dma_start3A_1220 : memref<1x1x16xf32, #tpu.memory_space<hbm>> -> memref<16xf32, #tpu.memory_space<hbm>>
    %dma_start3A_1222 = arith.constant 800 : i32
    %dma_start3A_1223 = tpu.memref_slice %arg6[%dma_start3A_1222] : memref<1536xf32, #tpu.memory_space<vmem>> -> memref<16xf32, #tpu.memory_space<vmem>>
    %dma_start3A_1224 = tpu.memref_slice %arg3[%add3A_1217, %squeeze3A_1176, %multiple_of3A_1205] : memref<576x192x192xf32, #tpu.memory_space<hbm>> -> memref<1x1x16xf32, #tpu.memory_space<hbm>>
    %dma_start3A_1225 = tpu.memref_squeeze %dma_start3A_1224 : memref<1x1x16xf32, #tpu.memory_space<hbm>> -> memref<16xf32, #tpu.memory_space<hbm>>
    tpu.enqueue_dma source(%dma_start3A_1225 : memref<16xf32, #tpu.memory_space<hbm>>) target(%dma_start3A_1223 : memref<16xf32, #tpu.memory_space<vmem>>) target_semaphore(%arg8 : memref<!tpu.dma_semaphore, #tpu.memory_space<semaphore_mem>>)
    %add3A_1226 = arith.constant 384 : i32
    %add3A_1227 = arith.addi %add3A_1226, %squeeze3A_1174 : i32
    %dma_start3A_1228 = arith.constant 1312 : i32
    %dma_start3A_1229 = tpu.memref_slice %arg6[%dma_start3A_1228] : memref<1536xf32, #tpu.memory_space<vmem>> -> memref<16xf32, #tpu.memory_space<vmem>>
    %dma_start3A_1230 = tpu.memref_slice %arg3[%add3A_1227, %squeeze3A_1176, %multiple_of3A_1205] : memref<576x192x192xf32, #tpu.memory_space<hbm>> -> memref<1x1x16xf32, #tpu.memory_space<hbm>>
    %dma_start3A_1231 = tpu.memref_squeeze %dma_start3A_1230 : memref<1x1x16xf32, #tpu.memory_space<hbm>> -> memref<16xf32, #tpu.memory_space<hbm>>
    %dma_start3A_1232 = arith.constant 1312 : i32
    %dma_start3A_1233 = tpu.memref_slice %arg6[%dma_start3A_1232] : memref<1536xf32, #tpu.memory_space<vmem>> -> memref<16xf32, #tpu.memory_space<vmem>>
    %dma_start3A_1234 = tpu.memref_slice %arg3[%add3A_1227, %squeeze3A_1176, %multiple_of3A_1205] : memref<576x192x192xf32, #tpu.memory_space<hbm>> -> memref<1x1x16xf32, #tpu.memory_space<hbm>>
    %dma_start3A_1235 = tpu.memref_squeeze %dma_start3A_1234 : memref<1x1x16xf32, #tpu.memory_space<hbm>> -> memref<16xf32, #tpu.memory_space<hbm>>
    tpu.enqueue_dma source(%dma_start3A_1235 : memref<16xf32, #tpu.memory_space<hbm>>) target(%dma_start3A_1233 : memref<16xf32, #tpu.memory_space<vmem>>) target_semaphore(%arg8 : memref<!tpu.dma_semaphore, #tpu.memory_space<semaphore_mem>>)
    %slice3A_1236 = vector.extract_strided_slice %min3A_16 {offsets = [3], sizes = [1], strides = [1]} : vector<16xi32> to vector<1xi32>
    %squeeze3A_1237 = vector.extract %slice3A_1236[0] : i32 from vector<1xi32>
    %slice3A_1238 = vector.extract_strided_slice %min3A_32 {offsets = [3], sizes = [1], strides = [1]} : vector<16xi32> to vector<1xi32>
    %squeeze3A_1239 = vector.extract %slice3A_1238[0] : i32 from vector<1xi32>
    %slice3A_1240 = vector.extract_strided_slice %min3A_48 {offsets = [3], sizes = [1], strides = [1]} : vector<16xi32> to vector<1xi32>
    %squeeze3A_1241 = vector.extract %slice3A_1240[0] : i32 from vector<1xi32>
    %jit3A_1242 = arith.constant 16 : i32
    %div3A_1243 = arith.divsi %squeeze3A_1241, %jit3A_1242 : i32
    %sign3A_1244 = arith.constant 0 : i32
    %sign3A_1245 = arith.cmpi sgt, %squeeze3A_1241, %sign3A_1244 : i32
    %sign3A_1246 = arith.extui %sign3A_1245 : i1 to i32
    %sign3A_1247 = arith.constant 0 : i32
    %sign3A_1248 = arith.cmpi slt, %squeeze3A_1241, %sign3A_1247 : i32
    %sign3A_1249 = arith.extui %sign3A_1248 : i1 to i32
    %sign3A_1250 = arith.subi %sign3A_1246, %sign3A_1249 : i32
    %sign3A_1251 = arith.constant 0 : i32
    %sign3A_1252 = arith.cmpi sgt, %jit3A_1242, %sign3A_1251 : i32
    %sign3A_1253 = arith.extui %sign3A_1252 : i1 to i32
    %sign3A_1254 = arith.constant 0 : i32
    %sign3A_1255 = arith.cmpi slt, %jit3A_1242, %sign3A_1254 : i32
    %sign3A_1256 = arith.extui %sign3A_1255 : i1 to i32
    %sign3A_1257 = arith.subi %sign3A_1253, %sign3A_1256 : i32
    %ne3A_1258 = arith.cmpi ne, %sign3A_1250, %sign3A_1257 : i32
    %rem3A_1259 = arith.remsi %squeeze3A_1241, %jit3A_1242 : i32
    %ne3A_1260 = arith.constant 0 : i32
    %ne3A_1261 = arith.cmpi ne, %rem3A_1259, %ne3A_1260 : i32
    %and3A_1262 = arith.andi %ne3A_1258, %ne3A_1261 : i1
    %sub3A_1263 = arith.constant 1 : i32
    %sub3A_1264 = arith.subi %div3A_1243, %sub3A_1263 : i32
    %select_n3A_1265 = arith.select %and3A_1262, %sub3A_1264, %div3A_1243 : i32
    %mul3A_1266 = arith.constant 16 : i32
    %mul3A_1267 = arith.muli %select_n3A_1265, %mul3A_1266 : i32
    %multiple_of3A_1268 = tpu.assume_multiple %mul3A_1267, 16 : i32
    %add3A_1269 = arith.constant 0 : i32
    %add3A_1270 = arith.addi %add3A_1269, %squeeze3A_1237 : i32
    %dma_start3A_1271 = arith.constant 304 : i32
    %dma_start3A_1272 = tpu.memref_slice %arg6[%dma_start3A_1271] : memref<1536xf32, #tpu.memory_space<vmem>> -> memref<16xf32, #tpu.memory_space<vmem>>
    %dma_start3A_1273 = tpu.memref_slice %arg3[%add3A_1270, %squeeze3A_1239, %multiple_of3A_1268] : memref<576x192x192xf32, #tpu.memory_space<hbm>> -> memref<1x1x16xf32, #tpu.memory_space<hbm>>
    %dma_start3A_1274 = tpu.memref_squeeze %dma_start3A_1273 : memref<1x1x16xf32, #tpu.memory_space<hbm>> -> memref<16xf32, #tpu.memory_space<hbm>>
    %dma_start3A_1275 = arith.constant 304 : i32
    %dma_start3A_1276 = tpu.memref_slice %arg6[%dma_start3A_1275] : memref<1536xf32, #tpu.memory_space<vmem>> -> memref<16xf32, #tpu.memory_space<vmem>>
    %dma_start3A_1277 = tpu.memref_slice %arg3[%add3A_1270, %squeeze3A_1239, %multiple_of3A_1268] : memref<576x192x192xf32, #tpu.memory_space<hbm>> -> memref<1x1x16xf32, #tpu.memory_space<hbm>>
    %dma_start3A_1278 = tpu.memref_squeeze %dma_start3A_1277 : memref<1x1x16xf32, #tpu.memory_space<hbm>> -> memref<16xf32, #tpu.memory_space<hbm>>
    tpu.enqueue_dma source(%dma_start3A_1278 : memref<16xf32, #tpu.memory_space<hbm>>) target(%dma_start3A_1276 : memref<16xf32, #tpu.memory_space<vmem>>) target_semaphore(%arg8 : memref<!tpu.dma_semaphore, #tpu.memory_space<semaphore_mem>>)
    %add3A_1279 = arith.constant 192 : i32
    %add3A_1280 = arith.addi %add3A_1279, %squeeze3A_1237 : i32
    %dma_start3A_1281 = arith.constant 816 : i32
    %dma_start3A_1282 = tpu.memref_slice %arg6[%dma_start3A_1281] : memref<1536xf32, #tpu.memory_space<vmem>> -> memref<16xf32, #tpu.memory_space<vmem>>
    %dma_start3A_1283 = tpu.memref_slice %arg3[%add3A_1280, %squeeze3A_1239, %multiple_of3A_1268] : memref<576x192x192xf32, #tpu.memory_space<hbm>> -> memref<1x1x16xf32, #tpu.memory_space<hbm>>
    %dma_start3A_1284 = tpu.memref_squeeze %dma_start3A_1283 : memref<1x1x16xf32, #tpu.memory_space<hbm>> -> memref<16xf32, #tpu.memory_space<hbm>>
    %dma_start3A_1285 = arith.constant 816 : i32
    %dma_start3A_1286 = tpu.memref_slice %arg6[%dma_start3A_1285] : memref<1536xf32, #tpu.memory_space<vmem>> -> memref<16xf32, #tpu.memory_space<vmem>>
    %dma_start3A_1287 = tpu.memref_slice %arg3[%add3A_1280, %squeeze3A_1239, %multiple_of3A_1268] : memref<576x192x192xf32, #tpu.memory_space<hbm>> -> memref<1x1x16xf32, #tpu.memory_space<hbm>>
    %dma_start3A_1288 = tpu.memref_squeeze %dma_start3A_1287 : memref<1x1x16xf32, #tpu.memory_space<hbm>> -> memref<16xf32, #tpu.memory_space<hbm>>
    tpu.enqueue_dma source(%dma_start3A_1288 : memref<16xf32, #tpu.memory_space<hbm>>) target(%dma_start3A_1286 : memref<16xf32, #tpu.memory_space<vmem>>) target_semaphore(%arg8 : memref<!tpu.dma_semaphore, #tpu.memory_space<semaphore_mem>>)
    %add3A_1289 = arith.constant 384 : i32
    %add3A_1290 = arith.addi %add3A_1289, %squeeze3A_1237 : i32
    %dma_start3A_1291 = arith.constant 1328 : i32
    %dma_start3A_1292 = tpu.memref_slice %arg6[%dma_start3A_1291] : memref<1536xf32, #tpu.memory_space<vmem>> -> memref<16xf32, #tpu.memory_space<vmem>>
    %dma_start3A_1293 = tpu.memref_slice %arg3[%add3A_1290, %squeeze3A_1239, %multiple_of3A_1268] : memref<576x192x192xf32, #tpu.memory_space<hbm>> -> memref<1x1x16xf32, #tpu.memory_space<hbm>>
    %dma_start3A_1294 = tpu.memref_squeeze %dma_start3A_1293 : memref<1x1x16xf32, #tpu.memory_space<hbm>> -> memref<16xf32, #tpu.memory_space<hbm>>
    %dma_start3A_1295 = arith.constant 1328 : i32
    %dma_start3A_1296 = tpu.memref_slice %arg6[%dma_start3A_1295] : memref<1536xf32, #tpu.memory_space<vmem>> -> memref<16xf32, #tpu.memory_space<vmem>>
    %dma_start3A_1297 = tpu.memref_slice %arg3[%add3A_1290, %squeeze3A_1239, %multiple_of3A_1268] : memref<576x192x192xf32, #tpu.memory_space<hbm>> -> memref<1x1x16xf32, #tpu.memory_space<hbm>>
    %dma_start3A_1298 = tpu.memref_squeeze %dma_start3A_1297 : memref<1x1x16xf32, #tpu.memory_space<hbm>> -> memref<16xf32, #tpu.memory_space<hbm>>
    tpu.enqueue_dma source(%dma_start3A_1298 : memref<16xf32, #tpu.memory_space<hbm>>) target(%dma_start3A_1296 : memref<16xf32, #tpu.memory_space<vmem>>) target_semaphore(%arg8 : memref<!tpu.dma_semaphore, #tpu.memory_space<semaphore_mem>>)
    %slice3A_1299 = vector.extract_strided_slice %min3A_16 {offsets = [4], sizes = [1], strides = [1]} : vector<16xi32> to vector<1xi32>
    %squeeze3A_1300 = vector.extract %slice3A_1299[0] : i32 from vector<1xi32>
    %slice3A_1301 = vector.extract_strided_slice %min3A_32 {offsets = [4], sizes = [1], strides = [1]} : vector<16xi32> to vector<1xi32>
    %squeeze3A_1302 = vector.extract %slice3A_1301[0] : i32 from vector<1xi32>
    %slice3A_1303 = vector.extract_strided_slice %min3A_48 {offsets = [4], sizes = [1], strides = [1]} : vector<16xi32> to vector<1xi32>
    %squeeze3A_1304 = vector.extract %slice3A_1303[0] : i32 from vector<1xi32>
    %jit3A_1305 = arith.constant 16 : i32
    %div3A_1306 = arith.divsi %squeeze3A_1304, %jit3A_1305 : i32
    %sign3A_1307 = arith.constant 0 : i32
    %sign3A_1308 = arith.cmpi sgt, %squeeze3A_1304, %sign3A_1307 : i32
    %sign3A_1309 = arith.extui %sign3A_1308 : i1 to i32
    %sign3A_1310 = arith.constant 0 : i32
    %sign3A_1311 = arith.cmpi slt, %squeeze3A_1304, %sign3A_1310 : i32
    %sign3A_1312 = arith.extui %sign3A_1311 : i1 to i32
    %sign3A_1313 = arith.subi %sign3A_1309, %sign3A_1312 : i32
    %sign3A_1314 = arith.constant 0 : i32
    %sign3A_1315 = arith.cmpi sgt, %jit3A_1305, %sign3A_1314 : i32
    %sign3A_1316 = arith.extui %sign3A_1315 : i1 to i32
    %sign3A_1317 = arith.constant 0 : i32
    %sign3A_1318 = arith.cmpi slt, %jit3A_1305, %sign3A_1317 : i32
    %sign3A_1319 = arith.extui %sign3A_1318 : i1 to i32
    %sign3A_1320 = arith.subi %sign3A_1316, %sign3A_1319 : i32
    %ne3A_1321 = arith.cmpi ne, %sign3A_1313, %sign3A_1320 : i32
    %rem3A_1322 = arith.remsi %squeeze3A_1304, %jit3A_1305 : i32
    %ne3A_1323 = arith.constant 0 : i32
    %ne3A_1324 = arith.cmpi ne, %rem3A_1322, %ne3A_1323 : i32
    %and3A_1325 = arith.andi %ne3A_1321, %ne3A_1324 : i1
    %sub3A_1326 = arith.constant 1 : i32
    %sub3A_1327 = arith.subi %div3A_1306, %sub3A_1326 : i32
    %select_n3A_1328 = arith.select %and3A_1325, %sub3A_1327, %div3A_1306 : i32
    %mul3A_1329 = arith.constant 16 : i32
    %mul3A_1330 = arith.muli %select_n3A_1328, %mul3A_1329 : i32
    %multiple_of3A_1331 = tpu.assume_multiple %mul3A_1330, 16 : i32
    %add3A_1332 = arith.constant 0 : i32
    %add3A_1333 = arith.addi %add3A_1332, %squeeze3A_1300 : i32
    %dma_start3A_1334 = arith.constant 320 : i32
    %dma_start3A_1335 = tpu.memref_slice %arg6[%dma_start3A_1334] : memref<1536xf32, #tpu.memory_space<vmem>> -> memref<16xf32, #tpu.memory_space<vmem>>
    %dma_start3A_1336 = tpu.memref_slice %arg3[%add3A_1333, %squeeze3A_1302, %multiple_of3A_1331] : memref<576x192x192xf32, #tpu.memory_space<hbm>> -> memref<1x1x16xf32, #tpu.memory_space<hbm>>
    %dma_start3A_1337 = tpu.memref_squeeze %dma_start3A_1336 : memref<1x1x16xf32, #tpu.memory_space<hbm>> -> memref<16xf32, #tpu.memory_space<hbm>>
    %dma_start3A_1338 = arith.constant 320 : i32
    %dma_start3A_1339 = tpu.memref_slice %arg6[%dma_start3A_1338] : memref<1536xf32, #tpu.memory_space<vmem>> -> memref<16xf32, #tpu.memory_space<vmem>>
    %dma_start3A_1340 = tpu.memref_slice %arg3[%add3A_1333, %squeeze3A_1302, %multiple_of3A_1331] : memref<576x192x192xf32, #tpu.memory_space<hbm>> -> memref<1x1x16xf32, #tpu.memory_space<hbm>>
    %dma_start3A_1341 = tpu.memref_squeeze %dma_start3A_1340 : memref<1x1x16xf32, #tpu.memory_space<hbm>> -> memref<16xf32, #tpu.memory_space<hbm>>
    tpu.enqueue_dma source(%dma_start3A_1341 : memref<16xf32, #tpu.memory_space<hbm>>) target(%dma_start3A_1339 : memref<16xf32, #tpu.memory_space<vmem>>) target_semaphore(%arg8 : memref<!tpu.dma_semaphore, #tpu.memory_space<semaphore_mem>>)
    %add3A_1342 = arith.constant 192 : i32
    %add3A_1343 = arith.addi %add3A_1342, %squeeze3A_1300 : i32
    %dma_start3A_1344 = arith.constant 832 : i32
    %dma_start3A_1345 = tpu.memref_slice %arg6[%dma_start3A_1344] : memref<1536xf32, #tpu.memory_space<vmem>> -> memref<16xf32, #tpu.memory_space<vmem>>
    %dma_start3A_1346 = tpu.memref_slice %arg3[%add3A_1343, %squeeze3A_1302, %multiple_of3A_1331] : memref<576x192x192xf32, #tpu.memory_space<hbm>> -> memref<1x1x16xf32, #tpu.memory_space<hbm>>
    %dma_start3A_1347 = tpu.memref_squeeze %dma_start3A_1346 : memref<1x1x16xf32, #tpu.memory_space<hbm>> -> memref<16xf32, #tpu.memory_space<hbm>>
    %dma_start3A_1348 = arith.constant 832 : i32
    %dma_start3A_1349 = tpu.memref_slice %arg6[%dma_start3A_1348] : memref<1536xf32, #tpu.memory_space<vmem>> -> memref<16xf32, #tpu.memory_space<vmem>>
    %dma_start3A_1350 = tpu.memref_slice %arg3[%add3A_1343, %squeeze3A_1302, %multiple_of3A_1331] : memref<576x192x192xf32, #tpu.memory_space<hbm>> -> memref<1x1x16xf32, #tpu.memory_space<hbm>>
    %dma_start3A_1351 = tpu.memref_squeeze %dma_start3A_1350 : memref<1x1x16xf32, #tpu.memory_space<hbm>> -> memref<16xf32, #tpu.memory_space<hbm>>
    tpu.enqueue_dma source(%dma_start3A_1351 : memref<16xf32, #tpu.memory_space<hbm>>) target(%dma_start3A_1349 : memref<16xf32, #tpu.memory_space<vmem>>) target_semaphore(%arg8 : memref<!tpu.dma_semaphore, #tpu.memory_space<semaphore_mem>>)
    %add3A_1352 = arith.constant 384 : i32
    %add3A_1353 = arith.addi %add3A_1352, %squeeze3A_1300 : i32
    %dma_start3A_1354 = arith.constant 1344 : i32
    %dma_start3A_1355 = tpu.memref_slice %arg6[%dma_start3A_1354] : memref<1536xf32, #tpu.memory_space<vmem>> -> memref<16xf32, #tpu.memory_space<vmem>>
    %dma_start3A_1356 = tpu.memref_slice %arg3[%add3A_1353, %squeeze3A_1302, %multiple_of3A_1331] : memref<576x192x192xf32, #tpu.memory_space<hbm>> -> memref<1x1x16xf32, #tpu.memory_space<hbm>>
    %dma_start3A_1357 = tpu.memref_squeeze %dma_start3A_1356 : memref<1x1x16xf32, #tpu.memory_space<hbm>> -> memref<16xf32, #tpu.memory_space<hbm>>
    %dma_start3A_1358 = arith.constant 1344 : i32
    %dma_start3A_1359 = tpu.memref_slice %arg6[%dma_start3A_1358] : memref<1536xf32, #tpu.memory_space<vmem>> -> memref<16xf32, #tpu.memory_space<vmem>>
    %dma_start3A_1360 = tpu.memref_slice %arg3[%add3A_1353, %squeeze3A_1302, %multiple_of3A_1331] : memref<576x192x192xf32, #tpu.memory_space<hbm>> -> memref<1x1x16xf32, #tpu.memory_space<hbm>>
    %dma_start3A_1361 = tpu.memref_squeeze %dma_start3A_1360 : memref<1x1x16xf32, #tpu.memory_space<hbm>> -> memref<16xf32, #tpu.memory_space<hbm>>
    tpu.enqueue_dma source(%dma_start3A_1361 : memref<16xf32, #tpu.memory_space<hbm>>) target(%dma_start3A_1359 : memref<16xf32, #tpu.memory_space<vmem>>) target_semaphore(%arg8 : memref<!tpu.dma_semaphore, #tpu.memory_space<semaphore_mem>>)
    %slice3A_1362 = vector.extract_strided_slice %min3A_16 {offsets = [5], sizes = [1], strides = [1]} : vector<16xi32> to vector<1xi32>
    %squeeze3A_1363 = vector.extract %slice3A_1362[0] : i32 from vector<1xi32>
    %slice3A_1364 = vector.extract_strided_slice %min3A_32 {offsets = [5], sizes = [1], strides = [1]} : vector<16xi32> to vector<1xi32>
    %squeeze3A_1365 = vector.extract %slice3A_1364[0] : i32 from vector<1xi32>
    %slice3A_1366 = vector.extract_strided_slice %min3A_48 {offsets = [5], sizes = [1], strides = [1]} : vector<16xi32> to vector<1xi32>
    %squeeze3A_1367 = vector.extract %slice3A_1366[0] : i32 from vector<1xi32>
    %jit3A_1368 = arith.constant 16 : i32
    %div3A_1369 = arith.divsi %squeeze3A_1367, %jit3A_1368 : i32
    %sign3A_1370 = arith.constant 0 : i32
    %sign3A_1371 = arith.cmpi sgt, %squeeze3A_1367, %sign3A_1370 : i32
    %sign3A_1372 = arith.extui %sign3A_1371 : i1 to i32
    %sign3A_1373 = arith.constant 0 : i32
    %sign3A_1374 = arith.cmpi slt, %squeeze3A_1367, %sign3A_1373 : i32
    %sign3A_1375 = arith.extui %sign3A_1374 : i1 to i32
    %sign3A_1376 = arith.subi %sign3A_1372, %sign3A_1375 : i32
    %sign3A_1377 = arith.constant 0 : i32
    %sign3A_1378 = arith.cmpi sgt, %jit3A_1368, %sign3A_1377 : i32
    %sign3A_1379 = arith.extui %sign3A_1378 : i1 to i32
    %sign3A_1380 = arith.constant 0 : i32
    %sign3A_1381 = arith.cmpi slt, %jit3A_1368, %sign3A_1380 : i32
    %sign3A_1382 = arith.extui %sign3A_1381 : i1 to i32
    %sign3A_1383 = arith.subi %sign3A_1379, %sign3A_1382 : i32
    %ne3A_1384 = arith.cmpi ne, %sign3A_1376, %sign3A_1383 : i32
    %rem3A_1385 = arith.remsi %squeeze3A_1367, %jit3A_1368 : i32
    %ne3A_1386 = arith.constant 0 : i32
    %ne3A_1387 = arith.cmpi ne, %rem3A_1385, %ne3A_1386 : i32
    %and3A_1388 = arith.andi %ne3A_1384, %ne3A_1387 : i1
    %sub3A_1389 = arith.constant 1 : i32
    %sub3A_1390 = arith.subi %div3A_1369, %sub3A_1389 : i32
    %select_n3A_1391 = arith.select %and3A_1388, %sub3A_1390, %div3A_1369 : i32
    %mul3A_1392 = arith.constant 16 : i32
    %mul3A_1393 = arith.muli %select_n3A_1391, %mul3A_1392 : i32
    %multiple_of3A_1394 = tpu.assume_multiple %mul3A_1393, 16 : i32
    %add3A_1395 = arith.constant 0 : i32
    %add3A_1396 = arith.addi %add3A_1395, %squeeze3A_1363 : i32
    %dma_start3A_1397 = arith.constant 336 : i32
    %dma_start3A_1398 = tpu.memref_slice %arg6[%dma_start3A_1397] : memref<1536xf32, #tpu.memory_space<vmem>> -> memref<16xf32, #tpu.memory_space<vmem>>
    %dma_start3A_1399 = tpu.memref_slice %arg3[%add3A_1396, %squeeze3A_1365, %multiple_of3A_1394] : memref<576x192x192xf32, #tpu.memory_space<hbm>> -> memref<1x1x16xf32, #tpu.memory_space<hbm>>
    %dma_start3A_1400 = tpu.memref_squeeze %dma_start3A_1399 : memref<1x1x16xf32, #tpu.memory_space<hbm>> -> memref<16xf32, #tpu.memory_space<hbm>>
    %dma_start3A_1401 = arith.constant 336 : i32
    %dma_start3A_1402 = tpu.memref_slice %arg6[%dma_start3A_1401] : memref<1536xf32, #tpu.memory_space<vmem>> -> memref<16xf32, #tpu.memory_space<vmem>>
    %dma_start3A_1403 = tpu.memref_slice %arg3[%add3A_1396, %squeeze3A_1365, %multiple_of3A_1394] : memref<576x192x192xf32, #tpu.memory_space<hbm>> -> memref<1x1x16xf32, #tpu.memory_space<hbm>>
    %dma_start3A_1404 = tpu.memref_squeeze %dma_start3A_1403 : memref<1x1x16xf32, #tpu.memory_space<hbm>> -> memref<16xf32, #tpu.memory_space<hbm>>
    tpu.enqueue_dma source(%dma_start3A_1404 : memref<16xf32, #tpu.memory_space<hbm>>) target(%dma_start3A_1402 : memref<16xf32, #tpu.memory_space<vmem>>) target_semaphore(%arg8 : memref<!tpu.dma_semaphore, #tpu.memory_space<semaphore_mem>>)
    %add3A_1405 = arith.constant 192 : i32
    %add3A_1406 = arith.addi %add3A_1405, %squeeze3A_1363 : i32
    %dma_start3A_1407 = arith.constant 848 : i32
    %dma_start3A_1408 = tpu.memref_slice %arg6[%dma_start3A_1407] : memref<1536xf32, #tpu.memory_space<vmem>> -> memref<16xf32, #tpu.memory_space<vmem>>
    %dma_start3A_1409 = tpu.memref_slice %arg3[%add3A_1406, %squeeze3A_1365, %multiple_of3A_1394] : memref<576x192x192xf32, #tpu.memory_space<hbm>> -> memref<1x1x16xf32, #tpu.memory_space<hbm>>
    %dma_start3A_1410 = tpu.memref_squeeze %dma_start3A_1409 : memref<1x1x16xf32, #tpu.memory_space<hbm>> -> memref<16xf32, #tpu.memory_space<hbm>>
    %dma_start3A_1411 = arith.constant 848 : i32
    %dma_start3A_1412 = tpu.memref_slice %arg6[%dma_start3A_1411] : memref<1536xf32, #tpu.memory_space<vmem>> -> memref<16xf32, #tpu.memory_space<vmem>>
    %dma_start3A_1413 = tpu.memref_slice %arg3[%add3A_1406, %squeeze3A_1365, %multiple_of3A_1394] : memref<576x192x192xf32, #tpu.memory_space<hbm>> -> memref<1x1x16xf32, #tpu.memory_space<hbm>>
    %dma_start3A_1414 = tpu.memref_squeeze %dma_start3A_1413 : memref<1x1x16xf32, #tpu.memory_space<hbm>> -> memref<16xf32, #tpu.memory_space<hbm>>
    tpu.enqueue_dma source(%dma_start3A_1414 : memref<16xf32, #tpu.memory_space<hbm>>) target(%dma_start3A_1412 : memref<16xf32, #tpu.memory_space<vmem>>) target_semaphore(%arg8 : memref<!tpu.dma_semaphore, #tpu.memory_space<semaphore_mem>>)
    %add3A_1415 = arith.constant 384 : i32
    %add3A_1416 = arith.addi %add3A_1415, %squeeze3A_1363 : i32
    %dma_start3A_1417 = arith.constant 1360 : i32
    %dma_start3A_1418 = tpu.memref_slice %arg6[%dma_start3A_1417] : memref<1536xf32, #tpu.memory_space<vmem>> -> memref<16xf32, #tpu.memory_space<vmem>>
    %dma_start3A_1419 = tpu.memref_slice %arg3[%add3A_1416, %squeeze3A_1365, %multiple_of3A_1394] : memref<576x192x192xf32, #tpu.memory_space<hbm>> -> memref<1x1x16xf32, #tpu.memory_space<hbm>>
    %dma_start3A_1420 = tpu.memref_squeeze %dma_start3A_1419 : memref<1x1x16xf32, #tpu.memory_space<hbm>> -> memref<16xf32, #tpu.memory_space<hbm>>
    %dma_start3A_1421 = arith.constant 1360 : i32
    %dma_start3A_1422 = tpu.memref_slice %arg6[%dma_start3A_1421] : memref<1536xf32, #tpu.memory_space<vmem>> -> memref<16xf32, #tpu.memory_space<vmem>>
    %dma_start3A_1423 = tpu.memref_slice %arg3[%add3A_1416, %squeeze3A_1365, %multiple_of3A_1394] : memref<576x192x192xf32, #tpu.memory_space<hbm>> -> memref<1x1x16xf32, #tpu.memory_space<hbm>>
    %dma_start3A_1424 = tpu.memref_squeeze %dma_start3A_1423 : memref<1x1x16xf32, #tpu.memory_space<hbm>> -> memref<16xf32, #tpu.memory_space<hbm>>
    tpu.enqueue_dma source(%dma_start3A_1424 : memref<16xf32, #tpu.memory_space<hbm>>) target(%dma_start3A_1422 : memref<16xf32, #tpu.memory_space<vmem>>) target_semaphore(%arg8 : memref<!tpu.dma_semaphore, #tpu.memory_space<semaphore_mem>>)
    %slice3A_1425 = vector.extract_strided_slice %min3A_16 {offsets = [6], sizes = [1], strides = [1]} : vector<16xi32> to vector<1xi32>
    %squeeze3A_1426 = vector.extract %slice3A_1425[0] : i32 from vector<1xi32>
    %slice3A_1427 = vector.extract_strided_slice %min3A_32 {offsets = [6], sizes = [1], strides = [1]} : vector<16xi32> to vector<1xi32>
    %squeeze3A_1428 = vector.extract %slice3A_1427[0] : i32 from vector<1xi32>
    %slice3A_1429 = vector.extract_strided_slice %min3A_48 {offsets = [6], sizes = [1], strides = [1]} : vector<16xi32> to vector<1xi32>
    %squeeze3A_1430 = vector.extract %slice3A_1429[0] : i32 from vector<1xi32>
    %jit3A_1431 = arith.constant 16 : i32
    %div3A_1432 = arith.divsi %squeeze3A_1430, %jit3A_1431 : i32
    %sign3A_1433 = arith.constant 0 : i32
    %sign3A_1434 = arith.cmpi sgt, %squeeze3A_1430, %sign3A_1433 : i32
    %sign3A_1435 = arith.extui %sign3A_1434 : i1 to i32
    %sign3A_1436 = arith.constant 0 : i32
    %sign3A_1437 = arith.cmpi slt, %squeeze3A_1430, %sign3A_1436 : i32
    %sign3A_1438 = arith.extui %sign3A_1437 : i1 to i32
    %sign3A_1439 = arith.subi %sign3A_1435, %sign3A_1438 : i32
    %sign3A_1440 = arith.constant 0 : i32
    %sign3A_1441 = arith.cmpi sgt, %jit3A_1431, %sign3A_1440 : i32
    %sign3A_1442 = arith.extui %sign3A_1441 : i1 to i32
    %sign3A_1443 = arith.constant 0 : i32
    %sign3A_1444 = arith.cmpi slt, %jit3A_1431, %sign3A_1443 : i32
    %sign3A_1445 = arith.extui %sign3A_1444 : i1 to i32
    %sign3A_1446 = arith.subi %sign3A_1442, %sign3A_1445 : i32
    %ne3A_1447 = arith.cmpi ne, %sign3A_1439, %sign3A_1446 : i32
    %rem3A_1448 = arith.remsi %squeeze3A_1430, %jit3A_1431 : i32
    %ne3A_1449 = arith.constant 0 : i32
    %ne3A_1450 = arith.cmpi ne, %rem3A_1448, %ne3A_1449 : i32
    %and3A_1451 = arith.andi %ne3A_1447, %ne3A_1450 : i1
    %sub3A_1452 = arith.constant 1 : i32
    %sub3A_1453 = arith.subi %div3A_1432, %sub3A_1452 : i32
    %select_n3A_1454 = arith.select %and3A_1451, %sub3A_1453, %div3A_1432 : i32
    %mul3A_1455 = arith.constant 16 : i32
    %mul3A_1456 = arith.muli %select_n3A_1454, %mul3A_1455 : i32
    %multiple_of3A_1457 = tpu.assume_multiple %mul3A_1456, 16 : i32
    %add3A_1458 = arith.constant 0 : i32
    %add3A_1459 = arith.addi %add3A_1458, %squeeze3A_1426 : i32
    %dma_start3A_1460 = arith.constant 352 : i32
    %dma_start3A_1461 = tpu.memref_slice %arg6[%dma_start3A_1460] : memref<1536xf32, #tpu.memory_space<vmem>> -> memref<16xf32, #tpu.memory_space<vmem>>
    %dma_start3A_1462 = tpu.memref_slice %arg3[%add3A_1459, %squeeze3A_1428, %multiple_of3A_1457] : memref<576x192x192xf32, #tpu.memory_space<hbm>> -> memref<1x1x16xf32, #tpu.memory_space<hbm>>
    %dma_start3A_1463 = tpu.memref_squeeze %dma_start3A_1462 : memref<1x1x16xf32, #tpu.memory_space<hbm>> -> memref<16xf32, #tpu.memory_space<hbm>>
    %dma_start3A_1464 = arith.constant 352 : i32
    %dma_start3A_1465 = tpu.memref_slice %arg6[%dma_start3A_1464] : memref<1536xf32, #tpu.memory_space<vmem>> -> memref<16xf32, #tpu.memory_space<vmem>>
    %dma_start3A_1466 = tpu.memref_slice %arg3[%add3A_1459, %squeeze3A_1428, %multiple_of3A_1457] : memref<576x192x192xf32, #tpu.memory_space<hbm>> -> memref<1x1x16xf32, #tpu.memory_space<hbm>>
    %dma_start3A_1467 = tpu.memref_squeeze %dma_start3A_1466 : memref<1x1x16xf32, #tpu.memory_space<hbm>> -> memref<16xf32, #tpu.memory_space<hbm>>
    tpu.enqueue_dma source(%dma_start3A_1467 : memref<16xf32, #tpu.memory_space<hbm>>) target(%dma_start3A_1465 : memref<16xf32, #tpu.memory_space<vmem>>) target_semaphore(%arg8 : memref<!tpu.dma_semaphore, #tpu.memory_space<semaphore_mem>>)
    %add3A_1468 = arith.constant 192 : i32
    %add3A_1469 = arith.addi %add3A_1468, %squeeze3A_1426 : i32
    %dma_start3A_1470 = arith.constant 864 : i32
    %dma_start3A_1471 = tpu.memref_slice %arg6[%dma_start3A_1470] : memref<1536xf32, #tpu.memory_space<vmem>> -> memref<16xf32, #tpu.memory_space<vmem>>
    %dma_start3A_1472 = tpu.memref_slice %arg3[%add3A_1469, %squeeze3A_1428, %multiple_of3A_1457] : memref<576x192x192xf32, #tpu.memory_space<hbm>> -> memref<1x1x16xf32, #tpu.memory_space<hbm>>
    %dma_start3A_1473 = tpu.memref_squeeze %dma_start3A_1472 : memref<1x1x16xf32, #tpu.memory_space<hbm>> -> memref<16xf32, #tpu.memory_space<hbm>>
    %dma_start3A_1474 = arith.constant 864 : i32
    %dma_start3A_1475 = tpu.memref_slice %arg6[%dma_start3A_1474] : memref<1536xf32, #tpu.memory_space<vmem>> -> memref<16xf32, #tpu.memory_space<vmem>>
    %dma_start3A_1476 = tpu.memref_slice %arg3[%add3A_1469, %squeeze3A_1428, %multiple_of3A_1457] : memref<576x192x192xf32, #tpu.memory_space<hbm>> -> memref<1x1x16xf32, #tpu.memory_space<hbm>>
    %dma_start3A_1477 = tpu.memref_squeeze %dma_start3A_1476 : memref<1x1x16xf32, #tpu.memory_space<hbm>> -> memref<16xf32, #tpu.memory_space<hbm>>
    tpu.enqueue_dma source(%dma_start3A_1477 : memref<16xf32, #tpu.memory_space<hbm>>) target(%dma_start3A_1475 : memref<16xf32, #tpu.memory_space<vmem>>) target_semaphore(%arg8 : memref<!tpu.dma_semaphore, #tpu.memory_space<semaphore_mem>>)
    %add3A_1478 = arith.constant 384 : i32
    %add3A_1479 = arith.addi %add3A_1478, %squeeze3A_1426 : i32
    %dma_start3A_1480 = arith.constant 1376 : i32
    %dma_start3A_1481 = tpu.memref_slice %arg6[%dma_start3A_1480] : memref<1536xf32, #tpu.memory_space<vmem>> -> memref<16xf32, #tpu.memory_space<vmem>>
    %dma_start3A_1482 = tpu.memref_slice %arg3[%add3A_1479, %squeeze3A_1428, %multiple_of3A_1457] : memref<576x192x192xf32, #tpu.memory_space<hbm>> -> memref<1x1x16xf32, #tpu.memory_space<hbm>>
    %dma_start3A_1483 = tpu.memref_squeeze %dma_start3A_1482 : memref<1x1x16xf32, #tpu.memory_space<hbm>> -> memref<16xf32, #tpu.memory_space<hbm>>
    %dma_start3A_1484 = arith.constant 1376 : i32
    %dma_start3A_1485 = tpu.memref_slice %arg6[%dma_start3A_1484] : memref<1536xf32, #tpu.memory_space<vmem>> -> memref<16xf32, #tpu.memory_space<vmem>>
    %dma_start3A_1486 = tpu.memref_slice %arg3[%add3A_1479, %squeeze3A_1428, %multiple_of3A_1457] : memref<576x192x192xf32, #tpu.memory_space<hbm>> -> memref<1x1x16xf32, #tpu.memory_space<hbm>>
    %dma_start3A_1487 = tpu.memref_squeeze %dma_start3A_1486 : memref<1x1x16xf32, #tpu.memory_space<hbm>> -> memref<16xf32, #tpu.memory_space<hbm>>
    tpu.enqueue_dma source(%dma_start3A_1487 : memref<16xf32, #tpu.memory_space<hbm>>) target(%dma_start3A_1485 : memref<16xf32, #tpu.memory_space<vmem>>) target_semaphore(%arg8 : memref<!tpu.dma_semaphore, #tpu.memory_space<semaphore_mem>>)
    %slice3A_1488 = vector.extract_strided_slice %min3A_16 {offsets = [7], sizes = [1], strides = [1]} : vector<16xi32> to vector<1xi32>
    %squeeze3A_1489 = vector.extract %slice3A_1488[0] : i32 from vector<1xi32>
    %slice3A_1490 = vector.extract_strided_slice %min3A_32 {offsets = [7], sizes = [1], strides = [1]} : vector<16xi32> to vector<1xi32>
    %squeeze3A_1491 = vector.extract %slice3A_1490[0] : i32 from vector<1xi32>
    %slice3A_1492 = vector.extract_strided_slice %min3A_48 {offsets = [7], sizes = [1], strides = [1]} : vector<16xi32> to vector<1xi32>
    %squeeze3A_1493 = vector.extract %slice3A_1492[0] : i32 from vector<1xi32>
    %jit3A_1494 = arith.constant 16 : i32
    %div3A_1495 = arith.divsi %squeeze3A_1493, %jit3A_1494 : i32
    %sign3A_1496 = arith.constant 0 : i32
    %sign3A_1497 = arith.cmpi sgt, %squeeze3A_1493, %sign3A_1496 : i32
    %sign3A_1498 = arith.extui %sign3A_1497 : i1 to i32
    %sign3A_1499 = arith.constant 0 : i32
    %sign3A_1500 = arith.cmpi slt, %squeeze3A_1493, %sign3A_1499 : i32
    %sign3A_1501 = arith.extui %sign3A_1500 : i1 to i32
    %sign3A_1502 = arith.subi %sign3A_1498, %sign3A_1501 : i32
    %sign3A_1503 = arith.constant 0 : i32
    %sign3A_1504 = arith.cmpi sgt, %jit3A_1494, %sign3A_1503 : i32
    %sign3A_1505 = arith.extui %sign3A_1504 : i1 to i32
    %sign3A_1506 = arith.constant 0 : i32
    %sign3A_1507 = arith.cmpi slt, %jit3A_1494, %sign3A_1506 : i32
    %sign3A_1508 = arith.extui %sign3A_1507 : i1 to i32
    %sign3A_1509 = arith.subi %sign3A_1505, %sign3A_1508 : i32
    %ne3A_1510 = arith.cmpi ne, %sign3A_1502, %sign3A_1509 : i32
    %rem3A_1511 = arith.remsi %squeeze3A_1493, %jit3A_1494 : i32
    %ne3A_1512 = arith.constant 0 : i32
    %ne3A_1513 = arith.cmpi ne, %rem3A_1511, %ne3A_1512 : i32
    %and3A_1514 = arith.andi %ne3A_1510, %ne3A_1513 : i1
    %sub3A_1515 = arith.constant 1 : i32
    %sub3A_1516 = arith.subi %div3A_1495, %sub3A_1515 : i32
    %select_n3A_1517 = arith.select %and3A_1514, %sub3A_1516, %div3A_1495 : i32
    %mul3A_1518 = arith.constant 16 : i32
    %mul3A_1519 = arith.muli %select_n3A_1517, %mul3A_1518 : i32
    %multiple_of3A_1520 = tpu.assume_multiple %mul3A_1519, 16 : i32
    %add3A_1521 = arith.constant 0 : i32
    %add3A_1522 = arith.addi %add3A_1521, %squeeze3A_1489 : i32
    %dma_start3A_1523 = arith.constant 368 : i32
    %dma_start3A_1524 = tpu.memref_slice %arg6[%dma_start3A_1523] : memref<1536xf32, #tpu.memory_space<vmem>> -> memref<16xf32, #tpu.memory_space<vmem>>
    %dma_start3A_1525 = tpu.memref_slice %arg3[%add3A_1522, %squeeze3A_1491, %multiple_of3A_1520] : memref<576x192x192xf32, #tpu.memory_space<hbm>> -> memref<1x1x16xf32, #tpu.memory_space<hbm>>
    %dma_start3A_1526 = tpu.memref_squeeze %dma_start3A_1525 : memref<1x1x16xf32, #tpu.memory_space<hbm>> -> memref<16xf32, #tpu.memory_space<hbm>>
    %dma_start3A_1527 = arith.constant 368 : i32
    %dma_start3A_1528 = tpu.memref_slice %arg6[%dma_start3A_1527] : memref<1536xf32, #tpu.memory_space<vmem>> -> memref<16xf32, #tpu.memory_space<vmem>>
    %dma_start3A_1529 = tpu.memref_slice %arg3[%add3A_1522, %squeeze3A_1491, %multiple_of3A_1520] : memref<576x192x192xf32, #tpu.memory_space<hbm>> -> memref<1x1x16xf32, #tpu.memory_space<hbm>>
    %dma_start3A_1530 = tpu.memref_squeeze %dma_start3A_1529 : memref<1x1x16xf32, #tpu.memory_space<hbm>> -> memref<16xf32, #tpu.memory_space<hbm>>
    tpu.enqueue_dma source(%dma_start3A_1530 : memref<16xf32, #tpu.memory_space<hbm>>) target(%dma_start3A_1528 : memref<16xf32, #tpu.memory_space<vmem>>) target_semaphore(%arg8 : memref<!tpu.dma_semaphore, #tpu.memory_space<semaphore_mem>>)
    %add3A_1531 = arith.constant 192 : i32
    %add3A_1532 = arith.addi %add3A_1531, %squeeze3A_1489 : i32
    %dma_start3A_1533 = arith.constant 880 : i32
    %dma_start3A_1534 = tpu.memref_slice %arg6[%dma_start3A_1533] : memref<1536xf32, #tpu.memory_space<vmem>> -> memref<16xf32, #tpu.memory_space<vmem>>
    %dma_start3A_1535 = tpu.memref_slice %arg3[%add3A_1532, %squeeze3A_1491, %multiple_of3A_1520] : memref<576x192x192xf32, #tpu.memory_space<hbm>> -> memref<1x1x16xf32, #tpu.memory_space<hbm>>
    %dma_start3A_1536 = tpu.memref_squeeze %dma_start3A_1535 : memref<1x1x16xf32, #tpu.memory_space<hbm>> -> memref<16xf32, #tpu.memory_space<hbm>>
    %dma_start3A_1537 = arith.constant 880 : i32
    %dma_start3A_1538 = tpu.memref_slice %arg6[%dma_start3A_1537] : memref<1536xf32, #tpu.memory_space<vmem>> -> memref<16xf32, #tpu.memory_space<vmem>>
    %dma_start3A_1539 = tpu.memref_slice %arg3[%add3A_1532, %squeeze3A_1491, %multiple_of3A_1520] : memref<576x192x192xf32, #tpu.memory_space<hbm>> -> memref<1x1x16xf32, #tpu.memory_space<hbm>>
    %dma_start3A_1540 = tpu.memref_squeeze %dma_start3A_1539 : memref<1x1x16xf32, #tpu.memory_space<hbm>> -> memref<16xf32, #tpu.memory_space<hbm>>
    tpu.enqueue_dma source(%dma_start3A_1540 : memref<16xf32, #tpu.memory_space<hbm>>) target(%dma_start3A_1538 : memref<16xf32, #tpu.memory_space<vmem>>) target_semaphore(%arg8 : memref<!tpu.dma_semaphore, #tpu.memory_space<semaphore_mem>>)
    %add3A_1541 = arith.constant 384 : i32
    %add3A_1542 = arith.addi %add3A_1541, %squeeze3A_1489 : i32
    %dma_start3A_1543 = arith.constant 1392 : i32
    %dma_start3A_1544 = tpu.memref_slice %arg6[%dma_start3A_1543] : memref<1536xf32, #tpu.memory_space<vmem>> -> memref<16xf32, #tpu.memory_space<vmem>>
    %dma_start3A_1545 = tpu.memref_slice %arg3[%add3A_1542, %squeeze3A_1491, %multiple_of3A_1520] : memref<576x192x192xf32, #tpu.memory_space<hbm>> -> memref<1x1x16xf32, #tpu.memory_space<hbm>>
    %dma_start3A_1546 = tpu.memref_squeeze %dma_start3A_1545 : memref<1x1x16xf32, #tpu.memory_space<hbm>> -> memref<16xf32, #tpu.memory_space<hbm>>
    %dma_start3A_1547 = arith.constant 1392 : i32
    %dma_start3A_1548 = tpu.memref_slice %arg6[%dma_start3A_1547] : memref<1536xf32, #tpu.memory_space<vmem>> -> memref<16xf32, #tpu.memory_space<vmem>>
    %dma_start3A_1549 = tpu.memref_slice %arg3[%add3A_1542, %squeeze3A_1491, %multiple_of3A_1520] : memref<576x192x192xf32, #tpu.memory_space<hbm>> -> memref<1x1x16xf32, #tpu.memory_space<hbm>>
    %dma_start3A_1550 = tpu.memref_squeeze %dma_start3A_1549 : memref<1x1x16xf32, #tpu.memory_space<hbm>> -> memref<16xf32, #tpu.memory_space<hbm>>
    tpu.enqueue_dma source(%dma_start3A_1550 : memref<16xf32, #tpu.memory_space<hbm>>) target(%dma_start3A_1548 : memref<16xf32, #tpu.memory_space<vmem>>) target_semaphore(%arg8 : memref<!tpu.dma_semaphore, #tpu.memory_space<semaphore_mem>>)
    %slice3A_1551 = vector.extract_strided_slice %min3A_16 {offsets = [8], sizes = [1], strides = [1]} : vector<16xi32> to vector<1xi32>
    %squeeze3A_1552 = vector.extract %slice3A_1551[0] : i32 from vector<1xi32>
    %slice3A_1553 = vector.extract_strided_slice %min3A_32 {offsets = [8], sizes = [1], strides = [1]} : vector<16xi32> to vector<1xi32>
    %squeeze3A_1554 = vector.extract %slice3A_1553[0] : i32 from vector<1xi32>
    %slice3A_1555 = vector.extract_strided_slice %min3A_48 {offsets = [8], sizes = [1], strides = [1]} : vector<16xi32> to vector<1xi32>
    %squeeze3A_1556 = vector.extract %slice3A_1555[0] : i32 from vector<1xi32>
    %jit3A_1557 = arith.constant 16 : i32
    %div3A_1558 = arith.divsi %squeeze3A_1556, %jit3A_1557 : i32
    %sign3A_1559 = arith.constant 0 : i32
    %sign3A_1560 = arith.cmpi sgt, %squeeze3A_1556, %sign3A_1559 : i32
    %sign3A_1561 = arith.extui %sign3A_1560 : i1 to i32
    %sign3A_1562 = arith.constant 0 : i32
    %sign3A_1563 = arith.cmpi slt, %squeeze3A_1556, %sign3A_1562 : i32
    %sign3A_1564 = arith.extui %sign3A_1563 : i1 to i32
    %sign3A_1565 = arith.subi %sign3A_1561, %sign3A_1564 : i32
    %sign3A_1566 = arith.constant 0 : i32
    %sign3A_1567 = arith.cmpi sgt, %jit3A_1557, %sign3A_1566 : i32
    %sign3A_1568 = arith.extui %sign3A_1567 : i1 to i32
    %sign3A_1569 = arith.constant 0 : i32
    %sign3A_1570 = arith.cmpi slt, %jit3A_1557, %sign3A_1569 : i32
    %sign3A_1571 = arith.extui %sign3A_1570 : i1 to i32
    %sign3A_1572 = arith.subi %sign3A_1568, %sign3A_1571 : i32
    %ne3A_1573 = arith.cmpi ne, %sign3A_1565, %sign3A_1572 : i32
    %rem3A_1574 = arith.remsi %squeeze3A_1556, %jit3A_1557 : i32
    %ne3A_1575 = arith.constant 0 : i32
    %ne3A_1576 = arith.cmpi ne, %rem3A_1574, %ne3A_1575 : i32
    %and3A_1577 = arith.andi %ne3A_1573, %ne3A_1576 : i1
    %sub3A_1578 = arith.constant 1 : i32
    %sub3A_1579 = arith.subi %div3A_1558, %sub3A_1578 : i32
    %select_n3A_1580 = arith.select %and3A_1577, %sub3A_1579, %div3A_1558 : i32
    %mul3A_1581 = arith.constant 16 : i32
    %mul3A_1582 = arith.muli %select_n3A_1580, %mul3A_1581 : i32
    %multiple_of3A_1583 = tpu.assume_multiple %mul3A_1582, 16 : i32
    %add3A_1584 = arith.constant 0 : i32
    %add3A_1585 = arith.addi %add3A_1584, %squeeze3A_1552 : i32
    %dma_start3A_1586 = arith.constant 384 : i32
    %dma_start3A_1587 = tpu.memref_slice %arg6[%dma_start3A_1586] : memref<1536xf32, #tpu.memory_space<vmem>> -> memref<16xf32, #tpu.memory_space<vmem>>
    %dma_start3A_1588 = tpu.memref_slice %arg3[%add3A_1585, %squeeze3A_1554, %multiple_of3A_1583] : memref<576x192x192xf32, #tpu.memory_space<hbm>> -> memref<1x1x16xf32, #tpu.memory_space<hbm>>
    %dma_start3A_1589 = tpu.memref_squeeze %dma_start3A_1588 : memref<1x1x16xf32, #tpu.memory_space<hbm>> -> memref<16xf32, #tpu.memory_space<hbm>>
    %dma_start3A_1590 = arith.constant 384 : i32
    %dma_start3A_1591 = tpu.memref_slice %arg6[%dma_start3A_1590] : memref<1536xf32, #tpu.memory_space<vmem>> -> memref<16xf32, #tpu.memory_space<vmem>>
    %dma_start3A_1592 = tpu.memref_slice %arg3[%add3A_1585, %squeeze3A_1554, %multiple_of3A_1583] : memref<576x192x192xf32, #tpu.memory_space<hbm>> -> memref<1x1x16xf32, #tpu.memory_space<hbm>>
    %dma_start3A_1593 = tpu.memref_squeeze %dma_start3A_1592 : memref<1x1x16xf32, #tpu.memory_space<hbm>> -> memref<16xf32, #tpu.memory_space<hbm>>
    tpu.enqueue_dma source(%dma_start3A_1593 : memref<16xf32, #tpu.memory_space<hbm>>) target(%dma_start3A_1591 : memref<16xf32, #tpu.memory_space<vmem>>) target_semaphore(%arg8 : memref<!tpu.dma_semaphore, #tpu.memory_space<semaphore_mem>>)
    %add3A_1594 = arith.constant 192 : i32
    %add3A_1595 = arith.addi %add3A_1594, %squeeze3A_1552 : i32
    %dma_start3A_1596 = arith.constant 896 : i32
    %dma_start3A_1597 = tpu.memref_slice %arg6[%dma_start3A_1596] : memref<1536xf32, #tpu.memory_space<vmem>> -> memref<16xf32, #tpu.memory_space<vmem>>
    %dma_start3A_1598 = tpu.memref_slice %arg3[%add3A_1595, %squeeze3A_1554, %multiple_of3A_1583] : memref<576x192x192xf32, #tpu.memory_space<hbm>> -> memref<1x1x16xf32, #tpu.memory_space<hbm>>
    %dma_start3A_1599 = tpu.memref_squeeze %dma_start3A_1598 : memref<1x1x16xf32, #tpu.memory_space<hbm>> -> memref<16xf32, #tpu.memory_space<hbm>>
    %dma_start3A_1600 = arith.constant 896 : i32
    %dma_start3A_1601 = tpu.memref_slice %arg6[%dma_start3A_1600] : memref<1536xf32, #tpu.memory_space<vmem>> -> memref<16xf32, #tpu.memory_space<vmem>>
    %dma_start3A_1602 = tpu.memref_slice %arg3[%add3A_1595, %squeeze3A_1554, %multiple_of3A_1583] : memref<576x192x192xf32, #tpu.memory_space<hbm>> -> memref<1x1x16xf32, #tpu.memory_space<hbm>>
    %dma_start3A_1603 = tpu.memref_squeeze %dma_start3A_1602 : memref<1x1x16xf32, #tpu.memory_space<hbm>> -> memref<16xf32, #tpu.memory_space<hbm>>
    tpu.enqueue_dma source(%dma_start3A_1603 : memref<16xf32, #tpu.memory_space<hbm>>) target(%dma_start3A_1601 : memref<16xf32, #tpu.memory_space<vmem>>) target_semaphore(%arg8 : memref<!tpu.dma_semaphore, #tpu.memory_space<semaphore_mem>>)
    %add3A_1604 = arith.constant 384 : i32
    %add3A_1605 = arith.addi %add3A_1604, %squeeze3A_1552 : i32
    %dma_start3A_1606 = arith.constant 1408 : i32
    %dma_start3A_1607 = tpu.memref_slice %arg6[%dma_start3A_1606] : memref<1536xf32, #tpu.memory_space<vmem>> -> memref<16xf32, #tpu.memory_space<vmem>>
    %dma_start3A_1608 = tpu.memref_slice %arg3[%add3A_1605, %squeeze3A_1554, %multiple_of3A_1583] : memref<576x192x192xf32, #tpu.memory_space<hbm>> -> memref<1x1x16xf32, #tpu.memory_space<hbm>>
    %dma_start3A_1609 = tpu.memref_squeeze %dma_start3A_1608 : memref<1x1x16xf32, #tpu.memory_space<hbm>> -> memref<16xf32, #tpu.memory_space<hbm>>
    %dma_start3A_1610 = arith.constant 1408 : i32
    %dma_start3A_1611 = tpu.memref_slice %arg6[%dma_start3A_1610] : memref<1536xf32, #tpu.memory_space<vmem>> -> memref<16xf32, #tpu.memory_space<vmem>>
    %dma_start3A_1612 = tpu.memref_slice %arg3[%add3A_1605, %squeeze3A_1554, %multiple_of3A_1583] : memref<576x192x192xf32, #tpu.memory_space<hbm>> -> memref<1x1x16xf32, #tpu.memory_space<hbm>>
    %dma_start3A_1613 = tpu.memref_squeeze %dma_start3A_1612 : memref<1x1x16xf32, #tpu.memory_space<hbm>> -> memref<16xf32, #tpu.memory_space<hbm>>
    tpu.enqueue_dma source(%dma_start3A_1613 : memref<16xf32, #tpu.memory_space<hbm>>) target(%dma_start3A_1611 : memref<16xf32, #tpu.memory_space<vmem>>) target_semaphore(%arg8 : memref<!tpu.dma_semaphore, #tpu.memory_space<semaphore_mem>>)
    %slice3A_1614 = vector.extract_strided_slice %min3A_16 {offsets = [9], sizes = [1], strides = [1]} : vector<16xi32> to vector<1xi32>
    %squeeze3A_1615 = vector.extract %slice3A_1614[0] : i32 from vector<1xi32>
    %slice3A_1616 = vector.extract_strided_slice %min3A_32 {offsets = [9], sizes = [1], strides = [1]} : vector<16xi32> to vector<1xi32>
    %squeeze3A_1617 = vector.extract %slice3A_1616[0] : i32 from vector<1xi32>
    %slice3A_1618 = vector.extract_strided_slice %min3A_48 {offsets = [9], sizes = [1], strides = [1]} : vector<16xi32> to vector<1xi32>
    %squeeze3A_1619 = vector.extract %slice3A_1618[0] : i32 from vector<1xi32>
    %jit3A_1620 = arith.constant 16 : i32
    %div3A_1621 = arith.divsi %squeeze3A_1619, %jit3A_1620 : i32
    %sign3A_1622 = arith.constant 0 : i32
    %sign3A_1623 = arith.cmpi sgt, %squeeze3A_1619, %sign3A_1622 : i32
    %sign3A_1624 = arith.extui %sign3A_1623 : i1 to i32
    %sign3A_1625 = arith.constant 0 : i32
    %sign3A_1626 = arith.cmpi slt, %squeeze3A_1619, %sign3A_1625 : i32
    %sign3A_1627 = arith.extui %sign3A_1626 : i1 to i32
    %sign3A_1628 = arith.subi %sign3A_1624, %sign3A_1627 : i32
    %sign3A_1629 = arith.constant 0 : i32
    %sign3A_1630 = arith.cmpi sgt, %jit3A_1620, %sign3A_1629 : i32
    %sign3A_1631 = arith.extui %sign3A_1630 : i1 to i32
    %sign3A_1632 = arith.constant 0 : i32
    %sign3A_1633 = arith.cmpi slt, %jit3A_1620, %sign3A_1632 : i32
    %sign3A_1634 = arith.extui %sign3A_1633 : i1 to i32
    %sign3A_1635 = arith.subi %sign3A_1631, %sign3A_1634 : i32
    %ne3A_1636 = arith.cmpi ne, %sign3A_1628, %sign3A_1635 : i32
    %rem3A_1637 = arith.remsi %squeeze3A_1619, %jit3A_1620 : i32
    %ne3A_1638 = arith.constant 0 : i32
    %ne3A_1639 = arith.cmpi ne, %rem3A_1637, %ne3A_1638 : i32
    %and3A_1640 = arith.andi %ne3A_1636, %ne3A_1639 : i1
    %sub3A_1641 = arith.constant 1 : i32
    %sub3A_1642 = arith.subi %div3A_1621, %sub3A_1641 : i32
    %select_n3A_1643 = arith.select %and3A_1640, %sub3A_1642, %div3A_1621 : i32
    %mul3A_1644 = arith.constant 16 : i32
    %mul3A_1645 = arith.muli %select_n3A_1643, %mul3A_1644 : i32
    %multiple_of3A_1646 = tpu.assume_multiple %mul3A_1645, 16 : i32
    %add3A_1647 = arith.constant 0 : i32
    %add3A_1648 = arith.addi %add3A_1647, %squeeze3A_1615 : i32
    %dma_start3A_1649 = arith.constant 400 : i32
    %dma_start3A_1650 = tpu.memref_slice %arg6[%dma_start3A_1649] : memref<1536xf32, #tpu.memory_space<vmem>> -> memref<16xf32, #tpu.memory_space<vmem>>
    %dma_start3A_1651 = tpu.memref_slice %arg3[%add3A_1648, %squeeze3A_1617, %multiple_of3A_1646] : memref<576x192x192xf32, #tpu.memory_space<hbm>> -> memref<1x1x16xf32, #tpu.memory_space<hbm>>
    %dma_start3A_1652 = tpu.memref_squeeze %dma_start3A_1651 : memref<1x1x16xf32, #tpu.memory_space<hbm>> -> memref<16xf32, #tpu.memory_space<hbm>>
    %dma_start3A_1653 = arith.constant 400 : i32
    %dma_start3A_1654 = tpu.memref_slice %arg6[%dma_start3A_1653] : memref<1536xf32, #tpu.memory_space<vmem>> -> memref<16xf32, #tpu.memory_space<vmem>>
    %dma_start3A_1655 = tpu.memref_slice %arg3[%add3A_1648, %squeeze3A_1617, %multiple_of3A_1646] : memref<576x192x192xf32, #tpu.memory_space<hbm>> -> memref<1x1x16xf32, #tpu.memory_space<hbm>>
    %dma_start3A_1656 = tpu.memref_squeeze %dma_start3A_1655 : memref<1x1x16xf32, #tpu.memory_space<hbm>> -> memref<16xf32, #tpu.memory_space<hbm>>
    tpu.enqueue_dma source(%dma_start3A_1656 : memref<16xf32, #tpu.memory_space<hbm>>) target(%dma_start3A_1654 : memref<16xf32, #tpu.memory_space<vmem>>) target_semaphore(%arg8 : memref<!tpu.dma_semaphore, #tpu.memory_space<semaphore_mem>>)
    %add3A_1657 = arith.constant 192 : i32
    %add3A_1658 = arith.addi %add3A_1657, %squeeze3A_1615 : i32
    %dma_start3A_1659 = arith.constant 912 : i32
    %dma_start3A_1660 = tpu.memref_slice %arg6[%dma_start3A_1659] : memref<1536xf32, #tpu.memory_space<vmem>> -> memref<16xf32, #tpu.memory_space<vmem>>
    %dma_start3A_1661 = tpu.memref_slice %arg3[%add3A_1658, %squeeze3A_1617, %multiple_of3A_1646] : memref<576x192x192xf32, #tpu.memory_space<hbm>> -> memref<1x1x16xf32, #tpu.memory_space<hbm>>
    %dma_start3A_1662 = tpu.memref_squeeze %dma_start3A_1661 : memref<1x1x16xf32, #tpu.memory_space<hbm>> -> memref<16xf32, #tpu.memory_space<hbm>>
    %dma_start3A_1663 = arith.constant 912 : i32
    %dma_start3A_1664 = tpu.memref_slice %arg6[%dma_start3A_1663] : memref<1536xf32, #tpu.memory_space<vmem>> -> memref<16xf32, #tpu.memory_space<vmem>>
    %dma_start3A_1665 = tpu.memref_slice %arg3[%add3A_1658, %squeeze3A_1617, %multiple_of3A_1646] : memref<576x192x192xf32, #tpu.memory_space<hbm>> -> memref<1x1x16xf32, #tpu.memory_space<hbm>>
    %dma_start3A_1666 = tpu.memref_squeeze %dma_start3A_1665 : memref<1x1x16xf32, #tpu.memory_space<hbm>> -> memref<16xf32, #tpu.memory_space<hbm>>
    tpu.enqueue_dma source(%dma_start3A_1666 : memref<16xf32, #tpu.memory_space<hbm>>) target(%dma_start3A_1664 : memref<16xf32, #tpu.memory_space<vmem>>) target_semaphore(%arg8 : memref<!tpu.dma_semaphore, #tpu.memory_space<semaphore_mem>>)
    %add3A_1667 = arith.constant 384 : i32
    %add3A_1668 = arith.addi %add3A_1667, %squeeze3A_1615 : i32
    %dma_start3A_1669 = arith.constant 1424 : i32
    %dma_start3A_1670 = tpu.memref_slice %arg6[%dma_start3A_1669] : memref<1536xf32, #tpu.memory_space<vmem>> -> memref<16xf32, #tpu.memory_space<vmem>>
    %dma_start3A_1671 = tpu.memref_slice %arg3[%add3A_1668, %squeeze3A_1617, %multiple_of3A_1646] : memref<576x192x192xf32, #tpu.memory_space<hbm>> -> memref<1x1x16xf32, #tpu.memory_space<hbm>>
    %dma_start3A_1672 = tpu.memref_squeeze %dma_start3A_1671 : memref<1x1x16xf32, #tpu.memory_space<hbm>> -> memref<16xf32, #tpu.memory_space<hbm>>
    %dma_start3A_1673 = arith.constant 1424 : i32
    %dma_start3A_1674 = tpu.memref_slice %arg6[%dma_start3A_1673] : memref<1536xf32, #tpu.memory_space<vmem>> -> memref<16xf32, #tpu.memory_space<vmem>>
    %dma_start3A_1675 = tpu.memref_slice %arg3[%add3A_1668, %squeeze3A_1617, %multiple_of3A_1646] : memref<576x192x192xf32, #tpu.memory_space<hbm>> -> memref<1x1x16xf32, #tpu.memory_space<hbm>>
    %dma_start3A_1676 = tpu.memref_squeeze %dma_start3A_1675 : memref<1x1x16xf32, #tpu.memory_space<hbm>> -> memref<16xf32, #tpu.memory_space<hbm>>
    tpu.enqueue_dma source(%dma_start3A_1676 : memref<16xf32, #tpu.memory_space<hbm>>) target(%dma_start3A_1674 : memref<16xf32, #tpu.memory_space<vmem>>) target_semaphore(%arg8 : memref<!tpu.dma_semaphore, #tpu.memory_space<semaphore_mem>>)
    %slice3A_1677 = vector.extract_strided_slice %min3A_16 {offsets = [10], sizes = [1], strides = [1]} : vector<16xi32> to vector<1xi32>
    %squeeze3A_1678 = vector.extract %slice3A_1677[0] : i32 from vector<1xi32>
    %slice3A_1679 = vector.extract_strided_slice %min3A_32 {offsets = [10], sizes = [1], strides = [1]} : vector<16xi32> to vector<1xi32>
    %squeeze3A_1680 = vector.extract %slice3A_1679[0] : i32 from vector<1xi32>
    %slice3A_1681 = vector.extract_strided_slice %min3A_48 {offsets = [10], sizes = [1], strides = [1]} : vector<16xi32> to vector<1xi32>
    %squeeze3A_1682 = vector.extract %slice3A_1681[0] : i32 from vector<1xi32>
    %jit3A_1683 = arith.constant 16 : i32
    %div3A_1684 = arith.divsi %squeeze3A_1682, %jit3A_1683 : i32
    %sign3A_1685 = arith.constant 0 : i32
    %sign3A_1686 = arith.cmpi sgt, %squeeze3A_1682, %sign3A_1685 : i32
    %sign3A_1687 = arith.extui %sign3A_1686 : i1 to i32
    %sign3A_1688 = arith.constant 0 : i32
    %sign3A_1689 = arith.cmpi slt, %squeeze3A_1682, %sign3A_1688 : i32
    %sign3A_1690 = arith.extui %sign3A_1689 : i1 to i32
    %sign3A_1691 = arith.subi %sign3A_1687, %sign3A_1690 : i32
    %sign3A_1692 = arith.constant 0 : i32
    %sign3A_1693 = arith.cmpi sgt, %jit3A_1683, %sign3A_1692 : i32
    %sign3A_1694 = arith.extui %sign3A_1693 : i1 to i32
    %sign3A_1695 = arith.constant 0 : i32
    %sign3A_1696 = arith.cmpi slt, %jit3A_1683, %sign3A_1695 : i32
    %sign3A_1697 = arith.extui %sign3A_1696 : i1 to i32
    %sign3A_1698 = arith.subi %sign3A_1694, %sign3A_1697 : i32
    %ne3A_1699 = arith.cmpi ne, %sign3A_1691, %sign3A_1698 : i32
    %rem3A_1700 = arith.remsi %squeeze3A_1682, %jit3A_1683 : i32
    %ne3A_1701 = arith.constant 0 : i32
    %ne3A_1702 = arith.cmpi ne, %rem3A_1700, %ne3A_1701 : i32
    %and3A_1703 = arith.andi %ne3A_1699, %ne3A_1702 : i1
    %sub3A_1704 = arith.constant 1 : i32
    %sub3A_1705 = arith.subi %div3A_1684, %sub3A_1704 : i32
    %select_n3A_1706 = arith.select %and3A_1703, %sub3A_1705, %div3A_1684 : i32
    %mul3A_1707 = arith.constant 16 : i32
    %mul3A_1708 = arith.muli %select_n3A_1706, %mul3A_1707 : i32
    %multiple_of3A_1709 = tpu.assume_multiple %mul3A_1708, 16 : i32
    %add3A_1710 = arith.constant 0 : i32
    %add3A_1711 = arith.addi %add3A_1710, %squeeze3A_1678 : i32
    %dma_start3A_1712 = arith.constant 416 : i32
    %dma_start3A_1713 = tpu.memref_slice %arg6[%dma_start3A_1712] : memref<1536xf32, #tpu.memory_space<vmem>> -> memref<16xf32, #tpu.memory_space<vmem>>
    %dma_start3A_1714 = tpu.memref_slice %arg3[%add3A_1711, %squeeze3A_1680, %multiple_of3A_1709] : memref<576x192x192xf32, #tpu.memory_space<hbm>> -> memref<1x1x16xf32, #tpu.memory_space<hbm>>
    %dma_start3A_1715 = tpu.memref_squeeze %dma_start3A_1714 : memref<1x1x16xf32, #tpu.memory_space<hbm>> -> memref<16xf32, #tpu.memory_space<hbm>>
    %dma_start3A_1716 = arith.constant 416 : i32
    %dma_start3A_1717 = tpu.memref_slice %arg6[%dma_start3A_1716] : memref<1536xf32, #tpu.memory_space<vmem>> -> memref<16xf32, #tpu.memory_space<vmem>>
    %dma_start3A_1718 = tpu.memref_slice %arg3[%add3A_1711, %squeeze3A_1680, %multiple_of3A_1709] : memref<576x192x192xf32, #tpu.memory_space<hbm>> -> memref<1x1x16xf32, #tpu.memory_space<hbm>>
    %dma_start3A_1719 = tpu.memref_squeeze %dma_start3A_1718 : memref<1x1x16xf32, #tpu.memory_space<hbm>> -> memref<16xf32, #tpu.memory_space<hbm>>
    tpu.enqueue_dma source(%dma_start3A_1719 : memref<16xf32, #tpu.memory_space<hbm>>) target(%dma_start3A_1717 : memref<16xf32, #tpu.memory_space<vmem>>) target_semaphore(%arg8 : memref<!tpu.dma_semaphore, #tpu.memory_space<semaphore_mem>>)
    %add3A_1720 = arith.constant 192 : i32
    %add3A_1721 = arith.addi %add3A_1720, %squeeze3A_1678 : i32
    %dma_start3A_1722 = arith.constant 928 : i32
    %dma_start3A_1723 = tpu.memref_slice %arg6[%dma_start3A_1722] : memref<1536xf32, #tpu.memory_space<vmem>> -> memref<16xf32, #tpu.memory_space<vmem>>
    %dma_start3A_1724 = tpu.memref_slice %arg3[%add3A_1721, %squeeze3A_1680, %multiple_of3A_1709] : memref<576x192x192xf32, #tpu.memory_space<hbm>> -> memref<1x1x16xf32, #tpu.memory_space<hbm>>
    %dma_start3A_1725 = tpu.memref_squeeze %dma_start3A_1724 : memref<1x1x16xf32, #tpu.memory_space<hbm>> -> memref<16xf32, #tpu.memory_space<hbm>>
    %dma_start3A_1726 = arith.constant 928 : i32
    %dma_start3A_1727 = tpu.memref_slice %arg6[%dma_start3A_1726] : memref<1536xf32, #tpu.memory_space<vmem>> -> memref<16xf32, #tpu.memory_space<vmem>>
    %dma_start3A_1728 = tpu.memref_slice %arg3[%add3A_1721, %squeeze3A_1680, %multiple_of3A_1709] : memref<576x192x192xf32, #tpu.memory_space<hbm>> -> memref<1x1x16xf32, #tpu.memory_space<hbm>>
    %dma_start3A_1729 = tpu.memref_squeeze %dma_start3A_1728 : memref<1x1x16xf32, #tpu.memory_space<hbm>> -> memref<16xf32, #tpu.memory_space<hbm>>
    tpu.enqueue_dma source(%dma_start3A_1729 : memref<16xf32, #tpu.memory_space<hbm>>) target(%dma_start3A_1727 : memref<16xf32, #tpu.memory_space<vmem>>) target_semaphore(%arg8 : memref<!tpu.dma_semaphore, #tpu.memory_space<semaphore_mem>>)
    %add3A_1730 = arith.constant 384 : i32
    %add3A_1731 = arith.addi %add3A_1730, %squeeze3A_1678 : i32
    %dma_start3A_1732 = arith.constant 1440 : i32
    %dma_start3A_1733 = tpu.memref_slice %arg6[%dma_start3A_1732] : memref<1536xf32, #tpu.memory_space<vmem>> -> memref<16xf32, #tpu.memory_space<vmem>>
    %dma_start3A_1734 = tpu.memref_slice %arg3[%add3A_1731, %squeeze3A_1680, %multiple_of3A_1709] : memref<576x192x192xf32, #tpu.memory_space<hbm>> -> memref<1x1x16xf32, #tpu.memory_space<hbm>>
    %dma_start3A_1735 = tpu.memref_squeeze %dma_start3A_1734 : memref<1x1x16xf32, #tpu.memory_space<hbm>> -> memref<16xf32, #tpu.memory_space<hbm>>
    %dma_start3A_1736 = arith.constant 1440 : i32
    %dma_start3A_1737 = tpu.memref_slice %arg6[%dma_start3A_1736] : memref<1536xf32, #tpu.memory_space<vmem>> -> memref<16xf32, #tpu.memory_space<vmem>>
    %dma_start3A_1738 = tpu.memref_slice %arg3[%add3A_1731, %squeeze3A_1680, %multiple_of3A_1709] : memref<576x192x192xf32, #tpu.memory_space<hbm>> -> memref<1x1x16xf32, #tpu.memory_space<hbm>>
    %dma_start3A_1739 = tpu.memref_squeeze %dma_start3A_1738 : memref<1x1x16xf32, #tpu.memory_space<hbm>> -> memref<16xf32, #tpu.memory_space<hbm>>
    tpu.enqueue_dma source(%dma_start3A_1739 : memref<16xf32, #tpu.memory_space<hbm>>) target(%dma_start3A_1737 : memref<16xf32, #tpu.memory_space<vmem>>) target_semaphore(%arg8 : memref<!tpu.dma_semaphore, #tpu.memory_space<semaphore_mem>>)
    %slice3A_1740 = vector.extract_strided_slice %min3A_16 {offsets = [11], sizes = [1], strides = [1]} : vector<16xi32> to vector<1xi32>
    %squeeze3A_1741 = vector.extract %slice3A_1740[0] : i32 from vector<1xi32>
    %slice3A_1742 = vector.extract_strided_slice %min3A_32 {offsets = [11], sizes = [1], strides = [1]} : vector<16xi32> to vector<1xi32>
    %squeeze3A_1743 = vector.extract %slice3A_1742[0] : i32 from vector<1xi32>
    %slice3A_1744 = vector.extract_strided_slice %min3A_48 {offsets = [11], sizes = [1], strides = [1]} : vector<16xi32> to vector<1xi32>
    %squeeze3A_1745 = vector.extract %slice3A_1744[0] : i32 from vector<1xi32>
    %jit3A_1746 = arith.constant 16 : i32
    %div3A_1747 = arith.divsi %squeeze3A_1745, %jit3A_1746 : i32
    %sign3A_1748 = arith.constant 0 : i32
    %sign3A_1749 = arith.cmpi sgt, %squeeze3A_1745, %sign3A_1748 : i32
    %sign3A_1750 = arith.extui %sign3A_1749 : i1 to i32
    %sign3A_1751 = arith.constant 0 : i32
    %sign3A_1752 = arith.cmpi slt, %squeeze3A_1745, %sign3A_1751 : i32
    %sign3A_1753 = arith.extui %sign3A_1752 : i1 to i32
    %sign3A_1754 = arith.subi %sign3A_1750, %sign3A_1753 : i32
    %sign3A_1755 = arith.constant 0 : i32
    %sign3A_1756 = arith.cmpi sgt, %jit3A_1746, %sign3A_1755 : i32
    %sign3A_1757 = arith.extui %sign3A_1756 : i1 to i32
    %sign3A_1758 = arith.constant 0 : i32
    %sign3A_1759 = arith.cmpi slt, %jit3A_1746, %sign3A_1758 : i32
    %sign3A_1760 = arith.extui %sign3A_1759 : i1 to i32
    %sign3A_1761 = arith.subi %sign3A_1757, %sign3A_1760 : i32
    %ne3A_1762 = arith.cmpi ne, %sign3A_1754, %sign3A_1761 : i32
    %rem3A_1763 = arith.remsi %squeeze3A_1745, %jit3A_1746 : i32
    %ne3A_1764 = arith.constant 0 : i32
    %ne3A_1765 = arith.cmpi ne, %rem3A_1763, %ne3A_1764 : i32
    %and3A_1766 = arith.andi %ne3A_1762, %ne3A_1765 : i1
    %sub3A_1767 = arith.constant 1 : i32
    %sub3A_1768 = arith.subi %div3A_1747, %sub3A_1767 : i32
    %select_n3A_1769 = arith.select %and3A_1766, %sub3A_1768, %div3A_1747 : i32
    %mul3A_1770 = arith.constant 16 : i32
    %mul3A_1771 = arith.muli %select_n3A_1769, %mul3A_1770 : i32
    %multiple_of3A_1772 = tpu.assume_multiple %mul3A_1771, 16 : i32
    %add3A_1773 = arith.constant 0 : i32
    %add3A_1774 = arith.addi %add3A_1773, %squeeze3A_1741 : i32
    %dma_start3A_1775 = arith.constant 432 : i32
    %dma_start3A_1776 = tpu.memref_slice %arg6[%dma_start3A_1775] : memref<1536xf32, #tpu.memory_space<vmem>> -> memref<16xf32, #tpu.memory_space<vmem>>
    %dma_start3A_1777 = tpu.memref_slice %arg3[%add3A_1774, %squeeze3A_1743, %multiple_of3A_1772] : memref<576x192x192xf32, #tpu.memory_space<hbm>> -> memref<1x1x16xf32, #tpu.memory_space<hbm>>
    %dma_start3A_1778 = tpu.memref_squeeze %dma_start3A_1777 : memref<1x1x16xf32, #tpu.memory_space<hbm>> -> memref<16xf32, #tpu.memory_space<hbm>>
    %dma_start3A_1779 = arith.constant 432 : i32
    %dma_start3A_1780 = tpu.memref_slice %arg6[%dma_start3A_1779] : memref<1536xf32, #tpu.memory_space<vmem>> -> memref<16xf32, #tpu.memory_space<vmem>>
    %dma_start3A_1781 = tpu.memref_slice %arg3[%add3A_1774, %squeeze3A_1743, %multiple_of3A_1772] : memref<576x192x192xf32, #tpu.memory_space<hbm>> -> memref<1x1x16xf32, #tpu.memory_space<hbm>>
    %dma_start3A_1782 = tpu.memref_squeeze %dma_start3A_1781 : memref<1x1x16xf32, #tpu.memory_space<hbm>> -> memref<16xf32, #tpu.memory_space<hbm>>
    tpu.enqueue_dma source(%dma_start3A_1782 : memref<16xf32, #tpu.memory_space<hbm>>) target(%dma_start3A_1780 : memref<16xf32, #tpu.memory_space<vmem>>) target_semaphore(%arg8 : memref<!tpu.dma_semaphore, #tpu.memory_space<semaphore_mem>>)
    %add3A_1783 = arith.constant 192 : i32
    %add3A_1784 = arith.addi %add3A_1783, %squeeze3A_1741 : i32
    %dma_start3A_1785 = arith.constant 944 : i32
    %dma_start3A_1786 = tpu.memref_slice %arg6[%dma_start3A_1785] : memref<1536xf32, #tpu.memory_space<vmem>> -> memref<16xf32, #tpu.memory_space<vmem>>
    %dma_start3A_1787 = tpu.memref_slice %arg3[%add3A_1784, %squeeze3A_1743, %multiple_of3A_1772] : memref<576x192x192xf32, #tpu.memory_space<hbm>> -> memref<1x1x16xf32, #tpu.memory_space<hbm>>
    %dma_start3A_1788 = tpu.memref_squeeze %dma_start3A_1787 : memref<1x1x16xf32, #tpu.memory_space<hbm>> -> memref<16xf32, #tpu.memory_space<hbm>>
    %dma_start3A_1789 = arith.constant 944 : i32
    %dma_start3A_1790 = tpu.memref_slice %arg6[%dma_start3A_1789] : memref<1536xf32, #tpu.memory_space<vmem>> -> memref<16xf32, #tpu.memory_space<vmem>>
    %dma_start3A_1791 = tpu.memref_slice %arg3[%add3A_1784, %squeeze3A_1743, %multiple_of3A_1772] : memref<576x192x192xf32, #tpu.memory_space<hbm>> -> memref<1x1x16xf32, #tpu.memory_space<hbm>>
    %dma_start3A_1792 = tpu.memref_squeeze %dma_start3A_1791 : memref<1x1x16xf32, #tpu.memory_space<hbm>> -> memref<16xf32, #tpu.memory_space<hbm>>
    tpu.enqueue_dma source(%dma_start3A_1792 : memref<16xf32, #tpu.memory_space<hbm>>) target(%dma_start3A_1790 : memref<16xf32, #tpu.memory_space<vmem>>) target_semaphore(%arg8 : memref<!tpu.dma_semaphore, #tpu.memory_space<semaphore_mem>>)
    %add3A_1793 = arith.constant 384 : i32
    %add3A_1794 = arith.addi %add3A_1793, %squeeze3A_1741 : i32
    %dma_start3A_1795 = arith.constant 1456 : i32
    %dma_start3A_1796 = tpu.memref_slice %arg6[%dma_start3A_1795] : memref<1536xf32, #tpu.memory_space<vmem>> -> memref<16xf32, #tpu.memory_space<vmem>>
    %dma_start3A_1797 = tpu.memref_slice %arg3[%add3A_1794, %squeeze3A_1743, %multiple_of3A_1772] : memref<576x192x192xf32, #tpu.memory_space<hbm>> -> memref<1x1x16xf32, #tpu.memory_space<hbm>>
    %dma_start3A_1798 = tpu.memref_squeeze %dma_start3A_1797 : memref<1x1x16xf32, #tpu.memory_space<hbm>> -> memref<16xf32, #tpu.memory_space<hbm>>
    %dma_start3A_1799 = arith.constant 1456 : i32
    %dma_start3A_1800 = tpu.memref_slice %arg6[%dma_start3A_1799] : memref<1536xf32, #tpu.memory_space<vmem>> -> memref<16xf32, #tpu.memory_space<vmem>>
    %dma_start3A_1801 = tpu.memref_slice %arg3[%add3A_1794, %squeeze3A_1743, %multiple_of3A_1772] : memref<576x192x192xf32, #tpu.memory_space<hbm>> -> memref<1x1x16xf32, #tpu.memory_space<hbm>>
    %dma_start3A_1802 = tpu.memref_squeeze %dma_start3A_1801 : memref<1x1x16xf32, #tpu.memory_space<hbm>> -> memref<16xf32, #tpu.memory_space<hbm>>
    tpu.enqueue_dma source(%dma_start3A_1802 : memref<16xf32, #tpu.memory_space<hbm>>) target(%dma_start3A_1800 : memref<16xf32, #tpu.memory_space<vmem>>) target_semaphore(%arg8 : memref<!tpu.dma_semaphore, #tpu.memory_space<semaphore_mem>>)
    %slice3A_1803 = vector.extract_strided_slice %min3A_16 {offsets = [12], sizes = [1], strides = [1]} : vector<16xi32> to vector<1xi32>
    %squeeze3A_1804 = vector.extract %slice3A_1803[0] : i32 from vector<1xi32>
    %slice3A_1805 = vector.extract_strided_slice %min3A_32 {offsets = [12], sizes = [1], strides = [1]} : vector<16xi32> to vector<1xi32>
    %squeeze3A_1806 = vector.extract %slice3A_1805[0] : i32 from vector<1xi32>
    %slice3A_1807 = vector.extract_strided_slice %min3A_48 {offsets = [12], sizes = [1], strides = [1]} : vector<16xi32> to vector<1xi32>
    %squeeze3A_1808 = vector.extract %slice3A_1807[0] : i32 from vector<1xi32>
    %jit3A_1809 = arith.constant 16 : i32
    %div3A_1810 = arith.divsi %squeeze3A_1808, %jit3A_1809 : i32
    %sign3A_1811 = arith.constant 0 : i32
    %sign3A_1812 = arith.cmpi sgt, %squeeze3A_1808, %sign3A_1811 : i32
    %sign3A_1813 = arith.extui %sign3A_1812 : i1 to i32
    %sign3A_1814 = arith.constant 0 : i32
    %sign3A_1815 = arith.cmpi slt, %squeeze3A_1808, %sign3A_1814 : i32
    %sign3A_1816 = arith.extui %sign3A_1815 : i1 to i32
    %sign3A_1817 = arith.subi %sign3A_1813, %sign3A_1816 : i32
    %sign3A_1818 = arith.constant 0 : i32
    %sign3A_1819 = arith.cmpi sgt, %jit3A_1809, %sign3A_1818 : i32
    %sign3A_1820 = arith.extui %sign3A_1819 : i1 to i32
    %sign3A_1821 = arith.constant 0 : i32
    %sign3A_1822 = arith.cmpi slt, %jit3A_1809, %sign3A_1821 : i32
    %sign3A_1823 = arith.extui %sign3A_1822 : i1 to i32
    %sign3A_1824 = arith.subi %sign3A_1820, %sign3A_1823 : i32
    %ne3A_1825 = arith.cmpi ne, %sign3A_1817, %sign3A_1824 : i32
    %rem3A_1826 = arith.remsi %squeeze3A_1808, %jit3A_1809 : i32
    %ne3A_1827 = arith.constant 0 : i32
    %ne3A_1828 = arith.cmpi ne, %rem3A_1826, %ne3A_1827 : i32
    %and3A_1829 = arith.andi %ne3A_1825, %ne3A_1828 : i1
    %sub3A_1830 = arith.constant 1 : i32
    %sub3A_1831 = arith.subi %div3A_1810, %sub3A_1830 : i32
    %select_n3A_1832 = arith.select %and3A_1829, %sub3A_1831, %div3A_1810 : i32
    %mul3A_1833 = arith.constant 16 : i32
    %mul3A_1834 = arith.muli %select_n3A_1832, %mul3A_1833 : i32
    %multiple_of3A_1835 = tpu.assume_multiple %mul3A_1834, 16 : i32
    %add3A_1836 = arith.constant 0 : i32
    %add3A_1837 = arith.addi %add3A_1836, %squeeze3A_1804 : i32
    %dma_start3A_1838 = arith.constant 448 : i32
    %dma_start3A_1839 = tpu.memref_slice %arg6[%dma_start3A_1838] : memref<1536xf32, #tpu.memory_space<vmem>> -> memref<16xf32, #tpu.memory_space<vmem>>
    %dma_start3A_1840 = tpu.memref_slice %arg3[%add3A_1837, %squeeze3A_1806, %multiple_of3A_1835] : memref<576x192x192xf32, #tpu.memory_space<hbm>> -> memref<1x1x16xf32, #tpu.memory_space<hbm>>
    %dma_start3A_1841 = tpu.memref_squeeze %dma_start3A_1840 : memref<1x1x16xf32, #tpu.memory_space<hbm>> -> memref<16xf32, #tpu.memory_space<hbm>>
    %dma_start3A_1842 = arith.constant 448 : i32
    %dma_start3A_1843 = tpu.memref_slice %arg6[%dma_start3A_1842] : memref<1536xf32, #tpu.memory_space<vmem>> -> memref<16xf32, #tpu.memory_space<vmem>>
    %dma_start3A_1844 = tpu.memref_slice %arg3[%add3A_1837, %squeeze3A_1806, %multiple_of3A_1835] : memref<576x192x192xf32, #tpu.memory_space<hbm>> -> memref<1x1x16xf32, #tpu.memory_space<hbm>>
    %dma_start3A_1845 = tpu.memref_squeeze %dma_start3A_1844 : memref<1x1x16xf32, #tpu.memory_space<hbm>> -> memref<16xf32, #tpu.memory_space<hbm>>
    tpu.enqueue_dma source(%dma_start3A_1845 : memref<16xf32, #tpu.memory_space<hbm>>) target(%dma_start3A_1843 : memref<16xf32, #tpu.memory_space<vmem>>) target_semaphore(%arg8 : memref<!tpu.dma_semaphore, #tpu.memory_space<semaphore_mem>>)
    %add3A_1846 = arith.constant 192 : i32
    %add3A_1847 = arith.addi %add3A_1846, %squeeze3A_1804 : i32
    %dma_start3A_1848 = arith.constant 960 : i32
    %dma_start3A_1849 = tpu.memref_slice %arg6[%dma_start3A_1848] : memref<1536xf32, #tpu.memory_space<vmem>> -> memref<16xf32, #tpu.memory_space<vmem>>
    %dma_start3A_1850 = tpu.memref_slice %arg3[%add3A_1847, %squeeze3A_1806, %multiple_of3A_1835] : memref<576x192x192xf32, #tpu.memory_space<hbm>> -> memref<1x1x16xf32, #tpu.memory_space<hbm>>
    %dma_start3A_1851 = tpu.memref_squeeze %dma_start3A_1850 : memref<1x1x16xf32, #tpu.memory_space<hbm>> -> memref<16xf32, #tpu.memory_space<hbm>>
    %dma_start3A_1852 = arith.constant 960 : i32
    %dma_start3A_1853 = tpu.memref_slice %arg6[%dma_start3A_1852] : memref<1536xf32, #tpu.memory_space<vmem>> -> memref<16xf32, #tpu.memory_space<vmem>>
    %dma_start3A_1854 = tpu.memref_slice %arg3[%add3A_1847, %squeeze3A_1806, %multiple_of3A_1835] : memref<576x192x192xf32, #tpu.memory_space<hbm>> -> memref<1x1x16xf32, #tpu.memory_space<hbm>>
    %dma_start3A_1855 = tpu.memref_squeeze %dma_start3A_1854 : memref<1x1x16xf32, #tpu.memory_space<hbm>> -> memref<16xf32, #tpu.memory_space<hbm>>
    tpu.enqueue_dma source(%dma_start3A_1855 : memref<16xf32, #tpu.memory_space<hbm>>) target(%dma_start3A_1853 : memref<16xf32, #tpu.memory_space<vmem>>) target_semaphore(%arg8 : memref<!tpu.dma_semaphore, #tpu.memory_space<semaphore_mem>>)
    %add3A_1856 = arith.constant 384 : i32
    %add3A_1857 = arith.addi %add3A_1856, %squeeze3A_1804 : i32
    %dma_start3A_1858 = arith.constant 1472 : i32
    %dma_start3A_1859 = tpu.memref_slice %arg6[%dma_start3A_1858] : memref<1536xf32, #tpu.memory_space<vmem>> -> memref<16xf32, #tpu.memory_space<vmem>>
    %dma_start3A_1860 = tpu.memref_slice %arg3[%add3A_1857, %squeeze3A_1806, %multiple_of3A_1835] : memref<576x192x192xf32, #tpu.memory_space<hbm>> -> memref<1x1x16xf32, #tpu.memory_space<hbm>>
    %dma_start3A_1861 = tpu.memref_squeeze %dma_start3A_1860 : memref<1x1x16xf32, #tpu.memory_space<hbm>> -> memref<16xf32, #tpu.memory_space<hbm>>
    %dma_start3A_1862 = arith.constant 1472 : i32
    %dma_start3A_1863 = tpu.memref_slice %arg6[%dma_start3A_1862] : memref<1536xf32, #tpu.memory_space<vmem>> -> memref<16xf32, #tpu.memory_space<vmem>>
    %dma_start3A_1864 = tpu.memref_slice %arg3[%add3A_1857, %squeeze3A_1806, %multiple_of3A_1835] : memref<576x192x192xf32, #tpu.memory_space<hbm>> -> memref<1x1x16xf32, #tpu.memory_space<hbm>>
    %dma_start3A_1865 = tpu.memref_squeeze %dma_start3A_1864 : memref<1x1x16xf32, #tpu.memory_space<hbm>> -> memref<16xf32, #tpu.memory_space<hbm>>
    tpu.enqueue_dma source(%dma_start3A_1865 : memref<16xf32, #tpu.memory_space<hbm>>) target(%dma_start3A_1863 : memref<16xf32, #tpu.memory_space<vmem>>) target_semaphore(%arg8 : memref<!tpu.dma_semaphore, #tpu.memory_space<semaphore_mem>>)
    %slice3A_1866 = vector.extract_strided_slice %min3A_16 {offsets = [13], sizes = [1], strides = [1]} : vector<16xi32> to vector<1xi32>
    %squeeze3A_1867 = vector.extract %slice3A_1866[0] : i32 from vector<1xi32>
    %slice3A_1868 = vector.extract_strided_slice %min3A_32 {offsets = [13], sizes = [1], strides = [1]} : vector<16xi32> to vector<1xi32>
    %squeeze3A_1869 = vector.extract %slice3A_1868[0] : i32 from vector<1xi32>
    %slice3A_1870 = vector.extract_strided_slice %min3A_48 {offsets = [13], sizes = [1], strides = [1]} : vector<16xi32> to vector<1xi32>
    %squeeze3A_1871 = vector.extract %slice3A_1870[0] : i32 from vector<1xi32>
    %jit3A_1872 = arith.constant 16 : i32
    %div3A_1873 = arith.divsi %squeeze3A_1871, %jit3A_1872 : i32
    %sign3A_1874 = arith.constant 0 : i32
    %sign3A_1875 = arith.cmpi sgt, %squeeze3A_1871, %sign3A_1874 : i32
    %sign3A_1876 = arith.extui %sign3A_1875 : i1 to i32
    %sign3A_1877 = arith.constant 0 : i32
    %sign3A_1878 = arith.cmpi slt, %squeeze3A_1871, %sign3A_1877 : i32
    %sign3A_1879 = arith.extui %sign3A_1878 : i1 to i32
    %sign3A_1880 = arith.subi %sign3A_1876, %sign3A_1879 : i32
    %sign3A_1881 = arith.constant 0 : i32
    %sign3A_1882 = arith.cmpi sgt, %jit3A_1872, %sign3A_1881 : i32
    %sign3A_1883 = arith.extui %sign3A_1882 : i1 to i32
    %sign3A_1884 = arith.constant 0 : i32
    %sign3A_1885 = arith.cmpi slt, %jit3A_1872, %sign3A_1884 : i32
    %sign3A_1886 = arith.extui %sign3A_1885 : i1 to i32
    %sign3A_1887 = arith.subi %sign3A_1883, %sign3A_1886 : i32
    %ne3A_1888 = arith.cmpi ne, %sign3A_1880, %sign3A_1887 : i32
    %rem3A_1889 = arith.remsi %squeeze3A_1871, %jit3A_1872 : i32
    %ne3A_1890 = arith.constant 0 : i32
    %ne3A_1891 = arith.cmpi ne, %rem3A_1889, %ne3A_1890 : i32
    %and3A_1892 = arith.andi %ne3A_1888, %ne3A_1891 : i1
    %sub3A_1893 = arith.constant 1 : i32
    %sub3A_1894 = arith.subi %div3A_1873, %sub3A_1893 : i32
    %select_n3A_1895 = arith.select %and3A_1892, %sub3A_1894, %div3A_1873 : i32
    %mul3A_1896 = arith.constant 16 : i32
    %mul3A_1897 = arith.muli %select_n3A_1895, %mul3A_1896 : i32
    %multiple_of3A_1898 = tpu.assume_multiple %mul3A_1897, 16 : i32
    %add3A_1899 = arith.constant 0 : i32
    %add3A_1900 = arith.addi %add3A_1899, %squeeze3A_1867 : i32
    %dma_start3A_1901 = arith.constant 464 : i32
    %dma_start3A_1902 = tpu.memref_slice %arg6[%dma_start3A_1901] : memref<1536xf32, #tpu.memory_space<vmem>> -> memref<16xf32, #tpu.memory_space<vmem>>
    %dma_start3A_1903 = tpu.memref_slice %arg3[%add3A_1900, %squeeze3A_1869, %multiple_of3A_1898] : memref<576x192x192xf32, #tpu.memory_space<hbm>> -> memref<1x1x16xf32, #tpu.memory_space<hbm>>
    %dma_start3A_1904 = tpu.memref_squeeze %dma_start3A_1903 : memref<1x1x16xf32, #tpu.memory_space<hbm>> -> memref<16xf32, #tpu.memory_space<hbm>>
    %dma_start3A_1905 = arith.constant 464 : i32
    %dma_start3A_1906 = tpu.memref_slice %arg6[%dma_start3A_1905] : memref<1536xf32, #tpu.memory_space<vmem>> -> memref<16xf32, #tpu.memory_space<vmem>>
    %dma_start3A_1907 = tpu.memref_slice %arg3[%add3A_1900, %squeeze3A_1869, %multiple_of3A_1898] : memref<576x192x192xf32, #tpu.memory_space<hbm>> -> memref<1x1x16xf32, #tpu.memory_space<hbm>>
    %dma_start3A_1908 = tpu.memref_squeeze %dma_start3A_1907 : memref<1x1x16xf32, #tpu.memory_space<hbm>> -> memref<16xf32, #tpu.memory_space<hbm>>
    tpu.enqueue_dma source(%dma_start3A_1908 : memref<16xf32, #tpu.memory_space<hbm>>) target(%dma_start3A_1906 : memref<16xf32, #tpu.memory_space<vmem>>) target_semaphore(%arg8 : memref<!tpu.dma_semaphore, #tpu.memory_space<semaphore_mem>>)
    %add3A_1909 = arith.constant 192 : i32
    %add3A_1910 = arith.addi %add3A_1909, %squeeze3A_1867 : i32
    %dma_start3A_1911 = arith.constant 976 : i32
    %dma_start3A_1912 = tpu.memref_slice %arg6[%dma_start3A_1911] : memref<1536xf32, #tpu.memory_space<vmem>> -> memref<16xf32, #tpu.memory_space<vmem>>
    %dma_start3A_1913 = tpu.memref_slice %arg3[%add3A_1910, %squeeze3A_1869, %multiple_of3A_1898] : memref<576x192x192xf32, #tpu.memory_space<hbm>> -> memref<1x1x16xf32, #tpu.memory_space<hbm>>
    %dma_start3A_1914 = tpu.memref_squeeze %dma_start3A_1913 : memref<1x1x16xf32, #tpu.memory_space<hbm>> -> memref<16xf32, #tpu.memory_space<hbm>>
    %dma_start3A_1915 = arith.constant 976 : i32
    %dma_start3A_1916 = tpu.memref_slice %arg6[%dma_start3A_1915] : memref<1536xf32, #tpu.memory_space<vmem>> -> memref<16xf32, #tpu.memory_space<vmem>>
    %dma_start3A_1917 = tpu.memref_slice %arg3[%add3A_1910, %squeeze3A_1869, %multiple_of3A_1898] : memref<576x192x192xf32, #tpu.memory_space<hbm>> -> memref<1x1x16xf32, #tpu.memory_space<hbm>>
    %dma_start3A_1918 = tpu.memref_squeeze %dma_start3A_1917 : memref<1x1x16xf32, #tpu.memory_space<hbm>> -> memref<16xf32, #tpu.memory_space<hbm>>
    tpu.enqueue_dma source(%dma_start3A_1918 : memref<16xf32, #tpu.memory_space<hbm>>) target(%dma_start3A_1916 : memref<16xf32, #tpu.memory_space<vmem>>) target_semaphore(%arg8 : memref<!tpu.dma_semaphore, #tpu.memory_space<semaphore_mem>>)
    %add3A_1919 = arith.constant 384 : i32
    %add3A_1920 = arith.addi %add3A_1919, %squeeze3A_1867 : i32
    %dma_start3A_1921 = arith.constant 1488 : i32
    %dma_start3A_1922 = tpu.memref_slice %arg6[%dma_start3A_1921] : memref<1536xf32, #tpu.memory_space<vmem>> -> memref<16xf32, #tpu.memory_space<vmem>>
    %dma_start3A_1923 = tpu.memref_slice %arg3[%add3A_1920, %squeeze3A_1869, %multiple_of3A_1898] : memref<576x192x192xf32, #tpu.memory_space<hbm>> -> memref<1x1x16xf32, #tpu.memory_space<hbm>>
    %dma_start3A_1924 = tpu.memref_squeeze %dma_start3A_1923 : memref<1x1x16xf32, #tpu.memory_space<hbm>> -> memref<16xf32, #tpu.memory_space<hbm>>
    %dma_start3A_1925 = arith.constant 1488 : i32
    %dma_start3A_1926 = tpu.memref_slice %arg6[%dma_start3A_1925] : memref<1536xf32, #tpu.memory_space<vmem>> -> memref<16xf32, #tpu.memory_space<vmem>>
    %dma_start3A_1927 = tpu.memref_slice %arg3[%add3A_1920, %squeeze3A_1869, %multiple_of3A_1898] : memref<576x192x192xf32, #tpu.memory_space<hbm>> -> memref<1x1x16xf32, #tpu.memory_space<hbm>>
    %dma_start3A_1928 = tpu.memref_squeeze %dma_start3A_1927 : memref<1x1x16xf32, #tpu.memory_space<hbm>> -> memref<16xf32, #tpu.memory_space<hbm>>
    tpu.enqueue_dma source(%dma_start3A_1928 : memref<16xf32, #tpu.memory_space<hbm>>) target(%dma_start3A_1926 : memref<16xf32, #tpu.memory_space<vmem>>) target_semaphore(%arg8 : memref<!tpu.dma_semaphore, #tpu.memory_space<semaphore_mem>>)
    %slice3A_1929 = vector.extract_strided_slice %min3A_16 {offsets = [14], sizes = [1], strides = [1]} : vector<16xi32> to vector<1xi32>
    %squeeze3A_1930 = vector.extract %slice3A_1929[0] : i32 from vector<1xi32>
    %slice3A_1931 = vector.extract_strided_slice %min3A_32 {offsets = [14], sizes = [1], strides = [1]} : vector<16xi32> to vector<1xi32>
    %squeeze3A_1932 = vector.extract %slice3A_1931[0] : i32 from vector<1xi32>
    %slice3A_1933 = vector.extract_strided_slice %min3A_48 {offsets = [14], sizes = [1], strides = [1]} : vector<16xi32> to vector<1xi32>
    %squeeze3A_1934 = vector.extract %slice3A_1933[0] : i32 from vector<1xi32>
    %jit3A_1935 = arith.constant 16 : i32
    %div3A_1936 = arith.divsi %squeeze3A_1934, %jit3A_1935 : i32
    %sign3A_1937 = arith.constant 0 : i32
    %sign3A_1938 = arith.cmpi sgt, %squeeze3A_1934, %sign3A_1937 : i32
    %sign3A_1939 = arith.extui %sign3A_1938 : i1 to i32
    %sign3A_1940 = arith.constant 0 : i32
    %sign3A_1941 = arith.cmpi slt, %squeeze3A_1934, %sign3A_1940 : i32
    %sign3A_1942 = arith.extui %sign3A_1941 : i1 to i32
    %sign3A_1943 = arith.subi %sign3A_1939, %sign3A_1942 : i32
    %sign3A_1944 = arith.constant 0 : i32
    %sign3A_1945 = arith.cmpi sgt, %jit3A_1935, %sign3A_1944 : i32
    %sign3A_1946 = arith.extui %sign3A_1945 : i1 to i32
    %sign3A_1947 = arith.constant 0 : i32
    %sign3A_1948 = arith.cmpi slt, %jit3A_1935, %sign3A_1947 : i32
    %sign3A_1949 = arith.extui %sign3A_1948 : i1 to i32
    %sign3A_1950 = arith.subi %sign3A_1946, %sign3A_1949 : i32
    %ne3A_1951 = arith.cmpi ne, %sign3A_1943, %sign3A_1950 : i32
    %rem3A_1952 = arith.remsi %squeeze3A_1934, %jit3A_1935 : i32
    %ne3A_1953 = arith.constant 0 : i32
    %ne3A_1954 = arith.cmpi ne, %rem3A_1952, %ne3A_1953 : i32
    %and3A_1955 = arith.andi %ne3A_1951, %ne3A_1954 : i1
    %sub3A_1956 = arith.constant 1 : i32
    %sub3A_1957 = arith.subi %div3A_1936, %sub3A_1956 : i32
    %select_n3A_1958 = arith.select %and3A_1955, %sub3A_1957, %div3A_1936 : i32
    %mul3A_1959 = arith.constant 16 : i32
    %mul3A_1960 = arith.muli %select_n3A_1958, %mul3A_1959 : i32
    %multiple_of3A_1961 = tpu.assume_multiple %mul3A_1960, 16 : i32
    %add3A_1962 = arith.constant 0 : i32
    %add3A_1963 = arith.addi %add3A_1962, %squeeze3A_1930 : i32
    %dma_start3A_1964 = arith.constant 480 : i32
    %dma_start3A_1965 = tpu.memref_slice %arg6[%dma_start3A_1964] : memref<1536xf32, #tpu.memory_space<vmem>> -> memref<16xf32, #tpu.memory_space<vmem>>
    %dma_start3A_1966 = tpu.memref_slice %arg3[%add3A_1963, %squeeze3A_1932, %multiple_of3A_1961] : memref<576x192x192xf32, #tpu.memory_space<hbm>> -> memref<1x1x16xf32, #tpu.memory_space<hbm>>
    %dma_start3A_1967 = tpu.memref_squeeze %dma_start3A_1966 : memref<1x1x16xf32, #tpu.memory_space<hbm>> -> memref<16xf32, #tpu.memory_space<hbm>>
    %dma_start3A_1968 = arith.constant 480 : i32
    %dma_start3A_1969 = tpu.memref_slice %arg6[%dma_start3A_1968] : memref<1536xf32, #tpu.memory_space<vmem>> -> memref<16xf32, #tpu.memory_space<vmem>>
    %dma_start3A_1970 = tpu.memref_slice %arg3[%add3A_1963, %squeeze3A_1932, %multiple_of3A_1961] : memref<576x192x192xf32, #tpu.memory_space<hbm>> -> memref<1x1x16xf32, #tpu.memory_space<hbm>>
    %dma_start3A_1971 = tpu.memref_squeeze %dma_start3A_1970 : memref<1x1x16xf32, #tpu.memory_space<hbm>> -> memref<16xf32, #tpu.memory_space<hbm>>
    tpu.enqueue_dma source(%dma_start3A_1971 : memref<16xf32, #tpu.memory_space<hbm>>) target(%dma_start3A_1969 : memref<16xf32, #tpu.memory_space<vmem>>) target_semaphore(%arg8 : memref<!tpu.dma_semaphore, #tpu.memory_space<semaphore_mem>>)
    %add3A_1972 = arith.constant 192 : i32
    %add3A_1973 = arith.addi %add3A_1972, %squeeze3A_1930 : i32
    %dma_start3A_1974 = arith.constant 992 : i32
    %dma_start3A_1975 = tpu.memref_slice %arg6[%dma_start3A_1974] : memref<1536xf32, #tpu.memory_space<vmem>> -> memref<16xf32, #tpu.memory_space<vmem>>
    %dma_start3A_1976 = tpu.memref_slice %arg3[%add3A_1973, %squeeze3A_1932, %multiple_of3A_1961] : memref<576x192x192xf32, #tpu.memory_space<hbm>> -> memref<1x1x16xf32, #tpu.memory_space<hbm>>
    %dma_start3A_1977 = tpu.memref_squeeze %dma_start3A_1976 : memref<1x1x16xf32, #tpu.memory_space<hbm>> -> memref<16xf32, #tpu.memory_space<hbm>>
    %dma_start3A_1978 = arith.constant 992 : i32
    %dma_start3A_1979 = tpu.memref_slice %arg6[%dma_start3A_1978] : memref<1536xf32, #tpu.memory_space<vmem>> -> memref<16xf32, #tpu.memory_space<vmem>>
    %dma_start3A_1980 = tpu.memref_slice %arg3[%add3A_1973, %squeeze3A_1932, %multiple_of3A_1961] : memref<576x192x192xf32, #tpu.memory_space<hbm>> -> memref<1x1x16xf32, #tpu.memory_space<hbm>>
    %dma_start3A_1981 = tpu.memref_squeeze %dma_start3A_1980 : memref<1x1x16xf32, #tpu.memory_space<hbm>> -> memref<16xf32, #tpu.memory_space<hbm>>
    tpu.enqueue_dma source(%dma_start3A_1981 : memref<16xf32, #tpu.memory_space<hbm>>) target(%dma_start3A_1979 : memref<16xf32, #tpu.memory_space<vmem>>) target_semaphore(%arg8 : memref<!tpu.dma_semaphore, #tpu.memory_space<semaphore_mem>>)
    %add3A_1982 = arith.constant 384 : i32
    %add3A_1983 = arith.addi %add3A_1982, %squeeze3A_1930 : i32
    %dma_start3A_1984 = arith.constant 1504 : i32
    %dma_start3A_1985 = tpu.memref_slice %arg6[%dma_start3A_1984] : memref<1536xf32, #tpu.memory_space<vmem>> -> memref<16xf32, #tpu.memory_space<vmem>>
    %dma_start3A_1986 = tpu.memref_slice %arg3[%add3A_1983, %squeeze3A_1932, %multiple_of3A_1961] : memref<576x192x192xf32, #tpu.memory_space<hbm>> -> memref<1x1x16xf32, #tpu.memory_space<hbm>>
    %dma_start3A_1987 = tpu.memref_squeeze %dma_start3A_1986 : memref<1x1x16xf32, #tpu.memory_space<hbm>> -> memref<16xf32, #tpu.memory_space<hbm>>
    %dma_start3A_1988 = arith.constant 1504 : i32
    %dma_start3A_1989 = tpu.memref_slice %arg6[%dma_start3A_1988] : memref<1536xf32, #tpu.memory_space<vmem>> -> memref<16xf32, #tpu.memory_space<vmem>>
    %dma_start3A_1990 = tpu.memref_slice %arg3[%add3A_1983, %squeeze3A_1932, %multiple_of3A_1961] : memref<576x192x192xf32, #tpu.memory_space<hbm>> -> memref<1x1x16xf32, #tpu.memory_space<hbm>>
    %dma_start3A_1991 = tpu.memref_squeeze %dma_start3A_1990 : memref<1x1x16xf32, #tpu.memory_space<hbm>> -> memref<16xf32, #tpu.memory_space<hbm>>
    tpu.enqueue_dma source(%dma_start3A_1991 : memref<16xf32, #tpu.memory_space<hbm>>) target(%dma_start3A_1989 : memref<16xf32, #tpu.memory_space<vmem>>) target_semaphore(%arg8 : memref<!tpu.dma_semaphore, #tpu.memory_space<semaphore_mem>>)
    %slice3A_1992 = vector.extract_strided_slice %min3A_16 {offsets = [15], sizes = [1], strides = [1]} : vector<16xi32> to vector<1xi32>
    %squeeze3A_1993 = vector.extract %slice3A_1992[0] : i32 from vector<1xi32>
    %slice3A_1994 = vector.extract_strided_slice %min3A_32 {offsets = [15], sizes = [1], strides = [1]} : vector<16xi32> to vector<1xi32>
    %squeeze3A_1995 = vector.extract %slice3A_1994[0] : i32 from vector<1xi32>
    %slice3A_1996 = vector.extract_strided_slice %min3A_48 {offsets = [15], sizes = [1], strides = [1]} : vector<16xi32> to vector<1xi32>
    %squeeze3A_1997 = vector.extract %slice3A_1996[0] : i32 from vector<1xi32>
    %jit3A_1998 = arith.constant 16 : i32
    %div3A_1999 = arith.divsi %squeeze3A_1997, %jit3A_1998 : i32
    %sign3A_2000 = arith.constant 0 : i32
    %sign3A_2001 = arith.cmpi sgt, %squeeze3A_1997, %sign3A_2000 : i32
    %sign3A_2002 = arith.extui %sign3A_2001 : i1 to i32
    %sign3A_2003 = arith.constant 0 : i32
    %sign3A_2004 = arith.cmpi slt, %squeeze3A_1997, %sign3A_2003 : i32
    %sign3A_2005 = arith.extui %sign3A_2004 : i1 to i32
    %sign3A_2006 = arith.subi %sign3A_2002, %sign3A_2005 : i32
    %sign3A_2007 = arith.constant 0 : i32
    %sign3A_2008 = arith.cmpi sgt, %jit3A_1998, %sign3A_2007 : i32
    %sign3A_2009 = arith.extui %sign3A_2008 : i1 to i32
    %sign3A_2010 = arith.constant 0 : i32
    %sign3A_2011 = arith.cmpi slt, %jit3A_1998, %sign3A_2010 : i32
    %sign3A_2012 = arith.extui %sign3A_2011 : i1 to i32
    %sign3A_2013 = arith.subi %sign3A_2009, %sign3A_2012 : i32
    %ne3A_2014 = arith.cmpi ne, %sign3A_2006, %sign3A_2013 : i32
    %rem3A_2015 = arith.remsi %squeeze3A_1997, %jit3A_1998 : i32
    %ne3A_2016 = arith.constant 0 : i32
    %ne3A_2017 = arith.cmpi ne, %rem3A_2015, %ne3A_2016 : i32
    %and3A_2018 = arith.andi %ne3A_2014, %ne3A_2017 : i1
    %sub3A_2019 = arith.constant 1 : i32
    %sub3A_2020 = arith.subi %div3A_1999, %sub3A_2019 : i32
    %select_n3A_2021 = arith.select %and3A_2018, %sub3A_2020, %div3A_1999 : i32
    %mul3A_2022 = arith.constant 16 : i32
    %mul3A_2023 = arith.muli %select_n3A_2021, %mul3A_2022 : i32
    %multiple_of3A_2024 = tpu.assume_multiple %mul3A_2023, 16 : i32
    %add3A_2025 = arith.constant 0 : i32
    %add3A_2026 = arith.addi %add3A_2025, %squeeze3A_1993 : i32
    %dma_start3A_2027 = arith.constant 496 : i32
    %dma_start3A_2028 = tpu.memref_slice %arg6[%dma_start3A_2027] : memref<1536xf32, #tpu.memory_space<vmem>> -> memref<16xf32, #tpu.memory_space<vmem>>
    %dma_start3A_2029 = tpu.memref_slice %arg3[%add3A_2026, %squeeze3A_1995, %multiple_of3A_2024] : memref<576x192x192xf32, #tpu.memory_space<hbm>> -> memref<1x1x16xf32, #tpu.memory_space<hbm>>
    %dma_start3A_2030 = tpu.memref_squeeze %dma_start3A_2029 : memref<1x1x16xf32, #tpu.memory_space<hbm>> -> memref<16xf32, #tpu.memory_space<hbm>>
    %dma_start3A_2031 = arith.constant 496 : i32
    %dma_start3A_2032 = tpu.memref_slice %arg6[%dma_start3A_2031] : memref<1536xf32, #tpu.memory_space<vmem>> -> memref<16xf32, #tpu.memory_space<vmem>>
    %dma_start3A_2033 = tpu.memref_slice %arg3[%add3A_2026, %squeeze3A_1995, %multiple_of3A_2024] : memref<576x192x192xf32, #tpu.memory_space<hbm>> -> memref<1x1x16xf32, #tpu.memory_space<hbm>>
    %dma_start3A_2034 = tpu.memref_squeeze %dma_start3A_2033 : memref<1x1x16xf32, #tpu.memory_space<hbm>> -> memref<16xf32, #tpu.memory_space<hbm>>
    tpu.enqueue_dma source(%dma_start3A_2034 : memref<16xf32, #tpu.memory_space<hbm>>) target(%dma_start3A_2032 : memref<16xf32, #tpu.memory_space<vmem>>) target_semaphore(%arg8 : memref<!tpu.dma_semaphore, #tpu.memory_space<semaphore_mem>>)
    %add3A_2035 = arith.constant 192 : i32
    %add3A_2036 = arith.addi %add3A_2035, %squeeze3A_1993 : i32
    %dma_start3A_2037 = arith.constant 1008 : i32
    %dma_start3A_2038 = tpu.memref_slice %arg6[%dma_start3A_2037] : memref<1536xf32, #tpu.memory_space<vmem>> -> memref<16xf32, #tpu.memory_space<vmem>>
    %dma_start3A_2039 = tpu.memref_slice %arg3[%add3A_2036, %squeeze3A_1995, %multiple_of3A_2024] : memref<576x192x192xf32, #tpu.memory_space<hbm>> -> memref<1x1x16xf32, #tpu.memory_space<hbm>>
    %dma_start3A_2040 = tpu.memref_squeeze %dma_start3A_2039 : memref<1x1x16xf32, #tpu.memory_space<hbm>> -> memref<16xf32, #tpu.memory_space<hbm>>
    %dma_start3A_2041 = arith.constant 1008 : i32
    %dma_start3A_2042 = tpu.memref_slice %arg6[%dma_start3A_2041] : memref<1536xf32, #tpu.memory_space<vmem>> -> memref<16xf32, #tpu.memory_space<vmem>>
    %dma_start3A_2043 = tpu.memref_slice %arg3[%add3A_2036, %squeeze3A_1995, %multiple_of3A_2024] : memref<576x192x192xf32, #tpu.memory_space<hbm>> -> memref<1x1x16xf32, #tpu.memory_space<hbm>>
    %dma_start3A_2044 = tpu.memref_squeeze %dma_start3A_2043 : memref<1x1x16xf32, #tpu.memory_space<hbm>> -> memref<16xf32, #tpu.memory_space<hbm>>
    tpu.enqueue_dma source(%dma_start3A_2044 : memref<16xf32, #tpu.memory_space<hbm>>) target(%dma_start3A_2042 : memref<16xf32, #tpu.memory_space<vmem>>) target_semaphore(%arg8 : memref<!tpu.dma_semaphore, #tpu.memory_space<semaphore_mem>>)
    %add3A_2045 = arith.constant 384 : i32
    %add3A_2046 = arith.addi %add3A_2045, %squeeze3A_1993 : i32
    %dma_start3A_2047 = arith.constant 1520 : i32
    %dma_start3A_2048 = tpu.memref_slice %arg6[%dma_start3A_2047] : memref<1536xf32, #tpu.memory_space<vmem>> -> memref<16xf32, #tpu.memory_space<vmem>>
    %dma_start3A_2049 = tpu.memref_slice %arg3[%add3A_2046, %squeeze3A_1995, %multiple_of3A_2024] : memref<576x192x192xf32, #tpu.memory_space<hbm>> -> memref<1x1x16xf32, #tpu.memory_space<hbm>>
    %dma_start3A_2050 = tpu.memref_squeeze %dma_start3A_2049 : memref<1x1x16xf32, #tpu.memory_space<hbm>> -> memref<16xf32, #tpu.memory_space<hbm>>
    %dma_start3A_2051 = arith.constant 1520 : i32
    %dma_start3A_2052 = tpu.memref_slice %arg6[%dma_start3A_2051] : memref<1536xf32, #tpu.memory_space<vmem>> -> memref<16xf32, #tpu.memory_space<vmem>>
    %dma_start3A_2053 = tpu.memref_slice %arg3[%add3A_2046, %squeeze3A_1995, %multiple_of3A_2024] : memref<576x192x192xf32, #tpu.memory_space<hbm>> -> memref<1x1x16xf32, #tpu.memory_space<hbm>>
    %dma_start3A_2054 = tpu.memref_squeeze %dma_start3A_2053 : memref<1x1x16xf32, #tpu.memory_space<hbm>> -> memref<16xf32, #tpu.memory_space<hbm>>
    tpu.enqueue_dma source(%dma_start3A_2054 : memref<16xf32, #tpu.memory_space<hbm>>) target(%dma_start3A_2052 : memref<16xf32, #tpu.memory_space<vmem>>) target_semaphore(%arg8 : memref<!tpu.dma_semaphore, #tpu.memory_space<semaphore_mem>>)
    %dma_wait3A = arith.constant 0 : i32
    %dma_wait3A_2055 = tpu.memref_slice %arg6[%dma_wait3A] : memref<1536xf32, #tpu.memory_space<vmem>> -> memref<16xf32, #tpu.memory_space<vmem>>
    %dma_wait3A_2056 = tpu.memref_slice %arg3[%add3A_74, %squeeze3A_50, %multiple_of3A] : memref<576x192x192xf32, #tpu.memory_space<hbm>> -> memref<1x1x16xf32, #tpu.memory_space<hbm>>
    %dma_wait3A_2057 = tpu.memref_squeeze %dma_wait3A_2056 : memref<1x1x16xf32, #tpu.memory_space<hbm>> -> memref<16xf32, #tpu.memory_space<hbm>>
    %dma_wait3A_2058 = arith.constant 0 : i32
    %dma_wait3A_2059 = tpu.memref_slice %arg6[%dma_wait3A_2058] : memref<1536xf32, #tpu.memory_space<vmem>> -> memref<16xf32, #tpu.memory_space<vmem>>
    %dma_wait3A_2060 = tpu.memref_slice %arg3[%add3A_74, %squeeze3A_50, %multiple_of3A] : memref<576x192x192xf32, #tpu.memory_space<hbm>> -> memref<1x1x16xf32, #tpu.memory_space<hbm>>
    %dma_wait3A_2061 = tpu.memref_squeeze %dma_wait3A_2060 : memref<1x1x16xf32, #tpu.memory_space<hbm>> -> memref<16xf32, #tpu.memory_space<hbm>>
    tpu.wait_dma2 semaphore(%arg8 : memref<!tpu.dma_semaphore, #tpu.memory_space<semaphore_mem>>) src(%dma_wait3A_2061 : memref<16xf32, #tpu.memory_space<hbm>>) dst(%dma_wait3A_2059 : memref<16xf32, #tpu.memory_space<vmem>>)
    %dma_wait3A_2062 = arith.constant 512 : i32
    %dma_wait3A_2063 = tpu.memref_slice %arg6[%dma_wait3A_2062] : memref<1536xf32, #tpu.memory_space<vmem>> -> memref<16xf32, #tpu.memory_space<vmem>>
    %dma_wait3A_2064 = tpu.memref_slice %arg3[%add3A_83, %squeeze3A_50, %multiple_of3A] : memref<576x192x192xf32, #tpu.memory_space<hbm>> -> memref<1x1x16xf32, #tpu.memory_space<hbm>>
    %dma_wait3A_2065 = tpu.memref_squeeze %dma_wait3A_2064 : memref<1x1x16xf32, #tpu.memory_space<hbm>> -> memref<16xf32, #tpu.memory_space<hbm>>
    %dma_wait3A_2066 = arith.constant 512 : i32
    %dma_wait3A_2067 = tpu.memref_slice %arg6[%dma_wait3A_2066] : memref<1536xf32, #tpu.memory_space<vmem>> -> memref<16xf32, #tpu.memory_space<vmem>>
    %dma_wait3A_2068 = tpu.memref_slice %arg3[%add3A_83, %squeeze3A_50, %multiple_of3A] : memref<576x192x192xf32, #tpu.memory_space<hbm>> -> memref<1x1x16xf32, #tpu.memory_space<hbm>>
    %dma_wait3A_2069 = tpu.memref_squeeze %dma_wait3A_2068 : memref<1x1x16xf32, #tpu.memory_space<hbm>> -> memref<16xf32, #tpu.memory_space<hbm>>
    tpu.wait_dma2 semaphore(%arg8 : memref<!tpu.dma_semaphore, #tpu.memory_space<semaphore_mem>>) src(%dma_wait3A_2069 : memref<16xf32, #tpu.memory_space<hbm>>) dst(%dma_wait3A_2067 : memref<16xf32, #tpu.memory_space<vmem>>)
    %dma_wait3A_2070 = arith.constant 1024 : i32
    %dma_wait3A_2071 = tpu.memref_slice %arg6[%dma_wait3A_2070] : memref<1536xf32, #tpu.memory_space<vmem>> -> memref<16xf32, #tpu.memory_space<vmem>>
    %dma_wait3A_2072 = tpu.memref_slice %arg3[%add3A_93, %squeeze3A_50, %multiple_of3A] : memref<576x192x192xf32, #tpu.memory_space<hbm>> -> memref<1x1x16xf32, #tpu.memory_space<hbm>>
    %dma_wait3A_2073 = tpu.memref_squeeze %dma_wait3A_2072 : memref<1x1x16xf32, #tpu.memory_space<hbm>> -> memref<16xf32, #tpu.memory_space<hbm>>
    %dma_wait3A_2074 = arith.constant 1024 : i32
    %dma_wait3A_2075 = tpu.memref_slice %arg6[%dma_wait3A_2074] : memref<1536xf32, #tpu.memory_space<vmem>> -> memref<16xf32, #tpu.memory_space<vmem>>
    %dma_wait3A_2076 = tpu.memref_slice %arg3[%add3A_93, %squeeze3A_50, %multiple_of3A] : memref<576x192x192xf32, #tpu.memory_space<hbm>> -> memref<1x1x16xf32, #tpu.memory_space<hbm>>
    %dma_wait3A_2077 = tpu.memref_squeeze %dma_wait3A_2076 : memref<1x1x16xf32, #tpu.memory_space<hbm>> -> memref<16xf32, #tpu.memory_space<hbm>>
    tpu.wait_dma2 semaphore(%arg8 : memref<!tpu.dma_semaphore, #tpu.memory_space<semaphore_mem>>) src(%dma_wait3A_2077 : memref<16xf32, #tpu.memory_space<hbm>>) dst(%dma_wait3A_2075 : memref<16xf32, #tpu.memory_space<vmem>>)
    %dma_wait3A_2078 = arith.constant 16 : i32
    %dma_wait3A_2079 = tpu.memref_slice %arg6[%dma_wait3A_2078] : memref<1536xf32, #tpu.memory_space<vmem>> -> memref<16xf32, #tpu.memory_space<vmem>>
    %dma_wait3A_2080 = tpu.memref_slice %arg3[%add3A_136, %squeeze3A_105, %multiple_of3A_134] : memref<576x192x192xf32, #tpu.memory_space<hbm>> -> memref<1x1x16xf32, #tpu.memory_space<hbm>>
    %dma_wait3A_2081 = tpu.memref_squeeze %dma_wait3A_2080 : memref<1x1x16xf32, #tpu.memory_space<hbm>> -> memref<16xf32, #tpu.memory_space<hbm>>
    %dma_wait3A_2082 = arith.constant 16 : i32
    %dma_wait3A_2083 = tpu.memref_slice %arg6[%dma_wait3A_2082] : memref<1536xf32, #tpu.memory_space<vmem>> -> memref<16xf32, #tpu.memory_space<vmem>>
    %dma_wait3A_2084 = tpu.memref_slice %arg3[%add3A_136, %squeeze3A_105, %multiple_of3A_134] : memref<576x192x192xf32, #tpu.memory_space<hbm>> -> memref<1x1x16xf32, #tpu.memory_space<hbm>>
    %dma_wait3A_2085 = tpu.memref_squeeze %dma_wait3A_2084 : memref<1x1x16xf32, #tpu.memory_space<hbm>> -> memref<16xf32, #tpu.memory_space<hbm>>
    tpu.wait_dma2 semaphore(%arg8 : memref<!tpu.dma_semaphore, #tpu.memory_space<semaphore_mem>>) src(%dma_wait3A_2085 : memref<16xf32, #tpu.memory_space<hbm>>) dst(%dma_wait3A_2083 : memref<16xf32, #tpu.memory_space<vmem>>)
    %dma_wait3A_2086 = arith.constant 528 : i32
    %dma_wait3A_2087 = tpu.memref_slice %arg6[%dma_wait3A_2086] : memref<1536xf32, #tpu.memory_space<vmem>> -> memref<16xf32, #tpu.memory_space<vmem>>
    %dma_wait3A_2088 = tpu.memref_slice %arg3[%add3A_146, %squeeze3A_105, %multiple_of3A_134] : memref<576x192x192xf32, #tpu.memory_space<hbm>> -> memref<1x1x16xf32, #tpu.memory_space<hbm>>
    %dma_wait3A_2089 = tpu.memref_squeeze %dma_wait3A_2088 : memref<1x1x16xf32, #tpu.memory_space<hbm>> -> memref<16xf32, #tpu.memory_space<hbm>>
    %dma_wait3A_2090 = arith.constant 528 : i32
    %dma_wait3A_2091 = tpu.memref_slice %arg6[%dma_wait3A_2090] : memref<1536xf32, #tpu.memory_space<vmem>> -> memref<16xf32, #tpu.memory_space<vmem>>
    %dma_wait3A_2092 = tpu.memref_slice %arg3[%add3A_146, %squeeze3A_105, %multiple_of3A_134] : memref<576x192x192xf32, #tpu.memory_space<hbm>> -> memref<1x1x16xf32, #tpu.memory_space<hbm>>
    %dma_wait3A_2093 = tpu.memref_squeeze %dma_wait3A_2092 : memref<1x1x16xf32, #tpu.memory_space<hbm>> -> memref<16xf32, #tpu.memory_space<hbm>>
    tpu.wait_dma2 semaphore(%arg8 : memref<!tpu.dma_semaphore, #tpu.memory_space<semaphore_mem>>) src(%dma_wait3A_2093 : memref<16xf32, #tpu.memory_space<hbm>>) dst(%dma_wait3A_2091 : memref<16xf32, #tpu.memory_space<vmem>>)
    %dma_wait3A_2094 = arith.constant 1040 : i32
    %dma_wait3A_2095 = tpu.memref_slice %arg6[%dma_wait3A_2094] : memref<1536xf32, #tpu.memory_space<vmem>> -> memref<16xf32, #tpu.memory_space<vmem>>
    %dma_wait3A_2096 = tpu.memref_slice %arg3[%add3A_156, %squeeze3A_105, %multiple_of3A_134] : memref<576x192x192xf32, #tpu.memory_space<hbm>> -> memref<1x1x16xf32, #tpu.memory_space<hbm>>
    %dma_wait3A_2097 = tpu.memref_squeeze %dma_wait3A_2096 : memref<1x1x16xf32, #tpu.memory_space<hbm>> -> memref<16xf32, #tpu.memory_space<hbm>>
    %dma_wait3A_2098 = arith.constant 1040 : i32
    %dma_wait3A_2099 = tpu.memref_slice %arg6[%dma_wait3A_2098] : memref<1536xf32, #tpu.memory_space<vmem>> -> memref<16xf32, #tpu.memory_space<vmem>>
    %dma_wait3A_2100 = tpu.memref_slice %arg3[%add3A_156, %squeeze3A_105, %multiple_of3A_134] : memref<576x192x192xf32, #tpu.memory_space<hbm>> -> memref<1x1x16xf32, #tpu.memory_space<hbm>>
    %dma_wait3A_2101 = tpu.memref_squeeze %dma_wait3A_2100 : memref<1x1x16xf32, #tpu.memory_space<hbm>> -> memref<16xf32, #tpu.memory_space<hbm>>
    tpu.wait_dma2 semaphore(%arg8 : memref<!tpu.dma_semaphore, #tpu.memory_space<semaphore_mem>>) src(%dma_wait3A_2101 : memref<16xf32, #tpu.memory_space<hbm>>) dst(%dma_wait3A_2099 : memref<16xf32, #tpu.memory_space<vmem>>)
    %dma_wait3A_2102 = arith.constant 32 : i32
    %dma_wait3A_2103 = tpu.memref_slice %arg6[%dma_wait3A_2102] : memref<1536xf32, #tpu.memory_space<vmem>> -> memref<16xf32, #tpu.memory_space<vmem>>
    %dma_wait3A_2104 = tpu.memref_slice %arg3[%add3A_199, %squeeze3A_168, %multiple_of3A_197] : memref<576x192x192xf32, #tpu.memory_space<hbm>> -> memref<1x1x16xf32, #tpu.memory_space<hbm>>
    %dma_wait3A_2105 = tpu.memref_squeeze %dma_wait3A_2104 : memref<1x1x16xf32, #tpu.memory_space<hbm>> -> memref<16xf32, #tpu.memory_space<hbm>>
    %dma_wait3A_2106 = arith.constant 32 : i32
    %dma_wait3A_2107 = tpu.memref_slice %arg6[%dma_wait3A_2106] : memref<1536xf32, #tpu.memory_space<vmem>> -> memref<16xf32, #tpu.memory_space<vmem>>
    %dma_wait3A_2108 = tpu.memref_slice %arg3[%add3A_199, %squeeze3A_168, %multiple_of3A_197] : memref<576x192x192xf32, #tpu.memory_space<hbm>> -> memref<1x1x16xf32, #tpu.memory_space<hbm>>
    %dma_wait3A_2109 = tpu.memref_squeeze %dma_wait3A_2108 : memref<1x1x16xf32, #tpu.memory_space<hbm>> -> memref<16xf32, #tpu.memory_space<hbm>>
    tpu.wait_dma2 semaphore(%arg8 : memref<!tpu.dma_semaphore, #tpu.memory_space<semaphore_mem>>) src(%dma_wait3A_2109 : memref<16xf32, #tpu.memory_space<hbm>>) dst(%dma_wait3A_2107 : memref<16xf32, #tpu.memory_space<vmem>>)
    %dma_wait3A_2110 = arith.constant 544 : i32
    %dma_wait3A_2111 = tpu.memref_slice %arg6[%dma_wait3A_2110] : memref<1536xf32, #tpu.memory_space<vmem>> -> memref<16xf32, #tpu.memory_space<vmem>>
    %dma_wait3A_2112 = tpu.memref_slice %arg3[%add3A_209, %squeeze3A_168, %multiple_of3A_197] : memref<576x192x192xf32, #tpu.memory_space<hbm>> -> memref<1x1x16xf32, #tpu.memory_space<hbm>>
    %dma_wait3A_2113 = tpu.memref_squeeze %dma_wait3A_2112 : memref<1x1x16xf32, #tpu.memory_space<hbm>> -> memref<16xf32, #tpu.memory_space<hbm>>
    %dma_wait3A_2114 = arith.constant 544 : i32
    %dma_wait3A_2115 = tpu.memref_slice %arg6[%dma_wait3A_2114] : memref<1536xf32, #tpu.memory_space<vmem>> -> memref<16xf32, #tpu.memory_space<vmem>>
    %dma_wait3A_2116 = tpu.memref_slice %arg3[%add3A_209, %squeeze3A_168, %multiple_of3A_197] : memref<576x192x192xf32, #tpu.memory_space<hbm>> -> memref<1x1x16xf32, #tpu.memory_space<hbm>>
    %dma_wait3A_2117 = tpu.memref_squeeze %dma_wait3A_2116 : memref<1x1x16xf32, #tpu.memory_space<hbm>> -> memref<16xf32, #tpu.memory_space<hbm>>
    tpu.wait_dma2 semaphore(%arg8 : memref<!tpu.dma_semaphore, #tpu.memory_space<semaphore_mem>>) src(%dma_wait3A_2117 : memref<16xf32, #tpu.memory_space<hbm>>) dst(%dma_wait3A_2115 : memref<16xf32, #tpu.memory_space<vmem>>)
    %dma_wait3A_2118 = arith.constant 1056 : i32
    %dma_wait3A_2119 = tpu.memref_slice %arg6[%dma_wait3A_2118] : memref<1536xf32, #tpu.memory_space<vmem>> -> memref<16xf32, #tpu.memory_space<vmem>>
    %dma_wait3A_2120 = tpu.memref_slice %arg3[%add3A_219, %squeeze3A_168, %multiple_of3A_197] : memref<576x192x192xf32, #tpu.memory_space<hbm>> -> memref<1x1x16xf32, #tpu.memory_space<hbm>>
    %dma_wait3A_2121 = tpu.memref_squeeze %dma_wait3A_2120 : memref<1x1x16xf32, #tpu.memory_space<hbm>> -> memref<16xf32, #tpu.memory_space<hbm>>
    %dma_wait3A_2122 = arith.constant 1056 : i32
    %dma_wait3A_2123 = tpu.memref_slice %arg6[%dma_wait3A_2122] : memref<1536xf32, #tpu.memory_space<vmem>> -> memref<16xf32, #tpu.memory_space<vmem>>
    %dma_wait3A_2124 = tpu.memref_slice %arg3[%add3A_219, %squeeze3A_168, %multiple_of3A_197] : memref<576x192x192xf32, #tpu.memory_space<hbm>> -> memref<1x1x16xf32, #tpu.memory_space<hbm>>
    %dma_wait3A_2125 = tpu.memref_squeeze %dma_wait3A_2124 : memref<1x1x16xf32, #tpu.memory_space<hbm>> -> memref<16xf32, #tpu.memory_space<hbm>>
    tpu.wait_dma2 semaphore(%arg8 : memref<!tpu.dma_semaphore, #tpu.memory_space<semaphore_mem>>) src(%dma_wait3A_2125 : memref<16xf32, #tpu.memory_space<hbm>>) dst(%dma_wait3A_2123 : memref<16xf32, #tpu.memory_space<vmem>>)
    %dma_wait3A_2126 = arith.constant 48 : i32
    %dma_wait3A_2127 = tpu.memref_slice %arg6[%dma_wait3A_2126] : memref<1536xf32, #tpu.memory_space<vmem>> -> memref<16xf32, #tpu.memory_space<vmem>>
    %dma_wait3A_2128 = tpu.memref_slice %arg3[%add3A_262, %squeeze3A_231, %multiple_of3A_260] : memref<576x192x192xf32, #tpu.memory_space<hbm>> -> memref<1x1x16xf32, #tpu.memory_space<hbm>>
    %dma_wait3A_2129 = tpu.memref_squeeze %dma_wait3A_2128 : memref<1x1x16xf32, #tpu.memory_space<hbm>> -> memref<16xf32, #tpu.memory_space<hbm>>
    %dma_wait3A_2130 = arith.constant 48 : i32
    %dma_wait3A_2131 = tpu.memref_slice %arg6[%dma_wait3A_2130] : memref<1536xf32, #tpu.memory_space<vmem>> -> memref<16xf32, #tpu.memory_space<vmem>>
    %dma_wait3A_2132 = tpu.memref_slice %arg3[%add3A_262, %squeeze3A_231, %multiple_of3A_260] : memref<576x192x192xf32, #tpu.memory_space<hbm>> -> memref<1x1x16xf32, #tpu.memory_space<hbm>>
    %dma_wait3A_2133 = tpu.memref_squeeze %dma_wait3A_2132 : memref<1x1x16xf32, #tpu.memory_space<hbm>> -> memref<16xf32, #tpu.memory_space<hbm>>
    tpu.wait_dma2 semaphore(%arg8 : memref<!tpu.dma_semaphore, #tpu.memory_space<semaphore_mem>>) src(%dma_wait3A_2133 : memref<16xf32, #tpu.memory_space<hbm>>) dst(%dma_wait3A_2131 : memref<16xf32, #tpu.memory_space<vmem>>)
    %dma_wait3A_2134 = arith.constant 560 : i32
    %dma_wait3A_2135 = tpu.memref_slice %arg6[%dma_wait3A_2134] : memref<1536xf32, #tpu.memory_space<vmem>> -> memref<16xf32, #tpu.memory_space<vmem>>
    %dma_wait3A_2136 = tpu.memref_slice %arg3[%add3A_272, %squeeze3A_231, %multiple_of3A_260] : memref<576x192x192xf32, #tpu.memory_space<hbm>> -> memref<1x1x16xf32, #tpu.memory_space<hbm>>
    %dma_wait3A_2137 = tpu.memref_squeeze %dma_wait3A_2136 : memref<1x1x16xf32, #tpu.memory_space<hbm>> -> memref<16xf32, #tpu.memory_space<hbm>>
    %dma_wait3A_2138 = arith.constant 560 : i32
    %dma_wait3A_2139 = tpu.memref_slice %arg6[%dma_wait3A_2138] : memref<1536xf32, #tpu.memory_space<vmem>> -> memref<16xf32, #tpu.memory_space<vmem>>
    %dma_wait3A_2140 = tpu.memref_slice %arg3[%add3A_272, %squeeze3A_231, %multiple_of3A_260] : memref<576x192x192xf32, #tpu.memory_space<hbm>> -> memref<1x1x16xf32, #tpu.memory_space<hbm>>
    %dma_wait3A_2141 = tpu.memref_squeeze %dma_wait3A_2140 : memref<1x1x16xf32, #tpu.memory_space<hbm>> -> memref<16xf32, #tpu.memory_space<hbm>>
    tpu.wait_dma2 semaphore(%arg8 : memref<!tpu.dma_semaphore, #tpu.memory_space<semaphore_mem>>) src(%dma_wait3A_2141 : memref<16xf32, #tpu.memory_space<hbm>>) dst(%dma_wait3A_2139 : memref<16xf32, #tpu.memory_space<vmem>>)
    %dma_wait3A_2142 = arith.constant 1072 : i32
    %dma_wait3A_2143 = tpu.memref_slice %arg6[%dma_wait3A_2142] : memref<1536xf32, #tpu.memory_space<vmem>> -> memref<16xf32, #tpu.memory_space<vmem>>
    %dma_wait3A_2144 = tpu.memref_slice %arg3[%add3A_282, %squeeze3A_231, %multiple_of3A_260] : memref<576x192x192xf32, #tpu.memory_space<hbm>> -> memref<1x1x16xf32, #tpu.memory_space<hbm>>
    %dma_wait3A_2145 = tpu.memref_squeeze %dma_wait3A_2144 : memref<1x1x16xf32, #tpu.memory_space<hbm>> -> memref<16xf32, #tpu.memory_space<hbm>>
    %dma_wait3A_2146 = arith.constant 1072 : i32
    %dma_wait3A_2147 = tpu.memref_slice %arg6[%dma_wait3A_2146] : memref<1536xf32, #tpu.memory_space<vmem>> -> memref<16xf32, #tpu.memory_space<vmem>>
    %dma_wait3A_2148 = tpu.memref_slice %arg3[%add3A_282, %squeeze3A_231, %multiple_of3A_260] : memref<576x192x192xf32, #tpu.memory_space<hbm>> -> memref<1x1x16xf32, #tpu.memory_space<hbm>>
    %dma_wait3A_2149 = tpu.memref_squeeze %dma_wait3A_2148 : memref<1x1x16xf32, #tpu.memory_space<hbm>> -> memref<16xf32, #tpu.memory_space<hbm>>
    tpu.wait_dma2 semaphore(%arg8 : memref<!tpu.dma_semaphore, #tpu.memory_space<semaphore_mem>>) src(%dma_wait3A_2149 : memref<16xf32, #tpu.memory_space<hbm>>) dst(%dma_wait3A_2147 : memref<16xf32, #tpu.memory_space<vmem>>)
    %dma_wait3A_2150 = arith.constant 64 : i32
    %dma_wait3A_2151 = tpu.memref_slice %arg6[%dma_wait3A_2150] : memref<1536xf32, #tpu.memory_space<vmem>> -> memref<16xf32, #tpu.memory_space<vmem>>
    %dma_wait3A_2152 = tpu.memref_slice %arg3[%add3A_325, %squeeze3A_294, %multiple_of3A_323] : memref<576x192x192xf32, #tpu.memory_space<hbm>> -> memref<1x1x16xf32, #tpu.memory_space<hbm>>
    %dma_wait3A_2153 = tpu.memref_squeeze %dma_wait3A_2152 : memref<1x1x16xf32, #tpu.memory_space<hbm>> -> memref<16xf32, #tpu.memory_space<hbm>>
    %dma_wait3A_2154 = arith.constant 64 : i32
    %dma_wait3A_2155 = tpu.memref_slice %arg6[%dma_wait3A_2154] : memref<1536xf32, #tpu.memory_space<vmem>> -> memref<16xf32, #tpu.memory_space<vmem>>
    %dma_wait3A_2156 = tpu.memref_slice %arg3[%add3A_325, %squeeze3A_294, %multiple_of3A_323] : memref<576x192x192xf32, #tpu.memory_space<hbm>> -> memref<1x1x16xf32, #tpu.memory_space<hbm>>
    %dma_wait3A_2157 = tpu.memref_squeeze %dma_wait3A_2156 : memref<1x1x16xf32, #tpu.memory_space<hbm>> -> memref<16xf32, #tpu.memory_space<hbm>>
    tpu.wait_dma2 semaphore(%arg8 : memref<!tpu.dma_semaphore, #tpu.memory_space<semaphore_mem>>) src(%dma_wait3A_2157 : memref<16xf32, #tpu.memory_space<hbm>>) dst(%dma_wait3A_2155 : memref<16xf32, #tpu.memory_space<vmem>>)
    %dma_wait3A_2158 = arith.constant 576 : i32
    %dma_wait3A_2159 = tpu.memref_slice %arg6[%dma_wait3A_2158] : memref<1536xf32, #tpu.memory_space<vmem>> -> memref<16xf32, #tpu.memory_space<vmem>>
    %dma_wait3A_2160 = tpu.memref_slice %arg3[%add3A_335, %squeeze3A_294, %multiple_of3A_323] : memref<576x192x192xf32, #tpu.memory_space<hbm>> -> memref<1x1x16xf32, #tpu.memory_space<hbm>>
    %dma_wait3A_2161 = tpu.memref_squeeze %dma_wait3A_2160 : memref<1x1x16xf32, #tpu.memory_space<hbm>> -> memref<16xf32, #tpu.memory_space<hbm>>
    %dma_wait3A_2162 = arith.constant 576 : i32
    %dma_wait3A_2163 = tpu.memref_slice %arg6[%dma_wait3A_2162] : memref<1536xf32, #tpu.memory_space<vmem>> -> memref<16xf32, #tpu.memory_space<vmem>>
    %dma_wait3A_2164 = tpu.memref_slice %arg3[%add3A_335, %squeeze3A_294, %multiple_of3A_323] : memref<576x192x192xf32, #tpu.memory_space<hbm>> -> memref<1x1x16xf32, #tpu.memory_space<hbm>>
    %dma_wait3A_2165 = tpu.memref_squeeze %dma_wait3A_2164 : memref<1x1x16xf32, #tpu.memory_space<hbm>> -> memref<16xf32, #tpu.memory_space<hbm>>
    tpu.wait_dma2 semaphore(%arg8 : memref<!tpu.dma_semaphore, #tpu.memory_space<semaphore_mem>>) src(%dma_wait3A_2165 : memref<16xf32, #tpu.memory_space<hbm>>) dst(%dma_wait3A_2163 : memref<16xf32, #tpu.memory_space<vmem>>)
    %dma_wait3A_2166 = arith.constant 1088 : i32
    %dma_wait3A_2167 = tpu.memref_slice %arg6[%dma_wait3A_2166] : memref<1536xf32, #tpu.memory_space<vmem>> -> memref<16xf32, #tpu.memory_space<vmem>>
    %dma_wait3A_2168 = tpu.memref_slice %arg3[%add3A_345, %squeeze3A_294, %multiple_of3A_323] : memref<576x192x192xf32, #tpu.memory_space<hbm>> -> memref<1x1x16xf32, #tpu.memory_space<hbm>>
    %dma_wait3A_2169 = tpu.memref_squeeze %dma_wait3A_2168 : memref<1x1x16xf32, #tpu.memory_space<hbm>> -> memref<16xf32, #tpu.memory_space<hbm>>
    %dma_wait3A_2170 = arith.constant 1088 : i32
    %dma_wait3A_2171 = tpu.memref_slice %arg6[%dma_wait3A_2170] : memref<1536xf32, #tpu.memory_space<vmem>> -> memref<16xf32, #tpu.memory_space<vmem>>
    %dma_wait3A_2172 = tpu.memref_slice %arg3[%add3A_345, %squeeze3A_294, %multiple_of3A_323] : memref<576x192x192xf32, #tpu.memory_space<hbm>> -> memref<1x1x16xf32, #tpu.memory_space<hbm>>
    %dma_wait3A_2173 = tpu.memref_squeeze %dma_wait3A_2172 : memref<1x1x16xf32, #tpu.memory_space<hbm>> -> memref<16xf32, #tpu.memory_space<hbm>>
    tpu.wait_dma2 semaphore(%arg8 : memref<!tpu.dma_semaphore, #tpu.memory_space<semaphore_mem>>) src(%dma_wait3A_2173 : memref<16xf32, #tpu.memory_space<hbm>>) dst(%dma_wait3A_2171 : memref<16xf32, #tpu.memory_space<vmem>>)
    %dma_wait3A_2174 = arith.constant 80 : i32
    %dma_wait3A_2175 = tpu.memref_slice %arg6[%dma_wait3A_2174] : memref<1536xf32, #tpu.memory_space<vmem>> -> memref<16xf32, #tpu.memory_space<vmem>>
    %dma_wait3A_2176 = tpu.memref_slice %arg3[%add3A_388, %squeeze3A_357, %multiple_of3A_386] : memref<576x192x192xf32, #tpu.memory_space<hbm>> -> memref<1x1x16xf32, #tpu.memory_space<hbm>>
    %dma_wait3A_2177 = tpu.memref_squeeze %dma_wait3A_2176 : memref<1x1x16xf32, #tpu.memory_space<hbm>> -> memref<16xf32, #tpu.memory_space<hbm>>
    %dma_wait3A_2178 = arith.constant 80 : i32
    %dma_wait3A_2179 = tpu.memref_slice %arg6[%dma_wait3A_2178] : memref<1536xf32, #tpu.memory_space<vmem>> -> memref<16xf32, #tpu.memory_space<vmem>>
    %dma_wait3A_2180 = tpu.memref_slice %arg3[%add3A_388, %squeeze3A_357, %multiple_of3A_386] : memref<576x192x192xf32, #tpu.memory_space<hbm>> -> memref<1x1x16xf32, #tpu.memory_space<hbm>>
    %dma_wait3A_2181 = tpu.memref_squeeze %dma_wait3A_2180 : memref<1x1x16xf32, #tpu.memory_space<hbm>> -> memref<16xf32, #tpu.memory_space<hbm>>
    tpu.wait_dma2 semaphore(%arg8 : memref<!tpu.dma_semaphore, #tpu.memory_space<semaphore_mem>>) src(%dma_wait3A_2181 : memref<16xf32, #tpu.memory_space<hbm>>) dst(%dma_wait3A_2179 : memref<16xf32, #tpu.memory_space<vmem>>)
    %dma_wait3A_2182 = arith.constant 592 : i32
    %dma_wait3A_2183 = tpu.memref_slice %arg6[%dma_wait3A_2182] : memref<1536xf32, #tpu.memory_space<vmem>> -> memref<16xf32, #tpu.memory_space<vmem>>
    %dma_wait3A_2184 = tpu.memref_slice %arg3[%add3A_398, %squeeze3A_357, %multiple_of3A_386] : memref<576x192x192xf32, #tpu.memory_space<hbm>> -> memref<1x1x16xf32, #tpu.memory_space<hbm>>
    %dma_wait3A_2185 = tpu.memref_squeeze %dma_wait3A_2184 : memref<1x1x16xf32, #tpu.memory_space<hbm>> -> memref<16xf32, #tpu.memory_space<hbm>>
    %dma_wait3A_2186 = arith.constant 592 : i32
    %dma_wait3A_2187 = tpu.memref_slice %arg6[%dma_wait3A_2186] : memref<1536xf32, #tpu.memory_space<vmem>> -> memref<16xf32, #tpu.memory_space<vmem>>
    %dma_wait3A_2188 = tpu.memref_slice %arg3[%add3A_398, %squeeze3A_357, %multiple_of3A_386] : memref<576x192x192xf32, #tpu.memory_space<hbm>> -> memref<1x1x16xf32, #tpu.memory_space<hbm>>
    %dma_wait3A_2189 = tpu.memref_squeeze %dma_wait3A_2188 : memref<1x1x16xf32, #tpu.memory_space<hbm>> -> memref<16xf32, #tpu.memory_space<hbm>>
    tpu.wait_dma2 semaphore(%arg8 : memref<!tpu.dma_semaphore, #tpu.memory_space<semaphore_mem>>) src(%dma_wait3A_2189 : memref<16xf32, #tpu.memory_space<hbm>>) dst(%dma_wait3A_2187 : memref<16xf32, #tpu.memory_space<vmem>>)
    %dma_wait3A_2190 = arith.constant 1104 : i32
    %dma_wait3A_2191 = tpu.memref_slice %arg6[%dma_wait3A_2190] : memref<1536xf32, #tpu.memory_space<vmem>> -> memref<16xf32, #tpu.memory_space<vmem>>
    %dma_wait3A_2192 = tpu.memref_slice %arg3[%add3A_408, %squeeze3A_357, %multiple_of3A_386] : memref<576x192x192xf32, #tpu.memory_space<hbm>> -> memref<1x1x16xf32, #tpu.memory_space<hbm>>
    %dma_wait3A_2193 = tpu.memref_squeeze %dma_wait3A_2192 : memref<1x1x16xf32, #tpu.memory_space<hbm>> -> memref<16xf32, #tpu.memory_space<hbm>>
    %dma_wait3A_2194 = arith.constant 1104 : i32
    %dma_wait3A_2195 = tpu.memref_slice %arg6[%dma_wait3A_2194] : memref<1536xf32, #tpu.memory_space<vmem>> -> memref<16xf32, #tpu.memory_space<vmem>>
    %dma_wait3A_2196 = tpu.memref_slice %arg3[%add3A_408, %squeeze3A_357, %multiple_of3A_386] : memref<576x192x192xf32, #tpu.memory_space<hbm>> -> memref<1x1x16xf32, #tpu.memory_space<hbm>>
    %dma_wait3A_2197 = tpu.memref_squeeze %dma_wait3A_2196 : memref<1x1x16xf32, #tpu.memory_space<hbm>> -> memref<16xf32, #tpu.memory_space<hbm>>
    tpu.wait_dma2 semaphore(%arg8 : memref<!tpu.dma_semaphore, #tpu.memory_space<semaphore_mem>>) src(%dma_wait3A_2197 : memref<16xf32, #tpu.memory_space<hbm>>) dst(%dma_wait3A_2195 : memref<16xf32, #tpu.memory_space<vmem>>)
    %dma_wait3A_2198 = arith.constant 96 : i32
    %dma_wait3A_2199 = tpu.memref_slice %arg6[%dma_wait3A_2198] : memref<1536xf32, #tpu.memory_space<vmem>> -> memref<16xf32, #tpu.memory_space<vmem>>
    %dma_wait3A_2200 = tpu.memref_slice %arg3[%add3A_451, %squeeze3A_420, %multiple_of3A_449] : memref<576x192x192xf32, #tpu.memory_space<hbm>> -> memref<1x1x16xf32, #tpu.memory_space<hbm>>
    %dma_wait3A_2201 = tpu.memref_squeeze %dma_wait3A_2200 : memref<1x1x16xf32, #tpu.memory_space<hbm>> -> memref<16xf32, #tpu.memory_space<hbm>>
    %dma_wait3A_2202 = arith.constant 96 : i32
    %dma_wait3A_2203 = tpu.memref_slice %arg6[%dma_wait3A_2202] : memref<1536xf32, #tpu.memory_space<vmem>> -> memref<16xf32, #tpu.memory_space<vmem>>
    %dma_wait3A_2204 = tpu.memref_slice %arg3[%add3A_451, %squeeze3A_420, %multiple_of3A_449] : memref<576x192x192xf32, #tpu.memory_space<hbm>> -> memref<1x1x16xf32, #tpu.memory_space<hbm>>
    %dma_wait3A_2205 = tpu.memref_squeeze %dma_wait3A_2204 : memref<1x1x16xf32, #tpu.memory_space<hbm>> -> memref<16xf32, #tpu.memory_space<hbm>>
    tpu.wait_dma2 semaphore(%arg8 : memref<!tpu.dma_semaphore, #tpu.memory_space<semaphore_mem>>) src(%dma_wait3A_2205 : memref<16xf32, #tpu.memory_space<hbm>>) dst(%dma_wait3A_2203 : memref<16xf32, #tpu.memory_space<vmem>>)
    %dma_wait3A_2206 = arith.constant 608 : i32
    %dma_wait3A_2207 = tpu.memref_slice %arg6[%dma_wait3A_2206] : memref<1536xf32, #tpu.memory_space<vmem>> -> memref<16xf32, #tpu.memory_space<vmem>>
    %dma_wait3A_2208 = tpu.memref_slice %arg3[%add3A_461, %squeeze3A_420, %multiple_of3A_449] : memref<576x192x192xf32, #tpu.memory_space<hbm>> -> memref<1x1x16xf32, #tpu.memory_space<hbm>>
    %dma_wait3A_2209 = tpu.memref_squeeze %dma_wait3A_2208 : memref<1x1x16xf32, #tpu.memory_space<hbm>> -> memref<16xf32, #tpu.memory_space<hbm>>
    %dma_wait3A_2210 = arith.constant 608 : i32
    %dma_wait3A_2211 = tpu.memref_slice %arg6[%dma_wait3A_2210] : memref<1536xf32, #tpu.memory_space<vmem>> -> memref<16xf32, #tpu.memory_space<vmem>>
    %dma_wait3A_2212 = tpu.memref_slice %arg3[%add3A_461, %squeeze3A_420, %multiple_of3A_449] : memref<576x192x192xf32, #tpu.memory_space<hbm>> -> memref<1x1x16xf32, #tpu.memory_space<hbm>>
    %dma_wait3A_2213 = tpu.memref_squeeze %dma_wait3A_2212 : memref<1x1x16xf32, #tpu.memory_space<hbm>> -> memref<16xf32, #tpu.memory_space<hbm>>
    tpu.wait_dma2 semaphore(%arg8 : memref<!tpu.dma_semaphore, #tpu.memory_space<semaphore_mem>>) src(%dma_wait3A_2213 : memref<16xf32, #tpu.memory_space<hbm>>) dst(%dma_wait3A_2211 : memref<16xf32, #tpu.memory_space<vmem>>)
    %dma_wait3A_2214 = arith.constant 1120 : i32
    %dma_wait3A_2215 = tpu.memref_slice %arg6[%dma_wait3A_2214] : memref<1536xf32, #tpu.memory_space<vmem>> -> memref<16xf32, #tpu.memory_space<vmem>>
    %dma_wait3A_2216 = tpu.memref_slice %arg3[%add3A_471, %squeeze3A_420, %multiple_of3A_449] : memref<576x192x192xf32, #tpu.memory_space<hbm>> -> memref<1x1x16xf32, #tpu.memory_space<hbm>>
    %dma_wait3A_2217 = tpu.memref_squeeze %dma_wait3A_2216 : memref<1x1x16xf32, #tpu.memory_space<hbm>> -> memref<16xf32, #tpu.memory_space<hbm>>
    %dma_wait3A_2218 = arith.constant 1120 : i32
    %dma_wait3A_2219 = tpu.memref_slice %arg6[%dma_wait3A_2218] : memref<1536xf32, #tpu.memory_space<vmem>> -> memref<16xf32, #tpu.memory_space<vmem>>
    %dma_wait3A_2220 = tpu.memref_slice %arg3[%add3A_471, %squeeze3A_420, %multiple_of3A_449] : memref<576x192x192xf32, #tpu.memory_space<hbm>> -> memref<1x1x16xf32, #tpu.memory_space<hbm>>
    %dma_wait3A_2221 = tpu.memref_squeeze %dma_wait3A_2220 : memref<1x1x16xf32, #tpu.memory_space<hbm>> -> memref<16xf32, #tpu.memory_space<hbm>>
    tpu.wait_dma2 semaphore(%arg8 : memref<!tpu.dma_semaphore, #tpu.memory_space<semaphore_mem>>) src(%dma_wait3A_2221 : memref<16xf32, #tpu.memory_space<hbm>>) dst(%dma_wait3A_2219 : memref<16xf32, #tpu.memory_space<vmem>>)
    %dma_wait3A_2222 = arith.constant 112 : i32
    %dma_wait3A_2223 = tpu.memref_slice %arg6[%dma_wait3A_2222] : memref<1536xf32, #tpu.memory_space<vmem>> -> memref<16xf32, #tpu.memory_space<vmem>>
    %dma_wait3A_2224 = tpu.memref_slice %arg3[%add3A_514, %squeeze3A_483, %multiple_of3A_512] : memref<576x192x192xf32, #tpu.memory_space<hbm>> -> memref<1x1x16xf32, #tpu.memory_space<hbm>>
    %dma_wait3A_2225 = tpu.memref_squeeze %dma_wait3A_2224 : memref<1x1x16xf32, #tpu.memory_space<hbm>> -> memref<16xf32, #tpu.memory_space<hbm>>
    %dma_wait3A_2226 = arith.constant 112 : i32
    %dma_wait3A_2227 = tpu.memref_slice %arg6[%dma_wait3A_2226] : memref<1536xf32, #tpu.memory_space<vmem>> -> memref<16xf32, #tpu.memory_space<vmem>>
    %dma_wait3A_2228 = tpu.memref_slice %arg3[%add3A_514, %squeeze3A_483, %multiple_of3A_512] : memref<576x192x192xf32, #tpu.memory_space<hbm>> -> memref<1x1x16xf32, #tpu.memory_space<hbm>>
    %dma_wait3A_2229 = tpu.memref_squeeze %dma_wait3A_2228 : memref<1x1x16xf32, #tpu.memory_space<hbm>> -> memref<16xf32, #tpu.memory_space<hbm>>
    tpu.wait_dma2 semaphore(%arg8 : memref<!tpu.dma_semaphore, #tpu.memory_space<semaphore_mem>>) src(%dma_wait3A_2229 : memref<16xf32, #tpu.memory_space<hbm>>) dst(%dma_wait3A_2227 : memref<16xf32, #tpu.memory_space<vmem>>)
    %dma_wait3A_2230 = arith.constant 624 : i32
    %dma_wait3A_2231 = tpu.memref_slice %arg6[%dma_wait3A_2230] : memref<1536xf32, #tpu.memory_space<vmem>> -> memref<16xf32, #tpu.memory_space<vmem>>
    %dma_wait3A_2232 = tpu.memref_slice %arg3[%add3A_524, %squeeze3A_483, %multiple_of3A_512] : memref<576x192x192xf32, #tpu.memory_space<hbm>> -> memref<1x1x16xf32, #tpu.memory_space<hbm>>
    %dma_wait3A_2233 = tpu.memref_squeeze %dma_wait3A_2232 : memref<1x1x16xf32, #tpu.memory_space<hbm>> -> memref<16xf32, #tpu.memory_space<hbm>>
    %dma_wait3A_2234 = arith.constant 624 : i32
    %dma_wait3A_2235 = tpu.memref_slice %arg6[%dma_wait3A_2234] : memref<1536xf32, #tpu.memory_space<vmem>> -> memref<16xf32, #tpu.memory_space<vmem>>
    %dma_wait3A_2236 = tpu.memref_slice %arg3[%add3A_524, %squeeze3A_483, %multiple_of3A_512] : memref<576x192x192xf32, #tpu.memory_space<hbm>> -> memref<1x1x16xf32, #tpu.memory_space<hbm>>
    %dma_wait3A_2237 = tpu.memref_squeeze %dma_wait3A_2236 : memref<1x1x16xf32, #tpu.memory_space<hbm>> -> memref<16xf32, #tpu.memory_space<hbm>>
    tpu.wait_dma2 semaphore(%arg8 : memref<!tpu.dma_semaphore, #tpu.memory_space<semaphore_mem>>) src(%dma_wait3A_2237 : memref<16xf32, #tpu.memory_space<hbm>>) dst(%dma_wait3A_2235 : memref<16xf32, #tpu.memory_space<vmem>>)
    %dma_wait3A_2238 = arith.constant 1136 : i32
    %dma_wait3A_2239 = tpu.memref_slice %arg6[%dma_wait3A_2238] : memref<1536xf32, #tpu.memory_space<vmem>> -> memref<16xf32, #tpu.memory_space<vmem>>
    %dma_wait3A_2240 = tpu.memref_slice %arg3[%add3A_534, %squeeze3A_483, %multiple_of3A_512] : memref<576x192x192xf32, #tpu.memory_space<hbm>> -> memref<1x1x16xf32, #tpu.memory_space<hbm>>
    %dma_wait3A_2241 = tpu.memref_squeeze %dma_wait3A_2240 : memref<1x1x16xf32, #tpu.memory_space<hbm>> -> memref<16xf32, #tpu.memory_space<hbm>>
    %dma_wait3A_2242 = arith.constant 1136 : i32
    %dma_wait3A_2243 = tpu.memref_slice %arg6[%dma_wait3A_2242] : memref<1536xf32, #tpu.memory_space<vmem>> -> memref<16xf32, #tpu.memory_space<vmem>>
    %dma_wait3A_2244 = tpu.memref_slice %arg3[%add3A_534, %squeeze3A_483, %multiple_of3A_512] : memref<576x192x192xf32, #tpu.memory_space<hbm>> -> memref<1x1x16xf32, #tpu.memory_space<hbm>>
    %dma_wait3A_2245 = tpu.memref_squeeze %dma_wait3A_2244 : memref<1x1x16xf32, #tpu.memory_space<hbm>> -> memref<16xf32, #tpu.memory_space<hbm>>
    tpu.wait_dma2 semaphore(%arg8 : memref<!tpu.dma_semaphore, #tpu.memory_space<semaphore_mem>>) src(%dma_wait3A_2245 : memref<16xf32, #tpu.memory_space<hbm>>) dst(%dma_wait3A_2243 : memref<16xf32, #tpu.memory_space<vmem>>)
    %dma_wait3A_2246 = arith.constant 128 : i32
    %dma_wait3A_2247 = tpu.memref_slice %arg6[%dma_wait3A_2246] : memref<1536xf32, #tpu.memory_space<vmem>> -> memref<16xf32, #tpu.memory_space<vmem>>
    %dma_wait3A_2248 = tpu.memref_slice %arg3[%add3A_577, %squeeze3A_546, %multiple_of3A_575] : memref<576x192x192xf32, #tpu.memory_space<hbm>> -> memref<1x1x16xf32, #tpu.memory_space<hbm>>
    %dma_wait3A_2249 = tpu.memref_squeeze %dma_wait3A_2248 : memref<1x1x16xf32, #tpu.memory_space<hbm>> -> memref<16xf32, #tpu.memory_space<hbm>>
    %dma_wait3A_2250 = arith.constant 128 : i32
    %dma_wait3A_2251 = tpu.memref_slice %arg6[%dma_wait3A_2250] : memref<1536xf32, #tpu.memory_space<vmem>> -> memref<16xf32, #tpu.memory_space<vmem>>
    %dma_wait3A_2252 = tpu.memref_slice %arg3[%add3A_577, %squeeze3A_546, %multiple_of3A_575] : memref<576x192x192xf32, #tpu.memory_space<hbm>> -> memref<1x1x16xf32, #tpu.memory_space<hbm>>
    %dma_wait3A_2253 = tpu.memref_squeeze %dma_wait3A_2252 : memref<1x1x16xf32, #tpu.memory_space<hbm>> -> memref<16xf32, #tpu.memory_space<hbm>>
    tpu.wait_dma2 semaphore(%arg8 : memref<!tpu.dma_semaphore, #tpu.memory_space<semaphore_mem>>) src(%dma_wait3A_2253 : memref<16xf32, #tpu.memory_space<hbm>>) dst(%dma_wait3A_2251 : memref<16xf32, #tpu.memory_space<vmem>>)
    %dma_wait3A_2254 = arith.constant 640 : i32
    %dma_wait3A_2255 = tpu.memref_slice %arg6[%dma_wait3A_2254] : memref<1536xf32, #tpu.memory_space<vmem>> -> memref<16xf32, #tpu.memory_space<vmem>>
    %dma_wait3A_2256 = tpu.memref_slice %arg3[%add3A_587, %squeeze3A_546, %multiple_of3A_575] : memref<576x192x192xf32, #tpu.memory_space<hbm>> -> memref<1x1x16xf32, #tpu.memory_space<hbm>>
    %dma_wait3A_2257 = tpu.memref_squeeze %dma_wait3A_2256 : memref<1x1x16xf32, #tpu.memory_space<hbm>> -> memref<16xf32, #tpu.memory_space<hbm>>
    %dma_wait3A_2258 = arith.constant 640 : i32
    %dma_wait3A_2259 = tpu.memref_slice %arg6[%dma_wait3A_2258] : memref<1536xf32, #tpu.memory_space<vmem>> -> memref<16xf32, #tpu.memory_space<vmem>>
    %dma_wait3A_2260 = tpu.memref_slice %arg3[%add3A_587, %squeeze3A_546, %multiple_of3A_575] : memref<576x192x192xf32, #tpu.memory_space<hbm>> -> memref<1x1x16xf32, #tpu.memory_space<hbm>>
    %dma_wait3A_2261 = tpu.memref_squeeze %dma_wait3A_2260 : memref<1x1x16xf32, #tpu.memory_space<hbm>> -> memref<16xf32, #tpu.memory_space<hbm>>
    tpu.wait_dma2 semaphore(%arg8 : memref<!tpu.dma_semaphore, #tpu.memory_space<semaphore_mem>>) src(%dma_wait3A_2261 : memref<16xf32, #tpu.memory_space<hbm>>) dst(%dma_wait3A_2259 : memref<16xf32, #tpu.memory_space<vmem>>)
    %dma_wait3A_2262 = arith.constant 1152 : i32
    %dma_wait3A_2263 = tpu.memref_slice %arg6[%dma_wait3A_2262] : memref<1536xf32, #tpu.memory_space<vmem>> -> memref<16xf32, #tpu.memory_space<vmem>>
    %dma_wait3A_2264 = tpu.memref_slice %arg3[%add3A_597, %squeeze3A_546, %multiple_of3A_575] : memref<576x192x192xf32, #tpu.memory_space<hbm>> -> memref<1x1x16xf32, #tpu.memory_space<hbm>>
    %dma_wait3A_2265 = tpu.memref_squeeze %dma_wait3A_2264 : memref<1x1x16xf32, #tpu.memory_space<hbm>> -> memref<16xf32, #tpu.memory_space<hbm>>
    %dma_wait3A_2266 = arith.constant 1152 : i32
    %dma_wait3A_2267 = tpu.memref_slice %arg6[%dma_wait3A_2266] : memref<1536xf32, #tpu.memory_space<vmem>> -> memref<16xf32, #tpu.memory_space<vmem>>
    %dma_wait3A_2268 = tpu.memref_slice %arg3[%add3A_597, %squeeze3A_546, %multiple_of3A_575] : memref<576x192x192xf32, #tpu.memory_space<hbm>> -> memref<1x1x16xf32, #tpu.memory_space<hbm>>
    %dma_wait3A_2269 = tpu.memref_squeeze %dma_wait3A_2268 : memref<1x1x16xf32, #tpu.memory_space<hbm>> -> memref<16xf32, #tpu.memory_space<hbm>>
    tpu.wait_dma2 semaphore(%arg8 : memref<!tpu.dma_semaphore, #tpu.memory_space<semaphore_mem>>) src(%dma_wait3A_2269 : memref<16xf32, #tpu.memory_space<hbm>>) dst(%dma_wait3A_2267 : memref<16xf32, #tpu.memory_space<vmem>>)
    %dma_wait3A_2270 = arith.constant 144 : i32
    %dma_wait3A_2271 = tpu.memref_slice %arg6[%dma_wait3A_2270] : memref<1536xf32, #tpu.memory_space<vmem>> -> memref<16xf32, #tpu.memory_space<vmem>>
    %dma_wait3A_2272 = tpu.memref_slice %arg3[%add3A_640, %squeeze3A_609, %multiple_of3A_638] : memref<576x192x192xf32, #tpu.memory_space<hbm>> -> memref<1x1x16xf32, #tpu.memory_space<hbm>>
    %dma_wait3A_2273 = tpu.memref_squeeze %dma_wait3A_2272 : memref<1x1x16xf32, #tpu.memory_space<hbm>> -> memref<16xf32, #tpu.memory_space<hbm>>
    %dma_wait3A_2274 = arith.constant 144 : i32
    %dma_wait3A_2275 = tpu.memref_slice %arg6[%dma_wait3A_2274] : memref<1536xf32, #tpu.memory_space<vmem>> -> memref<16xf32, #tpu.memory_space<vmem>>
    %dma_wait3A_2276 = tpu.memref_slice %arg3[%add3A_640, %squeeze3A_609, %multiple_of3A_638] : memref<576x192x192xf32, #tpu.memory_space<hbm>> -> memref<1x1x16xf32, #tpu.memory_space<hbm>>
    %dma_wait3A_2277 = tpu.memref_squeeze %dma_wait3A_2276 : memref<1x1x16xf32, #tpu.memory_space<hbm>> -> memref<16xf32, #tpu.memory_space<hbm>>
    tpu.wait_dma2 semaphore(%arg8 : memref<!tpu.dma_semaphore, #tpu.memory_space<semaphore_mem>>) src(%dma_wait3A_2277 : memref<16xf32, #tpu.memory_space<hbm>>) dst(%dma_wait3A_2275 : memref<16xf32, #tpu.memory_space<vmem>>)
    %dma_wait3A_2278 = arith.constant 656 : i32
    %dma_wait3A_2279 = tpu.memref_slice %arg6[%dma_wait3A_2278] : memref<1536xf32, #tpu.memory_space<vmem>> -> memref<16xf32, #tpu.memory_space<vmem>>
    %dma_wait3A_2280 = tpu.memref_slice %arg3[%add3A_650, %squeeze3A_609, %multiple_of3A_638] : memref<576x192x192xf32, #tpu.memory_space<hbm>> -> memref<1x1x16xf32, #tpu.memory_space<hbm>>
    %dma_wait3A_2281 = tpu.memref_squeeze %dma_wait3A_2280 : memref<1x1x16xf32, #tpu.memory_space<hbm>> -> memref<16xf32, #tpu.memory_space<hbm>>
    %dma_wait3A_2282 = arith.constant 656 : i32
    %dma_wait3A_2283 = tpu.memref_slice %arg6[%dma_wait3A_2282] : memref<1536xf32, #tpu.memory_space<vmem>> -> memref<16xf32, #tpu.memory_space<vmem>>
    %dma_wait3A_2284 = tpu.memref_slice %arg3[%add3A_650, %squeeze3A_609, %multiple_of3A_638] : memref<576x192x192xf32, #tpu.memory_space<hbm>> -> memref<1x1x16xf32, #tpu.memory_space<hbm>>
    %dma_wait3A_2285 = tpu.memref_squeeze %dma_wait3A_2284 : memref<1x1x16xf32, #tpu.memory_space<hbm>> -> memref<16xf32, #tpu.memory_space<hbm>>
    tpu.wait_dma2 semaphore(%arg8 : memref<!tpu.dma_semaphore, #tpu.memory_space<semaphore_mem>>) src(%dma_wait3A_2285 : memref<16xf32, #tpu.memory_space<hbm>>) dst(%dma_wait3A_2283 : memref<16xf32, #tpu.memory_space<vmem>>)
    %dma_wait3A_2286 = arith.constant 1168 : i32
    %dma_wait3A_2287 = tpu.memref_slice %arg6[%dma_wait3A_2286] : memref<1536xf32, #tpu.memory_space<vmem>> -> memref<16xf32, #tpu.memory_space<vmem>>
    %dma_wait3A_2288 = tpu.memref_slice %arg3[%add3A_660, %squeeze3A_609, %multiple_of3A_638] : memref<576x192x192xf32, #tpu.memory_space<hbm>> -> memref<1x1x16xf32, #tpu.memory_space<hbm>>
    %dma_wait3A_2289 = tpu.memref_squeeze %dma_wait3A_2288 : memref<1x1x16xf32, #tpu.memory_space<hbm>> -> memref<16xf32, #tpu.memory_space<hbm>>
    %dma_wait3A_2290 = arith.constant 1168 : i32
    %dma_wait3A_2291 = tpu.memref_slice %arg6[%dma_wait3A_2290] : memref<1536xf32, #tpu.memory_space<vmem>> -> memref<16xf32, #tpu.memory_space<vmem>>
    %dma_wait3A_2292 = tpu.memref_slice %arg3[%add3A_660, %squeeze3A_609, %multiple_of3A_638] : memref<576x192x192xf32, #tpu.memory_space<hbm>> -> memref<1x1x16xf32, #tpu.memory_space<hbm>>
    %dma_wait3A_2293 = tpu.memref_squeeze %dma_wait3A_2292 : memref<1x1x16xf32, #tpu.memory_space<hbm>> -> memref<16xf32, #tpu.memory_space<hbm>>
    tpu.wait_dma2 semaphore(%arg8 : memref<!tpu.dma_semaphore, #tpu.memory_space<semaphore_mem>>) src(%dma_wait3A_2293 : memref<16xf32, #tpu.memory_space<hbm>>) dst(%dma_wait3A_2291 : memref<16xf32, #tpu.memory_space<vmem>>)
    %dma_wait3A_2294 = arith.constant 160 : i32
    %dma_wait3A_2295 = tpu.memref_slice %arg6[%dma_wait3A_2294] : memref<1536xf32, #tpu.memory_space<vmem>> -> memref<16xf32, #tpu.memory_space<vmem>>
    %dma_wait3A_2296 = tpu.memref_slice %arg3[%add3A_703, %squeeze3A_672, %multiple_of3A_701] : memref<576x192x192xf32, #tpu.memory_space<hbm>> -> memref<1x1x16xf32, #tpu.memory_space<hbm>>
    %dma_wait3A_2297 = tpu.memref_squeeze %dma_wait3A_2296 : memref<1x1x16xf32, #tpu.memory_space<hbm>> -> memref<16xf32, #tpu.memory_space<hbm>>
    %dma_wait3A_2298 = arith.constant 160 : i32
    %dma_wait3A_2299 = tpu.memref_slice %arg6[%dma_wait3A_2298] : memref<1536xf32, #tpu.memory_space<vmem>> -> memref<16xf32, #tpu.memory_space<vmem>>
    %dma_wait3A_2300 = tpu.memref_slice %arg3[%add3A_703, %squeeze3A_672, %multiple_of3A_701] : memref<576x192x192xf32, #tpu.memory_space<hbm>> -> memref<1x1x16xf32, #tpu.memory_space<hbm>>
    %dma_wait3A_2301 = tpu.memref_squeeze %dma_wait3A_2300 : memref<1x1x16xf32, #tpu.memory_space<hbm>> -> memref<16xf32, #tpu.memory_space<hbm>>
    tpu.wait_dma2 semaphore(%arg8 : memref<!tpu.dma_semaphore, #tpu.memory_space<semaphore_mem>>) src(%dma_wait3A_2301 : memref<16xf32, #tpu.memory_space<hbm>>) dst(%dma_wait3A_2299 : memref<16xf32, #tpu.memory_space<vmem>>)
    %dma_wait3A_2302 = arith.constant 672 : i32
    %dma_wait3A_2303 = tpu.memref_slice %arg6[%dma_wait3A_2302] : memref<1536xf32, #tpu.memory_space<vmem>> -> memref<16xf32, #tpu.memory_space<vmem>>
    %dma_wait3A_2304 = tpu.memref_slice %arg3[%add3A_713, %squeeze3A_672, %multiple_of3A_701] : memref<576x192x192xf32, #tpu.memory_space<hbm>> -> memref<1x1x16xf32, #tpu.memory_space<hbm>>
    %dma_wait3A_2305 = tpu.memref_squeeze %dma_wait3A_2304 : memref<1x1x16xf32, #tpu.memory_space<hbm>> -> memref<16xf32, #tpu.memory_space<hbm>>
    %dma_wait3A_2306 = arith.constant 672 : i32
    %dma_wait3A_2307 = tpu.memref_slice %arg6[%dma_wait3A_2306] : memref<1536xf32, #tpu.memory_space<vmem>> -> memref<16xf32, #tpu.memory_space<vmem>>
    %dma_wait3A_2308 = tpu.memref_slice %arg3[%add3A_713, %squeeze3A_672, %multiple_of3A_701] : memref<576x192x192xf32, #tpu.memory_space<hbm>> -> memref<1x1x16xf32, #tpu.memory_space<hbm>>
    %dma_wait3A_2309 = tpu.memref_squeeze %dma_wait3A_2308 : memref<1x1x16xf32, #tpu.memory_space<hbm>> -> memref<16xf32, #tpu.memory_space<hbm>>
    tpu.wait_dma2 semaphore(%arg8 : memref<!tpu.dma_semaphore, #tpu.memory_space<semaphore_mem>>) src(%dma_wait3A_2309 : memref<16xf32, #tpu.memory_space<hbm>>) dst(%dma_wait3A_2307 : memref<16xf32, #tpu.memory_space<vmem>>)
    %dma_wait3A_2310 = arith.constant 1184 : i32
    %dma_wait3A_2311 = tpu.memref_slice %arg6[%dma_wait3A_2310] : memref<1536xf32, #tpu.memory_space<vmem>> -> memref<16xf32, #tpu.memory_space<vmem>>
    %dma_wait3A_2312 = tpu.memref_slice %arg3[%add3A_723, %squeeze3A_672, %multiple_of3A_701] : memref<576x192x192xf32, #tpu.memory_space<hbm>> -> memref<1x1x16xf32, #tpu.memory_space<hbm>>
    %dma_wait3A_2313 = tpu.memref_squeeze %dma_wait3A_2312 : memref<1x1x16xf32, #tpu.memory_space<hbm>> -> memref<16xf32, #tpu.memory_space<hbm>>
    %dma_wait3A_2314 = arith.constant 1184 : i32
    %dma_wait3A_2315 = tpu.memref_slice %arg6[%dma_wait3A_2314] : memref<1536xf32, #tpu.memory_space<vmem>> -> memref<16xf32, #tpu.memory_space<vmem>>
    %dma_wait3A_2316 = tpu.memref_slice %arg3[%add3A_723, %squeeze3A_672, %multiple_of3A_701] : memref<576x192x192xf32, #tpu.memory_space<hbm>> -> memref<1x1x16xf32, #tpu.memory_space<hbm>>
    %dma_wait3A_2317 = tpu.memref_squeeze %dma_wait3A_2316 : memref<1x1x16xf32, #tpu.memory_space<hbm>> -> memref<16xf32, #tpu.memory_space<hbm>>
    tpu.wait_dma2 semaphore(%arg8 : memref<!tpu.dma_semaphore, #tpu.memory_space<semaphore_mem>>) src(%dma_wait3A_2317 : memref<16xf32, #tpu.memory_space<hbm>>) dst(%dma_wait3A_2315 : memref<16xf32, #tpu.memory_space<vmem>>)
    %dma_wait3A_2318 = arith.constant 176 : i32
    %dma_wait3A_2319 = tpu.memref_slice %arg6[%dma_wait3A_2318] : memref<1536xf32, #tpu.memory_space<vmem>> -> memref<16xf32, #tpu.memory_space<vmem>>
    %dma_wait3A_2320 = tpu.memref_slice %arg3[%add3A_766, %squeeze3A_735, %multiple_of3A_764] : memref<576x192x192xf32, #tpu.memory_space<hbm>> -> memref<1x1x16xf32, #tpu.memory_space<hbm>>
    %dma_wait3A_2321 = tpu.memref_squeeze %dma_wait3A_2320 : memref<1x1x16xf32, #tpu.memory_space<hbm>> -> memref<16xf32, #tpu.memory_space<hbm>>
    %dma_wait3A_2322 = arith.constant 176 : i32
    %dma_wait3A_2323 = tpu.memref_slice %arg6[%dma_wait3A_2322] : memref<1536xf32, #tpu.memory_space<vmem>> -> memref<16xf32, #tpu.memory_space<vmem>>
    %dma_wait3A_2324 = tpu.memref_slice %arg3[%add3A_766, %squeeze3A_735, %multiple_of3A_764] : memref<576x192x192xf32, #tpu.memory_space<hbm>> -> memref<1x1x16xf32, #tpu.memory_space<hbm>>
    %dma_wait3A_2325 = tpu.memref_squeeze %dma_wait3A_2324 : memref<1x1x16xf32, #tpu.memory_space<hbm>> -> memref<16xf32, #tpu.memory_space<hbm>>
    tpu.wait_dma2 semaphore(%arg8 : memref<!tpu.dma_semaphore, #tpu.memory_space<semaphore_mem>>) src(%dma_wait3A_2325 : memref<16xf32, #tpu.memory_space<hbm>>) dst(%dma_wait3A_2323 : memref<16xf32, #tpu.memory_space<vmem>>)
    %dma_wait3A_2326 = arith.constant 688 : i32
    %dma_wait3A_2327 = tpu.memref_slice %arg6[%dma_wait3A_2326] : memref<1536xf32, #tpu.memory_space<vmem>> -> memref<16xf32, #tpu.memory_space<vmem>>
    %dma_wait3A_2328 = tpu.memref_slice %arg3[%add3A_776, %squeeze3A_735, %multiple_of3A_764] : memref<576x192x192xf32, #tpu.memory_space<hbm>> -> memref<1x1x16xf32, #tpu.memory_space<hbm>>
    %dma_wait3A_2329 = tpu.memref_squeeze %dma_wait3A_2328 : memref<1x1x16xf32, #tpu.memory_space<hbm>> -> memref<16xf32, #tpu.memory_space<hbm>>
    %dma_wait3A_2330 = arith.constant 688 : i32
    %dma_wait3A_2331 = tpu.memref_slice %arg6[%dma_wait3A_2330] : memref<1536xf32, #tpu.memory_space<vmem>> -> memref<16xf32, #tpu.memory_space<vmem>>
    %dma_wait3A_2332 = tpu.memref_slice %arg3[%add3A_776, %squeeze3A_735, %multiple_of3A_764] : memref<576x192x192xf32, #tpu.memory_space<hbm>> -> memref<1x1x16xf32, #tpu.memory_space<hbm>>
    %dma_wait3A_2333 = tpu.memref_squeeze %dma_wait3A_2332 : memref<1x1x16xf32, #tpu.memory_space<hbm>> -> memref<16xf32, #tpu.memory_space<hbm>>
    tpu.wait_dma2 semaphore(%arg8 : memref<!tpu.dma_semaphore, #tpu.memory_space<semaphore_mem>>) src(%dma_wait3A_2333 : memref<16xf32, #tpu.memory_space<hbm>>) dst(%dma_wait3A_2331 : memref<16xf32, #tpu.memory_space<vmem>>)
    %dma_wait3A_2334 = arith.constant 1200 : i32
    %dma_wait3A_2335 = tpu.memref_slice %arg6[%dma_wait3A_2334] : memref<1536xf32, #tpu.memory_space<vmem>> -> memref<16xf32, #tpu.memory_space<vmem>>
    %dma_wait3A_2336 = tpu.memref_slice %arg3[%add3A_786, %squeeze3A_735, %multiple_of3A_764] : memref<576x192x192xf32, #tpu.memory_space<hbm>> -> memref<1x1x16xf32, #tpu.memory_space<hbm>>
    %dma_wait3A_2337 = tpu.memref_squeeze %dma_wait3A_2336 : memref<1x1x16xf32, #tpu.memory_space<hbm>> -> memref<16xf32, #tpu.memory_space<hbm>>
    %dma_wait3A_2338 = arith.constant 1200 : i32
    %dma_wait3A_2339 = tpu.memref_slice %arg6[%dma_wait3A_2338] : memref<1536xf32, #tpu.memory_space<vmem>> -> memref<16xf32, #tpu.memory_space<vmem>>
    %dma_wait3A_2340 = tpu.memref_slice %arg3[%add3A_786, %squeeze3A_735, %multiple_of3A_764] : memref<576x192x192xf32, #tpu.memory_space<hbm>> -> memref<1x1x16xf32, #tpu.memory_space<hbm>>
    %dma_wait3A_2341 = tpu.memref_squeeze %dma_wait3A_2340 : memref<1x1x16xf32, #tpu.memory_space<hbm>> -> memref<16xf32, #tpu.memory_space<hbm>>
    tpu.wait_dma2 semaphore(%arg8 : memref<!tpu.dma_semaphore, #tpu.memory_space<semaphore_mem>>) src(%dma_wait3A_2341 : memref<16xf32, #tpu.memory_space<hbm>>) dst(%dma_wait3A_2339 : memref<16xf32, #tpu.memory_space<vmem>>)
    %dma_wait3A_2342 = arith.constant 192 : i32
    %dma_wait3A_2343 = tpu.memref_slice %arg6[%dma_wait3A_2342] : memref<1536xf32, #tpu.memory_space<vmem>> -> memref<16xf32, #tpu.memory_space<vmem>>
    %dma_wait3A_2344 = tpu.memref_slice %arg3[%add3A_829, %squeeze3A_798, %multiple_of3A_827] : memref<576x192x192xf32, #tpu.memory_space<hbm>> -> memref<1x1x16xf32, #tpu.memory_space<hbm>>
    %dma_wait3A_2345 = tpu.memref_squeeze %dma_wait3A_2344 : memref<1x1x16xf32, #tpu.memory_space<hbm>> -> memref<16xf32, #tpu.memory_space<hbm>>
    %dma_wait3A_2346 = arith.constant 192 : i32
    %dma_wait3A_2347 = tpu.memref_slice %arg6[%dma_wait3A_2346] : memref<1536xf32, #tpu.memory_space<vmem>> -> memref<16xf32, #tpu.memory_space<vmem>>
    %dma_wait3A_2348 = tpu.memref_slice %arg3[%add3A_829, %squeeze3A_798, %multiple_of3A_827] : memref<576x192x192xf32, #tpu.memory_space<hbm>> -> memref<1x1x16xf32, #tpu.memory_space<hbm>>
    %dma_wait3A_2349 = tpu.memref_squeeze %dma_wait3A_2348 : memref<1x1x16xf32, #tpu.memory_space<hbm>> -> memref<16xf32, #tpu.memory_space<hbm>>
    tpu.wait_dma2 semaphore(%arg8 : memref<!tpu.dma_semaphore, #tpu.memory_space<semaphore_mem>>) src(%dma_wait3A_2349 : memref<16xf32, #tpu.memory_space<hbm>>) dst(%dma_wait3A_2347 : memref<16xf32, #tpu.memory_space<vmem>>)
    %dma_wait3A_2350 = arith.constant 704 : i32
    %dma_wait3A_2351 = tpu.memref_slice %arg6[%dma_wait3A_2350] : memref<1536xf32, #tpu.memory_space<vmem>> -> memref<16xf32, #tpu.memory_space<vmem>>
    %dma_wait3A_2352 = tpu.memref_slice %arg3[%add3A_839, %squeeze3A_798, %multiple_of3A_827] : memref<576x192x192xf32, #tpu.memory_space<hbm>> -> memref<1x1x16xf32, #tpu.memory_space<hbm>>
    %dma_wait3A_2353 = tpu.memref_squeeze %dma_wait3A_2352 : memref<1x1x16xf32, #tpu.memory_space<hbm>> -> memref<16xf32, #tpu.memory_space<hbm>>
    %dma_wait3A_2354 = arith.constant 704 : i32
    %dma_wait3A_2355 = tpu.memref_slice %arg6[%dma_wait3A_2354] : memref<1536xf32, #tpu.memory_space<vmem>> -> memref<16xf32, #tpu.memory_space<vmem>>
    %dma_wait3A_2356 = tpu.memref_slice %arg3[%add3A_839, %squeeze3A_798, %multiple_of3A_827] : memref<576x192x192xf32, #tpu.memory_space<hbm>> -> memref<1x1x16xf32, #tpu.memory_space<hbm>>
    %dma_wait3A_2357 = tpu.memref_squeeze %dma_wait3A_2356 : memref<1x1x16xf32, #tpu.memory_space<hbm>> -> memref<16xf32, #tpu.memory_space<hbm>>
    tpu.wait_dma2 semaphore(%arg8 : memref<!tpu.dma_semaphore, #tpu.memory_space<semaphore_mem>>) src(%dma_wait3A_2357 : memref<16xf32, #tpu.memory_space<hbm>>) dst(%dma_wait3A_2355 : memref<16xf32, #tpu.memory_space<vmem>>)
    %dma_wait3A_2358 = arith.constant 1216 : i32
    %dma_wait3A_2359 = tpu.memref_slice %arg6[%dma_wait3A_2358] : memref<1536xf32, #tpu.memory_space<vmem>> -> memref<16xf32, #tpu.memory_space<vmem>>
    %dma_wait3A_2360 = tpu.memref_slice %arg3[%add3A_849, %squeeze3A_798, %multiple_of3A_827] : memref<576x192x192xf32, #tpu.memory_space<hbm>> -> memref<1x1x16xf32, #tpu.memory_space<hbm>>
    %dma_wait3A_2361 = tpu.memref_squeeze %dma_wait3A_2360 : memref<1x1x16xf32, #tpu.memory_space<hbm>> -> memref<16xf32, #tpu.memory_space<hbm>>
    %dma_wait3A_2362 = arith.constant 1216 : i32
    %dma_wait3A_2363 = tpu.memref_slice %arg6[%dma_wait3A_2362] : memref<1536xf32, #tpu.memory_space<vmem>> -> memref<16xf32, #tpu.memory_space<vmem>>
    %dma_wait3A_2364 = tpu.memref_slice %arg3[%add3A_849, %squeeze3A_798, %multiple_of3A_827] : memref<576x192x192xf32, #tpu.memory_space<hbm>> -> memref<1x1x16xf32, #tpu.memory_space<hbm>>
    %dma_wait3A_2365 = tpu.memref_squeeze %dma_wait3A_2364 : memref<1x1x16xf32, #tpu.memory_space<hbm>> -> memref<16xf32, #tpu.memory_space<hbm>>
    tpu.wait_dma2 semaphore(%arg8 : memref<!tpu.dma_semaphore, #tpu.memory_space<semaphore_mem>>) src(%dma_wait3A_2365 : memref<16xf32, #tpu.memory_space<hbm>>) dst(%dma_wait3A_2363 : memref<16xf32, #tpu.memory_space<vmem>>)
    %dma_wait3A_2366 = arith.constant 208 : i32
    %dma_wait3A_2367 = tpu.memref_slice %arg6[%dma_wait3A_2366] : memref<1536xf32, #tpu.memory_space<vmem>> -> memref<16xf32, #tpu.memory_space<vmem>>
    %dma_wait3A_2368 = tpu.memref_slice %arg3[%add3A_892, %squeeze3A_861, %multiple_of3A_890] : memref<576x192x192xf32, #tpu.memory_space<hbm>> -> memref<1x1x16xf32, #tpu.memory_space<hbm>>
    %dma_wait3A_2369 = tpu.memref_squeeze %dma_wait3A_2368 : memref<1x1x16xf32, #tpu.memory_space<hbm>> -> memref<16xf32, #tpu.memory_space<hbm>>
    %dma_wait3A_2370 = arith.constant 208 : i32
    %dma_wait3A_2371 = tpu.memref_slice %arg6[%dma_wait3A_2370] : memref<1536xf32, #tpu.memory_space<vmem>> -> memref<16xf32, #tpu.memory_space<vmem>>
    %dma_wait3A_2372 = tpu.memref_slice %arg3[%add3A_892, %squeeze3A_861, %multiple_of3A_890] : memref<576x192x192xf32, #tpu.memory_space<hbm>> -> memref<1x1x16xf32, #tpu.memory_space<hbm>>
    %dma_wait3A_2373 = tpu.memref_squeeze %dma_wait3A_2372 : memref<1x1x16xf32, #tpu.memory_space<hbm>> -> memref<16xf32, #tpu.memory_space<hbm>>
    tpu.wait_dma2 semaphore(%arg8 : memref<!tpu.dma_semaphore, #tpu.memory_space<semaphore_mem>>) src(%dma_wait3A_2373 : memref<16xf32, #tpu.memory_space<hbm>>) dst(%dma_wait3A_2371 : memref<16xf32, #tpu.memory_space<vmem>>)
    %dma_wait3A_2374 = arith.constant 720 : i32
    %dma_wait3A_2375 = tpu.memref_slice %arg6[%dma_wait3A_2374] : memref<1536xf32, #tpu.memory_space<vmem>> -> memref<16xf32, #tpu.memory_space<vmem>>
    %dma_wait3A_2376 = tpu.memref_slice %arg3[%add3A_902, %squeeze3A_861, %multiple_of3A_890] : memref<576x192x192xf32, #tpu.memory_space<hbm>> -> memref<1x1x16xf32, #tpu.memory_space<hbm>>
    %dma_wait3A_2377 = tpu.memref_squeeze %dma_wait3A_2376 : memref<1x1x16xf32, #tpu.memory_space<hbm>> -> memref<16xf32, #tpu.memory_space<hbm>>
    %dma_wait3A_2378 = arith.constant 720 : i32
    %dma_wait3A_2379 = tpu.memref_slice %arg6[%dma_wait3A_2378] : memref<1536xf32, #tpu.memory_space<vmem>> -> memref<16xf32, #tpu.memory_space<vmem>>
    %dma_wait3A_2380 = tpu.memref_slice %arg3[%add3A_902, %squeeze3A_861, %multiple_of3A_890] : memref<576x192x192xf32, #tpu.memory_space<hbm>> -> memref<1x1x16xf32, #tpu.memory_space<hbm>>
    %dma_wait3A_2381 = tpu.memref_squeeze %dma_wait3A_2380 : memref<1x1x16xf32, #tpu.memory_space<hbm>> -> memref<16xf32, #tpu.memory_space<hbm>>
    tpu.wait_dma2 semaphore(%arg8 : memref<!tpu.dma_semaphore, #tpu.memory_space<semaphore_mem>>) src(%dma_wait3A_2381 : memref<16xf32, #tpu.memory_space<hbm>>) dst(%dma_wait3A_2379 : memref<16xf32, #tpu.memory_space<vmem>>)
    %dma_wait3A_2382 = arith.constant 1232 : i32
    %dma_wait3A_2383 = tpu.memref_slice %arg6[%dma_wait3A_2382] : memref<1536xf32, #tpu.memory_space<vmem>> -> memref<16xf32, #tpu.memory_space<vmem>>
    %dma_wait3A_2384 = tpu.memref_slice %arg3[%add3A_912, %squeeze3A_861, %multiple_of3A_890] : memref<576x192x192xf32, #tpu.memory_space<hbm>> -> memref<1x1x16xf32, #tpu.memory_space<hbm>>
    %dma_wait3A_2385 = tpu.memref_squeeze %dma_wait3A_2384 : memref<1x1x16xf32, #tpu.memory_space<hbm>> -> memref<16xf32, #tpu.memory_space<hbm>>
    %dma_wait3A_2386 = arith.constant 1232 : i32
    %dma_wait3A_2387 = tpu.memref_slice %arg6[%dma_wait3A_2386] : memref<1536xf32, #tpu.memory_space<vmem>> -> memref<16xf32, #tpu.memory_space<vmem>>
    %dma_wait3A_2388 = tpu.memref_slice %arg3[%add3A_912, %squeeze3A_861, %multiple_of3A_890] : memref<576x192x192xf32, #tpu.memory_space<hbm>> -> memref<1x1x16xf32, #tpu.memory_space<hbm>>
    %dma_wait3A_2389 = tpu.memref_squeeze %dma_wait3A_2388 : memref<1x1x16xf32, #tpu.memory_space<hbm>> -> memref<16xf32, #tpu.memory_space<hbm>>
    tpu.wait_dma2 semaphore(%arg8 : memref<!tpu.dma_semaphore, #tpu.memory_space<semaphore_mem>>) src(%dma_wait3A_2389 : memref<16xf32, #tpu.memory_space<hbm>>) dst(%dma_wait3A_2387 : memref<16xf32, #tpu.memory_space<vmem>>)
    %dma_wait3A_2390 = arith.constant 224 : i32
    %dma_wait3A_2391 = tpu.memref_slice %arg6[%dma_wait3A_2390] : memref<1536xf32, #tpu.memory_space<vmem>> -> memref<16xf32, #tpu.memory_space<vmem>>
    %dma_wait3A_2392 = tpu.memref_slice %arg3[%add3A_955, %squeeze3A_924, %multiple_of3A_953] : memref<576x192x192xf32, #tpu.memory_space<hbm>> -> memref<1x1x16xf32, #tpu.memory_space<hbm>>
    %dma_wait3A_2393 = tpu.memref_squeeze %dma_wait3A_2392 : memref<1x1x16xf32, #tpu.memory_space<hbm>> -> memref<16xf32, #tpu.memory_space<hbm>>
    %dma_wait3A_2394 = arith.constant 224 : i32
    %dma_wait3A_2395 = tpu.memref_slice %arg6[%dma_wait3A_2394] : memref<1536xf32, #tpu.memory_space<vmem>> -> memref<16xf32, #tpu.memory_space<vmem>>
    %dma_wait3A_2396 = tpu.memref_slice %arg3[%add3A_955, %squeeze3A_924, %multiple_of3A_953] : memref<576x192x192xf32, #tpu.memory_space<hbm>> -> memref<1x1x16xf32, #tpu.memory_space<hbm>>
    %dma_wait3A_2397 = tpu.memref_squeeze %dma_wait3A_2396 : memref<1x1x16xf32, #tpu.memory_space<hbm>> -> memref<16xf32, #tpu.memory_space<hbm>>
    tpu.wait_dma2 semaphore(%arg8 : memref<!tpu.dma_semaphore, #tpu.memory_space<semaphore_mem>>) src(%dma_wait3A_2397 : memref<16xf32, #tpu.memory_space<hbm>>) dst(%dma_wait3A_2395 : memref<16xf32, #tpu.memory_space<vmem>>)
    %dma_wait3A_2398 = arith.constant 736 : i32
    %dma_wait3A_2399 = tpu.memref_slice %arg6[%dma_wait3A_2398] : memref<1536xf32, #tpu.memory_space<vmem>> -> memref<16xf32, #tpu.memory_space<vmem>>
    %dma_wait3A_2400 = tpu.memref_slice %arg3[%add3A_965, %squeeze3A_924, %multiple_of3A_953] : memref<576x192x192xf32, #tpu.memory_space<hbm>> -> memref<1x1x16xf32, #tpu.memory_space<hbm>>
    %dma_wait3A_2401 = tpu.memref_squeeze %dma_wait3A_2400 : memref<1x1x16xf32, #tpu.memory_space<hbm>> -> memref<16xf32, #tpu.memory_space<hbm>>
    %dma_wait3A_2402 = arith.constant 736 : i32
    %dma_wait3A_2403 = tpu.memref_slice %arg6[%dma_wait3A_2402] : memref<1536xf32, #tpu.memory_space<vmem>> -> memref<16xf32, #tpu.memory_space<vmem>>
    %dma_wait3A_2404 = tpu.memref_slice %arg3[%add3A_965, %squeeze3A_924, %multiple_of3A_953] : memref<576x192x192xf32, #tpu.memory_space<hbm>> -> memref<1x1x16xf32, #tpu.memory_space<hbm>>
    %dma_wait3A_2405 = tpu.memref_squeeze %dma_wait3A_2404 : memref<1x1x16xf32, #tpu.memory_space<hbm>> -> memref<16xf32, #tpu.memory_space<hbm>>
    tpu.wait_dma2 semaphore(%arg8 : memref<!tpu.dma_semaphore, #tpu.memory_space<semaphore_mem>>) src(%dma_wait3A_2405 : memref<16xf32, #tpu.memory_space<hbm>>) dst(%dma_wait3A_2403 : memref<16xf32, #tpu.memory_space<vmem>>)
    %dma_wait3A_2406 = arith.constant 1248 : i32
    %dma_wait3A_2407 = tpu.memref_slice %arg6[%dma_wait3A_2406] : memref<1536xf32, #tpu.memory_space<vmem>> -> memref<16xf32, #tpu.memory_space<vmem>>
    %dma_wait3A_2408 = tpu.memref_slice %arg3[%add3A_975, %squeeze3A_924, %multiple_of3A_953] : memref<576x192x192xf32, #tpu.memory_space<hbm>> -> memref<1x1x16xf32, #tpu.memory_space<hbm>>
    %dma_wait3A_2409 = tpu.memref_squeeze %dma_wait3A_2408 : memref<1x1x16xf32, #tpu.memory_space<hbm>> -> memref<16xf32, #tpu.memory_space<hbm>>
    %dma_wait3A_2410 = arith.constant 1248 : i32
    %dma_wait3A_2411 = tpu.memref_slice %arg6[%dma_wait3A_2410] : memref<1536xf32, #tpu.memory_space<vmem>> -> memref<16xf32, #tpu.memory_space<vmem>>
    %dma_wait3A_2412 = tpu.memref_slice %arg3[%add3A_975, %squeeze3A_924, %multiple_of3A_953] : memref<576x192x192xf32, #tpu.memory_space<hbm>> -> memref<1x1x16xf32, #tpu.memory_space<hbm>>
    %dma_wait3A_2413 = tpu.memref_squeeze %dma_wait3A_2412 : memref<1x1x16xf32, #tpu.memory_space<hbm>> -> memref<16xf32, #tpu.memory_space<hbm>>
    tpu.wait_dma2 semaphore(%arg8 : memref<!tpu.dma_semaphore, #tpu.memory_space<semaphore_mem>>) src(%dma_wait3A_2413 : memref<16xf32, #tpu.memory_space<hbm>>) dst(%dma_wait3A_2411 : memref<16xf32, #tpu.memory_space<vmem>>)
    %dma_wait3A_2414 = arith.constant 240 : i32
    %dma_wait3A_2415 = tpu.memref_slice %arg6[%dma_wait3A_2414] : memref<1536xf32, #tpu.memory_space<vmem>> -> memref<16xf32, #tpu.memory_space<vmem>>
    %dma_wait3A_2416 = tpu.memref_slice %arg3[%add3A_1018, %squeeze3A_987, %multiple_of3A_1016] : memref<576x192x192xf32, #tpu.memory_space<hbm>> -> memref<1x1x16xf32, #tpu.memory_space<hbm>>
    %dma_wait3A_2417 = tpu.memref_squeeze %dma_wait3A_2416 : memref<1x1x16xf32, #tpu.memory_space<hbm>> -> memref<16xf32, #tpu.memory_space<hbm>>
    %dma_wait3A_2418 = arith.constant 240 : i32
    %dma_wait3A_2419 = tpu.memref_slice %arg6[%dma_wait3A_2418] : memref<1536xf32, #tpu.memory_space<vmem>> -> memref<16xf32, #tpu.memory_space<vmem>>
    %dma_wait3A_2420 = tpu.memref_slice %arg3[%add3A_1018, %squeeze3A_987, %multiple_of3A_1016] : memref<576x192x192xf32, #tpu.memory_space<hbm>> -> memref<1x1x16xf32, #tpu.memory_space<hbm>>
    %dma_wait3A_2421 = tpu.memref_squeeze %dma_wait3A_2420 : memref<1x1x16xf32, #tpu.memory_space<hbm>> -> memref<16xf32, #tpu.memory_space<hbm>>
    tpu.wait_dma2 semaphore(%arg8 : memref<!tpu.dma_semaphore, #tpu.memory_space<semaphore_mem>>) src(%dma_wait3A_2421 : memref<16xf32, #tpu.memory_space<hbm>>) dst(%dma_wait3A_2419 : memref<16xf32, #tpu.memory_space<vmem>>)
    %dma_wait3A_2422 = arith.constant 752 : i32
    %dma_wait3A_2423 = tpu.memref_slice %arg6[%dma_wait3A_2422] : memref<1536xf32, #tpu.memory_space<vmem>> -> memref<16xf32, #tpu.memory_space<vmem>>
    %dma_wait3A_2424 = tpu.memref_slice %arg3[%add3A_1028, %squeeze3A_987, %multiple_of3A_1016] : memref<576x192x192xf32, #tpu.memory_space<hbm>> -> memref<1x1x16xf32, #tpu.memory_space<hbm>>
    %dma_wait3A_2425 = tpu.memref_squeeze %dma_wait3A_2424 : memref<1x1x16xf32, #tpu.memory_space<hbm>> -> memref<16xf32, #tpu.memory_space<hbm>>
    %dma_wait3A_2426 = arith.constant 752 : i32
    %dma_wait3A_2427 = tpu.memref_slice %arg6[%dma_wait3A_2426] : memref<1536xf32, #tpu.memory_space<vmem>> -> memref<16xf32, #tpu.memory_space<vmem>>
    %dma_wait3A_2428 = tpu.memref_slice %arg3[%add3A_1028, %squeeze3A_987, %multiple_of3A_1016] : memref<576x192x192xf32, #tpu.memory_space<hbm>> -> memref<1x1x16xf32, #tpu.memory_space<hbm>>
    %dma_wait3A_2429 = tpu.memref_squeeze %dma_wait3A_2428 : memref<1x1x16xf32, #tpu.memory_space<hbm>> -> memref<16xf32, #tpu.memory_space<hbm>>
    tpu.wait_dma2 semaphore(%arg8 : memref<!tpu.dma_semaphore, #tpu.memory_space<semaphore_mem>>) src(%dma_wait3A_2429 : memref<16xf32, #tpu.memory_space<hbm>>) dst(%dma_wait3A_2427 : memref<16xf32, #tpu.memory_space<vmem>>)
    %dma_wait3A_2430 = arith.constant 1264 : i32
    %dma_wait3A_2431 = tpu.memref_slice %arg6[%dma_wait3A_2430] : memref<1536xf32, #tpu.memory_space<vmem>> -> memref<16xf32, #tpu.memory_space<vmem>>
    %dma_wait3A_2432 = tpu.memref_slice %arg3[%add3A_1038, %squeeze3A_987, %multiple_of3A_1016] : memref<576x192x192xf32, #tpu.memory_space<hbm>> -> memref<1x1x16xf32, #tpu.memory_space<hbm>>
    %dma_wait3A_2433 = tpu.memref_squeeze %dma_wait3A_2432 : memref<1x1x16xf32, #tpu.memory_space<hbm>> -> memref<16xf32, #tpu.memory_space<hbm>>
    %dma_wait3A_2434 = arith.constant 1264 : i32
    %dma_wait3A_2435 = tpu.memref_slice %arg6[%dma_wait3A_2434] : memref<1536xf32, #tpu.memory_space<vmem>> -> memref<16xf32, #tpu.memory_space<vmem>>
    %dma_wait3A_2436 = tpu.memref_slice %arg3[%add3A_1038, %squeeze3A_987, %multiple_of3A_1016] : memref<576x192x192xf32, #tpu.memory_space<hbm>> -> memref<1x1x16xf32, #tpu.memory_space<hbm>>
    %dma_wait3A_2437 = tpu.memref_squeeze %dma_wait3A_2436 : memref<1x1x16xf32, #tpu.memory_space<hbm>> -> memref<16xf32, #tpu.memory_space<hbm>>
    tpu.wait_dma2 semaphore(%arg8 : memref<!tpu.dma_semaphore, #tpu.memory_space<semaphore_mem>>) src(%dma_wait3A_2437 : memref<16xf32, #tpu.memory_space<hbm>>) dst(%dma_wait3A_2435 : memref<16xf32, #tpu.memory_space<vmem>>)
    %dma_wait3A_2438 = arith.constant 256 : i32
    %dma_wait3A_2439 = tpu.memref_slice %arg6[%dma_wait3A_2438] : memref<1536xf32, #tpu.memory_space<vmem>> -> memref<16xf32, #tpu.memory_space<vmem>>
    %dma_wait3A_2440 = tpu.memref_slice %arg3[%add3A_1081, %squeeze3A_1050, %multiple_of3A_1079] : memref<576x192x192xf32, #tpu.memory_space<hbm>> -> memref<1x1x16xf32, #tpu.memory_space<hbm>>
    %dma_wait3A_2441 = tpu.memref_squeeze %dma_wait3A_2440 : memref<1x1x16xf32, #tpu.memory_space<hbm>> -> memref<16xf32, #tpu.memory_space<hbm>>
    %dma_wait3A_2442 = arith.constant 256 : i32
    %dma_wait3A_2443 = tpu.memref_slice %arg6[%dma_wait3A_2442] : memref<1536xf32, #tpu.memory_space<vmem>> -> memref<16xf32, #tpu.memory_space<vmem>>
    %dma_wait3A_2444 = tpu.memref_slice %arg3[%add3A_1081, %squeeze3A_1050, %multiple_of3A_1079] : memref<576x192x192xf32, #tpu.memory_space<hbm>> -> memref<1x1x16xf32, #tpu.memory_space<hbm>>
    %dma_wait3A_2445 = tpu.memref_squeeze %dma_wait3A_2444 : memref<1x1x16xf32, #tpu.memory_space<hbm>> -> memref<16xf32, #tpu.memory_space<hbm>>
    tpu.wait_dma2 semaphore(%arg8 : memref<!tpu.dma_semaphore, #tpu.memory_space<semaphore_mem>>) src(%dma_wait3A_2445 : memref<16xf32, #tpu.memory_space<hbm>>) dst(%dma_wait3A_2443 : memref<16xf32, #tpu.memory_space<vmem>>)
    %dma_wait3A_2446 = arith.constant 768 : i32
    %dma_wait3A_2447 = tpu.memref_slice %arg6[%dma_wait3A_2446] : memref<1536xf32, #tpu.memory_space<vmem>> -> memref<16xf32, #tpu.memory_space<vmem>>
    %dma_wait3A_2448 = tpu.memref_slice %arg3[%add3A_1091, %squeeze3A_1050, %multiple_of3A_1079] : memref<576x192x192xf32, #tpu.memory_space<hbm>> -> memref<1x1x16xf32, #tpu.memory_space<hbm>>
    %dma_wait3A_2449 = tpu.memref_squeeze %dma_wait3A_2448 : memref<1x1x16xf32, #tpu.memory_space<hbm>> -> memref<16xf32, #tpu.memory_space<hbm>>
    %dma_wait3A_2450 = arith.constant 768 : i32
    %dma_wait3A_2451 = tpu.memref_slice %arg6[%dma_wait3A_2450] : memref<1536xf32, #tpu.memory_space<vmem>> -> memref<16xf32, #tpu.memory_space<vmem>>
    %dma_wait3A_2452 = tpu.memref_slice %arg3[%add3A_1091, %squeeze3A_1050, %multiple_of3A_1079] : memref<576x192x192xf32, #tpu.memory_space<hbm>> -> memref<1x1x16xf32, #tpu.memory_space<hbm>>
    %dma_wait3A_2453 = tpu.memref_squeeze %dma_wait3A_2452 : memref<1x1x16xf32, #tpu.memory_space<hbm>> -> memref<16xf32, #tpu.memory_space<hbm>>
    tpu.wait_dma2 semaphore(%arg8 : memref<!tpu.dma_semaphore, #tpu.memory_space<semaphore_mem>>) src(%dma_wait3A_2453 : memref<16xf32, #tpu.memory_space<hbm>>) dst(%dma_wait3A_2451 : memref<16xf32, #tpu.memory_space<vmem>>)
    %dma_wait3A_2454 = arith.constant 1280 : i32
    %dma_wait3A_2455 = tpu.memref_slice %arg6[%dma_wait3A_2454] : memref<1536xf32, #tpu.memory_space<vmem>> -> memref<16xf32, #tpu.memory_space<vmem>>
    %dma_wait3A_2456 = tpu.memref_slice %arg3[%add3A_1101, %squeeze3A_1050, %multiple_of3A_1079] : memref<576x192x192xf32, #tpu.memory_space<hbm>> -> memref<1x1x16xf32, #tpu.memory_space<hbm>>
    %dma_wait3A_2457 = tpu.memref_squeeze %dma_wait3A_2456 : memref<1x1x16xf32, #tpu.memory_space<hbm>> -> memref<16xf32, #tpu.memory_space<hbm>>
    %dma_wait3A_2458 = arith.constant 1280 : i32
    %dma_wait3A_2459 = tpu.memref_slice %arg6[%dma_wait3A_2458] : memref<1536xf32, #tpu.memory_space<vmem>> -> memref<16xf32, #tpu.memory_space<vmem>>
    %dma_wait3A_2460 = tpu.memref_slice %arg3[%add3A_1101, %squeeze3A_1050, %multiple_of3A_1079] : memref<576x192x192xf32, #tpu.memory_space<hbm>> -> memref<1x1x16xf32, #tpu.memory_space<hbm>>
    %dma_wait3A_2461 = tpu.memref_squeeze %dma_wait3A_2460 : memref<1x1x16xf32, #tpu.memory_space<hbm>> -> memref<16xf32, #tpu.memory_space<hbm>>
    tpu.wait_dma2 semaphore(%arg8 : memref<!tpu.dma_semaphore, #tpu.memory_space<semaphore_mem>>) src(%dma_wait3A_2461 : memref<16xf32, #tpu.memory_space<hbm>>) dst(%dma_wait3A_2459 : memref<16xf32, #tpu.memory_space<vmem>>)
    %dma_wait3A_2462 = arith.constant 272 : i32
    %dma_wait3A_2463 = tpu.memref_slice %arg6[%dma_wait3A_2462] : memref<1536xf32, #tpu.memory_space<vmem>> -> memref<16xf32, #tpu.memory_space<vmem>>
    %dma_wait3A_2464 = tpu.memref_slice %arg3[%add3A_1144, %squeeze3A_1113, %multiple_of3A_1142] : memref<576x192x192xf32, #tpu.memory_space<hbm>> -> memref<1x1x16xf32, #tpu.memory_space<hbm>>
    %dma_wait3A_2465 = tpu.memref_squeeze %dma_wait3A_2464 : memref<1x1x16xf32, #tpu.memory_space<hbm>> -> memref<16xf32, #tpu.memory_space<hbm>>
    %dma_wait3A_2466 = arith.constant 272 : i32
    %dma_wait3A_2467 = tpu.memref_slice %arg6[%dma_wait3A_2466] : memref<1536xf32, #tpu.memory_space<vmem>> -> memref<16xf32, #tpu.memory_space<vmem>>
    %dma_wait3A_2468 = tpu.memref_slice %arg3[%add3A_1144, %squeeze3A_1113, %multiple_of3A_1142] : memref<576x192x192xf32, #tpu.memory_space<hbm>> -> memref<1x1x16xf32, #tpu.memory_space<hbm>>
    %dma_wait3A_2469 = tpu.memref_squeeze %dma_wait3A_2468 : memref<1x1x16xf32, #tpu.memory_space<hbm>> -> memref<16xf32, #tpu.memory_space<hbm>>
    tpu.wait_dma2 semaphore(%arg8 : memref<!tpu.dma_semaphore, #tpu.memory_space<semaphore_mem>>) src(%dma_wait3A_2469 : memref<16xf32, #tpu.memory_space<hbm>>) dst(%dma_wait3A_2467 : memref<16xf32, #tpu.memory_space<vmem>>)
    %dma_wait3A_2470 = arith.constant 784 : i32
    %dma_wait3A_2471 = tpu.memref_slice %arg6[%dma_wait3A_2470] : memref<1536xf32, #tpu.memory_space<vmem>> -> memref<16xf32, #tpu.memory_space<vmem>>
    %dma_wait3A_2472 = tpu.memref_slice %arg3[%add3A_1154, %squeeze3A_1113, %multiple_of3A_1142] : memref<576x192x192xf32, #tpu.memory_space<hbm>> -> memref<1x1x16xf32, #tpu.memory_space<hbm>>
    %dma_wait3A_2473 = tpu.memref_squeeze %dma_wait3A_2472 : memref<1x1x16xf32, #tpu.memory_space<hbm>> -> memref<16xf32, #tpu.memory_space<hbm>>
    %dma_wait3A_2474 = arith.constant 784 : i32
    %dma_wait3A_2475 = tpu.memref_slice %arg6[%dma_wait3A_2474] : memref<1536xf32, #tpu.memory_space<vmem>> -> memref<16xf32, #tpu.memory_space<vmem>>
    %dma_wait3A_2476 = tpu.memref_slice %arg3[%add3A_1154, %squeeze3A_1113, %multiple_of3A_1142] : memref<576x192x192xf32, #tpu.memory_space<hbm>> -> memref<1x1x16xf32, #tpu.memory_space<hbm>>
    %dma_wait3A_2477 = tpu.memref_squeeze %dma_wait3A_2476 : memref<1x1x16xf32, #tpu.memory_space<hbm>> -> memref<16xf32, #tpu.memory_space<hbm>>
    tpu.wait_dma2 semaphore(%arg8 : memref<!tpu.dma_semaphore, #tpu.memory_space<semaphore_mem>>) src(%dma_wait3A_2477 : memref<16xf32, #tpu.memory_space<hbm>>) dst(%dma_wait3A_2475 : memref<16xf32, #tpu.memory_space<vmem>>)
    %dma_wait3A_2478 = arith.constant 1296 : i32
    %dma_wait3A_2479 = tpu.memref_slice %arg6[%dma_wait3A_2478] : memref<1536xf32, #tpu.memory_space<vmem>> -> memref<16xf32, #tpu.memory_space<vmem>>
    %dma_wait3A_2480 = tpu.memref_slice %arg3[%add3A_1164, %squeeze3A_1113, %multiple_of3A_1142] : memref<576x192x192xf32, #tpu.memory_space<hbm>> -> memref<1x1x16xf32, #tpu.memory_space<hbm>>
    %dma_wait3A_2481 = tpu.memref_squeeze %dma_wait3A_2480 : memref<1x1x16xf32, #tpu.memory_space<hbm>> -> memref<16xf32, #tpu.memory_space<hbm>>
    %dma_wait3A_2482 = arith.constant 1296 : i32
    %dma_wait3A_2483 = tpu.memref_slice %arg6[%dma_wait3A_2482] : memref<1536xf32, #tpu.memory_space<vmem>> -> memref<16xf32, #tpu.memory_space<vmem>>
    %dma_wait3A_2484 = tpu.memref_slice %arg3[%add3A_1164, %squeeze3A_1113, %multiple_of3A_1142] : memref<576x192x192xf32, #tpu.memory_space<hbm>> -> memref<1x1x16xf32, #tpu.memory_space<hbm>>
    %dma_wait3A_2485 = tpu.memref_squeeze %dma_wait3A_2484 : memref<1x1x16xf32, #tpu.memory_space<hbm>> -> memref<16xf32, #tpu.memory_space<hbm>>
    tpu.wait_dma2 semaphore(%arg8 : memref<!tpu.dma_semaphore, #tpu.memory_space<semaphore_mem>>) src(%dma_wait3A_2485 : memref<16xf32, #tpu.memory_space<hbm>>) dst(%dma_wait3A_2483 : memref<16xf32, #tpu.memory_space<vmem>>)
    %dma_wait3A_2486 = arith.constant 288 : i32
    %dma_wait3A_2487 = tpu.memref_slice %arg6[%dma_wait3A_2486] : memref<1536xf32, #tpu.memory_space<vmem>> -> memref<16xf32, #tpu.memory_space<vmem>>
    %dma_wait3A_2488 = tpu.memref_slice %arg3[%add3A_1207, %squeeze3A_1176, %multiple_of3A_1205] : memref<576x192x192xf32, #tpu.memory_space<hbm>> -> memref<1x1x16xf32, #tpu.memory_space<hbm>>
    %dma_wait3A_2489 = tpu.memref_squeeze %dma_wait3A_2488 : memref<1x1x16xf32, #tpu.memory_space<hbm>> -> memref<16xf32, #tpu.memory_space<hbm>>
    %dma_wait3A_2490 = arith.constant 288 : i32
    %dma_wait3A_2491 = tpu.memref_slice %arg6[%dma_wait3A_2490] : memref<1536xf32, #tpu.memory_space<vmem>> -> memref<16xf32, #tpu.memory_space<vmem>>
    %dma_wait3A_2492 = tpu.memref_slice %arg3[%add3A_1207, %squeeze3A_1176, %multiple_of3A_1205] : memref<576x192x192xf32, #tpu.memory_space<hbm>> -> memref<1x1x16xf32, #tpu.memory_space<hbm>>
    %dma_wait3A_2493 = tpu.memref_squeeze %dma_wait3A_2492 : memref<1x1x16xf32, #tpu.memory_space<hbm>> -> memref<16xf32, #tpu.memory_space<hbm>>
    tpu.wait_dma2 semaphore(%arg8 : memref<!tpu.dma_semaphore, #tpu.memory_space<semaphore_mem>>) src(%dma_wait3A_2493 : memref<16xf32, #tpu.memory_space<hbm>>) dst(%dma_wait3A_2491 : memref<16xf32, #tpu.memory_space<vmem>>)
    %dma_wait3A_2494 = arith.constant 800 : i32
    %dma_wait3A_2495 = tpu.memref_slice %arg6[%dma_wait3A_2494] : memref<1536xf32, #tpu.memory_space<vmem>> -> memref<16xf32, #tpu.memory_space<vmem>>
    %dma_wait3A_2496 = tpu.memref_slice %arg3[%add3A_1217, %squeeze3A_1176, %multiple_of3A_1205] : memref<576x192x192xf32, #tpu.memory_space<hbm>> -> memref<1x1x16xf32, #tpu.memory_space<hbm>>
    %dma_wait3A_2497 = tpu.memref_squeeze %dma_wait3A_2496 : memref<1x1x16xf32, #tpu.memory_space<hbm>> -> memref<16xf32, #tpu.memory_space<hbm>>
    %dma_wait3A_2498 = arith.constant 800 : i32
    %dma_wait3A_2499 = tpu.memref_slice %arg6[%dma_wait3A_2498] : memref<1536xf32, #tpu.memory_space<vmem>> -> memref<16xf32, #tpu.memory_space<vmem>>
    %dma_wait3A_2500 = tpu.memref_slice %arg3[%add3A_1217, %squeeze3A_1176, %multiple_of3A_1205] : memref<576x192x192xf32, #tpu.memory_space<hbm>> -> memref<1x1x16xf32, #tpu.memory_space<hbm>>
    %dma_wait3A_2501 = tpu.memref_squeeze %dma_wait3A_2500 : memref<1x1x16xf32, #tpu.memory_space<hbm>> -> memref<16xf32, #tpu.memory_space<hbm>>
    tpu.wait_dma2 semaphore(%arg8 : memref<!tpu.dma_semaphore, #tpu.memory_space<semaphore_mem>>) src(%dma_wait3A_2501 : memref<16xf32, #tpu.memory_space<hbm>>) dst(%dma_wait3A_2499 : memref<16xf32, #tpu.memory_space<vmem>>)
    %dma_wait3A_2502 = arith.constant 1312 : i32
    %dma_wait3A_2503 = tpu.memref_slice %arg6[%dma_wait3A_2502] : memref<1536xf32, #tpu.memory_space<vmem>> -> memref<16xf32, #tpu.memory_space<vmem>>
    %dma_wait3A_2504 = tpu.memref_slice %arg3[%add3A_1227, %squeeze3A_1176, %multiple_of3A_1205] : memref<576x192x192xf32, #tpu.memory_space<hbm>> -> memref<1x1x16xf32, #tpu.memory_space<hbm>>
    %dma_wait3A_2505 = tpu.memref_squeeze %dma_wait3A_2504 : memref<1x1x16xf32, #tpu.memory_space<hbm>> -> memref<16xf32, #tpu.memory_space<hbm>>
    %dma_wait3A_2506 = arith.constant 1312 : i32
    %dma_wait3A_2507 = tpu.memref_slice %arg6[%dma_wait3A_2506] : memref<1536xf32, #tpu.memory_space<vmem>> -> memref<16xf32, #tpu.memory_space<vmem>>
    %dma_wait3A_2508 = tpu.memref_slice %arg3[%add3A_1227, %squeeze3A_1176, %multiple_of3A_1205] : memref<576x192x192xf32, #tpu.memory_space<hbm>> -> memref<1x1x16xf32, #tpu.memory_space<hbm>>
    %dma_wait3A_2509 = tpu.memref_squeeze %dma_wait3A_2508 : memref<1x1x16xf32, #tpu.memory_space<hbm>> -> memref<16xf32, #tpu.memory_space<hbm>>
    tpu.wait_dma2 semaphore(%arg8 : memref<!tpu.dma_semaphore, #tpu.memory_space<semaphore_mem>>) src(%dma_wait3A_2509 : memref<16xf32, #tpu.memory_space<hbm>>) dst(%dma_wait3A_2507 : memref<16xf32, #tpu.memory_space<vmem>>)
    %dma_wait3A_2510 = arith.constant 304 : i32
    %dma_wait3A_2511 = tpu.memref_slice %arg6[%dma_wait3A_2510] : memref<1536xf32, #tpu.memory_space<vmem>> -> memref<16xf32, #tpu.memory_space<vmem>>
    %dma_wait3A_2512 = tpu.memref_slice %arg3[%add3A_1270, %squeeze3A_1239, %multiple_of3A_1268] : memref<576x192x192xf32, #tpu.memory_space<hbm>> -> memref<1x1x16xf32, #tpu.memory_space<hbm>>
    %dma_wait3A_2513 = tpu.memref_squeeze %dma_wait3A_2512 : memref<1x1x16xf32, #tpu.memory_space<hbm>> -> memref<16xf32, #tpu.memory_space<hbm>>
    %dma_wait3A_2514 = arith.constant 304 : i32
    %dma_wait3A_2515 = tpu.memref_slice %arg6[%dma_wait3A_2514] : memref<1536xf32, #tpu.memory_space<vmem>> -> memref<16xf32, #tpu.memory_space<vmem>>
    %dma_wait3A_2516 = tpu.memref_slice %arg3[%add3A_1270, %squeeze3A_1239, %multiple_of3A_1268] : memref<576x192x192xf32, #tpu.memory_space<hbm>> -> memref<1x1x16xf32, #tpu.memory_space<hbm>>
    %dma_wait3A_2517 = tpu.memref_squeeze %dma_wait3A_2516 : memref<1x1x16xf32, #tpu.memory_space<hbm>> -> memref<16xf32, #tpu.memory_space<hbm>>
    tpu.wait_dma2 semaphore(%arg8 : memref<!tpu.dma_semaphore, #tpu.memory_space<semaphore_mem>>) src(%dma_wait3A_2517 : memref<16xf32, #tpu.memory_space<hbm>>) dst(%dma_wait3A_2515 : memref<16xf32, #tpu.memory_space<vmem>>)
    %dma_wait3A_2518 = arith.constant 816 : i32
    %dma_wait3A_2519 = tpu.memref_slice %arg6[%dma_wait3A_2518] : memref<1536xf32, #tpu.memory_space<vmem>> -> memref<16xf32, #tpu.memory_space<vmem>>
    %dma_wait3A_2520 = tpu.memref_slice %arg3[%add3A_1280, %squeeze3A_1239, %multiple_of3A_1268] : memref<576x192x192xf32, #tpu.memory_space<hbm>> -> memref<1x1x16xf32, #tpu.memory_space<hbm>>
    %dma_wait3A_2521 = tpu.memref_squeeze %dma_wait3A_2520 : memref<1x1x16xf32, #tpu.memory_space<hbm>> -> memref<16xf32, #tpu.memory_space<hbm>>
    %dma_wait3A_2522 = arith.constant 816 : i32
    %dma_wait3A_2523 = tpu.memref_slice %arg6[%dma_wait3A_2522] : memref<1536xf32, #tpu.memory_space<vmem>> -> memref<16xf32, #tpu.memory_space<vmem>>
    %dma_wait3A_2524 = tpu.memref_slice %arg3[%add3A_1280, %squeeze3A_1239, %multiple_of3A_1268] : memref<576x192x192xf32, #tpu.memory_space<hbm>> -> memref<1x1x16xf32, #tpu.memory_space<hbm>>
    %dma_wait3A_2525 = tpu.memref_squeeze %dma_wait3A_2524 : memref<1x1x16xf32, #tpu.memory_space<hbm>> -> memref<16xf32, #tpu.memory_space<hbm>>
    tpu.wait_dma2 semaphore(%arg8 : memref<!tpu.dma_semaphore, #tpu.memory_space<semaphore_mem>>) src(%dma_wait3A_2525 : memref<16xf32, #tpu.memory_space<hbm>>) dst(%dma_wait3A_2523 : memref<16xf32, #tpu.memory_space<vmem>>)
    %dma_wait3A_2526 = arith.constant 1328 : i32
    %dma_wait3A_2527 = tpu.memref_slice %arg6[%dma_wait3A_2526] : memref<1536xf32, #tpu.memory_space<vmem>> -> memref<16xf32, #tpu.memory_space<vmem>>
    %dma_wait3A_2528 = tpu.memref_slice %arg3[%add3A_1290, %squeeze3A_1239, %multiple_of3A_1268] : memref<576x192x192xf32, #tpu.memory_space<hbm>> -> memref<1x1x16xf32, #tpu.memory_space<hbm>>
    %dma_wait3A_2529 = tpu.memref_squeeze %dma_wait3A_2528 : memref<1x1x16xf32, #tpu.memory_space<hbm>> -> memref<16xf32, #tpu.memory_space<hbm>>
    %dma_wait3A_2530 = arith.constant 1328 : i32
    %dma_wait3A_2531 = tpu.memref_slice %arg6[%dma_wait3A_2530] : memref<1536xf32, #tpu.memory_space<vmem>> -> memref<16xf32, #tpu.memory_space<vmem>>
    %dma_wait3A_2532 = tpu.memref_slice %arg3[%add3A_1290, %squeeze3A_1239, %multiple_of3A_1268] : memref<576x192x192xf32, #tpu.memory_space<hbm>> -> memref<1x1x16xf32, #tpu.memory_space<hbm>>
    %dma_wait3A_2533 = tpu.memref_squeeze %dma_wait3A_2532 : memref<1x1x16xf32, #tpu.memory_space<hbm>> -> memref<16xf32, #tpu.memory_space<hbm>>
    tpu.wait_dma2 semaphore(%arg8 : memref<!tpu.dma_semaphore, #tpu.memory_space<semaphore_mem>>) src(%dma_wait3A_2533 : memref<16xf32, #tpu.memory_space<hbm>>) dst(%dma_wait3A_2531 : memref<16xf32, #tpu.memory_space<vmem>>)
    %dma_wait3A_2534 = arith.constant 320 : i32
    %dma_wait3A_2535 = tpu.memref_slice %arg6[%dma_wait3A_2534] : memref<1536xf32, #tpu.memory_space<vmem>> -> memref<16xf32, #tpu.memory_space<vmem>>
    %dma_wait3A_2536 = tpu.memref_slice %arg3[%add3A_1333, %squeeze3A_1302, %multiple_of3A_1331] : memref<576x192x192xf32, #tpu.memory_space<hbm>> -> memref<1x1x16xf32, #tpu.memory_space<hbm>>
    %dma_wait3A_2537 = tpu.memref_squeeze %dma_wait3A_2536 : memref<1x1x16xf32, #tpu.memory_space<hbm>> -> memref<16xf32, #tpu.memory_space<hbm>>
    %dma_wait3A_2538 = arith.constant 320 : i32
    %dma_wait3A_2539 = tpu.memref_slice %arg6[%dma_wait3A_2538] : memref<1536xf32, #tpu.memory_space<vmem>> -> memref<16xf32, #tpu.memory_space<vmem>>
    %dma_wait3A_2540 = tpu.memref_slice %arg3[%add3A_1333, %squeeze3A_1302, %multiple_of3A_1331] : memref<576x192x192xf32, #tpu.memory_space<hbm>> -> memref<1x1x16xf32, #tpu.memory_space<hbm>>
    %dma_wait3A_2541 = tpu.memref_squeeze %dma_wait3A_2540 : memref<1x1x16xf32, #tpu.memory_space<hbm>> -> memref<16xf32, #tpu.memory_space<hbm>>
    tpu.wait_dma2 semaphore(%arg8 : memref<!tpu.dma_semaphore, #tpu.memory_space<semaphore_mem>>) src(%dma_wait3A_2541 : memref<16xf32, #tpu.memory_space<hbm>>) dst(%dma_wait3A_2539 : memref<16xf32, #tpu.memory_space<vmem>>)
    %dma_wait3A_2542 = arith.constant 832 : i32
    %dma_wait3A_2543 = tpu.memref_slice %arg6[%dma_wait3A_2542] : memref<1536xf32, #tpu.memory_space<vmem>> -> memref<16xf32, #tpu.memory_space<vmem>>
    %dma_wait3A_2544 = tpu.memref_slice %arg3[%add3A_1343, %squeeze3A_1302, %multiple_of3A_1331] : memref<576x192x192xf32, #tpu.memory_space<hbm>> -> memref<1x1x16xf32, #tpu.memory_space<hbm>>
    %dma_wait3A_2545 = tpu.memref_squeeze %dma_wait3A_2544 : memref<1x1x16xf32, #tpu.memory_space<hbm>> -> memref<16xf32, #tpu.memory_space<hbm>>
    %dma_wait3A_2546 = arith.constant 832 : i32
    %dma_wait3A_2547 = tpu.memref_slice %arg6[%dma_wait3A_2546] : memref<1536xf32, #tpu.memory_space<vmem>> -> memref<16xf32, #tpu.memory_space<vmem>>
    %dma_wait3A_2548 = tpu.memref_slice %arg3[%add3A_1343, %squeeze3A_1302, %multiple_of3A_1331] : memref<576x192x192xf32, #tpu.memory_space<hbm>> -> memref<1x1x16xf32, #tpu.memory_space<hbm>>
    %dma_wait3A_2549 = tpu.memref_squeeze %dma_wait3A_2548 : memref<1x1x16xf32, #tpu.memory_space<hbm>> -> memref<16xf32, #tpu.memory_space<hbm>>
    tpu.wait_dma2 semaphore(%arg8 : memref<!tpu.dma_semaphore, #tpu.memory_space<semaphore_mem>>) src(%dma_wait3A_2549 : memref<16xf32, #tpu.memory_space<hbm>>) dst(%dma_wait3A_2547 : memref<16xf32, #tpu.memory_space<vmem>>)
    %dma_wait3A_2550 = arith.constant 1344 : i32
    %dma_wait3A_2551 = tpu.memref_slice %arg6[%dma_wait3A_2550] : memref<1536xf32, #tpu.memory_space<vmem>> -> memref<16xf32, #tpu.memory_space<vmem>>
    %dma_wait3A_2552 = tpu.memref_slice %arg3[%add3A_1353, %squeeze3A_1302, %multiple_of3A_1331] : memref<576x192x192xf32, #tpu.memory_space<hbm>> -> memref<1x1x16xf32, #tpu.memory_space<hbm>>
    %dma_wait3A_2553 = tpu.memref_squeeze %dma_wait3A_2552 : memref<1x1x16xf32, #tpu.memory_space<hbm>> -> memref<16xf32, #tpu.memory_space<hbm>>
    %dma_wait3A_2554 = arith.constant 1344 : i32
    %dma_wait3A_2555 = tpu.memref_slice %arg6[%dma_wait3A_2554] : memref<1536xf32, #tpu.memory_space<vmem>> -> memref<16xf32, #tpu.memory_space<vmem>>
    %dma_wait3A_2556 = tpu.memref_slice %arg3[%add3A_1353, %squeeze3A_1302, %multiple_of3A_1331] : memref<576x192x192xf32, #tpu.memory_space<hbm>> -> memref<1x1x16xf32, #tpu.memory_space<hbm>>
    %dma_wait3A_2557 = tpu.memref_squeeze %dma_wait3A_2556 : memref<1x1x16xf32, #tpu.memory_space<hbm>> -> memref<16xf32, #tpu.memory_space<hbm>>
    tpu.wait_dma2 semaphore(%arg8 : memref<!tpu.dma_semaphore, #tpu.memory_space<semaphore_mem>>) src(%dma_wait3A_2557 : memref<16xf32, #tpu.memory_space<hbm>>) dst(%dma_wait3A_2555 : memref<16xf32, #tpu.memory_space<vmem>>)
    %dma_wait3A_2558 = arith.constant 336 : i32
    %dma_wait3A_2559 = tpu.memref_slice %arg6[%dma_wait3A_2558] : memref<1536xf32, #tpu.memory_space<vmem>> -> memref<16xf32, #tpu.memory_space<vmem>>
    %dma_wait3A_2560 = tpu.memref_slice %arg3[%add3A_1396, %squeeze3A_1365, %multiple_of3A_1394] : memref<576x192x192xf32, #tpu.memory_space<hbm>> -> memref<1x1x16xf32, #tpu.memory_space<hbm>>
    %dma_wait3A_2561 = tpu.memref_squeeze %dma_wait3A_2560 : memref<1x1x16xf32, #tpu.memory_space<hbm>> -> memref<16xf32, #tpu.memory_space<hbm>>
    %dma_wait3A_2562 = arith.constant 336 : i32
    %dma_wait3A_2563 = tpu.memref_slice %arg6[%dma_wait3A_2562] : memref<1536xf32, #tpu.memory_space<vmem>> -> memref<16xf32, #tpu.memory_space<vmem>>
    %dma_wait3A_2564 = tpu.memref_slice %arg3[%add3A_1396, %squeeze3A_1365, %multiple_of3A_1394] : memref<576x192x192xf32, #tpu.memory_space<hbm>> -> memref<1x1x16xf32, #tpu.memory_space<hbm>>
    %dma_wait3A_2565 = tpu.memref_squeeze %dma_wait3A_2564 : memref<1x1x16xf32, #tpu.memory_space<hbm>> -> memref<16xf32, #tpu.memory_space<hbm>>
    tpu.wait_dma2 semaphore(%arg8 : memref<!tpu.dma_semaphore, #tpu.memory_space<semaphore_mem>>) src(%dma_wait3A_2565 : memref<16xf32, #tpu.memory_space<hbm>>) dst(%dma_wait3A_2563 : memref<16xf32, #tpu.memory_space<vmem>>)
    %dma_wait3A_2566 = arith.constant 848 : i32
    %dma_wait3A_2567 = tpu.memref_slice %arg6[%dma_wait3A_2566] : memref<1536xf32, #tpu.memory_space<vmem>> -> memref<16xf32, #tpu.memory_space<vmem>>
    %dma_wait3A_2568 = tpu.memref_slice %arg3[%add3A_1406, %squeeze3A_1365, %multiple_of3A_1394] : memref<576x192x192xf32, #tpu.memory_space<hbm>> -> memref<1x1x16xf32, #tpu.memory_space<hbm>>
    %dma_wait3A_2569 = tpu.memref_squeeze %dma_wait3A_2568 : memref<1x1x16xf32, #tpu.memory_space<hbm>> -> memref<16xf32, #tpu.memory_space<hbm>>
    %dma_wait3A_2570 = arith.constant 848 : i32
    %dma_wait3A_2571 = tpu.memref_slice %arg6[%dma_wait3A_2570] : memref<1536xf32, #tpu.memory_space<vmem>> -> memref<16xf32, #tpu.memory_space<vmem>>
    %dma_wait3A_2572 = tpu.memref_slice %arg3[%add3A_1406, %squeeze3A_1365, %multiple_of3A_1394] : memref<576x192x192xf32, #tpu.memory_space<hbm>> -> memref<1x1x16xf32, #tpu.memory_space<hbm>>
    %dma_wait3A_2573 = tpu.memref_squeeze %dma_wait3A_2572 : memref<1x1x16xf32, #tpu.memory_space<hbm>> -> memref<16xf32, #tpu.memory_space<hbm>>
    tpu.wait_dma2 semaphore(%arg8 : memref<!tpu.dma_semaphore, #tpu.memory_space<semaphore_mem>>) src(%dma_wait3A_2573 : memref<16xf32, #tpu.memory_space<hbm>>) dst(%dma_wait3A_2571 : memref<16xf32, #tpu.memory_space<vmem>>)
    %dma_wait3A_2574 = arith.constant 1360 : i32
    %dma_wait3A_2575 = tpu.memref_slice %arg6[%dma_wait3A_2574] : memref<1536xf32, #tpu.memory_space<vmem>> -> memref<16xf32, #tpu.memory_space<vmem>>
    %dma_wait3A_2576 = tpu.memref_slice %arg3[%add3A_1416, %squeeze3A_1365, %multiple_of3A_1394] : memref<576x192x192xf32, #tpu.memory_space<hbm>> -> memref<1x1x16xf32, #tpu.memory_space<hbm>>
    %dma_wait3A_2577 = tpu.memref_squeeze %dma_wait3A_2576 : memref<1x1x16xf32, #tpu.memory_space<hbm>> -> memref<16xf32, #tpu.memory_space<hbm>>
    %dma_wait3A_2578 = arith.constant 1360 : i32
    %dma_wait3A_2579 = tpu.memref_slice %arg6[%dma_wait3A_2578] : memref<1536xf32, #tpu.memory_space<vmem>> -> memref<16xf32, #tpu.memory_space<vmem>>
    %dma_wait3A_2580 = tpu.memref_slice %arg3[%add3A_1416, %squeeze3A_1365, %multiple_of3A_1394] : memref<576x192x192xf32, #tpu.memory_space<hbm>> -> memref<1x1x16xf32, #tpu.memory_space<hbm>>
    %dma_wait3A_2581 = tpu.memref_squeeze %dma_wait3A_2580 : memref<1x1x16xf32, #tpu.memory_space<hbm>> -> memref<16xf32, #tpu.memory_space<hbm>>
    tpu.wait_dma2 semaphore(%arg8 : memref<!tpu.dma_semaphore, #tpu.memory_space<semaphore_mem>>) src(%dma_wait3A_2581 : memref<16xf32, #tpu.memory_space<hbm>>) dst(%dma_wait3A_2579 : memref<16xf32, #tpu.memory_space<vmem>>)
    %dma_wait3A_2582 = arith.constant 352 : i32
    %dma_wait3A_2583 = tpu.memref_slice %arg6[%dma_wait3A_2582] : memref<1536xf32, #tpu.memory_space<vmem>> -> memref<16xf32, #tpu.memory_space<vmem>>
    %dma_wait3A_2584 = tpu.memref_slice %arg3[%add3A_1459, %squeeze3A_1428, %multiple_of3A_1457] : memref<576x192x192xf32, #tpu.memory_space<hbm>> -> memref<1x1x16xf32, #tpu.memory_space<hbm>>
    %dma_wait3A_2585 = tpu.memref_squeeze %dma_wait3A_2584 : memref<1x1x16xf32, #tpu.memory_space<hbm>> -> memref<16xf32, #tpu.memory_space<hbm>>
    %dma_wait3A_2586 = arith.constant 352 : i32
    %dma_wait3A_2587 = tpu.memref_slice %arg6[%dma_wait3A_2586] : memref<1536xf32, #tpu.memory_space<vmem>> -> memref<16xf32, #tpu.memory_space<vmem>>
    %dma_wait3A_2588 = tpu.memref_slice %arg3[%add3A_1459, %squeeze3A_1428, %multiple_of3A_1457] : memref<576x192x192xf32, #tpu.memory_space<hbm>> -> memref<1x1x16xf32, #tpu.memory_space<hbm>>
    %dma_wait3A_2589 = tpu.memref_squeeze %dma_wait3A_2588 : memref<1x1x16xf32, #tpu.memory_space<hbm>> -> memref<16xf32, #tpu.memory_space<hbm>>
    tpu.wait_dma2 semaphore(%arg8 : memref<!tpu.dma_semaphore, #tpu.memory_space<semaphore_mem>>) src(%dma_wait3A_2589 : memref<16xf32, #tpu.memory_space<hbm>>) dst(%dma_wait3A_2587 : memref<16xf32, #tpu.memory_space<vmem>>)
    %dma_wait3A_2590 = arith.constant 864 : i32
    %dma_wait3A_2591 = tpu.memref_slice %arg6[%dma_wait3A_2590] : memref<1536xf32, #tpu.memory_space<vmem>> -> memref<16xf32, #tpu.memory_space<vmem>>
    %dma_wait3A_2592 = tpu.memref_slice %arg3[%add3A_1469, %squeeze3A_1428, %multiple_of3A_1457] : memref<576x192x192xf32, #tpu.memory_space<hbm>> -> memref<1x1x16xf32, #tpu.memory_space<hbm>>
    %dma_wait3A_2593 = tpu.memref_squeeze %dma_wait3A_2592 : memref<1x1x16xf32, #tpu.memory_space<hbm>> -> memref<16xf32, #tpu.memory_space<hbm>>
    %dma_wait3A_2594 = arith.constant 864 : i32
    %dma_wait3A_2595 = tpu.memref_slice %arg6[%dma_wait3A_2594] : memref<1536xf32, #tpu.memory_space<vmem>> -> memref<16xf32, #tpu.memory_space<vmem>>
    %dma_wait3A_2596 = tpu.memref_slice %arg3[%add3A_1469, %squeeze3A_1428, %multiple_of3A_1457] : memref<576x192x192xf32, #tpu.memory_space<hbm>> -> memref<1x1x16xf32, #tpu.memory_space<hbm>>
    %dma_wait3A_2597 = tpu.memref_squeeze %dma_wait3A_2596 : memref<1x1x16xf32, #tpu.memory_space<hbm>> -> memref<16xf32, #tpu.memory_space<hbm>>
    tpu.wait_dma2 semaphore(%arg8 : memref<!tpu.dma_semaphore, #tpu.memory_space<semaphore_mem>>) src(%dma_wait3A_2597 : memref<16xf32, #tpu.memory_space<hbm>>) dst(%dma_wait3A_2595 : memref<16xf32, #tpu.memory_space<vmem>>)
    %dma_wait3A_2598 = arith.constant 1376 : i32
    %dma_wait3A_2599 = tpu.memref_slice %arg6[%dma_wait3A_2598] : memref<1536xf32, #tpu.memory_space<vmem>> -> memref<16xf32, #tpu.memory_space<vmem>>
    %dma_wait3A_2600 = tpu.memref_slice %arg3[%add3A_1479, %squeeze3A_1428, %multiple_of3A_1457] : memref<576x192x192xf32, #tpu.memory_space<hbm>> -> memref<1x1x16xf32, #tpu.memory_space<hbm>>
    %dma_wait3A_2601 = tpu.memref_squeeze %dma_wait3A_2600 : memref<1x1x16xf32, #tpu.memory_space<hbm>> -> memref<16xf32, #tpu.memory_space<hbm>>
    %dma_wait3A_2602 = arith.constant 1376 : i32
    %dma_wait3A_2603 = tpu.memref_slice %arg6[%dma_wait3A_2602] : memref<1536xf32, #tpu.memory_space<vmem>> -> memref<16xf32, #tpu.memory_space<vmem>>
    %dma_wait3A_2604 = tpu.memref_slice %arg3[%add3A_1479, %squeeze3A_1428, %multiple_of3A_1457] : memref<576x192x192xf32, #tpu.memory_space<hbm>> -> memref<1x1x16xf32, #tpu.memory_space<hbm>>
    %dma_wait3A_2605 = tpu.memref_squeeze %dma_wait3A_2604 : memref<1x1x16xf32, #tpu.memory_space<hbm>> -> memref<16xf32, #tpu.memory_space<hbm>>
    tpu.wait_dma2 semaphore(%arg8 : memref<!tpu.dma_semaphore, #tpu.memory_space<semaphore_mem>>) src(%dma_wait3A_2605 : memref<16xf32, #tpu.memory_space<hbm>>) dst(%dma_wait3A_2603 : memref<16xf32, #tpu.memory_space<vmem>>)
    %dma_wait3A_2606 = arith.constant 368 : i32
    %dma_wait3A_2607 = tpu.memref_slice %arg6[%dma_wait3A_2606] : memref<1536xf32, #tpu.memory_space<vmem>> -> memref<16xf32, #tpu.memory_space<vmem>>
    %dma_wait3A_2608 = tpu.memref_slice %arg3[%add3A_1522, %squeeze3A_1491, %multiple_of3A_1520] : memref<576x192x192xf32, #tpu.memory_space<hbm>> -> memref<1x1x16xf32, #tpu.memory_space<hbm>>
    %dma_wait3A_2609 = tpu.memref_squeeze %dma_wait3A_2608 : memref<1x1x16xf32, #tpu.memory_space<hbm>> -> memref<16xf32, #tpu.memory_space<hbm>>
    %dma_wait3A_2610 = arith.constant 368 : i32
    %dma_wait3A_2611 = tpu.memref_slice %arg6[%dma_wait3A_2610] : memref<1536xf32, #tpu.memory_space<vmem>> -> memref<16xf32, #tpu.memory_space<vmem>>
    %dma_wait3A_2612 = tpu.memref_slice %arg3[%add3A_1522, %squeeze3A_1491, %multiple_of3A_1520] : memref<576x192x192xf32, #tpu.memory_space<hbm>> -> memref<1x1x16xf32, #tpu.memory_space<hbm>>
    %dma_wait3A_2613 = tpu.memref_squeeze %dma_wait3A_2612 : memref<1x1x16xf32, #tpu.memory_space<hbm>> -> memref<16xf32, #tpu.memory_space<hbm>>
    tpu.wait_dma2 semaphore(%arg8 : memref<!tpu.dma_semaphore, #tpu.memory_space<semaphore_mem>>) src(%dma_wait3A_2613 : memref<16xf32, #tpu.memory_space<hbm>>) dst(%dma_wait3A_2611 : memref<16xf32, #tpu.memory_space<vmem>>)
    %dma_wait3A_2614 = arith.constant 880 : i32
    %dma_wait3A_2615 = tpu.memref_slice %arg6[%dma_wait3A_2614] : memref<1536xf32, #tpu.memory_space<vmem>> -> memref<16xf32, #tpu.memory_space<vmem>>
    %dma_wait3A_2616 = tpu.memref_slice %arg3[%add3A_1532, %squeeze3A_1491, %multiple_of3A_1520] : memref<576x192x192xf32, #tpu.memory_space<hbm>> -> memref<1x1x16xf32, #tpu.memory_space<hbm>>
    %dma_wait3A_2617 = tpu.memref_squeeze %dma_wait3A_2616 : memref<1x1x16xf32, #tpu.memory_space<hbm>> -> memref<16xf32, #tpu.memory_space<hbm>>
    %dma_wait3A_2618 = arith.constant 880 : i32
    %dma_wait3A_2619 = tpu.memref_slice %arg6[%dma_wait3A_2618] : memref<1536xf32, #tpu.memory_space<vmem>> -> memref<16xf32, #tpu.memory_space<vmem>>
    %dma_wait3A_2620 = tpu.memref_slice %arg3[%add3A_1532, %squeeze3A_1491, %multiple_of3A_1520] : memref<576x192x192xf32, #tpu.memory_space<hbm>> -> memref<1x1x16xf32, #tpu.memory_space<hbm>>
    %dma_wait3A_2621 = tpu.memref_squeeze %dma_wait3A_2620 : memref<1x1x16xf32, #tpu.memory_space<hbm>> -> memref<16xf32, #tpu.memory_space<hbm>>
    tpu.wait_dma2 semaphore(%arg8 : memref<!tpu.dma_semaphore, #tpu.memory_space<semaphore_mem>>) src(%dma_wait3A_2621 : memref<16xf32, #tpu.memory_space<hbm>>) dst(%dma_wait3A_2619 : memref<16xf32, #tpu.memory_space<vmem>>)
    %dma_wait3A_2622 = arith.constant 1392 : i32
    %dma_wait3A_2623 = tpu.memref_slice %arg6[%dma_wait3A_2622] : memref<1536xf32, #tpu.memory_space<vmem>> -> memref<16xf32, #tpu.memory_space<vmem>>
    %dma_wait3A_2624 = tpu.memref_slice %arg3[%add3A_1542, %squeeze3A_1491, %multiple_of3A_1520] : memref<576x192x192xf32, #tpu.memory_space<hbm>> -> memref<1x1x16xf32, #tpu.memory_space<hbm>>
    %dma_wait3A_2625 = tpu.memref_squeeze %dma_wait3A_2624 : memref<1x1x16xf32, #tpu.memory_space<hbm>> -> memref<16xf32, #tpu.memory_space<hbm>>
    %dma_wait3A_2626 = arith.constant 1392 : i32
    %dma_wait3A_2627 = tpu.memref_slice %arg6[%dma_wait3A_2626] : memref<1536xf32, #tpu.memory_space<vmem>> -> memref<16xf32, #tpu.memory_space<vmem>>
    %dma_wait3A_2628 = tpu.memref_slice %arg3[%add3A_1542, %squeeze3A_1491, %multiple_of3A_1520] : memref<576x192x192xf32, #tpu.memory_space<hbm>> -> memref<1x1x16xf32, #tpu.memory_space<hbm>>
    %dma_wait3A_2629 = tpu.memref_squeeze %dma_wait3A_2628 : memref<1x1x16xf32, #tpu.memory_space<hbm>> -> memref<16xf32, #tpu.memory_space<hbm>>
    tpu.wait_dma2 semaphore(%arg8 : memref<!tpu.dma_semaphore, #tpu.memory_space<semaphore_mem>>) src(%dma_wait3A_2629 : memref<16xf32, #tpu.memory_space<hbm>>) dst(%dma_wait3A_2627 : memref<16xf32, #tpu.memory_space<vmem>>)
    %dma_wait3A_2630 = arith.constant 384 : i32
    %dma_wait3A_2631 = tpu.memref_slice %arg6[%dma_wait3A_2630] : memref<1536xf32, #tpu.memory_space<vmem>> -> memref<16xf32, #tpu.memory_space<vmem>>
    %dma_wait3A_2632 = tpu.memref_slice %arg3[%add3A_1585, %squeeze3A_1554, %multiple_of3A_1583] : memref<576x192x192xf32, #tpu.memory_space<hbm>> -> memref<1x1x16xf32, #tpu.memory_space<hbm>>
    %dma_wait3A_2633 = tpu.memref_squeeze %dma_wait3A_2632 : memref<1x1x16xf32, #tpu.memory_space<hbm>> -> memref<16xf32, #tpu.memory_space<hbm>>
    %dma_wait3A_2634 = arith.constant 384 : i32
    %dma_wait3A_2635 = tpu.memref_slice %arg6[%dma_wait3A_2634] : memref<1536xf32, #tpu.memory_space<vmem>> -> memref<16xf32, #tpu.memory_space<vmem>>
    %dma_wait3A_2636 = tpu.memref_slice %arg3[%add3A_1585, %squeeze3A_1554, %multiple_of3A_1583] : memref<576x192x192xf32, #tpu.memory_space<hbm>> -> memref<1x1x16xf32, #tpu.memory_space<hbm>>
    %dma_wait3A_2637 = tpu.memref_squeeze %dma_wait3A_2636 : memref<1x1x16xf32, #tpu.memory_space<hbm>> -> memref<16xf32, #tpu.memory_space<hbm>>
    tpu.wait_dma2 semaphore(%arg8 : memref<!tpu.dma_semaphore, #tpu.memory_space<semaphore_mem>>) src(%dma_wait3A_2637 : memref<16xf32, #tpu.memory_space<hbm>>) dst(%dma_wait3A_2635 : memref<16xf32, #tpu.memory_space<vmem>>)
    %dma_wait3A_2638 = arith.constant 896 : i32
    %dma_wait3A_2639 = tpu.memref_slice %arg6[%dma_wait3A_2638] : memref<1536xf32, #tpu.memory_space<vmem>> -> memref<16xf32, #tpu.memory_space<vmem>>
    %dma_wait3A_2640 = tpu.memref_slice %arg3[%add3A_1595, %squeeze3A_1554, %multiple_of3A_1583] : memref<576x192x192xf32, #tpu.memory_space<hbm>> -> memref<1x1x16xf32, #tpu.memory_space<hbm>>
    %dma_wait3A_2641 = tpu.memref_squeeze %dma_wait3A_2640 : memref<1x1x16xf32, #tpu.memory_space<hbm>> -> memref<16xf32, #tpu.memory_space<hbm>>
    %dma_wait3A_2642 = arith.constant 896 : i32
    %dma_wait3A_2643 = tpu.memref_slice %arg6[%dma_wait3A_2642] : memref<1536xf32, #tpu.memory_space<vmem>> -> memref<16xf32, #tpu.memory_space<vmem>>
    %dma_wait3A_2644 = tpu.memref_slice %arg3[%add3A_1595, %squeeze3A_1554, %multiple_of3A_1583] : memref<576x192x192xf32, #tpu.memory_space<hbm>> -> memref<1x1x16xf32, #tpu.memory_space<hbm>>
    %dma_wait3A_2645 = tpu.memref_squeeze %dma_wait3A_2644 : memref<1x1x16xf32, #tpu.memory_space<hbm>> -> memref<16xf32, #tpu.memory_space<hbm>>
    tpu.wait_dma2 semaphore(%arg8 : memref<!tpu.dma_semaphore, #tpu.memory_space<semaphore_mem>>) src(%dma_wait3A_2645 : memref<16xf32, #tpu.memory_space<hbm>>) dst(%dma_wait3A_2643 : memref<16xf32, #tpu.memory_space<vmem>>)
    %dma_wait3A_2646 = arith.constant 1408 : i32
    %dma_wait3A_2647 = tpu.memref_slice %arg6[%dma_wait3A_2646] : memref<1536xf32, #tpu.memory_space<vmem>> -> memref<16xf32, #tpu.memory_space<vmem>>
    %dma_wait3A_2648 = tpu.memref_slice %arg3[%add3A_1605, %squeeze3A_1554, %multiple_of3A_1583] : memref<576x192x192xf32, #tpu.memory_space<hbm>> -> memref<1x1x16xf32, #tpu.memory_space<hbm>>
    %dma_wait3A_2649 = tpu.memref_squeeze %dma_wait3A_2648 : memref<1x1x16xf32, #tpu.memory_space<hbm>> -> memref<16xf32, #tpu.memory_space<hbm>>
    %dma_wait3A_2650 = arith.constant 1408 : i32
    %dma_wait3A_2651 = tpu.memref_slice %arg6[%dma_wait3A_2650] : memref<1536xf32, #tpu.memory_space<vmem>> -> memref<16xf32, #tpu.memory_space<vmem>>
    %dma_wait3A_2652 = tpu.memref_slice %arg3[%add3A_1605, %squeeze3A_1554, %multiple_of3A_1583] : memref<576x192x192xf32, #tpu.memory_space<hbm>> -> memref<1x1x16xf32, #tpu.memory_space<hbm>>
    %dma_wait3A_2653 = tpu.memref_squeeze %dma_wait3A_2652 : memref<1x1x16xf32, #tpu.memory_space<hbm>> -> memref<16xf32, #tpu.memory_space<hbm>>
    tpu.wait_dma2 semaphore(%arg8 : memref<!tpu.dma_semaphore, #tpu.memory_space<semaphore_mem>>) src(%dma_wait3A_2653 : memref<16xf32, #tpu.memory_space<hbm>>) dst(%dma_wait3A_2651 : memref<16xf32, #tpu.memory_space<vmem>>)
    %dma_wait3A_2654 = arith.constant 400 : i32
    %dma_wait3A_2655 = tpu.memref_slice %arg6[%dma_wait3A_2654] : memref<1536xf32, #tpu.memory_space<vmem>> -> memref<16xf32, #tpu.memory_space<vmem>>
    %dma_wait3A_2656 = tpu.memref_slice %arg3[%add3A_1648, %squeeze3A_1617, %multiple_of3A_1646] : memref<576x192x192xf32, #tpu.memory_space<hbm>> -> memref<1x1x16xf32, #tpu.memory_space<hbm>>
    %dma_wait3A_2657 = tpu.memref_squeeze %dma_wait3A_2656 : memref<1x1x16xf32, #tpu.memory_space<hbm>> -> memref<16xf32, #tpu.memory_space<hbm>>
    %dma_wait3A_2658 = arith.constant 400 : i32
    %dma_wait3A_2659 = tpu.memref_slice %arg6[%dma_wait3A_2658] : memref<1536xf32, #tpu.memory_space<vmem>> -> memref<16xf32, #tpu.memory_space<vmem>>
    %dma_wait3A_2660 = tpu.memref_slice %arg3[%add3A_1648, %squeeze3A_1617, %multiple_of3A_1646] : memref<576x192x192xf32, #tpu.memory_space<hbm>> -> memref<1x1x16xf32, #tpu.memory_space<hbm>>
    %dma_wait3A_2661 = tpu.memref_squeeze %dma_wait3A_2660 : memref<1x1x16xf32, #tpu.memory_space<hbm>> -> memref<16xf32, #tpu.memory_space<hbm>>
    tpu.wait_dma2 semaphore(%arg8 : memref<!tpu.dma_semaphore, #tpu.memory_space<semaphore_mem>>) src(%dma_wait3A_2661 : memref<16xf32, #tpu.memory_space<hbm>>) dst(%dma_wait3A_2659 : memref<16xf32, #tpu.memory_space<vmem>>)
    %dma_wait3A_2662 = arith.constant 912 : i32
    %dma_wait3A_2663 = tpu.memref_slice %arg6[%dma_wait3A_2662] : memref<1536xf32, #tpu.memory_space<vmem>> -> memref<16xf32, #tpu.memory_space<vmem>>
    %dma_wait3A_2664 = tpu.memref_slice %arg3[%add3A_1658, %squeeze3A_1617, %multiple_of3A_1646] : memref<576x192x192xf32, #tpu.memory_space<hbm>> -> memref<1x1x16xf32, #tpu.memory_space<hbm>>
    %dma_wait3A_2665 = tpu.memref_squeeze %dma_wait3A_2664 : memref<1x1x16xf32, #tpu.memory_space<hbm>> -> memref<16xf32, #tpu.memory_space<hbm>>
    %dma_wait3A_2666 = arith.constant 912 : i32
    %dma_wait3A_2667 = tpu.memref_slice %arg6[%dma_wait3A_2666] : memref<1536xf32, #tpu.memory_space<vmem>> -> memref<16xf32, #tpu.memory_space<vmem>>
    %dma_wait3A_2668 = tpu.memref_slice %arg3[%add3A_1658, %squeeze3A_1617, %multiple_of3A_1646] : memref<576x192x192xf32, #tpu.memory_space<hbm>> -> memref<1x1x16xf32, #tpu.memory_space<hbm>>
    %dma_wait3A_2669 = tpu.memref_squeeze %dma_wait3A_2668 : memref<1x1x16xf32, #tpu.memory_space<hbm>> -> memref<16xf32, #tpu.memory_space<hbm>>
    tpu.wait_dma2 semaphore(%arg8 : memref<!tpu.dma_semaphore, #tpu.memory_space<semaphore_mem>>) src(%dma_wait3A_2669 : memref<16xf32, #tpu.memory_space<hbm>>) dst(%dma_wait3A_2667 : memref<16xf32, #tpu.memory_space<vmem>>)
    %dma_wait3A_2670 = arith.constant 1424 : i32
    %dma_wait3A_2671 = tpu.memref_slice %arg6[%dma_wait3A_2670] : memref<1536xf32, #tpu.memory_space<vmem>> -> memref<16xf32, #tpu.memory_space<vmem>>
    %dma_wait3A_2672 = tpu.memref_slice %arg3[%add3A_1668, %squeeze3A_1617, %multiple_of3A_1646] : memref<576x192x192xf32, #tpu.memory_space<hbm>> -> memref<1x1x16xf32, #tpu.memory_space<hbm>>
    %dma_wait3A_2673 = tpu.memref_squeeze %dma_wait3A_2672 : memref<1x1x16xf32, #tpu.memory_space<hbm>> -> memref<16xf32, #tpu.memory_space<hbm>>
    %dma_wait3A_2674 = arith.constant 1424 : i32
    %dma_wait3A_2675 = tpu.memref_slice %arg6[%dma_wait3A_2674] : memref<1536xf32, #tpu.memory_space<vmem>> -> memref<16xf32, #tpu.memory_space<vmem>>
    %dma_wait3A_2676 = tpu.memref_slice %arg3[%add3A_1668, %squeeze3A_1617, %multiple_of3A_1646] : memref<576x192x192xf32, #tpu.memory_space<hbm>> -> memref<1x1x16xf32, #tpu.memory_space<hbm>>
    %dma_wait3A_2677 = tpu.memref_squeeze %dma_wait3A_2676 : memref<1x1x16xf32, #tpu.memory_space<hbm>> -> memref<16xf32, #tpu.memory_space<hbm>>
    tpu.wait_dma2 semaphore(%arg8 : memref<!tpu.dma_semaphore, #tpu.memory_space<semaphore_mem>>) src(%dma_wait3A_2677 : memref<16xf32, #tpu.memory_space<hbm>>) dst(%dma_wait3A_2675 : memref<16xf32, #tpu.memory_space<vmem>>)
    %dma_wait3A_2678 = arith.constant 416 : i32
    %dma_wait3A_2679 = tpu.memref_slice %arg6[%dma_wait3A_2678] : memref<1536xf32, #tpu.memory_space<vmem>> -> memref<16xf32, #tpu.memory_space<vmem>>
    %dma_wait3A_2680 = tpu.memref_slice %arg3[%add3A_1711, %squeeze3A_1680, %multiple_of3A_1709] : memref<576x192x192xf32, #tpu.memory_space<hbm>> -> memref<1x1x16xf32, #tpu.memory_space<hbm>>
    %dma_wait3A_2681 = tpu.memref_squeeze %dma_wait3A_2680 : memref<1x1x16xf32, #tpu.memory_space<hbm>> -> memref<16xf32, #tpu.memory_space<hbm>>
    %dma_wait3A_2682 = arith.constant 416 : i32
    %dma_wait3A_2683 = tpu.memref_slice %arg6[%dma_wait3A_2682] : memref<1536xf32, #tpu.memory_space<vmem>> -> memref<16xf32, #tpu.memory_space<vmem>>
    %dma_wait3A_2684 = tpu.memref_slice %arg3[%add3A_1711, %squeeze3A_1680, %multiple_of3A_1709] : memref<576x192x192xf32, #tpu.memory_space<hbm>> -> memref<1x1x16xf32, #tpu.memory_space<hbm>>
    %dma_wait3A_2685 = tpu.memref_squeeze %dma_wait3A_2684 : memref<1x1x16xf32, #tpu.memory_space<hbm>> -> memref<16xf32, #tpu.memory_space<hbm>>
    tpu.wait_dma2 semaphore(%arg8 : memref<!tpu.dma_semaphore, #tpu.memory_space<semaphore_mem>>) src(%dma_wait3A_2685 : memref<16xf32, #tpu.memory_space<hbm>>) dst(%dma_wait3A_2683 : memref<16xf32, #tpu.memory_space<vmem>>)
    %dma_wait3A_2686 = arith.constant 928 : i32
    %dma_wait3A_2687 = tpu.memref_slice %arg6[%dma_wait3A_2686] : memref<1536xf32, #tpu.memory_space<vmem>> -> memref<16xf32, #tpu.memory_space<vmem>>
    %dma_wait3A_2688 = tpu.memref_slice %arg3[%add3A_1721, %squeeze3A_1680, %multiple_of3A_1709] : memref<576x192x192xf32, #tpu.memory_space<hbm>> -> memref<1x1x16xf32, #tpu.memory_space<hbm>>
    %dma_wait3A_2689 = tpu.memref_squeeze %dma_wait3A_2688 : memref<1x1x16xf32, #tpu.memory_space<hbm>> -> memref<16xf32, #tpu.memory_space<hbm>>
    %dma_wait3A_2690 = arith.constant 928 : i32
    %dma_wait3A_2691 = tpu.memref_slice %arg6[%dma_wait3A_2690] : memref<1536xf32, #tpu.memory_space<vmem>> -> memref<16xf32, #tpu.memory_space<vmem>>
    %dma_wait3A_2692 = tpu.memref_slice %arg3[%add3A_1721, %squeeze3A_1680, %multiple_of3A_1709] : memref<576x192x192xf32, #tpu.memory_space<hbm>> -> memref<1x1x16xf32, #tpu.memory_space<hbm>>
    %dma_wait3A_2693 = tpu.memref_squeeze %dma_wait3A_2692 : memref<1x1x16xf32, #tpu.memory_space<hbm>> -> memref<16xf32, #tpu.memory_space<hbm>>
    tpu.wait_dma2 semaphore(%arg8 : memref<!tpu.dma_semaphore, #tpu.memory_space<semaphore_mem>>) src(%dma_wait3A_2693 : memref<16xf32, #tpu.memory_space<hbm>>) dst(%dma_wait3A_2691 : memref<16xf32, #tpu.memory_space<vmem>>)
    %dma_wait3A_2694 = arith.constant 1440 : i32
    %dma_wait3A_2695 = tpu.memref_slice %arg6[%dma_wait3A_2694] : memref<1536xf32, #tpu.memory_space<vmem>> -> memref<16xf32, #tpu.memory_space<vmem>>
    %dma_wait3A_2696 = tpu.memref_slice %arg3[%add3A_1731, %squeeze3A_1680, %multiple_of3A_1709] : memref<576x192x192xf32, #tpu.memory_space<hbm>> -> memref<1x1x16xf32, #tpu.memory_space<hbm>>
    %dma_wait3A_2697 = tpu.memref_squeeze %dma_wait3A_2696 : memref<1x1x16xf32, #tpu.memory_space<hbm>> -> memref<16xf32, #tpu.memory_space<hbm>>
    %dma_wait3A_2698 = arith.constant 1440 : i32
    %dma_wait3A_2699 = tpu.memref_slice %arg6[%dma_wait3A_2698] : memref<1536xf32, #tpu.memory_space<vmem>> -> memref<16xf32, #tpu.memory_space<vmem>>
    %dma_wait3A_2700 = tpu.memref_slice %arg3[%add3A_1731, %squeeze3A_1680, %multiple_of3A_1709] : memref<576x192x192xf32, #tpu.memory_space<hbm>> -> memref<1x1x16xf32, #tpu.memory_space<hbm>>
    %dma_wait3A_2701 = tpu.memref_squeeze %dma_wait3A_2700 : memref<1x1x16xf32, #tpu.memory_space<hbm>> -> memref<16xf32, #tpu.memory_space<hbm>>
    tpu.wait_dma2 semaphore(%arg8 : memref<!tpu.dma_semaphore, #tpu.memory_space<semaphore_mem>>) src(%dma_wait3A_2701 : memref<16xf32, #tpu.memory_space<hbm>>) dst(%dma_wait3A_2699 : memref<16xf32, #tpu.memory_space<vmem>>)
    %dma_wait3A_2702 = arith.constant 432 : i32
    %dma_wait3A_2703 = tpu.memref_slice %arg6[%dma_wait3A_2702] : memref<1536xf32, #tpu.memory_space<vmem>> -> memref<16xf32, #tpu.memory_space<vmem>>
    %dma_wait3A_2704 = tpu.memref_slice %arg3[%add3A_1774, %squeeze3A_1743, %multiple_of3A_1772] : memref<576x192x192xf32, #tpu.memory_space<hbm>> -> memref<1x1x16xf32, #tpu.memory_space<hbm>>
    %dma_wait3A_2705 = tpu.memref_squeeze %dma_wait3A_2704 : memref<1x1x16xf32, #tpu.memory_space<hbm>> -> memref<16xf32, #tpu.memory_space<hbm>>
    %dma_wait3A_2706 = arith.constant 432 : i32
    %dma_wait3A_2707 = tpu.memref_slice %arg6[%dma_wait3A_2706] : memref<1536xf32, #tpu.memory_space<vmem>> -> memref<16xf32, #tpu.memory_space<vmem>>
    %dma_wait3A_2708 = tpu.memref_slice %arg3[%add3A_1774, %squeeze3A_1743, %multiple_of3A_1772] : memref<576x192x192xf32, #tpu.memory_space<hbm>> -> memref<1x1x16xf32, #tpu.memory_space<hbm>>
    %dma_wait3A_2709 = tpu.memref_squeeze %dma_wait3A_2708 : memref<1x1x16xf32, #tpu.memory_space<hbm>> -> memref<16xf32, #tpu.memory_space<hbm>>
    tpu.wait_dma2 semaphore(%arg8 : memref<!tpu.dma_semaphore, #tpu.memory_space<semaphore_mem>>) src(%dma_wait3A_2709 : memref<16xf32, #tpu.memory_space<hbm>>) dst(%dma_wait3A_2707 : memref<16xf32, #tpu.memory_space<vmem>>)
    %dma_wait3A_2710 = arith.constant 944 : i32
    %dma_wait3A_2711 = tpu.memref_slice %arg6[%dma_wait3A_2710] : memref<1536xf32, #tpu.memory_space<vmem>> -> memref<16xf32, #tpu.memory_space<vmem>>
    %dma_wait3A_2712 = tpu.memref_slice %arg3[%add3A_1784, %squeeze3A_1743, %multiple_of3A_1772] : memref<576x192x192xf32, #tpu.memory_space<hbm>> -> memref<1x1x16xf32, #tpu.memory_space<hbm>>
    %dma_wait3A_2713 = tpu.memref_squeeze %dma_wait3A_2712 : memref<1x1x16xf32, #tpu.memory_space<hbm>> -> memref<16xf32, #tpu.memory_space<hbm>>
    %dma_wait3A_2714 = arith.constant 944 : i32
    %dma_wait3A_2715 = tpu.memref_slice %arg6[%dma_wait3A_2714] : memref<1536xf32, #tpu.memory_space<vmem>> -> memref<16xf32, #tpu.memory_space<vmem>>
    %dma_wait3A_2716 = tpu.memref_slice %arg3[%add3A_1784, %squeeze3A_1743, %multiple_of3A_1772] : memref<576x192x192xf32, #tpu.memory_space<hbm>> -> memref<1x1x16xf32, #tpu.memory_space<hbm>>
    %dma_wait3A_2717 = tpu.memref_squeeze %dma_wait3A_2716 : memref<1x1x16xf32, #tpu.memory_space<hbm>> -> memref<16xf32, #tpu.memory_space<hbm>>
    tpu.wait_dma2 semaphore(%arg8 : memref<!tpu.dma_semaphore, #tpu.memory_space<semaphore_mem>>) src(%dma_wait3A_2717 : memref<16xf32, #tpu.memory_space<hbm>>) dst(%dma_wait3A_2715 : memref<16xf32, #tpu.memory_space<vmem>>)
    %dma_wait3A_2718 = arith.constant 1456 : i32
    %dma_wait3A_2719 = tpu.memref_slice %arg6[%dma_wait3A_2718] : memref<1536xf32, #tpu.memory_space<vmem>> -> memref<16xf32, #tpu.memory_space<vmem>>
    %dma_wait3A_2720 = tpu.memref_slice %arg3[%add3A_1794, %squeeze3A_1743, %multiple_of3A_1772] : memref<576x192x192xf32, #tpu.memory_space<hbm>> -> memref<1x1x16xf32, #tpu.memory_space<hbm>>
    %dma_wait3A_2721 = tpu.memref_squeeze %dma_wait3A_2720 : memref<1x1x16xf32, #tpu.memory_space<hbm>> -> memref<16xf32, #tpu.memory_space<hbm>>
    %dma_wait3A_2722 = arith.constant 1456 : i32
    %dma_wait3A_2723 = tpu.memref_slice %arg6[%dma_wait3A_2722] : memref<1536xf32, #tpu.memory_space<vmem>> -> memref<16xf32, #tpu.memory_space<vmem>>
    %dma_wait3A_2724 = tpu.memref_slice %arg3[%add3A_1794, %squeeze3A_1743, %multiple_of3A_1772] : memref<576x192x192xf32, #tpu.memory_space<hbm>> -> memref<1x1x16xf32, #tpu.memory_space<hbm>>
    %dma_wait3A_2725 = tpu.memref_squeeze %dma_wait3A_2724 : memref<1x1x16xf32, #tpu.memory_space<hbm>> -> memref<16xf32, #tpu.memory_space<hbm>>
    tpu.wait_dma2 semaphore(%arg8 : memref<!tpu.dma_semaphore, #tpu.memory_space<semaphore_mem>>) src(%dma_wait3A_2725 : memref<16xf32, #tpu.memory_space<hbm>>) dst(%dma_wait3A_2723 : memref<16xf32, #tpu.memory_space<vmem>>)
    %dma_wait3A_2726 = arith.constant 448 : i32
    %dma_wait3A_2727 = tpu.memref_slice %arg6[%dma_wait3A_2726] : memref<1536xf32, #tpu.memory_space<vmem>> -> memref<16xf32, #tpu.memory_space<vmem>>
    %dma_wait3A_2728 = tpu.memref_slice %arg3[%add3A_1837, %squeeze3A_1806, %multiple_of3A_1835] : memref<576x192x192xf32, #tpu.memory_space<hbm>> -> memref<1x1x16xf32, #tpu.memory_space<hbm>>
    %dma_wait3A_2729 = tpu.memref_squeeze %dma_wait3A_2728 : memref<1x1x16xf32, #tpu.memory_space<hbm>> -> memref<16xf32, #tpu.memory_space<hbm>>
    %dma_wait3A_2730 = arith.constant 448 : i32
    %dma_wait3A_2731 = tpu.memref_slice %arg6[%dma_wait3A_2730] : memref<1536xf32, #tpu.memory_space<vmem>> -> memref<16xf32, #tpu.memory_space<vmem>>
    %dma_wait3A_2732 = tpu.memref_slice %arg3[%add3A_1837, %squeeze3A_1806, %multiple_of3A_1835] : memref<576x192x192xf32, #tpu.memory_space<hbm>> -> memref<1x1x16xf32, #tpu.memory_space<hbm>>
    %dma_wait3A_2733 = tpu.memref_squeeze %dma_wait3A_2732 : memref<1x1x16xf32, #tpu.memory_space<hbm>> -> memref<16xf32, #tpu.memory_space<hbm>>
    tpu.wait_dma2 semaphore(%arg8 : memref<!tpu.dma_semaphore, #tpu.memory_space<semaphore_mem>>) src(%dma_wait3A_2733 : memref<16xf32, #tpu.memory_space<hbm>>) dst(%dma_wait3A_2731 : memref<16xf32, #tpu.memory_space<vmem>>)
    %dma_wait3A_2734 = arith.constant 960 : i32
    %dma_wait3A_2735 = tpu.memref_slice %arg6[%dma_wait3A_2734] : memref<1536xf32, #tpu.memory_space<vmem>> -> memref<16xf32, #tpu.memory_space<vmem>>
    %dma_wait3A_2736 = tpu.memref_slice %arg3[%add3A_1847, %squeeze3A_1806, %multiple_of3A_1835] : memref<576x192x192xf32, #tpu.memory_space<hbm>> -> memref<1x1x16xf32, #tpu.memory_space<hbm>>
    %dma_wait3A_2737 = tpu.memref_squeeze %dma_wait3A_2736 : memref<1x1x16xf32, #tpu.memory_space<hbm>> -> memref<16xf32, #tpu.memory_space<hbm>>
    %dma_wait3A_2738 = arith.constant 960 : i32
    %dma_wait3A_2739 = tpu.memref_slice %arg6[%dma_wait3A_2738] : memref<1536xf32, #tpu.memory_space<vmem>> -> memref<16xf32, #tpu.memory_space<vmem>>
    %dma_wait3A_2740 = tpu.memref_slice %arg3[%add3A_1847, %squeeze3A_1806, %multiple_of3A_1835] : memref<576x192x192xf32, #tpu.memory_space<hbm>> -> memref<1x1x16xf32, #tpu.memory_space<hbm>>
    %dma_wait3A_2741 = tpu.memref_squeeze %dma_wait3A_2740 : memref<1x1x16xf32, #tpu.memory_space<hbm>> -> memref<16xf32, #tpu.memory_space<hbm>>
    tpu.wait_dma2 semaphore(%arg8 : memref<!tpu.dma_semaphore, #tpu.memory_space<semaphore_mem>>) src(%dma_wait3A_2741 : memref<16xf32, #tpu.memory_space<hbm>>) dst(%dma_wait3A_2739 : memref<16xf32, #tpu.memory_space<vmem>>)
    %dma_wait3A_2742 = arith.constant 1472 : i32
    %dma_wait3A_2743 = tpu.memref_slice %arg6[%dma_wait3A_2742] : memref<1536xf32, #tpu.memory_space<vmem>> -> memref<16xf32, #tpu.memory_space<vmem>>
    %dma_wait3A_2744 = tpu.memref_slice %arg3[%add3A_1857, %squeeze3A_1806, %multiple_of3A_1835] : memref<576x192x192xf32, #tpu.memory_space<hbm>> -> memref<1x1x16xf32, #tpu.memory_space<hbm>>
    %dma_wait3A_2745 = tpu.memref_squeeze %dma_wait3A_2744 : memref<1x1x16xf32, #tpu.memory_space<hbm>> -> memref<16xf32, #tpu.memory_space<hbm>>
    %dma_wait3A_2746 = arith.constant 1472 : i32
    %dma_wait3A_2747 = tpu.memref_slice %arg6[%dma_wait3A_2746] : memref<1536xf32, #tpu.memory_space<vmem>> -> memref<16xf32, #tpu.memory_space<vmem>>
    %dma_wait3A_2748 = tpu.memref_slice %arg3[%add3A_1857, %squeeze3A_1806, %multiple_of3A_1835] : memref<576x192x192xf32, #tpu.memory_space<hbm>> -> memref<1x1x16xf32, #tpu.memory_space<hbm>>
    %dma_wait3A_2749 = tpu.memref_squeeze %dma_wait3A_2748 : memref<1x1x16xf32, #tpu.memory_space<hbm>> -> memref<16xf32, #tpu.memory_space<hbm>>
    tpu.wait_dma2 semaphore(%arg8 : memref<!tpu.dma_semaphore, #tpu.memory_space<semaphore_mem>>) src(%dma_wait3A_2749 : memref<16xf32, #tpu.memory_space<hbm>>) dst(%dma_wait3A_2747 : memref<16xf32, #tpu.memory_space<vmem>>)
    %dma_wait3A_2750 = arith.constant 464 : i32
    %dma_wait3A_2751 = tpu.memref_slice %arg6[%dma_wait3A_2750] : memref<1536xf32, #tpu.memory_space<vmem>> -> memref<16xf32, #tpu.memory_space<vmem>>
    %dma_wait3A_2752 = tpu.memref_slice %arg3[%add3A_1900, %squeeze3A_1869, %multiple_of3A_1898] : memref<576x192x192xf32, #tpu.memory_space<hbm>> -> memref<1x1x16xf32, #tpu.memory_space<hbm>>
    %dma_wait3A_2753 = tpu.memref_squeeze %dma_wait3A_2752 : memref<1x1x16xf32, #tpu.memory_space<hbm>> -> memref<16xf32, #tpu.memory_space<hbm>>
    %dma_wait3A_2754 = arith.constant 464 : i32
    %dma_wait3A_2755 = tpu.memref_slice %arg6[%dma_wait3A_2754] : memref<1536xf32, #tpu.memory_space<vmem>> -> memref<16xf32, #tpu.memory_space<vmem>>
    %dma_wait3A_2756 = tpu.memref_slice %arg3[%add3A_1900, %squeeze3A_1869, %multiple_of3A_1898] : memref<576x192x192xf32, #tpu.memory_space<hbm>> -> memref<1x1x16xf32, #tpu.memory_space<hbm>>
    %dma_wait3A_2757 = tpu.memref_squeeze %dma_wait3A_2756 : memref<1x1x16xf32, #tpu.memory_space<hbm>> -> memref<16xf32, #tpu.memory_space<hbm>>
    tpu.wait_dma2 semaphore(%arg8 : memref<!tpu.dma_semaphore, #tpu.memory_space<semaphore_mem>>) src(%dma_wait3A_2757 : memref<16xf32, #tpu.memory_space<hbm>>) dst(%dma_wait3A_2755 : memref<16xf32, #tpu.memory_space<vmem>>)
    %dma_wait3A_2758 = arith.constant 976 : i32
    %dma_wait3A_2759 = tpu.memref_slice %arg6[%dma_wait3A_2758] : memref<1536xf32, #tpu.memory_space<vmem>> -> memref<16xf32, #tpu.memory_space<vmem>>
    %dma_wait3A_2760 = tpu.memref_slice %arg3[%add3A_1910, %squeeze3A_1869, %multiple_of3A_1898] : memref<576x192x192xf32, #tpu.memory_space<hbm>> -> memref<1x1x16xf32, #tpu.memory_space<hbm>>
    %dma_wait3A_2761 = tpu.memref_squeeze %dma_wait3A_2760 : memref<1x1x16xf32, #tpu.memory_space<hbm>> -> memref<16xf32, #tpu.memory_space<hbm>>
    %dma_wait3A_2762 = arith.constant 976 : i32
    %dma_wait3A_2763 = tpu.memref_slice %arg6[%dma_wait3A_2762] : memref<1536xf32, #tpu.memory_space<vmem>> -> memref<16xf32, #tpu.memory_space<vmem>>
    %dma_wait3A_2764 = tpu.memref_slice %arg3[%add3A_1910, %squeeze3A_1869, %multiple_of3A_1898] : memref<576x192x192xf32, #tpu.memory_space<hbm>> -> memref<1x1x16xf32, #tpu.memory_space<hbm>>
    %dma_wait3A_2765 = tpu.memref_squeeze %dma_wait3A_2764 : memref<1x1x16xf32, #tpu.memory_space<hbm>> -> memref<16xf32, #tpu.memory_space<hbm>>
    tpu.wait_dma2 semaphore(%arg8 : memref<!tpu.dma_semaphore, #tpu.memory_space<semaphore_mem>>) src(%dma_wait3A_2765 : memref<16xf32, #tpu.memory_space<hbm>>) dst(%dma_wait3A_2763 : memref<16xf32, #tpu.memory_space<vmem>>)
    %dma_wait3A_2766 = arith.constant 1488 : i32
    %dma_wait3A_2767 = tpu.memref_slice %arg6[%dma_wait3A_2766] : memref<1536xf32, #tpu.memory_space<vmem>> -> memref<16xf32, #tpu.memory_space<vmem>>
    %dma_wait3A_2768 = tpu.memref_slice %arg3[%add3A_1920, %squeeze3A_1869, %multiple_of3A_1898] : memref<576x192x192xf32, #tpu.memory_space<hbm>> -> memref<1x1x16xf32, #tpu.memory_space<hbm>>
    %dma_wait3A_2769 = tpu.memref_squeeze %dma_wait3A_2768 : memref<1x1x16xf32, #tpu.memory_space<hbm>> -> memref<16xf32, #tpu.memory_space<hbm>>
    %dma_wait3A_2770 = arith.constant 1488 : i32
    %dma_wait3A_2771 = tpu.memref_slice %arg6[%dma_wait3A_2770] : memref<1536xf32, #tpu.memory_space<vmem>> -> memref<16xf32, #tpu.memory_space<vmem>>
    %dma_wait3A_2772 = tpu.memref_slice %arg3[%add3A_1920, %squeeze3A_1869, %multiple_of3A_1898] : memref<576x192x192xf32, #tpu.memory_space<hbm>> -> memref<1x1x16xf32, #tpu.memory_space<hbm>>
    %dma_wait3A_2773 = tpu.memref_squeeze %dma_wait3A_2772 : memref<1x1x16xf32, #tpu.memory_space<hbm>> -> memref<16xf32, #tpu.memory_space<hbm>>
    tpu.wait_dma2 semaphore(%arg8 : memref<!tpu.dma_semaphore, #tpu.memory_space<semaphore_mem>>) src(%dma_wait3A_2773 : memref<16xf32, #tpu.memory_space<hbm>>) dst(%dma_wait3A_2771 : memref<16xf32, #tpu.memory_space<vmem>>)
    %dma_wait3A_2774 = arith.constant 480 : i32
    %dma_wait3A_2775 = tpu.memref_slice %arg6[%dma_wait3A_2774] : memref<1536xf32, #tpu.memory_space<vmem>> -> memref<16xf32, #tpu.memory_space<vmem>>
    %dma_wait3A_2776 = tpu.memref_slice %arg3[%add3A_1963, %squeeze3A_1932, %multiple_of3A_1961] : memref<576x192x192xf32, #tpu.memory_space<hbm>> -> memref<1x1x16xf32, #tpu.memory_space<hbm>>
    %dma_wait3A_2777 = tpu.memref_squeeze %dma_wait3A_2776 : memref<1x1x16xf32, #tpu.memory_space<hbm>> -> memref<16xf32, #tpu.memory_space<hbm>>
    %dma_wait3A_2778 = arith.constant 480 : i32
    %dma_wait3A_2779 = tpu.memref_slice %arg6[%dma_wait3A_2778] : memref<1536xf32, #tpu.memory_space<vmem>> -> memref<16xf32, #tpu.memory_space<vmem>>
    %dma_wait3A_2780 = tpu.memref_slice %arg3[%add3A_1963, %squeeze3A_1932, %multiple_of3A_1961] : memref<576x192x192xf32, #tpu.memory_space<hbm>> -> memref<1x1x16xf32, #tpu.memory_space<hbm>>
    %dma_wait3A_2781 = tpu.memref_squeeze %dma_wait3A_2780 : memref<1x1x16xf32, #tpu.memory_space<hbm>> -> memref<16xf32, #tpu.memory_space<hbm>>
    tpu.wait_dma2 semaphore(%arg8 : memref<!tpu.dma_semaphore, #tpu.memory_space<semaphore_mem>>) src(%dma_wait3A_2781 : memref<16xf32, #tpu.memory_space<hbm>>) dst(%dma_wait3A_2779 : memref<16xf32, #tpu.memory_space<vmem>>)
    %dma_wait3A_2782 = arith.constant 992 : i32
    %dma_wait3A_2783 = tpu.memref_slice %arg6[%dma_wait3A_2782] : memref<1536xf32, #tpu.memory_space<vmem>> -> memref<16xf32, #tpu.memory_space<vmem>>
    %dma_wait3A_2784 = tpu.memref_slice %arg3[%add3A_1973, %squeeze3A_1932, %multiple_of3A_1961] : memref<576x192x192xf32, #tpu.memory_space<hbm>> -> memref<1x1x16xf32, #tpu.memory_space<hbm>>
    %dma_wait3A_2785 = tpu.memref_squeeze %dma_wait3A_2784 : memref<1x1x16xf32, #tpu.memory_space<hbm>> -> memref<16xf32, #tpu.memory_space<hbm>>
    %dma_wait3A_2786 = arith.constant 992 : i32
    %dma_wait3A_2787 = tpu.memref_slice %arg6[%dma_wait3A_2786] : memref<1536xf32, #tpu.memory_space<vmem>> -> memref<16xf32, #tpu.memory_space<vmem>>
    %dma_wait3A_2788 = tpu.memref_slice %arg3[%add3A_1973, %squeeze3A_1932, %multiple_of3A_1961] : memref<576x192x192xf32, #tpu.memory_space<hbm>> -> memref<1x1x16xf32, #tpu.memory_space<hbm>>
    %dma_wait3A_2789 = tpu.memref_squeeze %dma_wait3A_2788 : memref<1x1x16xf32, #tpu.memory_space<hbm>> -> memref<16xf32, #tpu.memory_space<hbm>>
    tpu.wait_dma2 semaphore(%arg8 : memref<!tpu.dma_semaphore, #tpu.memory_space<semaphore_mem>>) src(%dma_wait3A_2789 : memref<16xf32, #tpu.memory_space<hbm>>) dst(%dma_wait3A_2787 : memref<16xf32, #tpu.memory_space<vmem>>)
    %dma_wait3A_2790 = arith.constant 1504 : i32
    %dma_wait3A_2791 = tpu.memref_slice %arg6[%dma_wait3A_2790] : memref<1536xf32, #tpu.memory_space<vmem>> -> memref<16xf32, #tpu.memory_space<vmem>>
    %dma_wait3A_2792 = tpu.memref_slice %arg3[%add3A_1983, %squeeze3A_1932, %multiple_of3A_1961] : memref<576x192x192xf32, #tpu.memory_space<hbm>> -> memref<1x1x16xf32, #tpu.memory_space<hbm>>
    %dma_wait3A_2793 = tpu.memref_squeeze %dma_wait3A_2792 : memref<1x1x16xf32, #tpu.memory_space<hbm>> -> memref<16xf32, #tpu.memory_space<hbm>>
    %dma_wait3A_2794 = arith.constant 1504 : i32
    %dma_wait3A_2795 = tpu.memref_slice %arg6[%dma_wait3A_2794] : memref<1536xf32, #tpu.memory_space<vmem>> -> memref<16xf32, #tpu.memory_space<vmem>>
    %dma_wait3A_2796 = tpu.memref_slice %arg3[%add3A_1983, %squeeze3A_1932, %multiple_of3A_1961] : memref<576x192x192xf32, #tpu.memory_space<hbm>> -> memref<1x1x16xf32, #tpu.memory_space<hbm>>
    %dma_wait3A_2797 = tpu.memref_squeeze %dma_wait3A_2796 : memref<1x1x16xf32, #tpu.memory_space<hbm>> -> memref<16xf32, #tpu.memory_space<hbm>>
    tpu.wait_dma2 semaphore(%arg8 : memref<!tpu.dma_semaphore, #tpu.memory_space<semaphore_mem>>) src(%dma_wait3A_2797 : memref<16xf32, #tpu.memory_space<hbm>>) dst(%dma_wait3A_2795 : memref<16xf32, #tpu.memory_space<vmem>>)
    %dma_wait3A_2798 = arith.constant 496 : i32
    %dma_wait3A_2799 = tpu.memref_slice %arg6[%dma_wait3A_2798] : memref<1536xf32, #tpu.memory_space<vmem>> -> memref<16xf32, #tpu.memory_space<vmem>>
    %dma_wait3A_2800 = tpu.memref_slice %arg3[%add3A_2026, %squeeze3A_1995, %multiple_of3A_2024] : memref<576x192x192xf32, #tpu.memory_space<hbm>> -> memref<1x1x16xf32, #tpu.memory_space<hbm>>
    %dma_wait3A_2801 = tpu.memref_squeeze %dma_wait3A_2800 : memref<1x1x16xf32, #tpu.memory_space<hbm>> -> memref<16xf32, #tpu.memory_space<hbm>>
    %dma_wait3A_2802 = arith.constant 496 : i32
    %dma_wait3A_2803 = tpu.memref_slice %arg6[%dma_wait3A_2802] : memref<1536xf32, #tpu.memory_space<vmem>> -> memref<16xf32, #tpu.memory_space<vmem>>
    %dma_wait3A_2804 = tpu.memref_slice %arg3[%add3A_2026, %squeeze3A_1995, %multiple_of3A_2024] : memref<576x192x192xf32, #tpu.memory_space<hbm>> -> memref<1x1x16xf32, #tpu.memory_space<hbm>>
    %dma_wait3A_2805 = tpu.memref_squeeze %dma_wait3A_2804 : memref<1x1x16xf32, #tpu.memory_space<hbm>> -> memref<16xf32, #tpu.memory_space<hbm>>
    tpu.wait_dma2 semaphore(%arg8 : memref<!tpu.dma_semaphore, #tpu.memory_space<semaphore_mem>>) src(%dma_wait3A_2805 : memref<16xf32, #tpu.memory_space<hbm>>) dst(%dma_wait3A_2803 : memref<16xf32, #tpu.memory_space<vmem>>)
    %dma_wait3A_2806 = arith.constant 1008 : i32
    %dma_wait3A_2807 = tpu.memref_slice %arg6[%dma_wait3A_2806] : memref<1536xf32, #tpu.memory_space<vmem>> -> memref<16xf32, #tpu.memory_space<vmem>>
    %dma_wait3A_2808 = tpu.memref_slice %arg3[%add3A_2036, %squeeze3A_1995, %multiple_of3A_2024] : memref<576x192x192xf32, #tpu.memory_space<hbm>> -> memref<1x1x16xf32, #tpu.memory_space<hbm>>
    %dma_wait3A_2809 = tpu.memref_squeeze %dma_wait3A_2808 : memref<1x1x16xf32, #tpu.memory_space<hbm>> -> memref<16xf32, #tpu.memory_space<hbm>>
    %dma_wait3A_2810 = arith.constant 1008 : i32
    %dma_wait3A_2811 = tpu.memref_slice %arg6[%dma_wait3A_2810] : memref<1536xf32, #tpu.memory_space<vmem>> -> memref<16xf32, #tpu.memory_space<vmem>>
    %dma_wait3A_2812 = tpu.memref_slice %arg3[%add3A_2036, %squeeze3A_1995, %multiple_of3A_2024] : memref<576x192x192xf32, #tpu.memory_space<hbm>> -> memref<1x1x16xf32, #tpu.memory_space<hbm>>
    %dma_wait3A_2813 = tpu.memref_squeeze %dma_wait3A_2812 : memref<1x1x16xf32, #tpu.memory_space<hbm>> -> memref<16xf32, #tpu.memory_space<hbm>>
    tpu.wait_dma2 semaphore(%arg8 : memref<!tpu.dma_semaphore, #tpu.memory_space<semaphore_mem>>) src(%dma_wait3A_2813 : memref<16xf32, #tpu.memory_space<hbm>>) dst(%dma_wait3A_2811 : memref<16xf32, #tpu.memory_space<vmem>>)
    %dma_wait3A_2814 = arith.constant 1520 : i32
    %dma_wait3A_2815 = tpu.memref_slice %arg6[%dma_wait3A_2814] : memref<1536xf32, #tpu.memory_space<vmem>> -> memref<16xf32, #tpu.memory_space<vmem>>
    %dma_wait3A_2816 = tpu.memref_slice %arg3[%add3A_2046, %squeeze3A_1995, %multiple_of3A_2024] : memref<576x192x192xf32, #tpu.memory_space<hbm>> -> memref<1x1x16xf32, #tpu.memory_space<hbm>>
    %dma_wait3A_2817 = tpu.memref_squeeze %dma_wait3A_2816 : memref<1x1x16xf32, #tpu.memory_space<hbm>> -> memref<16xf32, #tpu.memory_space<hbm>>
    %dma_wait3A_2818 = arith.constant 1520 : i32
    %dma_wait3A_2819 = tpu.memref_slice %arg6[%dma_wait3A_2818] : memref<1536xf32, #tpu.memory_space<vmem>> -> memref<16xf32, #tpu.memory_space<vmem>>
    %dma_wait3A_2820 = tpu.memref_slice %arg3[%add3A_2046, %squeeze3A_1995, %multiple_of3A_2024] : memref<576x192x192xf32, #tpu.memory_space<hbm>> -> memref<1x1x16xf32, #tpu.memory_space<hbm>>
    %dma_wait3A_2821 = tpu.memref_squeeze %dma_wait3A_2820 : memref<1x1x16xf32, #tpu.memory_space<hbm>> -> memref<16xf32, #tpu.memory_space<hbm>>
    tpu.wait_dma2 semaphore(%arg8 : memref<!tpu.dma_semaphore, #tpu.memory_space<semaphore_mem>>) src(%dma_wait3A_2821 : memref<16xf32, #tpu.memory_space<hbm>>) dst(%dma_wait3A_2819 : memref<16xf32, #tpu.memory_space<vmem>>)
    %add3A_2822 = arith.constant 0 : i32
    %add3A_2823 = vector.broadcast %add3A_2822 : i32 to vector<16xi32>
    %add3A_2824 = arith.addi %iota3A, %add3A_2823 : vector<16xi32>
    %mul3A_2825 = arith.constant 16 : i32
    %mul3A_2826 = vector.broadcast %mul3A_2825 : i32 to vector<16xi32>
    %mul3A_2827 = arith.muli %add3A_2824, %mul3A_2826 : vector<16xi32>
    %and3A_2828 = arith.constant 15 : i32
    %and3A_2829 = vector.broadcast %and3A_2828 : i32 to vector<16xi32>
    %and3A_2830 = arith.andi %convert_element_type3A_37, %and3A_2829 : vector<16xi32>
    %add3A_2831 = arith.addi %mul3A_2827, %and3A_2830 : vector<16xi32>
    %gather3A = tpu.vector_load_idx %arg6[%add3A_2831] : memref<1536xf32, #tpu.memory_space<vmem>>[vector<16xi32>], vector<16xf32>,
    %swap3A = arith.constant 0 : index
    %swap3A_2832 = tpu.vector_load %arg7[%swap3A] {strides = array<i32>} : memref<96xf32, #tpu.memory_space<vmem>>, vector<16xf32>,
    tpu.vector_store %arg7[%swap3A], %gather3A {strides = array<i32>} : memref<96xf32, #tpu.memory_space<vmem>>, vector<16xf32>,
    %add3A_2833 = arith.constant 32 : i32
    %add3A_2834 = vector.broadcast %add3A_2833 : i32 to vector<16xi32>
    %add3A_2835 = arith.addi %iota3A, %add3A_2834 : vector<16xi32>
    %mul3A_2836 = arith.constant 16 : i32
    %mul3A_2837 = vector.broadcast %mul3A_2836 : i32 to vector<16xi32>
    %mul3A_2838 = arith.muli %add3A_2835, %mul3A_2837 : vector<16xi32>
    %and3A_2839 = arith.constant 15 : i32
    %and3A_2840 = vector.broadcast %and3A_2839 : i32 to vector<16xi32>
    %and3A_2841 = arith.andi %convert_element_type3A_37, %and3A_2840 : vector<16xi32>
    %add3A_2842 = arith.addi %mul3A_2838, %and3A_2841 : vector<16xi32>
    %gather3A_2843 = tpu.vector_load_idx %arg6[%add3A_2842] : memref<1536xf32, #tpu.memory_space<vmem>>[vector<16xi32>], vector<16xf32>,
    %swap3A_2844 = arith.constant 32 : index
    %swap3A_2845 = tpu.vector_load %arg7[%swap3A_2844] {strides = array<i32>} : memref<96xf32, #tpu.memory_space<vmem>>, vector<16xf32>,
    tpu.vector_store %arg7[%swap3A_2844], %gather3A_2843 {strides = array<i32>} : memref<96xf32, #tpu.memory_space<vmem>>, vector<16xf32>,
    %add3A_2846 = arith.constant 64 : i32
    %add3A_2847 = vector.broadcast %add3A_2846 : i32 to vector<16xi32>
    %add3A_2848 = arith.addi %iota3A, %add3A_2847 : vector<16xi32>
    %mul3A_2849 = arith.constant 16 : i32
    %mul3A_2850 = vector.broadcast %mul3A_2849 : i32 to vector<16xi32>
    %mul3A_2851 = arith.muli %add3A_2848, %mul3A_2850 : vector<16xi32>
    %and3A_2852 = arith.constant 15 : i32
    %and3A_2853 = vector.broadcast %and3A_2852 : i32 to vector<16xi32>
    %and3A_2854 = arith.andi %convert_element_type3A_37, %and3A_2853 : vector<16xi32>
    %add3A_2855 = arith.addi %mul3A_2851, %and3A_2854 : vector<16xi32>
    %gather3A_2856 = tpu.vector_load_idx %arg6[%add3A_2855] : memref<1536xf32, #tpu.memory_space<vmem>>[vector<16xi32>], vector<16xf32>,
    %swap3A_2857 = arith.constant 64 : index
    %swap3A_2858 = tpu.vector_load %arg7[%swap3A_2857] {strides = array<i32>} : memref<96xf32, #tpu.memory_space<vmem>>, vector<16xf32>,
    tpu.vector_store %arg7[%swap3A_2857], %gather3A_2856 {strides = array<i32>} : memref<96xf32, #tpu.memory_space<vmem>>, vector<16xf32>,
    %add3A_2859 = arith.constant 16 : i32
    %add3A_2860 = vector.broadcast %add3A_2859 : i32 to vector<16xi32>
    %add3A_2861 = arith.addi %iota3A, %add3A_2860 : vector<16xi32>
    %mul3A_2862 = arith.constant 16 : i32
    %mul3A_2863 = vector.broadcast %mul3A_2862 : i32 to vector<16xi32>
    %mul3A_2864 = arith.muli %add3A_2861, %mul3A_2863 : vector<16xi32>
    %and3A_2865 = arith.constant 15 : i32
    %and3A_2866 = vector.broadcast %and3A_2865 : i32 to vector<16xi32>
    %and3A_2867 = arith.andi %min3A_48, %and3A_2866 : vector<16xi32>
    %add3A_2868 = arith.addi %mul3A_2864, %and3A_2867 : vector<16xi32>
    %gather3A_2869 = tpu.vector_load_idx %arg6[%add3A_2868] : memref<1536xf32, #tpu.memory_space<vmem>>[vector<16xi32>], vector<16xf32>,
    %swap3A_2870 = arith.constant 16 : index
    %swap3A_2871 = tpu.vector_load %arg7[%swap3A_2870] {strides = array<i32>} : memref<96xf32, #tpu.memory_space<vmem>>, vector<16xf32>,
    tpu.vector_store %arg7[%swap3A_2870], %gather3A_2869 {strides = array<i32>} : memref<96xf32, #tpu.memory_space<vmem>>, vector<16xf32>,
    %add3A_2872 = arith.constant 48 : i32
    %add3A_2873 = vector.broadcast %add3A_2872 : i32 to vector<16xi32>
    %add3A_2874 = arith.addi %iota3A, %add3A_2873 : vector<16xi32>
    %mul3A_2875 = arith.constant 16 : i32
    %mul3A_2876 = vector.broadcast %mul3A_2875 : i32 to vector<16xi32>
    %mul3A_2877 = arith.muli %add3A_2874, %mul3A_2876 : vector<16xi32>
    %and3A_2878 = arith.constant 15 : i32
    %and3A_2879 = vector.broadcast %and3A_2878 : i32 to vector<16xi32>
    %and3A_2880 = arith.andi %min3A_48, %and3A_2879 : vector<16xi32>
    %add3A_2881 = arith.addi %mul3A_2877, %and3A_2880 : vector<16xi32>
    %gather3A_2882 = tpu.vector_load_idx %arg6[%add3A_2881] : memref<1536xf32, #tpu.memory_space<vmem>>[vector<16xi32>], vector<16xf32>,
    %swap3A_2883 = arith.constant 48 : index
    %swap3A_2884 = tpu.vector_load %arg7[%swap3A_2883] {strides = array<i32>} : memref<96xf32, #tpu.memory_space<vmem>>, vector<16xf32>,
    tpu.vector_store %arg7[%swap3A_2883], %gather3A_2882 {strides = array<i32>} : memref<96xf32, #tpu.memory_space<vmem>>, vector<16xf32>,
    %add3A_2885 = arith.constant 80 : i32
    %add3A_2886 = vector.broadcast %add3A_2885 : i32 to vector<16xi32>
    %add3A_2887 = arith.addi %iota3A, %add3A_2886 : vector<16xi32>
    %mul3A_2888 = arith.constant 16 : i32
    %mul3A_2889 = vector.broadcast %mul3A_2888 : i32 to vector<16xi32>
    %mul3A_2890 = arith.muli %add3A_2887, %mul3A_2889 : vector<16xi32>
    %and3A_2891 = arith.constant 15 : i32
    %and3A_2892 = vector.broadcast %and3A_2891 : i32 to vector<16xi32>
    %and3A_2893 = arith.andi %min3A_48, %and3A_2892 : vector<16xi32>
    %add3A_2894 = arith.addi %mul3A_2890, %and3A_2893 : vector<16xi32>
    %gather3A_2895 = tpu.vector_load_idx %arg6[%add3A_2894] : memref<1536xf32, #tpu.memory_space<vmem>>[vector<16xi32>], vector<16xf32>,
    %swap3A_2896 = arith.constant 80 : index
    %swap3A_2897 = tpu.vector_load %arg7[%swap3A_2896] {strides = array<i32>} : memref<96xf32, #tpu.memory_space<vmem>>, vector<16xf32>,
    tpu.vector_store %arg7[%swap3A_2896], %gather3A_2895 {strides = array<i32>} : memref<96xf32, #tpu.memory_space<vmem>>, vector<16xf32>,
    %run_scoped3A_2898 = arith.constant 0 : i32
    %run_scoped3A_2899 = arith.constant 0 : i32
    "tpu.region"() ({
      %run_scoped3A_2910 = tpu.sem_alloc : memref<!tpu.dma_semaphore, #tpu.memory_space<semaphore_mem>>
      %dma_start3A_2911 = arith.constant 0 : i32
      %dma_start3A_2912 = tpu.memref_slice %arg7[%dma_start3A_2911] : memref<96xf32, #tpu.memory_space<vmem>> -> memref<16xf32, #tpu.memory_space<vmem>>
      %dma_start3A_2913 = tpu.memref_slice %arg4[%run_scoped3A_2898, %run_scoped3A_2899, %mul3A_2] : memref<3x2x512xf32, #tpu.memory_space<hbm>> -> memref<1x1x16xf32, #tpu.memory_space<hbm>>
      %dma_start3A_2914 = tpu.memref_squeeze %dma_start3A_2913 : memref<1x1x16xf32, #tpu.memory_space<hbm>> -> memref<16xf32, #tpu.memory_space<hbm>>
      %dma_start3A_2915 = tpu.memref_slice %arg4[%run_scoped3A_2898, %run_scoped3A_2899, %mul3A_2] : memref<3x2x512xf32, #tpu.memory_space<hbm>> -> memref<1x1x16xf32, #tpu.memory_space<hbm>>
      %dma_start3A_2916 = tpu.memref_squeeze %dma_start3A_2915 : memref<1x1x16xf32, #tpu.memory_space<hbm>> -> memref<16xf32, #tpu.memory_space<hbm>>
      %dma_start3A_2917 = arith.constant 0 : i32
      %dma_start3A_2918 = tpu.memref_slice %arg7[%dma_start3A_2917] : memref<96xf32, #tpu.memory_space<vmem>> -> memref<16xf32, #tpu.memory_space<vmem>>
      tpu.enqueue_dma source(%dma_start3A_2918 : memref<16xf32, #tpu.memory_space<vmem>>) target(%dma_start3A_2916 : memref<16xf32, #tpu.memory_space<hbm>>) target_semaphore(%run_scoped3A_2910 : memref<!tpu.dma_semaphore, #tpu.memory_space<semaphore_mem>>)
      %dma_wait3A_2919 = arith.constant 0 : i32
      %dma_wait3A_2920 = tpu.memref_slice %arg7[%dma_wait3A_2919] : memref<96xf32, #tpu.memory_space<vmem>> -> memref<16xf32, #tpu.memory_space<vmem>>
      %dma_wait3A_2921 = tpu.memref_slice %arg4[%run_scoped3A_2898, %run_scoped3A_2899, %mul3A_2] : memref<3x2x512xf32, #tpu.memory_space<hbm>> -> memref<1x1x16xf32, #tpu.memory_space<hbm>>
      %dma_wait3A_2922 = tpu.memref_squeeze %dma_wait3A_2921 : memref<1x1x16xf32, #tpu.memory_space<hbm>> -> memref<16xf32, #tpu.memory_space<hbm>>
      %dma_wait3A_2923 = tpu.memref_slice %arg4[%run_scoped3A_2898, %run_scoped3A_2899, %mul3A_2] : memref<3x2x512xf32, #tpu.memory_space<hbm>> -> memref<1x1x16xf32, #tpu.memory_space<hbm>>
      %dma_wait3A_2924 = tpu.memref_squeeze %dma_wait3A_2923 : memref<1x1x16xf32, #tpu.memory_space<hbm>> -> memref<16xf32, #tpu.memory_space<hbm>>
      %dma_wait3A_2925 = arith.constant 0 : i32
      %dma_wait3A_2926 = tpu.memref_slice %arg7[%dma_wait3A_2925] : memref<96xf32, #tpu.memory_space<vmem>> -> memref<16xf32, #tpu.memory_space<vmem>>
      tpu.wait_dma2 semaphore(%run_scoped3A_2910 : memref<!tpu.dma_semaphore, #tpu.memory_space<semaphore_mem>>) src(%dma_wait3A_2926 : memref<16xf32, #tpu.memory_space<vmem>>) dst(%dma_wait3A_2924 : memref<16xf32, #tpu.memory_space<hbm>>)
      tpu.yield
    }) : () -> ()
    %run_scoped3A_2900 = arith.constant 0 : i32
    %run_scoped3A_2901 = arith.constant 1 : i32
    "tpu.region"() ({
      %run_scoped3A_2910 = tpu.sem_alloc : memref<!tpu.dma_semaphore, #tpu.memory_space<semaphore_mem>>
      %dma_start3A_2911 = arith.constant 16 : i32
      %dma_start3A_2912 = tpu.memref_slice %arg7[%dma_start3A_2911] : memref<96xf32, #tpu.memory_space<vmem>> -> memref<16xf32, #tpu.memory_space<vmem>>
      %dma_start3A_2913 = tpu.memref_slice %arg4[%run_scoped3A_2900, %run_scoped3A_2901, %mul3A_2] : memref<3x2x512xf32, #tpu.memory_space<hbm>> -> memref<1x1x16xf32, #tpu.memory_space<hbm>>
      %dma_start3A_2914 = tpu.memref_squeeze %dma_start3A_2913 : memref<1x1x16xf32, #tpu.memory_space<hbm>> -> memref<16xf32, #tpu.memory_space<hbm>>
      %dma_start3A_2915 = tpu.memref_slice %arg4[%run_scoped3A_2900, %run_scoped3A_2901, %mul3A_2] : memref<3x2x512xf32, #tpu.memory_space<hbm>> -> memref<1x1x16xf32, #tpu.memory_space<hbm>>
      %dma_start3A_2916 = tpu.memref_squeeze %dma_start3A_2915 : memref<1x1x16xf32, #tpu.memory_space<hbm>> -> memref<16xf32, #tpu.memory_space<hbm>>
      %dma_start3A_2917 = arith.constant 16 : i32
      %dma_start3A_2918 = tpu.memref_slice %arg7[%dma_start3A_2917] : memref<96xf32, #tpu.memory_space<vmem>> -> memref<16xf32, #tpu.memory_space<vmem>>
      tpu.enqueue_dma source(%dma_start3A_2918 : memref<16xf32, #tpu.memory_space<vmem>>) target(%dma_start3A_2916 : memref<16xf32, #tpu.memory_space<hbm>>) target_semaphore(%run_scoped3A_2910 : memref<!tpu.dma_semaphore, #tpu.memory_space<semaphore_mem>>)
      %dma_wait3A_2919 = arith.constant 16 : i32
      %dma_wait3A_2920 = tpu.memref_slice %arg7[%dma_wait3A_2919] : memref<96xf32, #tpu.memory_space<vmem>> -> memref<16xf32, #tpu.memory_space<vmem>>
      %dma_wait3A_2921 = tpu.memref_slice %arg4[%run_scoped3A_2900, %run_scoped3A_2901, %mul3A_2] : memref<3x2x512xf32, #tpu.memory_space<hbm>> -> memref<1x1x16xf32, #tpu.memory_space<hbm>>
      %dma_wait3A_2922 = tpu.memref_squeeze %dma_wait3A_2921 : memref<1x1x16xf32, #tpu.memory_space<hbm>> -> memref<16xf32, #tpu.memory_space<hbm>>
      %dma_wait3A_2923 = tpu.memref_slice %arg4[%run_scoped3A_2900, %run_scoped3A_2901, %mul3A_2] : memref<3x2x512xf32, #tpu.memory_space<hbm>> -> memref<1x1x16xf32, #tpu.memory_space<hbm>>
      %dma_wait3A_2924 = tpu.memref_squeeze %dma_wait3A_2923 : memref<1x1x16xf32, #tpu.memory_space<hbm>> -> memref<16xf32, #tpu.memory_space<hbm>>
      %dma_wait3A_2925 = arith.constant 16 : i32
      %dma_wait3A_2926 = tpu.memref_slice %arg7[%dma_wait3A_2925] : memref<96xf32, #tpu.memory_space<vmem>> -> memref<16xf32, #tpu.memory_space<vmem>>
      tpu.wait_dma2 semaphore(%run_scoped3A_2910 : memref<!tpu.dma_semaphore, #tpu.memory_space<semaphore_mem>>) src(%dma_wait3A_2926 : memref<16xf32, #tpu.memory_space<vmem>>) dst(%dma_wait3A_2924 : memref<16xf32, #tpu.memory_space<hbm>>)
      tpu.yield
    }) : () -> ()
    %run_scoped3A_2902 = arith.constant 1 : i32
    %run_scoped3A_2903 = arith.constant 0 : i32
    "tpu.region"() ({
      %run_scoped3A_2910 = tpu.sem_alloc : memref<!tpu.dma_semaphore, #tpu.memory_space<semaphore_mem>>
      %dma_start3A_2911 = arith.constant 32 : i32
      %dma_start3A_2912 = tpu.memref_slice %arg7[%dma_start3A_2911] : memref<96xf32, #tpu.memory_space<vmem>> -> memref<16xf32, #tpu.memory_space<vmem>>
      %dma_start3A_2913 = tpu.memref_slice %arg4[%run_scoped3A_2902, %run_scoped3A_2903, %mul3A_2] : memref<3x2x512xf32, #tpu.memory_space<hbm>> -> memref<1x1x16xf32, #tpu.memory_space<hbm>>
      %dma_start3A_2914 = tpu.memref_squeeze %dma_start3A_2913 : memref<1x1x16xf32, #tpu.memory_space<hbm>> -> memref<16xf32, #tpu.memory_space<hbm>>
      %dma_start3A_2915 = tpu.memref_slice %arg4[%run_scoped3A_2902, %run_scoped3A_2903, %mul3A_2] : memref<3x2x512xf32, #tpu.memory_space<hbm>> -> memref<1x1x16xf32, #tpu.memory_space<hbm>>
      %dma_start3A_2916 = tpu.memref_squeeze %dma_start3A_2915 : memref<1x1x16xf32, #tpu.memory_space<hbm>> -> memref<16xf32, #tpu.memory_space<hbm>>
      %dma_start3A_2917 = arith.constant 32 : i32
      %dma_start3A_2918 = tpu.memref_slice %arg7[%dma_start3A_2917] : memref<96xf32, #tpu.memory_space<vmem>> -> memref<16xf32, #tpu.memory_space<vmem>>
      tpu.enqueue_dma source(%dma_start3A_2918 : memref<16xf32, #tpu.memory_space<vmem>>) target(%dma_start3A_2916 : memref<16xf32, #tpu.memory_space<hbm>>) target_semaphore(%run_scoped3A_2910 : memref<!tpu.dma_semaphore, #tpu.memory_space<semaphore_mem>>)
      %dma_wait3A_2919 = arith.constant 32 : i32
      %dma_wait3A_2920 = tpu.memref_slice %arg7[%dma_wait3A_2919] : memref<96xf32, #tpu.memory_space<vmem>> -> memref<16xf32, #tpu.memory_space<vmem>>
      %dma_wait3A_2921 = tpu.memref_slice %arg4[%run_scoped3A_2902, %run_scoped3A_2903, %mul3A_2] : memref<3x2x512xf32, #tpu.memory_space<hbm>> -> memref<1x1x16xf32, #tpu.memory_space<hbm>>
      %dma_wait3A_2922 = tpu.memref_squeeze %dma_wait3A_2921 : memref<1x1x16xf32, #tpu.memory_space<hbm>> -> memref<16xf32, #tpu.memory_space<hbm>>
      %dma_wait3A_2923 = tpu.memref_slice %arg4[%run_scoped3A_2902, %run_scoped3A_2903, %mul3A_2] : memref<3x2x512xf32, #tpu.memory_space<hbm>> -> memref<1x1x16xf32, #tpu.memory_space<hbm>>
      %dma_wait3A_2924 = tpu.memref_squeeze %dma_wait3A_2923 : memref<1x1x16xf32, #tpu.memory_space<hbm>> -> memref<16xf32, #tpu.memory_space<hbm>>
      %dma_wait3A_2925 = arith.constant 32 : i32
      %dma_wait3A_2926 = tpu.memref_slice %arg7[%dma_wait3A_2925] : memref<96xf32, #tpu.memory_space<vmem>> -> memref<16xf32, #tpu.memory_space<vmem>>
      tpu.wait_dma2 semaphore(%run_scoped3A_2910 : memref<!tpu.dma_semaphore, #tpu.memory_space<semaphore_mem>>) src(%dma_wait3A_2926 : memref<16xf32, #tpu.memory_space<vmem>>) dst(%dma_wait3A_2924 : memref<16xf32, #tpu.memory_space<hbm>>)
      tpu.yield
    }) : () -> ()
    %run_scoped3A_2904 = arith.constant 1 : i32
    %run_scoped3A_2905 = arith.constant 1 : i32
    "tpu.region"() ({
      %run_scoped3A_2910 = tpu.sem_alloc : memref<!tpu.dma_semaphore, #tpu.memory_space<semaphore_mem>>
      %dma_start3A_2911 = arith.constant 48 : i32
      %dma_start3A_2912 = tpu.memref_slice %arg7[%dma_start3A_2911] : memref<96xf32, #tpu.memory_space<vmem>> -> memref<16xf32, #tpu.memory_space<vmem>>
      %dma_start3A_2913 = tpu.memref_slice %arg4[%run_scoped3A_2904, %run_scoped3A_2905, %mul3A_2] : memref<3x2x512xf32, #tpu.memory_space<hbm>> -> memref<1x1x16xf32, #tpu.memory_space<hbm>>
      %dma_start3A_2914 = tpu.memref_squeeze %dma_start3A_2913 : memref<1x1x16xf32, #tpu.memory_space<hbm>> -> memref<16xf32, #tpu.memory_space<hbm>>
      %dma_start3A_2915 = tpu.memref_slice %arg4[%run_scoped3A_2904, %run_scoped3A_2905, %mul3A_2] : memref<3x2x512xf32, #tpu.memory_space<hbm>> -> memref<1x1x16xf32, #tpu.memory_space<hbm>>
      %dma_start3A_2916 = tpu.memref_squeeze %dma_start3A_2915 : memref<1x1x16xf32, #tpu.memory_space<hbm>> -> memref<16xf32, #tpu.memory_space<hbm>>
      %dma_start3A_2917 = arith.constant 48 : i32
      %dma_start3A_2918 = tpu.memref_slice %arg7[%dma_start3A_2917] : memref<96xf32, #tpu.memory_space<vmem>> -> memref<16xf32, #tpu.memory_space<vmem>>
      tpu.enqueue_dma source(%dma_start3A_2918 : memref<16xf32, #tpu.memory_space<vmem>>) target(%dma_start3A_2916 : memref<16xf32, #tpu.memory_space<hbm>>) target_semaphore(%run_scoped3A_2910 : memref<!tpu.dma_semaphore, #tpu.memory_space<semaphore_mem>>)
      %dma_wait3A_2919 = arith.constant 48 : i32
      %dma_wait3A_2920 = tpu.memref_slice %arg7[%dma_wait3A_2919] : memref<96xf32, #tpu.memory_space<vmem>> -> memref<16xf32, #tpu.memory_space<vmem>>
      %dma_wait3A_2921 = tpu.memref_slice %arg4[%run_scoped3A_2904, %run_scoped3A_2905, %mul3A_2] : memref<3x2x512xf32, #tpu.memory_space<hbm>> -> memref<1x1x16xf32, #tpu.memory_space<hbm>>
      %dma_wait3A_2922 = tpu.memref_squeeze %dma_wait3A_2921 : memref<1x1x16xf32, #tpu.memory_space<hbm>> -> memref<16xf32, #tpu.memory_space<hbm>>
      %dma_wait3A_2923 = tpu.memref_slice %arg4[%run_scoped3A_2904, %run_scoped3A_2905, %mul3A_2] : memref<3x2x512xf32, #tpu.memory_space<hbm>> -> memref<1x1x16xf32, #tpu.memory_space<hbm>>
      %dma_wait3A_2924 = tpu.memref_squeeze %dma_wait3A_2923 : memref<1x1x16xf32, #tpu.memory_space<hbm>> -> memref<16xf32, #tpu.memory_space<hbm>>
      %dma_wait3A_2925 = arith.constant 48 : i32
      %dma_wait3A_2926 = tpu.memref_slice %arg7[%dma_wait3A_2925] : memref<96xf32, #tpu.memory_space<vmem>> -> memref<16xf32, #tpu.memory_space<vmem>>
      tpu.wait_dma2 semaphore(%run_scoped3A_2910 : memref<!tpu.dma_semaphore, #tpu.memory_space<semaphore_mem>>) src(%dma_wait3A_2926 : memref<16xf32, #tpu.memory_space<vmem>>) dst(%dma_wait3A_2924 : memref<16xf32, #tpu.memory_space<hbm>>)
      tpu.yield
    }) : () -> ()
    %run_scoped3A_2906 = arith.constant 2 : i32
    %run_scoped3A_2907 = arith.constant 0 : i32
    "tpu.region"() ({
      %run_scoped3A_2910 = tpu.sem_alloc : memref<!tpu.dma_semaphore, #tpu.memory_space<semaphore_mem>>
      %dma_start3A_2911 = arith.constant 64 : i32
      %dma_start3A_2912 = tpu.memref_slice %arg7[%dma_start3A_2911] : memref<96xf32, #tpu.memory_space<vmem>> -> memref<16xf32, #tpu.memory_space<vmem>>
      %dma_start3A_2913 = tpu.memref_slice %arg4[%run_scoped3A_2906, %run_scoped3A_2907, %mul3A_2] : memref<3x2x512xf32, #tpu.memory_space<hbm>> -> memref<1x1x16xf32, #tpu.memory_space<hbm>>
      %dma_start3A_2914 = tpu.memref_squeeze %dma_start3A_2913 : memref<1x1x16xf32, #tpu.memory_space<hbm>> -> memref<16xf32, #tpu.memory_space<hbm>>
      %dma_start3A_2915 = tpu.memref_slice %arg4[%run_scoped3A_2906, %run_scoped3A_2907, %mul3A_2] : memref<3x2x512xf32, #tpu.memory_space<hbm>> -> memref<1x1x16xf32, #tpu.memory_space<hbm>>
      %dma_start3A_2916 = tpu.memref_squeeze %dma_start3A_2915 : memref<1x1x16xf32, #tpu.memory_space<hbm>> -> memref<16xf32, #tpu.memory_space<hbm>>
      %dma_start3A_2917 = arith.constant 64 : i32
      %dma_start3A_2918 = tpu.memref_slice %arg7[%dma_start3A_2917] : memref<96xf32, #tpu.memory_space<vmem>> -> memref<16xf32, #tpu.memory_space<vmem>>
      tpu.enqueue_dma source(%dma_start3A_2918 : memref<16xf32, #tpu.memory_space<vmem>>) target(%dma_start3A_2916 : memref<16xf32, #tpu.memory_space<hbm>>) target_semaphore(%run_scoped3A_2910 : memref<!tpu.dma_semaphore, #tpu.memory_space<semaphore_mem>>)
      %dma_wait3A_2919 = arith.constant 64 : i32
      %dma_wait3A_2920 = tpu.memref_slice %arg7[%dma_wait3A_2919] : memref<96xf32, #tpu.memory_space<vmem>> -> memref<16xf32, #tpu.memory_space<vmem>>
      %dma_wait3A_2921 = tpu.memref_slice %arg4[%run_scoped3A_2906, %run_scoped3A_2907, %mul3A_2] : memref<3x2x512xf32, #tpu.memory_space<hbm>> -> memref<1x1x16xf32, #tpu.memory_space<hbm>>
      %dma_wait3A_2922 = tpu.memref_squeeze %dma_wait3A_2921 : memref<1x1x16xf32, #tpu.memory_space<hbm>> -> memref<16xf32, #tpu.memory_space<hbm>>
      %dma_wait3A_2923 = tpu.memref_slice %arg4[%run_scoped3A_2906, %run_scoped3A_2907, %mul3A_2] : memref<3x2x512xf32, #tpu.memory_space<hbm>> -> memref<1x1x16xf32, #tpu.memory_space<hbm>>
      %dma_wait3A_2924 = tpu.memref_squeeze %dma_wait3A_2923 : memref<1x1x16xf32, #tpu.memory_space<hbm>> -> memref<16xf32, #tpu.memory_space<hbm>>
      %dma_wait3A_2925 = arith.constant 64 : i32
      %dma_wait3A_2926 = tpu.memref_slice %arg7[%dma_wait3A_2925] : memref<96xf32, #tpu.memory_space<vmem>> -> memref<16xf32, #tpu.memory_space<vmem>>
      tpu.wait_dma2 semaphore(%run_scoped3A_2910 : memref<!tpu.dma_semaphore, #tpu.memory_space<semaphore_mem>>) src(%dma_wait3A_2926 : memref<16xf32, #tpu.memory_space<vmem>>) dst(%dma_wait3A_2924 : memref<16xf32, #tpu.memory_space<hbm>>)
      tpu.yield
    }) : () -> ()
    %run_scoped3A_2908 = arith.constant 2 : i32
    %run_scoped3A_2909 = arith.constant 1 : i32
    "tpu.region"() ({
      %run_scoped3A_2910 = tpu.sem_alloc : memref<!tpu.dma_semaphore, #tpu.memory_space<semaphore_mem>>
      %dma_start3A_2911 = arith.constant 80 : i32
      %dma_start3A_2912 = tpu.memref_slice %arg7[%dma_start3A_2911] : memref<96xf32, #tpu.memory_space<vmem>> -> memref<16xf32, #tpu.memory_space<vmem>>
      %dma_start3A_2913 = tpu.memref_slice %arg4[%run_scoped3A_2908, %run_scoped3A_2909, %mul3A_2] : memref<3x2x512xf32, #tpu.memory_space<hbm>> -> memref<1x1x16xf32, #tpu.memory_space<hbm>>
      %dma_start3A_2914 = tpu.memref_squeeze %dma_start3A_2913 : memref<1x1x16xf32, #tpu.memory_space<hbm>> -> memref<16xf32, #tpu.memory_space<hbm>>
      %dma_start3A_2915 = tpu.memref_slice %arg4[%run_scoped3A_2908, %run_scoped3A_2909, %mul3A_2] : memref<3x2x512xf32, #tpu.memory_space<hbm>> -> memref<1x1x16xf32, #tpu.memory_space<hbm>>
      %dma_start3A_2916 = tpu.memref_squeeze %dma_start3A_2915 : memref<1x1x16xf32, #tpu.memory_space<hbm>> -> memref<16xf32, #tpu.memory_space<hbm>>
      %dma_start3A_2917 = arith.constant 80 : i32
      %dma_start3A_2918 = tpu.memref_slice %arg7[%dma_start3A_2917] : memref<96xf32, #tpu.memory_space<vmem>> -> memref<16xf32, #tpu.memory_space<vmem>>
      tpu.enqueue_dma source(%dma_start3A_2918 : memref<16xf32, #tpu.memory_space<vmem>>) target(%dma_start3A_2916 : memref<16xf32, #tpu.memory_space<hbm>>) target_semaphore(%run_scoped3A_2910 : memref<!tpu.dma_semaphore, #tpu.memory_space<semaphore_mem>>)
      %dma_wait3A_2919 = arith.constant 80 : i32
      %dma_wait3A_2920 = tpu.memref_slice %arg7[%dma_wait3A_2919] : memref<96xf32, #tpu.memory_space<vmem>> -> memref<16xf32, #tpu.memory_space<vmem>>
      %dma_wait3A_2921 = tpu.memref_slice %arg4[%run_scoped3A_2908, %run_scoped3A_2909, %mul3A_2] : memref<3x2x512xf32, #tpu.memory_space<hbm>> -> memref<1x1x16xf32, #tpu.memory_space<hbm>>
      %dma_wait3A_2922 = tpu.memref_squeeze %dma_wait3A_2921 : memref<1x1x16xf32, #tpu.memory_space<hbm>> -> memref<16xf32, #tpu.memory_space<hbm>>
      %dma_wait3A_2923 = tpu.memref_slice %arg4[%run_scoped3A_2908, %run_scoped3A_2909, %mul3A_2] : memref<3x2x512xf32, #tpu.memory_space<hbm>> -> memref<1x1x16xf32, #tpu.memory_space<hbm>>
      %dma_wait3A_2924 = tpu.memref_squeeze %dma_wait3A_2923 : memref<1x1x16xf32, #tpu.memory_space<hbm>> -> memref<16xf32, #tpu.memory_space<hbm>>
      %dma_wait3A_2925 = arith.constant 80 : i32
      %dma_wait3A_2926 = tpu.memref_slice %arg7[%dma_wait3A_2925] : memref<96xf32, #tpu.memory_space<vmem>> -> memref<16xf32, #tpu.memory_space<vmem>>
      tpu.wait_dma2 semaphore(%run_scoped3A_2910 : memref<!tpu.dma_semaphore, #tpu.memory_space<semaphore_mem>>) src(%dma_wait3A_2926 : memref<16xf32, #tpu.memory_space<vmem>>) dst(%dma_wait3A_2924 : memref<16xf32, #tpu.memory_space<hbm>>)
      tpu.yield
    }) : () -> ()
    return
  }
}

module attributes {stable_mosaic.version = 14 : i64} {
  func.func @_tc_weights_body(%arg0: memref<512x3xf32, #tpu.memory_space<vmem>>, %arg1: memref<512x3xf32, #tpu.memory_space<vmem>>, %arg2: memref<1x3xf32, #tpu.memory_space<vmem>>, %arg3: memref<2x512xf32, #tpu.memory_space<vmem>>, %arg4: memref<1x8xf32, #tpu.memory_space<smem>>) attributes {dimension_semantics = [], scalar_prefetch = 0 : i64, scratch_operands = 0 : i64, tpu.core_type = #tpu.core_type<tc>} {
    %get3A = arith.constant 0 : index
    %get3A_0 = arith.constant 0 : index
    %get3A_1 = vector.load %arg0[%get3A, %get3A_0] : memref<512x3xf32, #tpu.memory_space<vmem>>, vector<512x3xf32>
    %get3A_2 = arith.constant 0 : index
    %get3A_3 = arith.constant 0 : index
    %get3A_4 = vector.load %arg1[%get3A_2, %get3A_3] : memref<512x3xf32, #tpu.memory_space<vmem>>, vector<512x3xf32>
    %get3A_5 = arith.constant 0 : index
    %get3A_6 = arith.constant 0 : index
    %get3A_7 = vector.load %arg2[%get3A_5, %get3A_6] : memref<1x3xf32, #tpu.memory_space<vmem>>, vector<1x3xf32>
    %get3A_8 = vector.shape_cast %get3A_7 : vector<1x3xf32> to vector<3xf32>
    %floor3A = math.floor %get3A_1 : vector<512x3xf32>
    %convert_element_type3A = arith.fptosi %floor3A : vector<512x3xf32> to vector<512x3xi32>
    %convert_element_type3A_9 = arith.sitofp %convert_element_type3A : vector<512x3xi32> to vector<512x3xf32>
    %gt3A = arith.cmpf ogt, %get3A_1, %convert_element_type3A_9 : vector<512x3xf32>
    %convert_element_type3A_10 = arith.extui %gt3A : vector<512x3xi1> to vector<512x3xi32>
    %add3A = arith.addi %convert_element_type3A, %convert_element_type3A_10 : vector<512x3xi32>
    %min3A = arith.constant 191 : i32
    %min3A_11 = vector.broadcast %min3A : i32 to vector<512x3xi32>
    %min3A_12 = arith.minsi %add3A, %min3A_11 : vector<512x3xi32>
    %iota3A = tpu.iota {dimensions = array<i32: 1>} : vector<1x3xi32>
    %eq3A = arith.constant 0 : i32
    %eq3A_13 = vector.broadcast %eq3A : i32 to vector<1x3xi32>
    %eq3A_14 = arith.cmpi eq, %iota3A, %eq3A_13 : vector<1x3xi32>
    %eq3A_15 = arith.constant 1 : i32
    %eq3A_16 = vector.broadcast %eq3A_15 : i32 to vector<1x3xi32>
    %eq3A_17 = arith.cmpi eq, %iota3A, %eq3A_16 : vector<1x3xi32>
    %jit3A = arith.constant 192 : i32
    %jit3A_18 = arith.constant 1 : i32
    %broadcast_in_dim3A = vector.broadcast %jit3A : i32 to vector<1x3xi32>
    %broadcast_in_dim3A_19 = vector.broadcast %jit3A_18 : i32 to vector<1x3xi32>
    %select_n3A = arith.select %eq3A_17, %broadcast_in_dim3A, %broadcast_in_dim3A_19 : vector<1x3xi1>, vector<1x3xi32>
    %jit3A_20 = arith.constant 36864 : i32
    %broadcast_in_dim3A_21 = vector.broadcast %jit3A_20 : i32 to vector<1x3xi32>
    %select_n3A_22 = arith.select %eq3A_14, %broadcast_in_dim3A_21, %select_n3A : vector<1x3xi1>, vector<1x3xi32>
    %mul3A = vector.broadcast %select_n3A_22 : vector<1x3xi32> to vector<512x3xi32>
    %mul3A_23 = arith.muli %convert_element_type3A, %mul3A : vector<512x3xi32>
    %reduce_sum3A = arith.constant dense<0> : vector<512xi32>
    %reduce_sum3A_24 = vector.multi_reduction <add>, %mul3A_23, %reduce_sum3A [1] : vector<512x3xi32> to vector<512xi32>
    %mul3A_25 = vector.broadcast %select_n3A_22 : vector<1x3xi32> to vector<512x3xi32>
    %mul3A_26 = arith.muli %min3A_12, %mul3A_25 : vector<512x3xi32>
    %reduce_sum3A_27 = arith.constant dense<0> : vector<512xi32>
    %reduce_sum3A_28 = vector.multi_reduction <add>, %mul3A_26, %reduce_sum3A_27 [1] : vector<512x3xi32> to vector<512xi32>
    %broadcast_in_dim3A_29 = vector.shape_cast %reduce_sum3A_24 : vector<512xi32> to vector<512x1xi32>
    %broadcast_in_dim3A_30 = vector.shape_cast %reduce_sum3A_24 : vector<512xi32> to vector<1x512xi32>
    %eq3A_31 = vector.broadcast %broadcast_in_dim3A_29 : vector<512x1xi32> to vector<512x512xi32>
    %eq3A_32 = vector.broadcast %broadcast_in_dim3A_30 : vector<1x512xi32> to vector<512x512xi32>
    %eq3A_33 = arith.cmpi eq, %eq3A_31, %eq3A_32 : vector<512x512xi32>
    %convert_element_type3A_34 = arith.extui %eq3A_33 : vector<512x512xi1> to vector<512x512xi32>
    %convert_element_type3A_35 = arith.sitofp %convert_element_type3A_34 : vector<512x512xi32> to vector<512x512xf32>
    %reduce_sum3A_36 = arith.constant dense<0.000000e+00> : vector<512xf32>
    %reduce_sum3A_37 = vector.multi_reduction <add>, %convert_element_type3A_35, %reduce_sum3A_36 [0] : vector<512x512xf32> to vector<512xf32>
    %div3A = arith.constant 5.000000e-01 : f32
    %div3A_38 = vector.broadcast %div3A : f32 to vector<512xf32>
    %div3A_39 = arith.divf %div3A_38, %reduce_sum3A_37 : vector<512xf32>
    %swap3A = arith.constant 0 : index
    %swap3A_40 = arith.constant 0 : index
    %swap3A_41 = vector.load %arg3[%swap3A, %swap3A_40] : memref<2x512xf32, #tpu.memory_space<vmem>>, vector<1x512xf32>
    %swap3A_42 = vector.shape_cast %swap3A_41 : vector<1x512xf32> to vector<512xf32>
    %swap3A_43 = vector.shape_cast %div3A_39 : vector<512xf32> to vector<1x512xf32>
    tpu.vector_store %arg3[%swap3A, %swap3A_40], %swap3A_43 {strides = array<i32>} : memref<2x512xf32, #tpu.memory_space<vmem>>, vector<1x512xf32>,
    %broadcast_in_dim3A_44 = vector.shape_cast %reduce_sum3A_28 : vector<512xi32> to vector<512x1xi32>
    %broadcast_in_dim3A_45 = vector.shape_cast %reduce_sum3A_28 : vector<512xi32> to vector<1x512xi32>
    %eq3A_46 = vector.broadcast %broadcast_in_dim3A_44 : vector<512x1xi32> to vector<512x512xi32>
    %eq3A_47 = vector.broadcast %broadcast_in_dim3A_45 : vector<1x512xi32> to vector<512x512xi32>
    %eq3A_48 = arith.cmpi eq, %eq3A_46, %eq3A_47 : vector<512x512xi32>
    %convert_element_type3A_49 = arith.extui %eq3A_48 : vector<512x512xi1> to vector<512x512xi32>
    %convert_element_type3A_50 = arith.sitofp %convert_element_type3A_49 : vector<512x512xi32> to vector<512x512xf32>
    %reduce_sum3A_51 = arith.constant dense<0.000000e+00> : vector<512xf32>
    %reduce_sum3A_52 = vector.multi_reduction <add>, %convert_element_type3A_50, %reduce_sum3A_51 [0] : vector<512x512xf32> to vector<512xf32>
    %div3A_53 = arith.constant 5.000000e-01 : f32
    %div3A_54 = vector.broadcast %div3A_53 : f32 to vector<512xf32>
    %div3A_55 = arith.divf %div3A_54, %reduce_sum3A_52 : vector<512xf32>
    %swap3A_56 = arith.constant 1 : index
    %swap3A_57 = arith.constant 0 : index
    %swap3A_58 = vector.load %arg3[%swap3A_56, %swap3A_57] : memref<2x512xf32, #tpu.memory_space<vmem>>, vector<1x512xf32>
    %swap3A_59 = vector.shape_cast %swap3A_58 : vector<1x512xf32> to vector<512xf32>
    %swap3A_60 = vector.shape_cast %div3A_55 : vector<512xf32> to vector<1x512xf32>
    tpu.vector_store %arg3[%swap3A_56, %swap3A_57], %swap3A_60 {strides = array<i32>} : memref<2x512xf32, #tpu.memory_space<vmem>>, vector<1x512xf32>,
    %sub3A = arith.subf %get3A_1, %get3A_4 : vector<512x3xf32>
    %broadcast_in_dim3A_61 = vector.shape_cast %get3A_8 : vector<3xf32> to vector<1x3xf32>
    %mul3A_62 = vector.broadcast %broadcast_in_dim3A_61 : vector<1x3xf32> to vector<512x3xf32>
    %mul3A_63 = arith.mulf %sub3A, %mul3A_62 : vector<512x3xf32>
    %integer_pow3A = arith.mulf %mul3A_63, %mul3A_63 : vector<512x3xf32>
    %reduce_sum3A_64 = vector.shape_cast %integer_pow3A : vector<512x3xf32> to vector<1x512x3xf32>
    %reduce_sum3A_65 = arith.constant dense<0.000000e+00> : vector<1xf32>
    %reduce_sum3A_66 = vector.multi_reduction <add>, %reduce_sum3A_64, %reduce_sum3A_65 [1, 2] : vector<1x512x3xf32> to vector<1xf32>
    %reduce_sum3A_67 = vector.shape_cast %reduce_sum3A_66 : vector<1xf32> to vector<1x1x1xf32>
    %reduce_sum3A_68 = vector.extract %reduce_sum3A_67[0, 0, 0] : f32 from vector<1x1x1xf32>
    %slice3A = vector.extract_strided_slice %integer_pow3A {offsets = [2, 0], sizes = [1, 3], strides = [1, 1]} : vector<512x3xf32> to vector<1x3xf32>
    %squeeze3A = vector.shape_cast %slice3A : vector<1x3xf32> to vector<3xf32>
    %reduce_sum3A_69 = vector.shape_cast %squeeze3A : vector<3xf32> to vector<1x3xf32>
    %reduce_sum3A_70 = arith.constant dense<0.000000e+00> : vector<1xf32>
    %reduce_sum3A_71 = vector.multi_reduction <add>, %reduce_sum3A_69, %reduce_sum3A_70 [1] : vector<1x3xf32> to vector<1xf32>
    %reduce_sum3A_72 = vector.shape_cast %reduce_sum3A_71 : vector<1xf32> to vector<1x1xf32>
    %reduce_sum3A_73 = vector.extract %reduce_sum3A_72[0, 0] : f32 from vector<1x1xf32>
    %sub3A_74 = arith.subf %reduce_sum3A_68, %reduce_sum3A_73 : f32
    %slice3A_75 = vector.extract_strided_slice %sub3A {offsets = [2, 0], sizes = [1, 3], strides = [1, 1]} : vector<512x3xf32> to vector<1x3xf32>
    %squeeze3A_76 = vector.shape_cast %slice3A_75 : vector<1x3xf32> to vector<3xf32>
    %swap3A_77 = arith.constant 0 : index
    %swap3A_78 = arith.constant 0 : index
    %swap3A_79 = memref.load %arg4[%swap3A_77, %swap3A_78] : memref<1x8xf32, #tpu.memory_space<smem>>
    memref.store %sub3A_74, %arg4[%swap3A_77, %swap3A_78] : memref<1x8xf32, #tpu.memory_space<smem>>
    %slice3A_80 = vector.extract_strided_slice %squeeze3A_76 {offsets = [0], sizes = [1], strides = [1]} : vector<3xf32> to vector<1xf32>
    %squeeze3A_81 = vector.extract %slice3A_80[0] : f32 from vector<1xf32>
    %swap3A_82 = arith.constant 0 : index
    %swap3A_83 = arith.constant 1 : index
    %swap3A_84 = memref.load %arg4[%swap3A_82, %swap3A_83] : memref<1x8xf32, #tpu.memory_space<smem>>
    memref.store %squeeze3A_81, %arg4[%swap3A_82, %swap3A_83] : memref<1x8xf32, #tpu.memory_space<smem>>
    %slice3A_85 = vector.extract_strided_slice %get3A_8 {offsets = [0], sizes = [1], strides = [1]} : vector<3xf32> to vector<1xf32>
    %squeeze3A_86 = vector.extract %slice3A_85[0] : f32 from vector<1xf32>
    %swap3A_87 = arith.constant 0 : index
    %swap3A_88 = arith.constant 4 : index
    %swap3A_89 = memref.load %arg4[%swap3A_87, %swap3A_88] : memref<1x8xf32, #tpu.memory_space<smem>>
    memref.store %squeeze3A_86, %arg4[%swap3A_87, %swap3A_88] : memref<1x8xf32, #tpu.memory_space<smem>>
    %slice3A_90 = vector.extract_strided_slice %squeeze3A_76 {offsets = [1], sizes = [1], strides = [1]} : vector<3xf32> to vector<1xf32>
    %squeeze3A_91 = vector.extract %slice3A_90[0] : f32 from vector<1xf32>
    %swap3A_92 = arith.constant 0 : index
    %swap3A_93 = arith.constant 2 : index
    %swap3A_94 = memref.load %arg4[%swap3A_92, %swap3A_93] : memref<1x8xf32, #tpu.memory_space<smem>>
    memref.store %squeeze3A_91, %arg4[%swap3A_92, %swap3A_93] : memref<1x8xf32, #tpu.memory_space<smem>>
    %slice3A_95 = vector.extract_strided_slice %get3A_8 {offsets = [1], sizes = [1], strides = [1]} : vector<3xf32> to vector<1xf32>
    %squeeze3A_96 = vector.extract %slice3A_95[0] : f32 from vector<1xf32>
    %swap3A_97 = arith.constant 0 : index
    %swap3A_98 = arith.constant 5 : index
    %swap3A_99 = memref.load %arg4[%swap3A_97, %swap3A_98] : memref<1x8xf32, #tpu.memory_space<smem>>
    memref.store %squeeze3A_96, %arg4[%swap3A_97, %swap3A_98] : memref<1x8xf32, #tpu.memory_space<smem>>
    %slice3A_100 = vector.extract_strided_slice %squeeze3A_76 {offsets = [2], sizes = [1], strides = [1]} : vector<3xf32> to vector<1xf32>
    %squeeze3A_101 = vector.extract %slice3A_100[0] : f32 from vector<1xf32>
    %swap3A_102 = arith.constant 0 : index
    %swap3A_103 = arith.constant 3 : index
    %swap3A_104 = memref.load %arg4[%swap3A_102, %swap3A_103] : memref<1x8xf32, #tpu.memory_space<smem>>
    memref.store %squeeze3A_101, %arg4[%swap3A_102, %swap3A_103] : memref<1x8xf32, #tpu.memory_space<smem>>
    %slice3A_105 = vector.extract_strided_slice %get3A_8 {offsets = [2], sizes = [1], strides = [1]} : vector<3xf32> to vector<1xf32>
    %squeeze3A_106 = vector.extract %slice3A_105[0] : f32 from vector<1xf32>
    %swap3A_107 = arith.constant 0 : index
    %swap3A_108 = arith.constant 6 : index
    %swap3A_109 = memref.load %arg4[%swap3A_107, %swap3A_108] : memref<1x8xf32, #tpu.memory_space<smem>>
    memref.store %squeeze3A_106, %arg4[%swap3A_107, %swap3A_108] : memref<1x8xf32, #tpu.memory_space<smem>>
    return
  }
}

module attributes {stable_mosaic.version = 14 : i64} {
  func.func @_tc_combine_body(%arg0: memref<3x2x512xf32, #tpu.memory_space<vmem>>, %arg1: memref<2x512xf32, #tpu.memory_space<vmem>>, %arg2: memref<1x8xf32, #tpu.memory_space<smem>>, %arg3: memref<1x1xf32, #tpu.memory_space<smem>>) attributes {dimension_semantics = [], scalar_prefetch = 0 : i64, scratch_operands = 0 : i64, tpu.core_type = #tpu.core_type<tc>} {
    %get3A = arith.constant 0 : index
    %get3A_0 = arith.constant 0 : index
    %get3A_1 = arith.constant 0 : index
    %get3A_2 = vector.load %arg0[%get3A, %get3A_0, %get3A_1] : memref<3x2x512xf32, #tpu.memory_space<vmem>>, vector<3x2x512xf32>
    %get3A_3 = arith.constant 0 : index
    %get3A_4 = arith.constant 0 : index
    %get3A_5 = vector.load %arg1[%get3A_3, %get3A_4] : memref<2x512xf32, #tpu.memory_space<vmem>>, vector<2x512xf32>
    %slice3A = vector.extract_strided_slice %get3A_2 {offsets = [0, 0, 0], sizes = [3, 1, 512], strides = [1, 1, 1]} : vector<3x2x512xf32> to vector<3x1x512xf32>
    %squeeze3A = vector.shape_cast %slice3A : vector<3x1x512xf32> to vector<3x512xf32>
    %slice3A_6 = vector.extract_strided_slice %get3A_5 {offsets = [0, 0], sizes = [1, 512], strides = [1, 1]} : vector<2x512xf32> to vector<1x512xf32>
    %squeeze3A_7 = vector.shape_cast %slice3A_6 : vector<1x512xf32> to vector<512xf32>
    %broadcast_in_dim3A = vector.shape_cast %squeeze3A_7 : vector<512xf32> to vector<1x512xf32>
    %mul3A = vector.broadcast %broadcast_in_dim3A : vector<1x512xf32> to vector<3x512xf32>
    %mul3A_8 = arith.mulf %squeeze3A, %mul3A : vector<3x512xf32>
    %slice3A_9 = vector.extract_strided_slice %get3A_2 {offsets = [0, 1, 0], sizes = [3, 1, 512], strides = [1, 1, 1]} : vector<3x2x512xf32> to vector<3x1x512xf32>
    %squeeze3A_10 = vector.shape_cast %slice3A_9 : vector<3x1x512xf32> to vector<3x512xf32>
    %slice3A_11 = vector.extract_strided_slice %get3A_5 {offsets = [1, 0], sizes = [1, 512], strides = [1, 1]} : vector<2x512xf32> to vector<1x512xf32>
    %squeeze3A_12 = vector.shape_cast %slice3A_11 : vector<1x512xf32> to vector<512xf32>
    %broadcast_in_dim3A_13 = vector.shape_cast %squeeze3A_12 : vector<512xf32> to vector<1x512xf32>
    %mul3A_14 = vector.broadcast %broadcast_in_dim3A_13 : vector<1x512xf32> to vector<3x512xf32>
    %mul3A_15 = arith.mulf %squeeze3A_10, %mul3A_14 : vector<3x512xf32>
    %add3A = arith.addf %mul3A_8, %mul3A_15 : vector<3x512xf32>
    %reduce_sum3A = arith.constant dense<0.000000e+00> : vector<3xf32>
    %reduce_sum3A_16 = vector.multi_reduction <add>, %add3A, %reduce_sum3A [1] : vector<3x512xf32> to vector<3xf32>
    %get3A_17 = arith.constant 0 : index
    %get3A_18 = arith.constant 0 : index
    %get3A_19 = memref.load %arg2[%get3A_17, %get3A_18] : memref<1x8xf32, #tpu.memory_space<smem>>
    %slice3A_20 = vector.extract_strided_slice %reduce_sum3A_16 {offsets = [0], sizes = [1], strides = [1]} : vector<3xf32> to vector<1xf32>
    %squeeze3A_21 = vector.extract %slice3A_20[0] : f32 from vector<1xf32>
    %get3A_22 = arith.constant 0 : index
    %get3A_23 = arith.constant 1 : index
    %get3A_24 = memref.load %arg2[%get3A_22, %get3A_23] : memref<1x8xf32, #tpu.memory_space<smem>>
    %add3A_25 = arith.addf %squeeze3A_21, %get3A_24 : f32
    %get3A_26 = arith.constant 0 : index
    %get3A_27 = arith.constant 4 : index
    %get3A_28 = memref.load %arg2[%get3A_26, %get3A_27] : memref<1x8xf32, #tpu.memory_space<smem>>
    %mul3A_29 = arith.mulf %add3A_25, %get3A_28 : f32
    %integer_pow3A = arith.mulf %mul3A_29, %mul3A_29 : f32
    %add3A_30 = arith.addf %get3A_19, %integer_pow3A : f32
    %slice3A_31 = vector.extract_strided_slice %reduce_sum3A_16 {offsets = [1], sizes = [1], strides = [1]} : vector<3xf32> to vector<1xf32>
    %squeeze3A_32 = vector.extract %slice3A_31[0] : f32 from vector<1xf32>
    %get3A_33 = arith.constant 0 : index
    %get3A_34 = arith.constant 2 : index
    %get3A_35 = memref.load %arg2[%get3A_33, %get3A_34] : memref<1x8xf32, #tpu.memory_space<smem>>
    %add3A_36 = arith.addf %squeeze3A_32, %get3A_35 : f32
    %get3A_37 = arith.constant 0 : index
    %get3A_38 = arith.constant 5 : index
    %get3A_39 = memref.load %arg2[%get3A_37, %get3A_38] : memref<1x8xf32, #tpu.memory_space<smem>>
    %mul3A_40 = arith.mulf %add3A_36, %get3A_39 : f32
    %integer_pow3A_41 = arith.mulf %mul3A_40, %mul3A_40 : f32
    %add3A_42 = arith.addf %add3A_30, %integer_pow3A_41 : f32
    %slice3A_43 = vector.extract_strided_slice %reduce_sum3A_16 {offsets = [2], sizes = [1], strides = [1]} : vector<3xf32> to vector<1xf32>
    %squeeze3A_44 = vector.extract %slice3A_43[0] : f32 from vector<1xf32>
    %get3A_45 = arith.constant 0 : index
    %get3A_46 = arith.constant 3 : index
    %get3A_47 = memref.load %arg2[%get3A_45, %get3A_46] : memref<1x8xf32, #tpu.memory_space<smem>>
    %add3A_48 = arith.addf %squeeze3A_44, %get3A_47 : f32
    %get3A_49 = arith.constant 0 : index
    %get3A_50 = arith.constant 6 : index
    %get3A_51 = memref.load %arg2[%get3A_49, %get3A_50] : memref<1x8xf32, #tpu.memory_space<smem>>
    %mul3A_52 = arith.mulf %add3A_48, %get3A_51 : f32
    %integer_pow3A_53 = arith.mulf %mul3A_52, %mul3A_52 : f32
    %add3A_54 = arith.addf %add3A_42, %integer_pow3A_53 : f32
    %sqrt3A = math.sqrt %add3A_54 : f32
    %swap3A = arith.constant 0 : index
    %swap3A_55 = arith.constant 0 : index
    %swap3A_56 = memref.load %arg3[%swap3A, %swap3A_55] : memref<1x1xf32, #tpu.memory_space<smem>>
    memref.store %sqrt3A, %arg3[%swap3A, %swap3A_55] : memref<1x1xf32, #tpu.memory_space<smem>>
    return
  }
}

</mosaic_0001>

<sc_bundles>
// kernel: kernel.5.cloned.1.call-start
scs
__scs_entry_jumppad:
0x0: {  	(pc) =	sbr.rel $0x88, $3  }
0x1: {  	(tag) =	ssettag $0x0;
	lr =	simm.s32 $0x1  }
0x2: {  	[smem:$0x3F9D] =	sst lr;
	_ =	strace $0xD0000000  }
0x3: {  	_ = 	snop  }
0x4: {  	_ = 	snop  }
0x5: {  	_ = 	snop  }
0x6: {  	_ = 	snop  }
0x7: {  	_ = 	snop  }
__scs_overlays_trampoline_lowered:
0x8: {  	[smem:$0x3FAC] =	sst s0  }
0x9: {  	[smem:$0x3FAD] =	sst s1  }
0xa: {  	[smem:$0x3FAE] =	sst s2  }
0xb: {  	[smem:$0x3FAF] =	sst s3  }
0xc: {  	[smem:$0x3FB0] =	sst s4  }
0xd: {  	[smem:$0x3FB1] =	sst s5  }
0xe: {  	[smem:$0x3FB2] =	sst s6  }
0xf: {  	[smem:$0x3FB3] =	sst s7  }
0x10: {  	[smem:$0x3FB4] =	sst s8  }
0x11: {  	[smem:$0x3FB5] =	sst s9;
	s0 =	simm.s32 @!p0 $0x0  }
0x12: {  	s1 =	sld [smem:$0x3F9B];
	s0 =	simm.s32 @p0 $0x1  }
0x13: {  	[smem:$0x3FB6] =	sst s0;
	s0 =	simm.s32 @!p1 $0x0  }
0x14: {  	s2 =	sld [smem:$0x3F9A];
	s0 =	simm.s32 @p1 $0x1  }
0x15: {  	[smem:$0x3FB7] =	sst s0;
	s0 =	simm.s32 @!p2 $0x0  }
0x16: {  	s3 =	sld [smem:$0x3FDB];
	s0 =	simm.s32 @p2 $0x1  }
0x17: {  	s4 =	simm.s32 $0x1BF5;
	[smem:$0x3FB9] =	sst s0  }
0x18: {  	s0 =	sld [smem:$0x3F9C];
	_ =	swait.ge [sflag:s4], $0x0  }
0x19: {  	s7 =	sld [smem:$0x3F9D]  }
0x1a: {  	s8 =	sadd.s32 $0xFFFFE003, lr  }
0x1b: {  	s9 =	sadd.s32 $0xFFFFFEF7, lr;
	s5 =	simm.s32 $0xFFFFFFFF;
	p2 =	slt.u32 s8, $0xFFFFF086  }
0x1c: {  	p1 =	slt.u32 s9, $0xF7A;
	s5 =	simm.s32 @!p2 $0x0  }
0x1d: {  	s5 =	simm.s32 @p1 $0x1;
	p0 =	seq.s32 s7, s2  }
0x1e: {  	s7 =	smul.u32 @!p0 $0xF7A, s2;
	p2 =	seq.s32 @!p0 s5, $0x0  }
0x1f: {  	s9 =	smul.u32 $0xF7A, s1;
	s8 =	simm.s32 @!p0 $0x1BF5;
	p2 =	por !p2, p0  }
0x20: {  	[sflag:s8] =	ssyncset.s32 @!p0 $0xFFFFF086;
	s6 =	sadd.s32 @!p0 s3, s7;
	s7 =	simm.s32 @!p0 $0x108  }
0x21: {  	s3 =	sadd.s32 s3, s9;
	s6 =	sadd.s32 @!p0 $0x88, s6;
	s7 =	simm.s32 @p2 $0x1082  }
0x22: {  	[simem:s7], [sflag:s8] =	dma.local @!p0 [hbm:s6], $0xF7A  }
0x23: {  	s9 =	sor.u32 $0xD0000000, s2;
	s6 =	simm.s32 $0x108;
	_ =	swait.ge @!p0 [sflag:s8], $0x0  }
0x24: {  	s3 =	sadd.s32 $0x88, s3;
	s6 =	simm.s32 @!p1 $0x1082;
	[sflag:s4] =	ssyncset.s32 $0xFFFFF086  }
0x25: {  	[simem:s6], [sflag:s4] =	dma.local [hbm:s3], $0xF7A  }
0x26: {  	[smem:$0x3F9D] =	sst s1;
	(tag) =	ssettag s2;
	_ =	strace s9  }
0x27: {  	s1 =	sld [smem:$0x3FAD]  }
0x28: {  	s2 =	sld [smem:$0x3FAE]  }
0x29: {  	s4 =	sld [smem:$0x3FB0]  }
0x2a: {  	p0 =	seq.s32 s5, $0x0;
	s5 =	sld [smem:$0x3FB1]  }
0x2b: {  	s6 =	sld [smem:$0x3FB2]  }
0x2c: {  	s7 =	sld [smem:$0x3FB3]  }
0x2d: {  	s3 =	simm.s32 $0x108;
	s8 =	sld [smem:$0x3FB4]  }
0x2e: {  	s3 =	simm.s32 @!p0 $0x1082;
	s9 =	sld [smem:$0x3FB5]  }
0x2f: {  	lr =	sadd.s32 s0, s3;
	s0 =	sld [smem:$0x3FAC]  }
0x30: {  	s3 =	sld [smem:$0x3FAF]  }
0x31: {  	[smem:$0x3FB8] =	sst s10  }
0x32: {  	s10 =	sld [smem:$0x3FB6];
	_ =	sdelay $0x3  }
0x33: {  	p0 =	seq.s32 s10, $0x1;
	s10 =	sld [smem:$0x3FB8];
	_ =	sdelay $0x3  }
0x34: {  	[smem:$0x3FB8] =	sst s10  }
0x35: {  	s10 =	sld [smem:$0x3FB7];
	_ =	sdelay $0x3  }
0x36: {  	p1 =	seq.s32 s10, $0x1;
	s10 =	sld [smem:$0x3FB8];
	_ =	sdelay $0x3  }
0x37: {  	[smem:$0x3FB8] =	sst s10  }
0x38: {  	s10 =	sld [smem:$0x3FB9]  }
0x39: {  	_ = 	snop;
	(pc) =	sbr.ind lr, $3  }
0x3a: {  	_ = 	snop  }
0x3b: {  	_ = 	snop  }
0x3c: {  	p2 =	seq.s32 s10, $0x1;
	s10 =	sld [smem:$0x3FB8]  }
0x3d: {  	_ =	shalt  }
0x3e: {  	_ =	shalt  }
0x3f: {  	_ =	shalt  }
0x40: {  	_ =	shalt  }
0x41: {  	_ =	shalt  }
0x42: {  	_ =	shalt  }
0x43: {  	_ =	shalt  }
0x44: {  	_ =	shalt  }
0x45: {  	_ =	shalt  }
0x46: {  	_ =	shalt  }
0x47: {  	_ =	shalt  }
0x48: {  	_ =	shalt  }
0x49: {  	_ =	shalt  }
0x4a: {  	_ =	shalt  }
0x4b: {  	_ =	shalt  }
0x4c: {  	_ =	shalt  }
0x4d: {  	_ =	shalt  }
0x4e: {  	_ =	shalt  }
0x4f: {  	_ =	shalt  }
0x50: {  	_ =	shalt  }
0x51: {  	_ =	shalt  }
0x52: {  	_ =	shalt  }
0x53: {  	_ =	shalt  }
0x54: {  	_ =	shalt  }
0x55: {  	_ =	shalt  }
0x56: {  	_ =	shalt  }
0x57: {  	_ =	shalt  }
0x58: {  	_ =	shalt  }
0x59: {  	_ =	shalt  }
0x5a: {  	_ =	shalt  }
0x5b: {  	_ =	shalt  }
0x5c: {  	_ =	shalt  }
0x5d: {  	_ =	shalt  }
0x5e: {  	_ =	shalt  }
0x5f: {  	_ =	shalt  }
0x60: {  	_ =	shalt  }
0x61: {  	_ =	shalt  }
0x62: {  	_ =	shalt  }
0x63: {  	_ =	shalt  }
0x64: {  	_ =	shalt  }
0x65: {  	_ =	shalt  }
0x66: {  	_ =	shalt  }
0x67: {  	_ =	shalt  }
0x68: {  	_ =	shalt  }
0x69: {  	_ =	shalt  }
0x6a: {  	_ =	shalt  }
0x6b: {  	_ =	shalt  }
0x6c: {  	_ =	shalt  }
0x6d: {  	_ =	shalt  }
0x6e: {  	_ =	shalt  }
0x6f: {  	_ =	shalt  }
0x70: {  	_ =	shalt  }
0x71: {  	_ =	shalt  }
0x72: {  	_ =	shalt  }
0x73: {  	_ =	shalt  }
0x74: {  	_ =	shalt  }
0x75: {  	_ =	shalt  }
0x76: {  	_ =	shalt  }
0x77: {  	_ =	shalt  }
0x78: {  	_ =	shalt  }
0x79: {  	_ =	shalt  }
0x7a: {  	_ =	shalt  }
0x7b: {  	_ =	shalt  }
0x7c: {  	_ =	shalt  }
0x7d: {  	_ =	shalt  }
0x7e: {  	_ =	shalt  }
0x7f: {  	_ =	shalt  }
0x80: {  	_ =	shalt  }
0x81: {  	_ =	shalt  }
0x82: {  	_ =	shalt  }
0x83: {  	_ =	shalt  }
0x84: {  	_ =	shalt  }
0x85: {  	_ =	shalt  }
0x86: {  	_ =	shalt  }
0x87: {  	_ =	shalt  }
.Lfunc_end0:
.L_simem_size_0:
called_computation_lowered:
.L_overlay_start_0:
0x88: {  	s2 =	sld [smem:$0x3FD9]  }
0x89: {  	s3 =	sld [smem:$0x3FFE];
	_ =	sdelay $0x1  }
0x8a: {  	s1 =	srdreg.scid  }
0x8b: {  	s0 =	sand.u32 $0x1, s1  }
0x8c: {  	s17 =	sshll.u32 s0, $0xA;
	s2 =	sadd.s32 s3, s2  }
0x8d: {  	s2 =	sadd.s32 s2, s17  }
0x8e: {  	[smem:$0x3FC4] =	sst s2  }
0x8f: {  	_ = 	snop  }
0x90: {  	s2 =	sld [smem:$0x3FC8]  }
0x91: {  	s18 =	sld [smem:$0x3FC7];
	(tm) =	ssettm $0x1  }
0x92: {  	s4 =	sld [smem:$0x3FFB];
	_ =	sdelay $0x3  }
0x93: {  	_ =	strace s4  }
0x94: {  	s4 =	sld [smem:$0x3FFC];
	_ =	sdelay $0x3  }
0x95: {  	_ =	strace s4  }
0x96: {  	s4 =	sld [smem:$0x3FFD];
	_ =	sdelay $0x3  }
0x97: {  	_ =	strace s4  }
0x98: {  	_ =	strace $0x8FFFFFFF  }
0x99: {  	s19 =	sld [smem:$0x3FDB];
	_ =	sdelay $0x1  }
0x9a: {  	s5 =	simm.s32 $_scs_section_size  }
0x9b: {  	s6 =	simm.s32 $_size__tile_overlayer_lowered;
	s7 =	simm.s32 $_tile_overlayer_lowered  }
0x9c: {  	s22 =	simm.s32 $0x1BFF;
	s21 =	sshll.u32 s7, $0x1;
	s4 =	sadd.s32 s5, s19  }
0x9d: {  	s8 =	simm.s32 $0x0;
	s20 =	sshll.u32 s6, $0x1;
	s6 =	sadd.s32 s21, s4  }
0x9e: {  	[timem:s8], [sflag:s22] =	dma.local [hbm:s6], s20  }
0x9f: {  	_ =	swait.ge [sflag:s22], s20  }
0xa0: {  	s5 =	ssub.s32 $0x0, s20;
	[sflag:s22] =	ssyncset.done $0x0  }
0xa1: {  	[sflag:s22] =	ssyncadd.s32 s5;
	_ =	sdelay $0x1  }
0xa2: {  	s23 =	simm.s32 $0x1B8B  }
0xa3: {  	_ =	swait.ge [sflag:s23], $0x1  }
0xa4: {  	[sflag:s23] =	ssyncset.done $0x0  }
0xa5: {  	s25 =	simm.s32 $0x1B8E;
	s24 =	sld [smem:$0x3FFE];
	[sflag:s23] =	ssyncadd.s32 $0xFFFFFFFF  }
0xa6: {  	s26 =	simm.s32 $execute0_lowered;
	[smem:$0x3FD2] =	sst s25  }
0xa7: {  	s6 =	sshll.u32 s26, $0x1;
	_ =	strace $0x80000046;
	[dreg:$0x1] =	wrdreg $0xFFFFFFFF  }
0xa8: {  	s28 =	simm.s32 $_size_execute0_lowered;
	s4 =	sadd.s32 s4, s6;
	[dreg:$0x0] =	wrdreg $0x0  }
0xa9: {  	s6 =	sshll.u32 s28, $0x1;
	[dreg:$0x2] =	wrdreg s4  }
0xaa: {  	[dreg:$0x3] =	wrdreg s6  }
0xab: {  	[dreg:$0x4] =	wrdreg $0xC0  }
0xac: {  	_ =	task [dreg:s8], $0x5FFFF  }
0xad: {  	[dreg:$0x1] =	wrdreg $0xFFFFFFFF  }
0xae: {  	[dreg:$0x0] =	wrdreg $0x60  }
0xaf: {  	[dreg:$0x2] =	wrdreg s2  }
0xb0: {  	[dreg:$0x3] =	wrdreg s18  }
0xb1: {  	[dreg:$0x4] =	wrdreg s24  }
0xb2: {  	[dreg:$0x5] =	wrdreg $0x9  }
0xb3: {  	_ =	task.clear_ibuf [dreg:s8], $0x6FFFF;
	_ =	strace $0x90000046  }
0xb4: {  	s29 =	simm.s32 $0x9;
	_ =	strace $0x80000048  }
0xb5: {  	_ =	swait.ge [sflag:s29], $0x1  }
0xb6: {  	[sflag:s29] =	ssyncadd.s32 $0xFFFFFFFF  }
0xb7: {  	_ =	strace $0x90000048  }
0xb8: {  	_ =	sfence  }
0xb9: {  	s30 =	sld [smem:$0x0];
	_ =	sdelay $0x2  }
0xba: {  	s31 =	sshll.u32 s1, $0xD;
	s1 =	sshrl.u32 s1, $0x2  }
0xbb: {  	s3 =	sand.u32 $0x4000, s31;
	s1 =	sadd.s32 s1, s30  }
0xbc: {  	s0 =	sor.u32 s3, s0;
	s1 =	sshll.u32 s1, $0x11  }
0xbd: {  	s0 =	sor.u32 s1, s0  }
0xbe: {  	s0 =	sadd.s32 $0x8F2B, s0  }
0xbf: {  	[sflag:s0] =	ssyncadd.remote.s32 $0x1  }
0xc0: {  	_ =	sfence.sel $0xFFFF  }
0xc1: {  	[dreg:$0x0] =	wrdreg $0xFFFFFFFF;
	(pc) =	sbr.abs _section_cstart, $3  }
0xc2: {  	[dreg:$0x1] =	wrdreg $0xFFFFFFFF  }
0xc3: {  	_ =	task.clear_ibuf [dreg:s8], $0x2FFFF;
	_ =	strace $0x9FFFFFFF  }
0xc4: {  	(tm) =	ssettm $0x7FFFFFFF  }
0xc5: {  	_ =	shalt  }
tec
execute0_lowered:
.L_overlay_start_1:
0x0: {  	(tag) =	ssettag $0x1  }
0x1: {  	s4 =	rddreg [dreg:$0x0]  }
0x2: {  	s2 =	srdreg.scid;
	s0 =	stileid.u32  }
0x3: {  	s1 =	rddreg [dreg:$0x1];
	s5 =	sand.u32 $0x1, s2;
	s14 =	sshll.u32 s0, $0x5  }
0x4: {  	s7 =	rddreg [dreg:$0x2];
	s3 =	sshll.u32 s5, $0x4;
	s2 =	sand.u32 $0x60, s14  }
0x5: {  	s8 =	sor.u32 s3, s2;
	s2 =	rddreg [dreg:$0x3];
	s3 =	simm.s32 $0x0  }
0x6: {  	s23 =	simm.s32 $0x80;
	[smem:$0x7FF] =	sst s3  }
0x7: {  	s24 =	simm.s32 $0x100;
	_ =	strace $0x80000047;
	[dreg:$0xc] =	wrdreg s23  }
0x8: {  	s25 =	simm.s32 $0x400;
	[dreg:$0xd] =	wrdreg s24  }
0x9: {  	s26 =	simm.s32 $0x600;
	[dreg:$0xe] =	wrdreg s25  }
0xa: {  	s28 =	simm.s32 $0x210;
	s29 =	simm.s32 $0x410;
	[dreg:$0xf] =	wrdreg s26  }
0xb: {  	s30 =	simm.s32 $0x610;
	s6 =	sshrl.u32 s0, $0x2;
	[dreg:$0x10] =	wrdreg s28  }
0xc: {  	s31 =	simm.s32 $0x220;
	s15 =	sshll.u32 s6, $0x9;
	[dreg:$0x11] =	wrdreg s29  }
0xd: {  	s6 =	sshll.u32 s6, $0x8;
	s9 =	sor.u32 s15, s8;
	[dreg:$0x12] =	wrdreg s30  }
0xe: {  	s6 =	sor.u32 s6, s8;
	s8 =	simm.s32 $0x620;
	[dreg:$0x13] =	wrdreg s31  }
0xf: {  	s10 =	simm.s32 $0x430;
	[dreg:$0x15] =	wrdreg s8  }
0x10: {  	s11 =	simm.s32 $0x630;
	[dreg:$0x17] =	wrdreg s10  }
0x11: {  	s12 =	simm.s32 $0x240;
	[dreg:$0x18] =	wrdreg s11  }
0x12: {  	s13 =	simm.s32 $0x440;
	[dreg:$0x19] =	wrdreg s12  }
0x13: {  	s14 =	simm.s32 $0x640;
	[dreg:$0x1a] =	wrdreg s13  }
0x14: {  	s15 =	simm.s32 $0x250;
	[dreg:$0x1b] =	wrdreg s14  }
0x15: {  	[dreg:$0x1c] =	wrdreg s15;
	s23 =	simm.s32 $0x670  }
0x16: {  	s24 =	simm.s32 $0x280;
	[smem:$0x7AF] =	sst s23  }
0x17: {  	s25 =	simm.s32 $0x480;
	[smem:$0x7B0] =	sst s24  }
0x18: {  	s26 =	simm.s32 $0x680;
	[smem:$0x7B1] =	sst s25  }
0x19: {  	s28 =	simm.s32 $0x290;
	[smem:$0x7B2] =	sst s26  }
0x1a: {  	s29 =	simm.s32 $0x490;
	[smem:$0x7B3] =	sst s28  }
0x1b: {  	s30 =	simm.s32 $0x690;
	[smem:$0x7B4] =	sst s29  }
0x1c: {  	s31 =	simm.s32 $0x2A0;
	[smem:$0x7B5] =	sst s30  }
0x1d: {  	s8 =	simm.s32 $0x6A0;
	[smem:$0x7B6] =	sst s31  }
0x1e: {  	s10 =	simm.s32 $0x4B0;
	[smem:$0x7B8] =	sst s8  }
0x1f: {  	s11 =	simm.s32 $0x6B0;
	[smem:$0x7BA] =	sst s10  }
0x20: {  	s12 =	simm.s32 $0x2C0;
	[smem:$0x7BB] =	sst s11  }
0x21: {  	s13 =	simm.s32 $0x4C0;
	[smem:$0x7BC] =	sst s12  }
0x22: {  	s9 =	sshrl.u32 s9, $0x3;
	s14 =	simm.s32 $0x6C0;
	[smem:$0x7BD] =	sst s13  }
0x23: {  	s6 =	sshrl.u32 s6, $0x3;
	s15 =	simm.s32 $0x2D0;
	[smem:$0x7BE] =	sst s14  }
0x24: {  	s6 =	sadd.s32 s6, s7;
	s7 =	simm.s32 $0x420;
	[smem:$0x7BF] =	sst s15  }
0x25: {  	s4 =	sadd.s32 s4, s9;
	s9 =	simm.s32 $0x230;
	[dreg:$0x14] =	wrdreg s7  }
0x26: {  	s23 =	simm.s32 $0x6F0;
	[dreg:$0x16] =	wrdreg s9  }
0x27: {  	s24 =	simm.s32 $0x300;
	[smem:$0x7C7] =	sst s23  }
0x28: {  	s25 =	simm.s32 $0x500;
	[smem:$0x7C8] =	sst s24  }
0x29: {  	s26 =	simm.s32 $0x700;
	[smem:$0x7C9] =	sst s25  }
0x2a: {  	s28 =	simm.s32 $0x310;
	[smem:$0x7CA] =	sst s26  }
0x2b: {  	s29 =	simm.s32 $0x510;
	[smem:$0x7CB] =	sst s28  }
0x2c: {  	s30 =	simm.s32 $0x710;
	[smem:$0x7CC] =	sst s29  }
0x2d: {  	s31 =	simm.s32 $0x320;
	[smem:$0x7CD] =	sst s30  }
0x2e: {  	s8 =	simm.s32 $0x720;
	[smem:$0x7CE] =	sst s31  }
0x2f: {  	s10 =	simm.s32 $0x530;
	[smem:$0x7D0] =	sst s8  }
0x30: {  	s11 =	simm.s32 $0x730;
	[smem:$0x7D2] =	sst s10  }
0x31: {  	s12 =	simm.s32 $0x340;
	[smem:$0x7D3] =	sst s11  }
0x32: {  	s13 =	simm.s32 $0x540;
	[smem:$0x7D4] =	sst s12  }
0x33: {  	s14 =	simm.s32 $0x740;
	[smem:$0x7D5] =	sst s13  }
0x34: {  	s15 =	simm.s32 $0x350;
	[smem:$0x7D6] =	sst s14  }
0x35: {  	s16 =	sadd.s32 $0x10, s4;
	[smem:$0x7D7] =	sst s15  }
0x36: {  	s17 =	sadd.s32 $0x20, s4;
	[dreg:$0x4] =	wrdreg s16  }
0x37: {  	s18 =	sadd.s32 $0xE00, s6;
	[dreg:$0x5] =	wrdreg s17  }
0x38: {  	s19 =	sadd.s32 $0xE10, s6;
	[dreg:$0x6] =	wrdreg s18  }
0x39: {  	s20 =	sadd.s32 $0xE80, s6;
	[dreg:$0x7] =	wrdreg s19  }
0x3a: {  	s21 =	sadd.s32 $0xE90, s6;
	[dreg:$0x8] =	wrdreg s20  }
0x3b: {  	s22 =	sadd.s32 $0xF00, s6;
	[dreg:$0x9] =	wrdreg s21  }
0x3c: {  	s6 =	sadd.s32 $0xF10, s6;
	[dreg:$0xa] =	wrdreg s22  }
0x3d: {  	s7 =	simm.s32 $0x4A0;
	[dreg:$0xb] =	wrdreg s6  }
0x3e: {  	s9 =	simm.s32 $0x2B0;
	[smem:$0x7B7] =	sst s7  }
0x3f: {  	s23 =	simm.s32 $0x770;
	[smem:$0x7B9] =	sst s9  }
0x40: {  	s24 =	simm.s32 $0x380;
	[smem:$0x7DF] =	sst s23  }
0x41: {  	s25 =	simm.s32 $0x580;
	[smem:$0x7E0] =	sst s24  }
0x42: {  	s26 =	simm.s32 $0x780;
	[smem:$0x7E1] =	sst s25  }
0x43: {  	s28 =	simm.s32 $0x390;
	[smem:$0x7E2] =	sst s26  }
0x44: {  	s29 =	simm.s32 $0x590;
	[smem:$0x7E3] =	sst s28  }
0x45: {  	s30 =	simm.s32 $0x790;
	[smem:$0x7E4] =	sst s29  }
0x46: {  	s31 =	simm.s32 $0x3A0;
	[smem:$0x7E5] =	sst s30  }
0x47: {  	s8 =	simm.s32 $0x7A0;
	[smem:$0x7E6] =	sst s31  }
0x48: {  	s10 =	simm.s32 $0x5B0;
	[smem:$0x7E8] =	sst s8  }
0x49: {  	s11 =	simm.s32 $0x7B0;
	[smem:$0x7EA] =	sst s10  }
0x4a: {  	s12 =	simm.s32 $0x3C0;
	[smem:$0x7EB] =	sst s11  }
0x4b: {  	s13 =	simm.s32 $0x5C0;
	[smem:$0x7EC] =	sst s12  }
0x4c: {  	s14 =	simm.s32 $0x7C0;
	[smem:$0x7ED] =	sst s13  }
0x4d: {  	s15 =	simm.s32 $0x3D0;
	[smem:$0x7EE] =	sst s14  }
0x4e: {  	s16 =	simm.s32 $0x450;
	[smem:$0x7EF] =	sst s15  }
0x4f: {  	s17 =	simm.s32 $0x650;
	[dreg:$0x1d] =	wrdreg s16  }
0x50: {  	s18 =	simm.s32 $0x260;
	[dreg:$0x1e] =	wrdreg s17  }
0x51: {  	s19 =	simm.s32 $0x460;
	[dreg:$0x1f] =	wrdreg s18  }
0x52: {  	s20 =	simm.s32 $0x660;
	[smem:$0x7AB] =	sst s19  }
0x53: {  	s21 =	simm.s32 $0x270;
	[smem:$0x7AC] =	sst s20  }
0x54: {  	s22 =	simm.s32 $0x470;
	[smem:$0x7AD] =	sst s21  }
0x55: {  	s7 =	simm.s32 $0x520;
	[smem:$0x7AE] =	sst s22  }
0x56: {  	s9 =	simm.s32 $0x330;
	[smem:$0x7CF] =	sst s7  }
0x57: {  	s23 =	simm.s32 $0x7F0;
	[smem:$0x7D1] =	sst s9  }
0x58: {  	s24 =	simm.s32 $0x800;
	[smem:$0x7F7] =	sst s23  }
0x59: {  	s25 =	simm.s32 $0x810;
	[smem:$0x7F8] =	sst s24  }
0x5a: {  	s28 =	simm.s32 $0x820;
	[smem:$0x7F9] =	sst s25  }
0x5b: {  	s29 =	simm.s32 $0x830;
	[smem:$0x7FA] =	sst s28  }
0x5c: {  	s30 =	simm.s32 $0x840;
	[smem:$0x7FB] =	sst s29  }
0x5d: {  	s31 =	simm.s32 $0x850;
	[smem:$0x7FC] =	sst s30  }
0x5e: {  	s16 =	simm.s32 $0x4D0;
	[smem:$0x7FD] =	sst s31  }
0x5f: {  	s17 =	simm.s32 $0x6D0;
	[smem:$0x7C0] =	sst s16  }
0x60: {  	s18 =	simm.s32 $0x2E0;
	[smem:$0x7C1] =	sst s17  }
0x61: {  	s19 =	simm.s32 $0x4E0;
	[smem:$0x7C2] =	sst s18  }
0x62: {  	s20 =	simm.s32 $0x6E0;
	[smem:$0x7C3] =	sst s19  }
0x63: {  	s21 =	simm.s32 $0x2F0;
	[smem:$0x7C4] =	sst s20  }
0x64: {  	s22 =	simm.s32 $0x4F0;
	[smem:$0x7C5] =	sst s21  }
0x65: {  	s7 =	simm.s32 $0x5A0;
	[smem:$0x7C6] =	sst s22  }
0x66: {  	s9 =	simm.s32 $0x3B0;
	[smem:$0x7E7] =	sst s7  }
0x67: {  	s16 =	simm.s32 $0x550;
	[smem:$0x7E9] =	sst s9  }
0x68: {  	s17 =	simm.s32 $0x750;
	[smem:$0x7D8] =	sst s16  }
0x69: {  	s18 =	simm.s32 $0x360;
	[smem:$0x7D9] =	sst s17  }
0x6a: {  	s19 =	simm.s32 $0x560;
	[smem:$0x7DA] =	sst s18  }
0x6b: {  	s20 =	simm.s32 $0x760;
	[smem:$0x7DB] =	sst s19  }
0x6c: {  	s21 =	simm.s32 $0x370;
	[smem:$0x7DC] =	sst s20  }
0x6d: {  	s22 =	simm.s32 $0x570;
	[smem:$0x7DD] =	sst s21  }
0x6e: {  	[smem:$0x7DE] =	sst s22;
	s16 =	simm.s32 $0x5D0  }
0x6f: {  	s17 =	simm.s32 $0x7D0;
	[smem:$0x7F0] =	sst s16  }
0x70: {  	s5 =	ssub.s32 $0x2, s5;
	s18 =	simm.s32 $0x3E0;
	[smem:$0x7F1] =	sst s17  }
0x71: {  	v0 =	vlaneseq.u32;
	s26 =	sshrl.u32 s5, $0x1;
	s19 =	simm.s32 $0x5E0;
	[smem:$0x7F2] =	sst s18  }
0x72: {  	v0 =	vmul.u32 $0x10, v0;
	s6 =	simm.s32 $0x2;
	s20 =	simm.s32 $0x7E0;
	[smem:$0x7F3] =	sst s19  }
0x73: {  	s8 =	simm.s32 $0x200;
	s21 =	simm.s32 $0x3F0;
	[smem:$0x7F4] =	sst s20  }
0x74: {  	v1 =	vimm.s32 $0x0;
	v2 =	vor.u32 $0x200, v0;
	v3 =	vor.u32 $0x400, v0;
	s5 =	ssub.s32 s5, s26;
	s22 =	simm.s32 $0x5F0;
	[smem:$0x7F5] =	sst s21  }
0x75: {  	v4 =	vor.u32 $0x100, v0;
	v5 =	vor.u32 $0x300, v0;
	v6 =	vor.u32 $0x500, v0;
	s5 =	smax.u32 s5, $0x1;
	s7 =	simm.s32 $0x1;
	[smem:$0x7F6] =	sst s22  }
.LBB2_1:
0x76: {  	[tilespmem:s3], [sflag:$0x2] =	stream.linear.gather [hbm4b:s4+s3], $0x10, $0x38;
	[tilespmem:$0x880] =	vst v63  }
0x77: {  	_ =	swait.ge [sflag:s6], $0x10  }
0x78: {  	s9 =	rddreg [dreg:$0x4];
	[sflag:s6] =	ssyncset.done $0x0  }
0x79: {  	s10 =	rddreg [dreg:$0xc];
	[sflag:s6] =	ssyncadd.s32 $0xFFFFFFF0  }
0x7a: {  	[tilespmem:s10], [sflag:$0x2] =	stream.linear.gather [hbm4b:s9+s3], $0x10, $0x38;
	[tilespmem:$0x880] =	vst v63  }
0x7b: {  	_ =	swait.ge [sflag:s6], $0x10  }
0x7c: {  	s21 =	rddreg [dreg:$0x5];
	[sflag:s6] =	ssyncset.done $0x0  }
0x7d: {  	s22 =	rddreg [dreg:$0xd];
	[sflag:s6] =	ssyncadd.s32 $0xFFFFFFF0  }
0x7e: {  	[tilespmem:s22], [sflag:$0x2] =	stream.linear.gather [hbm4b:s21+s3], $0x10, $0x38;
	[tilespmem:$0x880] =	vst v63  }
0x7f: {  	_ =	swait.ge [sflag:s6], $0x10  }
0x80: {  	[sflag:s6] =	ssyncset.done $0x0  }
0x81: {  	[sflag:s6] =	ssyncadd.s32 $0xFFFFFFF0  }
0x82: {  	v13 =	vld [tilespmem:$0x80]  }
0x83: {  	v12 =	vld [tilespmem:$0x100];
	_ =	sdelay $0x3  }
0x84: {  	v10 =	vld [tilespmem:$0x0];
	v15 =	vtrunc.f32 v13  }
0x85: {  	v14 =	vtrunc.f32 v12;
	v8 =	vcvt.f32.s32 v15  }
0x86: {  	v7 =	vcvt.f32.s32 v14  }
0x87: {  	(v2sf) =	vpush v8, $0x0  }
0x88: {  	(v2sf) =	vpush v7, $0x0  }
0x89: {  	v11 =	vtrunc.f32 v10  }
0x8a: {  	v9 =	vcvt.f32.s32 v11;
	_ =	sdelay $0x1  }
0x8b: {  	v16 =	vmul.u32 $0xC000, v9;
	_ =	sdelay $0x1  }
0x8c: {  	(v2sf) =	vpush v16, $0x0;
	_ =	sdelay $0x7  }
0x8d: {  	s23 =	spop (v2sf)  }
0x8e: {  	(v2sf) =	vpush v8, $0x1;
	s24 =	spop (v2sf)  }
0x8f: {  	s11 =	sand.u32 $0xF, s24  }
0x90: {  	(v2sf) =	vpush v7, $0x1;
	s12 =	sshra.s32 s24, $0x1F;
	p0 =	slt.s32 s24, $0x1;
	p1 =	sne.s32 s11, $0x0  }
0x91: {  	s26 =	sshll.u32 s23, $0x8;
	s25 =	sshrl.u32 s12, $0x1C;
	p0 =	por !p0, !p1  }
0x92: {  	s11 =	simm.s32 $0x1;
	s10 =	sadd.s32 s25, s24;
	p0 =	por !p0, !p0  }
0x93: {  	s9 =	sshll.u32 s23, $0x7;
	s10 =	sshra.s32 s10, $0x4;
	s11 =	simm.s32 @!p0 $0x0  }
0x94: {  	s28 =	spop (v2sf);
	s10 =	ssub.s32 s10, s11;
	s11 =	sand.u32 $0xFFFFF800, s26  }
0x95: {  	s9 =	sand.u32 $0x380, s9;
	s13 =	sshll.u32 s10, $0x7;
	s11 =	sadd.s32 s28, s11  }
0x96: {  	(v2sf) =	vpush v16, $0x1;
	s10 =	sshll.u32 s10, $0x4;
	s29 =	sand.u32 $0xFFFFFC00, s13;
	s9 =	sor.u32 s9, s11  }
0x97: {  	s10 =	sand.u32 $0x70, s10;
	s9 =	sadd.s32 s29, s9  }
0x98: {  	s9 =	sor.u32 s10, s9  }
0x99: {  	s10 =	sshrl.u32 s9, $0x3  }
0x9a: {  	s30 =	sadd.s32 $0x900000, s9;
	s10 =	sadd.s32 s1, s10  }
0x9b: {  	[tilespmem:s8], [sflag:$0x1] =	stream.linear.gather [hbm4b:s10+s3], $0x10, $0x38;
	[tilespmem:$0x880] =	vst v63  }
0x9c: {  	s31 =	rddreg [dreg:$0xe];
	s10 =	sshrl.u32 s30, $0x3  }
0x9d: {  	s9 =	sadd.s32 $0x1200000, s9;
	s10 =	sadd.s32 s1, s10;
	s13 =	spop (v2sf)  }
0x9e: {  	[tilespmem:s31], [sflag:$0x1] =	stream.linear.gather [hbm4b:s10+s3], $0x10, $0x38;
	[tilespmem:$0x880] =	vst v63  }
0x9f: {  	s9 =	sshrl.u32 s9, $0x3;
	(v2sf) =	vpush v8, $0x2;
	s14 =	spop (v2sf)  }
0xa0: {  	s12 =	rddreg [dreg:$0xf];
	s9 =	sadd.s32 s1, s9;
	s15 =	sand.u32 $0xF, s14  }
0xa1: {  	(v2sf) =	vpush v7, $0x2;
	[tilespmem:s12], [sflag:$0x1] =	stream.linear.gather [hbm4b:s9+s3], $0x10, $0x38;
	[tilespmem:$0x880] =	vst v63  }
0xa2: {  	s16 =	sshra.s32 s14, $0x1F;
	p5 =	slt.s32 s14, $0x1;
	p6 =	sne.s32 s15, $0x0  }
0xa3: {  	s11 =	simm.s32 $0x1;
	s17 =	sshrl.u32 s16, $0x1C;
	p0 =	por !p5, !p6  }
0xa4: {  	s18 =	sshll.u32 s13, $0x8;
	s10 =	sadd.s32 s17, s14;
	p0 =	por !p0, !p0  }
0xa5: {  	s19 =	spop (v2sf);
	s10 =	sshra.s32 s10, $0x4;
	s11 =	simm.s32 @!p0 $0x0  }
0xa6: {  	s9 =	sshll.u32 s13, $0x7;
	s10 =	ssub.s32 s10, s11;
	s11 =	sand.u32 $0xFFFFF800, s18  }
0xa7: {  	(v2sf) =	vpush v16, $0x2;
	s9 =	sand.u32 $0x380, s9;
	s20 =	sshll.u32 s10, $0x7;
	s11 =	sadd.s32 s19, s11  }
0xa8: {  	s10 =	sshll.u32 s10, $0x4;
	s21 =	sand.u32 $0xFFFFFC00, s20;
	s9 =	sor.u32 s9, s11  }
0xa9: {  	s10 =	sand.u32 $0x70, s10;
	s9 =	sadd.s32 s21, s9  }
0xaa: {  	s9 =	sor.u32 s10, s9  }
0xab: {  	s22 =	rddreg [dreg:$0x10];
	s23 =	sshrl.u32 s9, $0x3;
	s24 =	sadd.s32 $0x900000, s9  }
0xac: {  	s25 =	rddreg [dreg:$0x11];
	s11 =	sadd.s32 s1, s23;
	s10 =	sshrl.u32 s24, $0x3  }
0xad: {  	[tilespmem:s22], [sflag:$0x1] =	stream.linear.gather [hbm4b:s11+s3], $0x10, $0x38;
	[tilespmem:$0x880] =	vst v63  }
0xae: {  	s9 =	sadd.s32 $0x1200000, s9;
	s10 =	sadd.s32 s1, s10;
	s28 =	spop (v2sf)  }
0xaf: {  	[tilespmem:s25], [sflag:$0x1] =	stream.linear.gather [hbm4b:s10+s3], $0x10, $0x38;
	[tilespmem:$0x880] =	vst v63  }
0xb0: {  	s9 =	sshrl.u32 s9, $0x3;
	(v2sf) =	vpush v8, $0x3;
	s29 =	spop (v2sf)  }
0xb1: {  	s26 =	rddreg [dreg:$0x12];
	s9 =	sadd.s32 s1, s9;
	s30 =	sand.u32 $0xF, s29  }
0xb2: {  	(v2sf) =	vpush v7, $0x3;
	[tilespmem:s26], [sflag:$0x1] =	stream.linear.gather [hbm4b:s9+s3], $0x10, $0x38;
	[tilespmem:$0x880] =	vst v63  }
0xb3: {  	s31 =	sshra.s32 s29, $0x1F;
	p1 =	slt.s32 s29, $0x1;
	p2 =	sne.s32 s30, $0x0  }
0xb4: {  	s11 =	simm.s32 $0x1;
	s12 =	sshrl.u32 s31, $0x1C;
	p0 =	por !p1, !p2  }
0xb5: {  	s13 =	sshll.u32 s28, $0x8;
	s10 =	sadd.s32 s12, s29;
	p0 =	por !p0, !p0  }
0xb6: {  	s14 =	spop (v2sf);
	s10 =	sshra.s32 s10, $0x4;
	s11 =	simm.s32 @!p0 $0x0  }
0xb7: {  	s9 =	sshll.u32 s28, $0x7;
	s10 =	ssub.s32 s10, s11;
	s11 =	sand.u32 $0xFFFFF800, s13  }
0xb8: {  	(v2sf) =	vpush v16, $0x3;
	s9 =	sand.u32 $0x380, s9;
	s15 =	sshll.u32 s10, $0x7;
	s11 =	sadd.s32 s14, s11  }
0xb9: {  	s10 =	sshll.u32 s10, $0x4;
	s16 =	sand.u32 $0xFFFFFC00, s15;
	s9 =	sor.u32 s9, s11  }
0xba: {  	s10 =	sand.u32 $0x70, s10;
	s9 =	sadd.s32 s16, s9  }
0xbb: {  	s9 =	sor.u32 s10, s9  }
0xbc: {  	s17 =	rddreg [dreg:$0x13];
	s18 =	sshrl.u32 s9, $0x3;
	s19 =	sadd.s32 $0x900000, s9  }
0xbd: {  	s20 =	rddreg [dreg:$0x14];
	s11 =	sadd.s32 s1, s18;
	s10 =	sshrl.u32 s19, $0x3  }
0xbe: {  	[tilespmem:s17], [sflag:$0x1] =	stream.linear.gather [hbm4b:s11+s3], $0x10, $0x38;
	[tilespmem:$0x880] =	vst v63  }
0xbf: {  	s9 =	sadd.s32 $0x1200000, s9;
	s10 =	sadd.s32 s1, s10;
	s22 =	spop (v2sf)  }
0xc0: {  	[tilespmem:s20], [sflag:$0x1] =	stream.linear.gather [hbm4b:s10+s3], $0x10, $0x38;
	[tilespmem:$0x880] =	vst v63  }
0xc1: {  	s9 =	sshrl.u32 s9, $0x3;
	(v2sf) =	vpush v8, $0x4;
	s23 =	spop (v2sf)  }
0xc2: {  	s21 =	rddreg [dreg:$0x15];
	s9 =	sadd.s32 s1, s9;
	s24 =	sand.u32 $0xF, s23  }
0xc3: {  	(v2sf) =	vpush v7, $0x4;
	[tilespmem:s21], [sflag:$0x1] =	stream.linear.gather [hbm4b:s9+s3], $0x10, $0x38;
	[tilespmem:$0x880] =	vst v63  }
0xc4: {  	s25 =	sshra.s32 s23, $0x1F;
	p3 =	slt.s32 s23, $0x1;
	p4 =	sne.s32 s24, $0x0  }
0xc5: {  	s11 =	simm.s32 $0x1;
	s26 =	sshrl.u32 s25, $0x1C;
	p0 =	por !p3, !p4  }
0xc6: {  	s28 =	sshll.u32 s22, $0x8;
	s10 =	sadd.s32 s26, s23;
	p0 =	por !p0, !p0  }
0xc7: {  	s29 =	spop (v2sf);
	s10 =	sshra.s32 s10, $0x4;
	s11 =	simm.s32 @!p0 $0x0  }
0xc8: {  	s9 =	sshll.u32 s22, $0x7;
	s10 =	ssub.s32 s10, s11;
	s11 =	sand.u32 $0xFFFFF800, s28  }
0xc9: {  	(v2sf) =	vpush v16, $0x4;
	s9 =	sand.u32 $0x380, s9;
	s30 =	sshll.u32 s10, $0x7;
	s11 =	sadd.s32 s29, s11  }
0xca: {  	s10 =	sshll.u32 s10, $0x4;
	s31 =	sand.u32 $0xFFFFFC00, s30;
	s9 =	sor.u32 s9, s11  }
0xcb: {  	s10 =	sand.u32 $0x70, s10;
	s9 =	sadd.s32 s31, s9  }
0xcc: {  	s9 =	sor.u32 s10, s9  }
0xcd: {  	s13 =	rddreg [dreg:$0x16];
	s14 =	sshrl.u32 s9, $0x3;
	s15 =	sadd.s32 $0x900000, s9  }
0xce: {  	s16 =	rddreg [dreg:$0x17];
	s11 =	sadd.s32 s1, s14;
	s10 =	sshrl.u32 s15, $0x3  }
0xcf: {  	[tilespmem:s13], [sflag:$0x1] =	stream.linear.gather [hbm4b:s11+s3], $0x10, $0x38;
	[tilespmem:$0x880] =	vst v63  }
0xd0: {  	s9 =	sadd.s32 $0x1200000, s9;
	s10 =	sadd.s32 s1, s10;
	s18 =	spop (v2sf)  }
0xd1: {  	[tilespmem:s16], [sflag:$0x1] =	stream.linear.gather [hbm4b:s10+s3], $0x10, $0x38;
	[tilespmem:$0x880] =	vst v63  }
0xd2: {  	s9 =	sshrl.u32 s9, $0x3;
	(v2sf) =	vpush v8, $0x5;
	s19 =	spop (v2sf)  }
0xd3: {  	s17 =	rddreg [dreg:$0x18];
	s9 =	sadd.s32 s1, s9;
	s20 =	sand.u32 $0xF, s19  }
0xd4: {  	(v2sf) =	vpush v7, $0x5;
	[tilespmem:s17], [sflag:$0x1] =	stream.linear.gather [hbm4b:s9+s3], $0x10, $0x38;
	[tilespmem:$0x880] =	vst v63  }
0xd5: {  	s21 =	sshra.s32 s19, $0x1F;
	p5 =	slt.s32 s19, $0x1;
	p6 =	sne.s32 s20, $0x0  }
0xd6: {  	s11 =	simm.s32 $0x1;
	s22 =	sshrl.u32 s21, $0x1C;
	p0 =	por !p5, !p6  }
0xd7: {  	s23 =	sshll.u32 s18, $0x8;
	s10 =	sadd.s32 s22, s19;
	p0 =	por !p0, !p0  }
0xd8: {  	s24 =	spop (v2sf);
	s10 =	sshra.s32 s10, $0x4;
	s11 =	simm.s32 @!p0 $0x0  }
0xd9: {  	s9 =	sshll.u32 s18, $0x7;
	s10 =	ssub.s32 s10, s11;
	s11 =	sand.u32 $0xFFFFF800, s23  }
0xda: {  	(v2sf) =	vpush v16, $0x5;
	s9 =	sand.u32 $0x380, s9;
	s25 =	sshll.u32 s10, $0x7;
	s11 =	sadd.s32 s24, s11  }
0xdb: {  	s10 =	sshll.u32 s10, $0x4;
	s26 =	sand.u32 $0xFFFFFC00, s25;
	s9 =	sor.u32 s9, s11  }
0xdc: {  	s10 =	sand.u32 $0x70, s10;
	s9 =	sadd.s32 s26, s9  }
0xdd: {  	s9 =	sor.u32 s10, s9  }
0xde: {  	s28 =	rddreg [dreg:$0x19];
	s29 =	sshrl.u32 s9, $0x3;
	s30 =	sadd.s32 $0x900000, s9  }
0xdf: {  	s31 =	rddreg [dreg:$0x1a];
	s11 =	sadd.s32 s1, s29;
	s10 =	sshrl.u32 s30, $0x3  }
0xe0: {  	[tilespmem:s28], [sflag:$0x1] =	stream.linear.gather [hbm4b:s11+s3], $0x10, $0x38;
	[tilespmem:$0x880] =	vst v63  }
0xe1: {  	s9 =	sadd.s32 $0x1200000, s9;
	s10 =	sadd.s32 s1, s10;
	s13 =	spop (v2sf)  }
0xe2: {  	[tilespmem:s31], [sflag:$0x1] =	stream.linear.gather [hbm4b:s10+s3], $0x10, $0x38;
	[tilespmem:$0x880] =	vst v63  }
0xe3: {  	s9 =	sshrl.u32 s9, $0x3;
	(v2sf) =	vpush v8, $0x6;
	s14 =	spop (v2sf)  }
0xe4: {  	s12 =	rddreg [dreg:$0x1b];
	s9 =	sadd.s32 s1, s9;
	s15 =	sand.u32 $0xF, s14  }
0xe5: {  	(v2sf) =	vpush v7, $0x6;
	[tilespmem:s12], [sflag:$0x1] =	stream.linear.gather [hbm4b:s9+s3], $0x10, $0x38;
	[tilespmem:$0x880] =	vst v63  }
0xe6: {  	s16 =	sshra.s32 s14, $0x1F;
	p1 =	slt.s32 s14, $0x1;
	p2 =	sne.s32 s15, $0x0  }
0xe7: {  	s11 =	simm.s32 $0x1;
	s17 =	sshrl.u32 s16, $0x1C;
	p0 =	por !p1, !p2  }
0xe8: {  	s18 =	sshll.u32 s13, $0x8;
	s10 =	sadd.s32 s17, s14;
	p0 =	por !p0, !p0  }
0xe9: {  	s19 =	spop (v2sf);
	s10 =	sshra.s32 s10, $0x4;
	s11 =	simm.s32 @!p0 $0x0  }
0xea: {  	s9 =	sshll.u32 s13, $0x7;
	s10 =	ssub.s32 s10, s11;
	s11 =	sand.u32 $0xFFFFF800, s18  }
0xeb: {  	(v2sf) =	vpush v16, $0x6;
	s9 =	sand.u32 $0x380, s9;
	s20 =	sshll.u32 s10, $0x7;
	s11 =	sadd.s32 s19, s11  }
0xec: {  	s10 =	sshll.u32 s10, $0x4;
	s21 =	sand.u32 $0xFFFFFC00, s20;
	s9 =	sor.u32 s9, s11  }
0xed: {  	s10 =	sand.u32 $0x70, s10;
	s9 =	sadd.s32 s21, s9  }
0xee: {  	s9 =	sor.u32 s10, s9  }
0xef: {  	s22 =	rddreg [dreg:$0x1c];
	s23 =	sshrl.u32 s9, $0x3;
	s24 =	sadd.s32 $0x900000, s9  }
0xf0: {  	s25 =	rddreg [dreg:$0x1d];
	s11 =	sadd.s32 s1, s23;
	s10 =	sshrl.u32 s24, $0x3  }
0xf1: {  	[tilespmem:s22], [sflag:$0x1] =	stream.linear.gather [hbm4b:s11+s3], $0x10, $0x38;
	[tilespmem:$0x880] =	vst v63  }
0xf2: {  	s9 =	sadd.s32 $0x1200000, s9;
	s10 =	sadd.s32 s1, s10;
	s28 =	spop (v2sf)  }
0xf3: {  	[tilespmem:s25], [sflag:$0x1] =	stream.linear.gather [hbm4b:s10+s3], $0x10, $0x38;
	[tilespmem:$0x880] =	vst v63  }
0xf4: {  	s9 =	sshrl.u32 s9, $0x3;
	(v2sf) =	vpush v8, $0x7;
	s29 =	spop (v2sf)  }
0xf5: {  	s26 =	rddreg [dreg:$0x1e];
	s9 =	sadd.s32 s1, s9;
	s30 =	sand.u32 $0xF, s29  }
0xf6: {  	(v2sf) =	vpush v7, $0x7;
	[tilespmem:s26], [sflag:$0x1] =	stream.linear.gather [hbm4b:s9+s3], $0x10, $0x38;
	[tilespmem:$0x880] =	vst v63  }
0xf7: {  	s31 =	sshra.s32 s29, $0x1F;
	p3 =	slt.s32 s29, $0x1;
	p4 =	sne.s32 s30, $0x0  }
0xf8: {  	s11 =	simm.s32 $0x1;
	s13 =	sshrl.u32 s31, $0x1C;
	p0 =	por !p3, !p4  }
0xf9: {  	s14 =	sshll.u32 s28, $0x8;
	s10 =	sadd.s32 s13, s29;
	p0 =	por !p0, !p0  }
0xfa: {  	s15 =	spop (v2sf);
	s10 =	sshra.s32 s10, $0x4;
	s11 =	simm.s32 @!p0 $0x0  }
0xfb: {  	s9 =	sshll.u32 s28, $0x7;
	s10 =	ssub.s32 s10, s11;
	s11 =	sand.u32 $0xFFFFF800, s14  }
0xfc: {  	(v2sf) =	vpush v16, $0x7;
	s9 =	sand.u32 $0x380, s9;
	s16 =	sshll.u32 s10, $0x7;
	s11 =	sadd.s32 s15, s11  }
0xfd: {  	s10 =	sshll.u32 s10, $0x4;
	s17 =	sand.u32 $0xFFFFFC00, s16;
	s9 =	sor.u32 s9, s11  }
0xfe: {  	s10 =	sand.u32 $0x70, s10;
	s9 =	sadd.s32 s17, s9  }
0xff: {  	s18 =	rddreg [dreg:$0x1f];
	s9 =	sor.u32 s10, s9  }
0x100: {  	s21 =	sld [smem:$0x7AB];
	s19 =	sshrl.u32 s9, $0x3;
	s20 =	sadd.s32 $0x900000, s9  }
0x101: {  	s22 =	sld [smem:$0x7AC];
	s11 =	sadd.s32 s1, s19;
	s10 =	sshrl.u32 s20, $0x3  }
0x102: {  	[tilespmem:s18], [sflag:$0x1] =	stream.linear.gather [hbm4b:s11+s3], $0x10, $0x38;
	[tilespmem:$0x880] =	vst v63  }
0x103: {  	s9 =	sadd.s32 $0x1200000, s9;
	s10 =	sadd.s32 s1, s10;
	s23 =	spop (v2sf)  }
0x104: {  	[tilespmem:s21], [sflag:$0x1] =	stream.linear.gather [hbm4b:s10+s3], $0x10, $0x38;
	[tilespmem:$0x880] =	vst v63  }
0x105: {  	s9 =	sshrl.u32 s9, $0x3;
	(v2sf) =	vpush v8, $0x8;
	s24 =	spop (v2sf)  }
0x106: {  	s9 =	sadd.s32 s1, s9;
	s25 =	sand.u32 $0xF, s24  }
0x107: {  	(v2sf) =	vpush v7, $0x8;
	[tilespmem:s22], [sflag:$0x1] =	stream.linear.gather [hbm4b:s9+s3], $0x10, $0x38;
	[tilespmem:$0x880] =	vst v63  }
0x108: {  	s26 =	sshra.s32 s24, $0x1F;
	p5 =	slt.s32 s24, $0x1;
	p6 =	sne.s32 s25, $0x0  }
0x109: {  	s11 =	simm.s32 $0x1;
	s28 =	sshrl.u32 s26, $0x1C;
	p0 =	por !p5, !p6  }
0x10a: {  	s29 =	sshll.u32 s23, $0x8;
	s10 =	sadd.s32 s28, s24;
	p0 =	por !p0, !p0  }
0x10b: {  	s30 =	spop (v2sf);
	s10 =	sshra.s32 s10, $0x4;
	s11 =	simm.s32 @!p0 $0x0  }
0x10c: {  	s9 =	sshll.u32 s23, $0x7;
	s10 =	ssub.s32 s10, s11;
	s11 =	sand.u32 $0xFFFFF800, s29  }
0x10d: {  	(v2sf) =	vpush v16, $0x8;
	s9 =	sand.u32 $0x380, s9;
	s31 =	sshll.u32 s10, $0x7;
	s11 =	sadd.s32 s30, s11  }
0x10e: {  	s10 =	sshll.u32 s10, $0x4;
	s14 =	sand.u32 $0xFFFFFC00, s31;
	s9 =	sor.u32 s9, s11  }
0x10f: {  	s10 =	sand.u32 $0x70, s10;
	s9 =	sadd.s32 s14, s9  }
0x110: {  	s15 =	sld [smem:$0x7AD];
	s9 =	sor.u32 s10, s9  }
0x111: {  	s19 =	sld [smem:$0x7AF];
	s16 =	sshrl.u32 s9, $0x3;
	s17 =	sadd.s32 $0x900000, s9  }
0x112: {  	s18 =	sld [smem:$0x7AE];
	s11 =	sadd.s32 s1, s16;
	s10 =	sshrl.u32 s17, $0x3  }
0x113: {  	[tilespmem:s15], [sflag:$0x1] =	stream.linear.gather [hbm4b:s11+s3], $0x10, $0x38;
	[tilespmem:$0x880] =	vst v63  }
0x114: {  	s9 =	sadd.s32 $0x1200000, s9;
	s10 =	sadd.s32 s1, s10;
	s20 =	spop (v2sf)  }
0x115: {  	[tilespmem:s18], [sflag:$0x1] =	stream.linear.gather [hbm4b:s10+s3], $0x10, $0x38;
	[tilespmem:$0x880] =	vst v63  }
0x116: {  	s9 =	sshrl.u32 s9, $0x3;
	s21 =	spop (v2sf)  }
0x117: {  	s9 =	sadd.s32 s1, s9;
	(v2sf) =	vpush v8, $0x9;
	s22 =	sand.u32 $0xF, s21  }
0x118: {  	(v2sf) =	vpush v7, $0x9;
	[tilespmem:s19], [sflag:$0x1] =	stream.linear.gather [hbm4b:s9+s3], $0x10, $0x38;
	[tilespmem:$0x880] =	vst v63  }
0x119: {  	s23 =	sshra.s32 s21, $0x1F;
	p1 =	slt.s32 s21, $0x1;
	p2 =	sne.s32 s22, $0x0  }
0x11a: {  	s11 =	simm.s32 $0x1;
	s24 =	sshrl.u32 s23, $0x1C;
	p0 =	por !p1, !p2  }
0x11b: {  	s25 =	sshll.u32 s20, $0x8;
	s10 =	sadd.s32 s24, s21;
	p0 =	por !p0, !p0  }
0x11c: {  	s26 =	spop (v2sf);
	s10 =	sshra.s32 s10, $0x4;
	s11 =	simm.s32 @!p0 $0x0  }
0x11d: {  	s9 =	sshll.u32 s20, $0x7;
	s10 =	ssub.s32 s10, s11;
	s11 =	sand.u32 $0xFFFFF800, s25  }
0x11e: {  	s9 =	sand.u32 $0x380, s9;
	s28 =	sshll.u32 s10, $0x7;
	s11 =	sadd.s32 s26, s11  }
0x11f: {  	(v2sf) =	vpush v16, $0x9;
	s10 =	sshll.u32 s10, $0x4;
	s29 =	sand.u32 $0xFFFFFC00, s28;
	s9 =	sor.u32 s9, s11  }
0x120: {  	s10 =	sand.u32 $0x70, s10;
	s9 =	sadd.s32 s29, s9  }
0x121: {  	s30 =	sld [smem:$0x7B0];
	s9 =	sor.u32 s10, s9  }
0x122: {  	s31 =	sshrl.u32 s9, $0x3  }
0x123: {  	s12 =	sld [smem:$0x7B1];
	s11 =	sadd.s32 s1, s31  }
0x124: {  	[tilespmem:s30], [sflag:$0x1] =	stream.linear.gather [hbm4b:s11+s3], $0x10, $0x38;
	[tilespmem:$0x880] =	vst v63  }
0x125: {  	s13 =	sld [smem:$0x7B2];
	s11 =	sadd.s32 $0x900000, s9  }
0x126: {  	s9 =	sadd.s32 $0x1200000, s9;
	s10 =	sshrl.u32 s11, $0x3;
	s14 =	spop (v2sf)  }
0x127: {  	s9 =	sshrl.u32 s9, $0x3;
	s10 =	sadd.s32 s1, s10;
	s15 =	spop (v2sf)  }
0x128: {  	[tilespmem:s12], [sflag:$0x1] =	stream.linear.gather [hbm4b:s10+s3], $0x10, $0x38;
	[tilespmem:$0x880] =	vst v63  }
0x129: {  	s9 =	sadd.s32 s1, s9;
	s16 =	sand.u32 $0xF, s15  }
0x12a: {  	s17 =	sshra.s32 s15, $0x1F;
	p3 =	slt.s32 s15, $0x1;
	p4 =	sne.s32 s16, $0x0  }
0x12b: {  	[tilespmem:s13], [sflag:$0x1] =	stream.linear.gather [hbm4b:s9+s3], $0x10, $0x38;
	[tilespmem:$0x880] =	vst v63  }
0x12c: {  	s11 =	simm.s32 $0x1;
	s18 =	sshrl.u32 s17, $0x1C;
	p0 =	por !p3, !p4  }
0x12d: {  	s19 =	sshll.u32 s14, $0x8;
	s10 =	sadd.s32 s18, s15;
	p0 =	por !p0, !p0  }
0x12e: {  	s20 =	spop (v2sf);
	s10 =	sshra.s32 s10, $0x4;
	s11 =	simm.s32 @!p0 $0x0  }
0x12f: {  	s9 =	sshll.u32 s14, $0x7;
	s10 =	ssub.s32 s10, s11;
	s11 =	sand.u32 $0xFFFFF800, s19  }
0x130: {  	s9 =	sand.u32 $0x380, s9;
	s21 =	sshll.u32 s10, $0x7;
	s11 =	sadd.s32 s20, s11  }
0x131: {  	s10 =	sshll.u32 s10, $0x4;
	s22 =	sand.u32 $0xFFFFFC00, s21;
	s9 =	sor.u32 s9, s11  }
0x132: {  	s10 =	sand.u32 $0x70, s10;
	s9 =	sadd.s32 s22, s9  }
0x133: {  	s23 =	sld [smem:$0x7B3];
	s9 =	sor.u32 s10, s9  }
0x134: {  	s24 =	sshrl.u32 s9, $0x3;
	s25 =	sadd.s32 $0x900000, s9  }
0x135: {  	s26 =	sld [smem:$0x7B4];
	s11 =	sadd.s32 s1, s24;
	s10 =	sshrl.u32 s25, $0x3  }
0x136: {  	[tilespmem:s23], [sflag:$0x1] =	stream.linear.gather [hbm4b:s11+s3], $0x10, $0x38;
	[tilespmem:$0x880] =	vst v63  }
0x137: {  	s10 =	sadd.s32 s1, s10  }
0x138: {  	[tilespmem:s26], [sflag:$0x1] =	stream.linear.gather [hbm4b:s10+s3], $0x10, $0x38;
	[tilespmem:$0x880] =	vst v63  }
0x139: {  	s10 =	sld [smem:$0x7B5];
	(v2sf) =	vpush v8, $0xA  }
0x13a: {  	(v2sf) =	vpush v7, $0xA;
	_ =	sdelay $0x5  }
0x13b: {  	(v2sf) =	vpush v16, $0xA;
	_ =	sdelay $0x3  }
0x13c: {  	s9 =	sadd.s32 $0x1200000, s9  }
0x13d: {  	s9 =	sshrl.u32 s9, $0x3  }
0x13e: {  	s9 =	sadd.s32 s1, s9  }
0x13f: {  	[tilespmem:s10], [sflag:$0x1] =	stream.linear.gather [hbm4b:s9+s3], $0x10, $0x38;
	[tilespmem:$0x880] =	vst v63  }
0x140: {  	s28 =	spop (v2sf);
	(v2sf) =	vpush v8, $0xB  }
0x141: {  	s29 =	spop (v2sf)  }
0x142: {  	(v2sf) =	vpush v7, $0xB;
	s30 =	sand.u32 $0xF, s29  }
0x143: {  	s31 =	sshra.s32 s29, $0x1F;
	p5 =	slt.s32 s29, $0x1;
	p6 =	sne.s32 s30, $0x0  }
0x144: {  	s11 =	simm.s32 $0x1;
	s12 =	sshrl.u32 s31, $0x1C;
	p0 =	por !p5, !p6  }
0x145: {  	s13 =	sshll.u32 s28, $0x8;
	s10 =	sadd.s32 s12, s29;
	p0 =	por !p0, !p0  }
0x146: {  	s9 =	sshll.u32 s28, $0x7;
	s10 =	sshra.s32 s10, $0x4;
	s11 =	simm.s32 @!p0 $0x0  }
0x147: {  	s14 =	spop (v2sf);
	s10 =	ssub.s32 s10, s11;
	s11 =	sand.u32 $0xFFFFF800, s13  }
0x148: {  	s9 =	sand.u32 $0x380, s9;
	(v2sf) =	vpush v16, $0xB;
	s15 =	sshll.u32 s10, $0x7;
	s11 =	sadd.s32 s14, s11  }
0x149: {  	s10 =	sshll.u32 s10, $0x4;
	s16 =	sand.u32 $0xFFFFFC00, s15;
	s9 =	sor.u32 s9, s11  }
0x14a: {  	s10 =	sand.u32 $0x70, s10;
	s9 =	sadd.s32 s16, s9  }
0x14b: {  	s17 =	sld [smem:$0x7B6];
	s9 =	sor.u32 s10, s9  }
0x14c: {  	s20 =	sld [smem:$0x7B7];
	s18 =	sshrl.u32 s9, $0x3;
	s19 =	sadd.s32 $0x900000, s9  }
0x14d: {  	s21 =	sld [smem:$0x7B8];
	s11 =	sadd.s32 s1, s18;
	s10 =	sshrl.u32 s19, $0x3  }
0x14e: {  	[tilespmem:s17], [sflag:$0x1] =	stream.linear.gather [hbm4b:s11+s3], $0x10, $0x38;
	[tilespmem:$0x880] =	vst v63  }
0x14f: {  	s9 =	sadd.s32 $0x1200000, s9;
	s10 =	sadd.s32 s1, s10;
	s22 =	spop (v2sf)  }
0x150: {  	[tilespmem:s20], [sflag:$0x1] =	stream.linear.gather [hbm4b:s10+s3], $0x10, $0x38;
	[tilespmem:$0x880] =	vst v63  }
0x151: {  	s9 =	sshrl.u32 s9, $0x3;
	(v2sf) =	vpush v8, $0xC;
	s23 =	spop (v2sf)  }
0x152: {  	s9 =	sadd.s32 s1, s9;
	s24 =	sand.u32 $0xF, s23  }
0x153: {  	(v2sf) =	vpush v7, $0xC;
	[tilespmem:s21], [sflag:$0x1] =	stream.linear.gather [hbm4b:s9+s3], $0x10, $0x38;
	[tilespmem:$0x880] =	vst v63  }
0x154: {  	s25 =	sshra.s32 s23, $0x1F;
	p1 =	slt.s32 s23, $0x1;
	p2 =	sne.s32 s24, $0x0  }
0x155: {  	s11 =	simm.s32 $0x1;
	s26 =	sshrl.u32 s25, $0x1C;
	p0 =	por !p1, !p2  }
0x156: {  	s28 =	sshll.u32 s22, $0x8;
	s10 =	sadd.s32 s26, s23;
	p0 =	por !p0, !p0  }
0x157: {  	s29 =	spop (v2sf);
	s10 =	sshra.s32 s10, $0x4;
	s11 =	simm.s32 @!p0 $0x0  }
0x158: {  	s9 =	sshll.u32 s22, $0x7;
	s10 =	ssub.s32 s10, s11;
	s11 =	sand.u32 $0xFFFFF800, s28  }
0x159: {  	(v2sf) =	vpush v16, $0xC;
	s9 =	sand.u32 $0x380, s9;
	s30 =	sshll.u32 s10, $0x7;
	s11 =	sadd.s32 s29, s11  }
0x15a: {  	s10 =	sshll.u32 s10, $0x4;
	s31 =	sand.u32 $0xFFFFFC00, s30;
	s9 =	sor.u32 s9, s11  }
0x15b: {  	s10 =	sand.u32 $0x70, s10;
	s9 =	sadd.s32 s31, s9  }
0x15c: {  	s13 =	sld [smem:$0x7B9];
	s9 =	sor.u32 s10, s9  }
0x15d: {  	s16 =	sld [smem:$0x7BA];
	s14 =	sshrl.u32 s9, $0x3;
	s15 =	sadd.s32 $0x900000, s9  }
0x15e: {  	s17 =	sld [smem:$0x7BB];
	s11 =	sadd.s32 s1, s14;
	s10 =	sshrl.u32 s15, $0x3  }
0x15f: {  	[tilespmem:s13], [sflag:$0x1] =	stream.linear.gather [hbm4b:s11+s3], $0x10, $0x38;
	[tilespmem:$0x880] =	vst v63  }
0x160: {  	s9 =	sadd.s32 $0x1200000, s9;
	s10 =	sadd.s32 s1, s10;
	s18 =	spop (v2sf)  }
0x161: {  	[tilespmem:s16], [sflag:$0x1] =	stream.linear.gather [hbm4b:s10+s3], $0x10, $0x38;
	[tilespmem:$0x880] =	vst v63  }
0x162: {  	s9 =	sshrl.u32 s9, $0x3;
	(v2sf) =	vpush v8, $0xD;
	s19 =	spop (v2sf)  }
0x163: {  	s9 =	sadd.s32 s1, s9;
	s20 =	sand.u32 $0xF, s19  }
0x164: {  	(v2sf) =	vpush v7, $0xD;
	[tilespmem:s17], [sflag:$0x1] =	stream.linear.gather [hbm4b:s9+s3], $0x10, $0x38;
	[tilespmem:$0x880] =	vst v63  }
0x165: {  	s21 =	sshra.s32 s19, $0x1F;
	p3 =	slt.s32 s19, $0x1;
	p4 =	sne.s32 s20, $0x0  }
0x166: {  	s11 =	simm.s32 $0x1;
	s22 =	sshrl.u32 s21, $0x1C;
	p0 =	por !p3, !p4  }
0x167: {  	s23 =	sshll.u32 s18, $0x8;
	s10 =	sadd.s32 s22, s19;
	p0 =	por !p0, !p0  }
0x168: {  	s24 =	spop (v2sf);
	s10 =	sshra.s32 s10, $0x4;
	s11 =	simm.s32 @!p0 $0x0  }
0x169: {  	s9 =	sshll.u32 s18, $0x7;
	s10 =	ssub.s32 s10, s11;
	s11 =	sand.u32 $0xFFFFF800, s23  }
0x16a: {  	(v2sf) =	vpush v16, $0xD;
	s9 =	sand.u32 $0x380, s9;
	s25 =	sshll.u32 s10, $0x7;
	s11 =	sadd.s32 s24, s11  }
0x16b: {  	s10 =	sshll.u32 s10, $0x4;
	s26 =	sand.u32 $0xFFFFFC00, s25;
	s9 =	sor.u32 s9, s11  }
0x16c: {  	s10 =	sand.u32 $0x70, s10;
	s9 =	sadd.s32 s26, s9  }
0x16d: {  	s28 =	sld [smem:$0x7BC];
	s9 =	sor.u32 s10, s9  }
0x16e: {  	s12 =	sld [smem:$0x7BE];
	s29 =	sshrl.u32 s9, $0x3;
	s30 =	sadd.s32 $0x900000, s9  }
0x16f: {  	s31 =	sld [smem:$0x7BD];
	s11 =	sadd.s32 s1, s29;
	s10 =	sshrl.u32 s30, $0x3  }
0x170: {  	[tilespmem:s28], [sflag:$0x1] =	stream.linear.gather [hbm4b:s11+s3], $0x10, $0x38;
	[tilespmem:$0x880] =	vst v63  }
0x171: {  	s9 =	sadd.s32 $0x1200000, s9;
	s10 =	sadd.s32 s1, s10;
	s13 =	spop (v2sf)  }
0x172: {  	[tilespmem:s31], [sflag:$0x1] =	stream.linear.gather [hbm4b:s10+s3], $0x10, $0x38;
	[tilespmem:$0x880] =	vst v63  }
0x173: {  	s9 =	sshrl.u32 s9, $0x3;
	(v2sf) =	vpush v8, $0xE;
	s14 =	spop (v2sf)  }
0x174: {  	s9 =	sadd.s32 s1, s9;
	s15 =	sand.u32 $0xF, s14  }
0x175: {  	(v2sf) =	vpush v7, $0xE;
	[tilespmem:s12], [sflag:$0x1] =	stream.linear.gather [hbm4b:s9+s3], $0x10, $0x38;
	[tilespmem:$0x880] =	vst v63  }
0x176: {  	s16 =	sshra.s32 s14, $0x1F;
	p5 =	slt.s32 s14, $0x1;
	p6 =	sne.s32 s15, $0x0  }
0x177: {  	s11 =	simm.s32 $0x1;
	s17 =	sshrl.u32 s16, $0x1C;
	p0 =	por !p5, !p6  }
0x178: {  	s18 =	sshll.u32 s13, $0x8;
	s10 =	sadd.s32 s17, s14;
	p0 =	por !p0, !p0  }
0x179: {  	s19 =	spop (v2sf);
	s10 =	sshra.s32 s10, $0x4;
	s11 =	simm.s32 @!p0 $0x0  }
0x17a: {  	s9 =	sshll.u32 s13, $0x7;
	s10 =	ssub.s32 s10, s11;
	s11 =	sand.u32 $0xFFFFF800, s18  }
0x17b: {  	(v2sf) =	vpush v16, $0xE;
	s9 =	sand.u32 $0x380, s9;
	s20 =	sshll.u32 s10, $0x7;
	s11 =	sadd.s32 s19, s11  }
0x17c: {  	s10 =	sshll.u32 s10, $0x4;
	s21 =	sand.u32 $0xFFFFFC00, s20;
	s9 =	sor.u32 s9, s11  }
0x17d: {  	s10 =	sand.u32 $0x70, s10;
	s9 =	sadd.s32 s21, s9  }
0x17e: {  	s22 =	sld [smem:$0x7BF];
	s9 =	sor.u32 s10, s9  }
0x17f: {  	s25 =	sld [smem:$0x7C0];
	s23 =	sshrl.u32 s9, $0x3;
	s24 =	sadd.s32 $0x900000, s9  }
0x180: {  	s26 =	sld [smem:$0x7C1];
	s11 =	sadd.s32 s1, s23;
	s10 =	sshrl.u32 s24, $0x3  }
0x181: {  	[tilespmem:s22], [sflag:$0x1] =	stream.linear.gather [hbm4b:s11+s3], $0x10, $0x38;
	[tilespmem:$0x880] =	vst v63  }
0x182: {  	s9 =	sadd.s32 $0x1200000, s9;
	s10 =	sadd.s32 s1, s10;
	s28 =	spop (v2sf)  }
0x183: {  	[tilespmem:s25], [sflag:$0x1] =	stream.linear.gather [hbm4b:s10+s3], $0x10, $0x38;
	[tilespmem:$0x880] =	vst v63  }
0x184: {  	s9 =	sshrl.u32 s9, $0x3;
	(v2sf) =	vpush v8, $0xF;
	s29 =	spop (v2sf)  }
0x185: {  	s9 =	sadd.s32 s1, s9;
	s30 =	sand.u32 $0xF, s29  }
0x186: {  	(v2sf) =	vpush v7, $0xF;
	[tilespmem:s26], [sflag:$0x1] =	stream.linear.gather [hbm4b:s9+s3], $0x10, $0x38;
	[tilespmem:$0x880] =	vst v63  }
0x187: {  	s31 =	sshra.s32 s29, $0x1F;
	p1 =	slt.s32 s29, $0x1;
	p2 =	sne.s32 s30, $0x0  }
0x188: {  	s11 =	simm.s32 $0x1;
	s12 =	sshrl.u32 s31, $0x1C;
	p0 =	por !p1, !p2  }
0x189: {  	s13 =	sshll.u32 s28, $0x8;
	s10 =	sadd.s32 s12, s29;
	p0 =	por !p0, !p0  }
0x18a: {  	s14 =	spop (v2sf);
	s10 =	sshra.s32 s10, $0x4;
	s11 =	simm.s32 @!p0 $0x0  }
0x18b: {  	s9 =	sshll.u32 s28, $0x7;
	s10 =	ssub.s32 s10, s11;
	s11 =	sand.u32 $0xFFFFF800, s13  }
0x18c: {  	(v2sf) =	vpush v16, $0xF;
	s9 =	sand.u32 $0x380, s9;
	s15 =	sshll.u32 s10, $0x7;
	s11 =	sadd.s32 s14, s11  }
0x18d: {  	s10 =	sshll.u32 s10, $0x4;
	s16 =	sand.u32 $0xFFFFFC00, s15;
	s9 =	sor.u32 s9, s11  }
0x18e: {  	s10 =	sand.u32 $0x70, s10;
	s9 =	sadd.s32 s16, s9  }
0x18f: {  	s17 =	sld [smem:$0x7C2];
	s9 =	sor.u32 s10, s9  }
0x190: {  	vm0 =	vgt.f32 v13, v15;
	s20 =	sld [smem:$0x7C3];
	s18 =	sshrl.u32 s9, $0x3;
	s19 =	sadd.s32 $0x900000, s9  }
0x191: {  	v13 =	vsel vm0, $0x1, v1;
	s21 =	sld [smem:$0x7C4];
	s11 =	sadd.s32 s1, s18;
	s10 =	sshrl.u32 s19, $0x3  }
0x192: {  	vm11 =	vgt.f32 v12, v14;
	v8 =	vadd.s32 v8, v13;
	[tilespmem:s17], [sflag:$0x1] =	stream.linear.gather [hbm4b:s11+s3], $0x10, $0x38;
	[tilespmem:$0x880] =	vst v63  }
0x193: {  	v12 =	vsel vm11, $0x1, v1;
	vm12 =	vlt.s32 v8, $0xBF;
	s9 =	sadd.s32 $0x1200000, s9;
	s10 =	sadd.s32 s1, s10;
	s22 =	spop (v2sf)  }
0x194: {  	v58 =	vadd.s32 v7, v12;
	v59 =	vnsel vm12, $0xBF, v8;
	[tilespmem:s20], [sflag:$0x1] =	stream.linear.gather [hbm4b:s10+s3], $0x10, $0x38;
	[tilespmem:$0x880] =	vst v63  }
0x195: {  	vm13 =	vlt.s32 v58, $0xBF;
	s9 =	sshrl.u32 s9, $0x3;
	(v2sf) =	vpush v59, $0x0;
	s23 =	spop (v2sf)  }
0x196: {  	vm14 =	vgt.f32 v10, v11;
	v8 =	vnsel vm13, $0xBF, v58;
	s9 =	sadd.s32 s1, s9;
	s24 =	sand.u32 $0xF, s23  }
0x197: {  	v10 =	vsel vm14, $0x1, v1;
	(v2sf) =	vpush v8, $0x0;
	[tilespmem:s21], [sflag:$0x1] =	stream.linear.gather [hbm4b:s9+s3], $0x10, $0x38;
	[tilespmem:$0x880] =	vst v63  }
0x198: {  	v9 =	vadd.s32 v9, v10;
	s25 =	sshra.s32 s23, $0x1F;
	p3 =	slt.s32 s23, $0x1;
	p4 =	sne.s32 s24, $0x0  }
0x199: {  	vm15 =	vlt.s32 v9, $0xBF;
	s11 =	simm.s32 $0x1;
	s26 =	sshrl.u32 s25, $0x1C;
	p0 =	por !p3, !p4  }
0x19a: {  	v9 =	vnsel vm15, $0xBF, v9;
	s28 =	sshll.u32 s22, $0x8;
	s10 =	sadd.s32 s26, s23;
	p0 =	por !p0, !p0  }
0x19b: {  	v9 =	vmul.u32 $0xC000, v9;
	s29 =	spop (v2sf);
	s10 =	sshra.s32 s10, $0x4;
	s11 =	simm.s32 @!p0 $0x0  }
0x19c: {  	s9 =	sshll.u32 s22, $0x7;
	s10 =	ssub.s32 s10, s11;
	s11 =	sand.u32 $0xFFFFF800, s28  }
0x19d: {  	(v2sf) =	vpush v9, $0x0;
	s9 =	sand.u32 $0x380, s9;
	s30 =	sshll.u32 s10, $0x7;
	s11 =	sadd.s32 s29, s11  }
0x19e: {  	s10 =	sshll.u32 s10, $0x4;
	s31 =	sand.u32 $0xFFFFFC00, s30;
	s9 =	sor.u32 s9, s11  }
0x19f: {  	s10 =	sand.u32 $0x70, s10;
	s9 =	sadd.s32 s31, s9  }
0x1a0: {  	s13 =	sld [smem:$0x7C5];
	s9 =	sor.u32 s10, s9  }
0x1a1: {  	s16 =	sld [smem:$0x7C6];
	s14 =	sshrl.u32 s9, $0x3;
	s15 =	sadd.s32 $0x900000, s9  }
0x1a2: {  	s17 =	sld [smem:$0x7C7];
	s11 =	sadd.s32 s1, s14;
	s10 =	sshrl.u32 s15, $0x3  }
0x1a3: {  	[tilespmem:s13], [sflag:$0x1] =	stream.linear.gather [hbm4b:s11+s3], $0x10, $0x38;
	[tilespmem:$0x880] =	vst v63  }
0x1a4: {  	s9 =	sadd.s32 $0x1200000, s9;
	s10 =	sadd.s32 s1, s10;
	s18 =	spop (v2sf)  }
0x1a5: {  	[tilespmem:s16], [sflag:$0x1] =	stream.linear.gather [hbm4b:s10+s3], $0x10, $0x38;
	[tilespmem:$0x880] =	vst v63  }
0x1a6: {  	s9 =	sshrl.u32 s9, $0x3;
	(v2sf) =	vpush v59, $0x1;
	s19 =	spop (v2sf)  }
0x1a7: {  	s9 =	sadd.s32 s1, s9;
	s20 =	sand.u32 $0xF, s19  }
0x1a8: {  	(v2sf) =	vpush v8, $0x1;
	[tilespmem:s17], [sflag:$0x1] =	stream.linear.gather [hbm4b:s9+s3], $0x10, $0x38;
	[tilespmem:$0x880] =	vst v63  }
0x1a9: {  	s21 =	sshra.s32 s19, $0x1F;
	p5 =	slt.s32 s19, $0x1;
	p6 =	sne.s32 s20, $0x0  }
0x1aa: {  	s11 =	simm.s32 $0x1;
	s22 =	sshrl.u32 s21, $0x1C;
	p0 =	por !p5, !p6  }
0x1ab: {  	s23 =	sshll.u32 s18, $0x8;
	s10 =	sadd.s32 s22, s19;
	p0 =	por !p0, !p0  }
0x1ac: {  	s24 =	spop (v2sf);
	s10 =	sshra.s32 s10, $0x4;
	s11 =	simm.s32 @!p0 $0x0  }
0x1ad: {  	s9 =	sshll.u32 s18, $0x7;
	s10 =	ssub.s32 s10, s11;
	s11 =	sand.u32 $0xFFFFF800, s23  }
0x1ae: {  	(v2sf) =	vpush v9, $0x1;
	s9 =	sand.u32 $0x380, s9;
	s25 =	sshll.u32 s10, $0x7;
	s11 =	sadd.s32 s24, s11  }
0x1af: {  	s10 =	sshll.u32 s10, $0x4;
	s26 =	sand.u32 $0xFFFFFC00, s25;
	s9 =	sor.u32 s9, s11  }
0x1b0: {  	s10 =	sand.u32 $0x70, s10;
	s9 =	sadd.s32 s26, s9  }
0x1b1: {  	s28 =	sld [smem:$0x7C8];
	s9 =	sor.u32 s10, s9  }
0x1b2: {  	s12 =	sld [smem:$0x7CA];
	s29 =	sshrl.u32 s9, $0x3;
	s30 =	sadd.s32 $0x900000, s9  }
0x1b3: {  	s31 =	sld [smem:$0x7C9];
	s11 =	sadd.s32 s1, s29;
	s10 =	sshrl.u32 s30, $0x3  }
0x1b4: {  	[tilespmem:s28], [sflag:$0x1] =	stream.linear.gather [hbm4b:s11+s3], $0x10, $0x38;
	[tilespmem:$0x880] =	vst v63  }
0x1b5: {  	s9 =	sadd.s32 $0x1200000, s9;
	s10 =	sadd.s32 s1, s10;
	s13 =	spop (v2sf)  }
0x1b6: {  	[tilespmem:s31], [sflag:$0x1] =	stream.linear.gather [hbm4b:s10+s3], $0x10, $0x38;
	[tilespmem:$0x880] =	vst v63  }
0x1b7: {  	s9 =	sshrl.u32 s9, $0x3;
	(v2sf) =	vpush v59, $0x2;
	s14 =	spop (v2sf)  }
0x1b8: {  	s9 =	sadd.s32 s1, s9;
	s15 =	sand.u32 $0xF, s14  }
0x1b9: {  	(v2sf) =	vpush v8, $0x2;
	[tilespmem:s12], [sflag:$0x1] =	stream.linear.gather [hbm4b:s9+s3], $0x10, $0x38;
	[tilespmem:$0x880] =	vst v63  }
0x1ba: {  	s16 =	sshra.s32 s14, $0x1F;
	p1 =	slt.s32 s14, $0x1;
	p2 =	sne.s32 s15, $0x0  }
0x1bb: {  	s11 =	simm.s32 $0x1;
	s17 =	sshrl.u32 s16, $0x1C;
	p0 =	por !p1, !p2  }
0x1bc: {  	s18 =	sshll.u32 s13, $0x8;
	s10 =	sadd.s32 s17, s14;
	p0 =	por !p0, !p0  }
0x1bd: {  	s19 =	spop (v2sf);
	s10 =	sshra.s32 s10, $0x4;
	s11 =	simm.s32 @!p0 $0x0  }
0x1be: {  	s9 =	sshll.u32 s13, $0x7;
	s10 =	ssub.s32 s10, s11;
	s11 =	sand.u32 $0xFFFFF800, s18  }
0x1bf: {  	(v2sf) =	vpush v9, $0x2;
	s9 =	sand.u32 $0x380, s9;
	s20 =	sshll.u32 s10, $0x7;
	s11 =	sadd.s32 s19, s11  }
0x1c0: {  	s10 =	sshll.u32 s10, $0x4;
	s21 =	sand.u32 $0xFFFFFC00, s20;
	s9 =	sor.u32 s9, s11  }
0x1c1: {  	s10 =	sand.u32 $0x70, s10;
	s9 =	sadd.s32 s21, s9  }
0x1c2: {  	s22 =	sld [smem:$0x7CB];
	s9 =	sor.u32 s10, s9  }
0x1c3: {  	s25 =	sld [smem:$0x7CC];
	s23 =	sshrl.u32 s9, $0x3;
	s24 =	sadd.s32 $0x900000, s9  }
0x1c4: {  	s26 =	sld [smem:$0x7CD];
	s11 =	sadd.s32 s1, s23;
	s10 =	sshrl.u32 s24, $0x3  }
0x1c5: {  	[tilespmem:s22], [sflag:$0x1] =	stream.linear.gather [hbm4b:s11+s3], $0x10, $0x38;
	[tilespmem:$0x880] =	vst v63  }
0x1c6: {  	s9 =	sadd.s32 $0x1200000, s9;
	s10 =	sadd.s32 s1, s10;
	s28 =	spop (v2sf)  }
0x1c7: {  	[tilespmem:s25], [sflag:$0x1] =	stream.linear.gather [hbm4b:s10+s3], $0x10, $0x38;
	[tilespmem:$0x880] =	vst v63  }
0x1c8: {  	s9 =	sshrl.u32 s9, $0x3;
	(v2sf) =	vpush v59, $0x3;
	s29 =	spop (v2sf)  }
0x1c9: {  	s9 =	sadd.s32 s1, s9;
	s30 =	sand.u32 $0xF, s29  }
0x1ca: {  	(v2sf) =	vpush v8, $0x3;
	[tilespmem:s26], [sflag:$0x1] =	stream.linear.gather [hbm4b:s9+s3], $0x10, $0x38;
	[tilespmem:$0x880] =	vst v63  }
0x1cb: {  	s31 =	sshra.s32 s29, $0x1F;
	p3 =	slt.s32 s29, $0x1;
	p4 =	sne.s32 s30, $0x0  }
0x1cc: {  	s11 =	simm.s32 $0x1;
	s12 =	sshrl.u32 s31, $0x1C;
	p0 =	por !p3, !p4  }
0x1cd: {  	s13 =	sshll.u32 s28, $0x8;
	s10 =	sadd.s32 s12, s29;
	p0 =	por !p0, !p0  }
0x1ce: {  	s14 =	spop (v2sf);
	s10 =	sshra.s32 s10, $0x4;
	s11 =	simm.s32 @!p0 $0x0  }
0x1cf: {  	s9 =	sshll.u32 s28, $0x7;
	s10 =	ssub.s32 s10, s11;
	s11 =	sand.u32 $0xFFFFF800, s13  }
0x1d0: {  	(v2sf) =	vpush v9, $0x3;
	s9 =	sand.u32 $0x380, s9;
	s15 =	sshll.u32 s10, $0x7;
	s11 =	sadd.s32 s14, s11  }
0x1d1: {  	s10 =	sshll.u32 s10, $0x4;
	s16 =	sand.u32 $0xFFFFFC00, s15;
	s9 =	sor.u32 s9, s11  }
0x1d2: {  	s10 =	sand.u32 $0x70, s10;
	s9 =	sadd.s32 s16, s9  }
0x1d3: {  	s17 =	sld [smem:$0x7CE];
	s9 =	sor.u32 s10, s9  }
0x1d4: {  	s20 =	sld [smem:$0x7CF];
	s18 =	sshrl.u32 s9, $0x3;
	s19 =	sadd.s32 $0x900000, s9  }
0x1d5: {  	s21 =	sld [smem:$0x7D0];
	s11 =	sadd.s32 s1, s18;
	s10 =	sshrl.u32 s19, $0x3  }
0x1d6: {  	[tilespmem:s17], [sflag:$0x1] =	stream.linear.gather [hbm4b:s11+s3], $0x10, $0x38;
	[tilespmem:$0x880] =	vst v63  }
0x1d7: {  	s9 =	sadd.s32 $0x1200000, s9;
	s10 =	sadd.s32 s1, s10;
	s22 =	spop (v2sf)  }
0x1d8: {  	[tilespmem:s20], [sflag:$0x1] =	stream.linear.gather [hbm4b:s10+s3], $0x10, $0x38;
	[tilespmem:$0x880] =	vst v63  }
0x1d9: {  	s9 =	sshrl.u32 s9, $0x3;
	(v2sf) =	vpush v59, $0x4;
	s23 =	spop (v2sf)  }
0x1da: {  	s9 =	sadd.s32 s1, s9;
	s24 =	sand.u32 $0xF, s23  }
0x1db: {  	(v2sf) =	vpush v8, $0x4;
	[tilespmem:s21], [sflag:$0x1] =	stream.linear.gather [hbm4b:s9+s3], $0x10, $0x38;
	[tilespmem:$0x880] =	vst v63  }
0x1dc: {  	s25 =	sshra.s32 s23, $0x1F;
	p5 =	slt.s32 s23, $0x1;
	p6 =	sne.s32 s24, $0x0  }
0x1dd: {  	s11 =	simm.s32 $0x1;
	s26 =	sshrl.u32 s25, $0x1C;
	p0 =	por !p5, !p6  }
0x1de: {  	s28 =	sshll.u32 s22, $0x8;
	s10 =	sadd.s32 s26, s23;
	p0 =	por !p0, !p0  }
0x1df: {  	s29 =	spop (v2sf);
	s10 =	sshra.s32 s10, $0x4;
	s11 =	simm.s32 @!p0 $0x0  }
0x1e0: {  	s9 =	sshll.u32 s22, $0x7;
	s10 =	ssub.s32 s10, s11;
	s11 =	sand.u32 $0xFFFFF800, s28  }
0x1e1: {  	(v2sf) =	vpush v9, $0x4;
	s9 =	sand.u32 $0x380, s9;
	s30 =	sshll.u32 s10, $0x7;
	s11 =	sadd.s32 s29, s11  }
0x1e2: {  	s10 =	sshll.u32 s10, $0x4;
	s31 =	sand.u32 $0xFFFFFC00, s30;
	s9 =	sor.u32 s9, s11  }
0x1e3: {  	s10 =	sand.u32 $0x70, s10;
	s9 =	sadd.s32 s31, s9  }
0x1e4: {  	s13 =	sld [smem:$0x7D1];
	s9 =	sor.u32 s10, s9  }
0x1e5: {  	s16 =	sld [smem:$0x7D2];
	s14 =	sshrl.u32 s9, $0x3;
	s15 =	sadd.s32 $0x900000, s9  }
0x1e6: {  	s17 =	sld [smem:$0x7D3];
	s11 =	sadd.s32 s1, s14;
	s10 =	sshrl.u32 s15, $0x3  }
0x1e7: {  	[tilespmem:s13], [sflag:$0x1] =	stream.linear.gather [hbm4b:s11+s3], $0x10, $0x38;
	[tilespmem:$0x880] =	vst v63  }
0x1e8: {  	s9 =	sadd.s32 $0x1200000, s9;
	s10 =	sadd.s32 s1, s10;
	s18 =	spop (v2sf)  }
0x1e9: {  	[tilespmem:s16], [sflag:$0x1] =	stream.linear.gather [hbm4b:s10+s3], $0x10, $0x38;
	[tilespmem:$0x880] =	vst v63  }
0x1ea: {  	s9 =	sshrl.u32 s9, $0x3;
	(v2sf) =	vpush v59, $0x5;
	s19 =	spop (v2sf)  }
0x1eb: {  	s9 =	sadd.s32 s1, s9;
	s20 =	sand.u32 $0xF, s19  }
0x1ec: {  	(v2sf) =	vpush v8, $0x5;
	[tilespmem:s17], [sflag:$0x1] =	stream.linear.gather [hbm4b:s9+s3], $0x10, $0x38;
	[tilespmem:$0x880] =	vst v63  }
0x1ed: {  	s21 =	sshra.s32 s19, $0x1F;
	p1 =	slt.s32 s19, $0x1;
	p2 =	sne.s32 s20, $0x0  }
0x1ee: {  	s11 =	simm.s32 $0x1;
	s22 =	sshrl.u32 s21, $0x1C;
	p0 =	por !p1, !p2  }
0x1ef: {  	s23 =	sshll.u32 s18, $0x8;
	s10 =	sadd.s32 s22, s19;
	p0 =	por !p0, !p0  }
0x1f0: {  	s24 =	spop (v2sf);
	s10 =	sshra.s32 s10, $0x4;
	s11 =	simm.s32 @!p0 $0x0  }
0x1f1: {  	s9 =	sshll.u32 s18, $0x7;
	s10 =	ssub.s32 s10, s11;
	s11 =	sand.u32 $0xFFFFF800, s23  }
0x1f2: {  	(v2sf) =	vpush v9, $0x5;
	s9 =	sand.u32 $0x380, s9;
	s25 =	sshll.u32 s10, $0x7;
	s11 =	sadd.s32 s24, s11  }
0x1f3: {  	s10 =	sshll.u32 s10, $0x4;
	s26 =	sand.u32 $0xFFFFFC00, s25;
	s9 =	sor.u32 s9, s11  }
0x1f4: {  	s10 =	sand.u32 $0x70, s10;
	s9 =	sadd.s32 s26, s9  }
0x1f5: {  	s28 =	sld [smem:$0x7D4];
	s9 =	sor.u32 s10, s9  }
0x1f6: {  	s12 =	sld [smem:$0x7D6];
	s29 =	sshrl.u32 s9, $0x3;
	s30 =	sadd.s32 $0x900000, s9  }
0x1f7: {  	s31 =	sld [smem:$0x7D5];
	s11 =	sadd.s32 s1, s29;
	s10 =	sshrl.u32 s30, $0x3  }
0x1f8: {  	[tilespmem:s28], [sflag:$0x1] =	stream.linear.gather [hbm4b:s11+s3], $0x10, $0x38;
	[tilespmem:$0x880] =	vst v63  }
0x1f9: {  	s9 =	sadd.s32 $0x1200000, s9;
	s10 =	sadd.s32 s1, s10;
	s13 =	spop (v2sf)  }
0x1fa: {  	[tilespmem:s31], [sflag:$0x1] =	stream.linear.gather [hbm4b:s10+s3], $0x10, $0x38;
	[tilespmem:$0x880] =	vst v63  }
0x1fb: {  	s9 =	sshrl.u32 s9, $0x3;
	(v2sf) =	vpush v59, $0x6;
	s14 =	spop (v2sf)  }
0x1fc: {  	s9 =	sadd.s32 s1, s9;
	s15 =	sand.u32 $0xF, s14  }
0x1fd: {  	(v2sf) =	vpush v8, $0x6;
	[tilespmem:s12], [sflag:$0x1] =	stream.linear.gather [hbm4b:s9+s3], $0x10, $0x38;
	[tilespmem:$0x880] =	vst v63  }
0x1fe: {  	s16 =	sshra.s32 s14, $0x1F;
	p3 =	slt.s32 s14, $0x1;
	p4 =	sne.s32 s15, $0x0  }
0x1ff: {  	s11 =	simm.s32 $0x1;
	s17 =	sshrl.u32 s16, $0x1C;
	p0 =	por !p3, !p4  }
0x200: {  	s18 =	sshll.u32 s13, $0x8;
	s10 =	sadd.s32 s17, s14;
	p0 =	por !p0, !p0  }
0x201: {  	s19 =	spop (v2sf);
	s10 =	sshra.s32 s10, $0x4;
	s11 =	simm.s32 @!p0 $0x0  }
0x202: {  	s9 =	sshll.u32 s13, $0x7;
	s10 =	ssub.s32 s10, s11;
	s11 =	sand.u32 $0xFFFFF800, s18  }
0x203: {  	(v2sf) =	vpush v9, $0x6;
	s9 =	sand.u32 $0x380, s9;
	s20 =	sshll.u32 s10, $0x7;
	s11 =	sadd.s32 s19, s11  }
0x204: {  	s10 =	sshll.u32 s10, $0x4;
	s21 =	sand.u32 $0xFFFFFC00, s20;
	s9 =	sor.u32 s9, s11  }
0x205: {  	s10 =	sand.u32 $0x70, s10;
	s9 =	sadd.s32 s21, s9  }
0x206: {  	s22 =	sld [smem:$0x7D7];
	s9 =	sor.u32 s10, s9  }
0x207: {  	s25 =	sld [smem:$0x7D8];
	s23 =	sshrl.u32 s9, $0x3;
	s24 =	sadd.s32 $0x900000, s9  }
0x208: {  	s26 =	sld [smem:$0x7D9];
	s11 =	sadd.s32 s1, s23;
	s10 =	sshrl.u32 s24, $0x3  }
0x209: {  	[tilespmem:s22], [sflag:$0x1] =	stream.linear.gather [hbm4b:s11+s3], $0x10, $0x38;
	[tilespmem:$0x880] =	vst v63  }
0x20a: {  	s9 =	sadd.s32 $0x1200000, s9;
	s10 =	sadd.s32 s1, s10;
	s28 =	spop (v2sf)  }
0x20b: {  	[tilespmem:s25], [sflag:$0x1] =	stream.linear.gather [hbm4b:s10+s3], $0x10, $0x38;
	[tilespmem:$0x880] =	vst v63  }
0x20c: {  	s9 =	sshrl.u32 s9, $0x3;
	(v2sf) =	vpush v59, $0x7;
	s29 =	spop (v2sf)  }
0x20d: {  	s9 =	sadd.s32 s1, s9;
	s30 =	sand.u32 $0xF, s29  }
0x20e: {  	(v2sf) =	vpush v8, $0x7;
	[tilespmem:s26], [sflag:$0x1] =	stream.linear.gather [hbm4b:s9+s3], $0x10, $0x38;
	[tilespmem:$0x880] =	vst v63  }
0x20f: {  	s31 =	sshra.s32 s29, $0x1F;
	p5 =	slt.s32 s29, $0x1;
	p6 =	sne.s32 s30, $0x0  }
0x210: {  	s11 =	simm.s32 $0x1;
	s12 =	sshrl.u32 s31, $0x1C;
	p0 =	por !p5, !p6  }
0x211: {  	s13 =	sshll.u32 s28, $0x8;
	s10 =	sadd.s32 s12, s29;
	p0 =	por !p0, !p0  }
0x212: {  	s14 =	spop (v2sf);
	s10 =	sshra.s32 s10, $0x4;
	s11 =	simm.s32 @!p0 $0x0  }
0x213: {  	s9 =	sshll.u32 s28, $0x7;
	s10 =	ssub.s32 s10, s11;
	s11 =	sand.u32 $0xFFFFF800, s13  }
0x214: {  	(v2sf) =	vpush v9, $0x7;
	s9 =	sand.u32 $0x380, s9;
	s15 =	sshll.u32 s10, $0x7;
	s11 =	sadd.s32 s14, s11  }
0x215: {  	s10 =	sshll.u32 s10, $0x4;
	s16 =	sand.u32 $0xFFFFFC00, s15;
	s9 =	sor.u32 s9, s11  }
0x216: {  	s10 =	sand.u32 $0x70, s10;
	s9 =	sadd.s32 s16, s9  }
0x217: {  	s17 =	sld [smem:$0x7DA];
	s9 =	sor.u32 s10, s9  }
0x218: {  	s20 =	sld [smem:$0x7DB];
	s18 =	sshrl.u32 s9, $0x3;
	s19 =	sadd.s32 $0x900000, s9  }
0x219: {  	s21 =	sld [smem:$0x7DC];
	s11 =	sadd.s32 s1, s18;
	s10 =	sshrl.u32 s19, $0x3  }
0x21a: {  	[tilespmem:s17], [sflag:$0x1] =	stream.linear.gather [hbm4b:s11+s3], $0x10, $0x38;
	[tilespmem:$0x880] =	vst v63  }
0x21b: {  	s9 =	sadd.s32 $0x1200000, s9;
	s10 =	sadd.s32 s1, s10;
	s22 =	spop (v2sf)  }
0x21c: {  	[tilespmem:s20], [sflag:$0x1] =	stream.linear.gather [hbm4b:s10+s3], $0x10, $0x38;
	[tilespmem:$0x880] =	vst v63  }
0x21d: {  	s9 =	sshrl.u32 s9, $0x3;
	(v2sf) =	vpush v59, $0x8;
	s23 =	spop (v2sf)  }
0x21e: {  	s9 =	sadd.s32 s1, s9;
	s24 =	sand.u32 $0xF, s23  }
0x21f: {  	(v2sf) =	vpush v8, $0x8;
	[tilespmem:s21], [sflag:$0x1] =	stream.linear.gather [hbm4b:s9+s3], $0x10, $0x38;
	[tilespmem:$0x880] =	vst v63  }
0x220: {  	s25 =	sshra.s32 s23, $0x1F;
	p1 =	slt.s32 s23, $0x1;
	p2 =	sne.s32 s24, $0x0  }
0x221: {  	s11 =	simm.s32 $0x1;
	s26 =	sshrl.u32 s25, $0x1C;
	p0 =	por !p1, !p2  }
0x222: {  	s28 =	sshll.u32 s22, $0x8;
	s10 =	sadd.s32 s26, s23;
	p0 =	por !p0, !p0  }
0x223: {  	s29 =	spop (v2sf);
	s10 =	sshra.s32 s10, $0x4;
	s11 =	simm.s32 @!p0 $0x0  }
0x224: {  	s9 =	sshll.u32 s22, $0x7;
	s10 =	ssub.s32 s10, s11;
	s11 =	sand.u32 $0xFFFFF800, s28  }
0x225: {  	(v2sf) =	vpush v9, $0x8;
	s9 =	sand.u32 $0x380, s9;
	s30 =	sshll.u32 s10, $0x7;
	s11 =	sadd.s32 s29, s11  }
0x226: {  	s10 =	sshll.u32 s10, $0x4;
	s31 =	sand.u32 $0xFFFFFC00, s30;
	s9 =	sor.u32 s9, s11  }
0x227: {  	s10 =	sand.u32 $0x70, s10;
	s9 =	sadd.s32 s31, s9  }
0x228: {  	s13 =	sld [smem:$0x7DD];
	s9 =	sor.u32 s10, s9  }
0x229: {  	s16 =	sld [smem:$0x7DE];
	s14 =	sshrl.u32 s9, $0x3;
	s15 =	sadd.s32 $0x900000, s9  }
0x22a: {  	s17 =	sld [smem:$0x7DF];
	s11 =	sadd.s32 s1, s14;
	s10 =	sshrl.u32 s15, $0x3  }
0x22b: {  	[tilespmem:s13], [sflag:$0x1] =	stream.linear.gather [hbm4b:s11+s3], $0x10, $0x38;
	[tilespmem:$0x880] =	vst v63  }
0x22c: {  	s9 =	sadd.s32 $0x1200000, s9;
	s10 =	sadd.s32 s1, s10;
	s18 =	spop (v2sf)  }
0x22d: {  	[tilespmem:s16], [sflag:$0x1] =	stream.linear.gather [hbm4b:s10+s3], $0x10, $0x38;
	[tilespmem:$0x880] =	vst v63  }
0x22e: {  	s9 =	sshrl.u32 s9, $0x3;
	(v2sf) =	vpush v59, $0x9;
	s19 =	spop (v2sf)  }
0x22f: {  	s9 =	sadd.s32 s1, s9;
	s20 =	sand.u32 $0xF, s19  }
0x230: {  	(v2sf) =	vpush v8, $0x9;
	[tilespmem:s17], [sflag:$0x1] =	stream.linear.gather [hbm4b:s9+s3], $0x10, $0x38;
	[tilespmem:$0x880] =	vst v63  }
0x231: {  	s21 =	sshra.s32 s19, $0x1F;
	p3 =	slt.s32 s19, $0x1;
	p4 =	sne.s32 s20, $0x0  }
0x232: {  	s11 =	simm.s32 $0x1;
	s22 =	sshrl.u32 s21, $0x1C;
	p0 =	por !p3, !p4  }
0x233: {  	s23 =	sshll.u32 s18, $0x8;
	s10 =	sadd.s32 s22, s19;
	p0 =	por !p0, !p0  }
0x234: {  	s24 =	spop (v2sf);
	s10 =	sshra.s32 s10, $0x4;
	s11 =	simm.s32 @!p0 $0x0  }
0x235: {  	s9 =	sshll.u32 s18, $0x7;
	s10 =	ssub.s32 s10, s11;
	s11 =	sand.u32 $0xFFFFF800, s23  }
0x236: {  	(v2sf) =	vpush v9, $0x9;
	s9 =	sand.u32 $0x380, s9;
	s25 =	sshll.u32 s10, $0x7;
	s11 =	sadd.s32 s24, s11  }
0x237: {  	s10 =	sshll.u32 s10, $0x4;
	s26 =	sand.u32 $0xFFFFFC00, s25;
	s9 =	sor.u32 s9, s11  }
0x238: {  	s10 =	sand.u32 $0x70, s10;
	s9 =	sadd.s32 s26, s9  }
0x239: {  	s28 =	sld [smem:$0x7E0];
	s9 =	sor.u32 s10, s9  }
0x23a: {  	s12 =	sld [smem:$0x7E2];
	s29 =	sshrl.u32 s9, $0x3;
	s30 =	sadd.s32 $0x900000, s9  }
0x23b: {  	s31 =	sld [smem:$0x7E1];
	s11 =	sadd.s32 s1, s29;
	s10 =	sshrl.u32 s30, $0x3  }
0x23c: {  	[tilespmem:s28], [sflag:$0x1] =	stream.linear.gather [hbm4b:s11+s3], $0x10, $0x38;
	[tilespmem:$0x880] =	vst v63  }
0x23d: {  	s9 =	sadd.s32 $0x1200000, s9;
	s10 =	sadd.s32 s1, s10;
	s13 =	spop (v2sf)  }
0x23e: {  	[tilespmem:s31], [sflag:$0x1] =	stream.linear.gather [hbm4b:s10+s3], $0x10, $0x38;
	[tilespmem:$0x880] =	vst v63  }
0x23f: {  	s9 =	sshrl.u32 s9, $0x3;
	(v2sf) =	vpush v59, $0xA;
	s14 =	spop (v2sf)  }
0x240: {  	s9 =	sadd.s32 s1, s9;
	s15 =	sand.u32 $0xF, s14  }
0x241: {  	(v2sf) =	vpush v8, $0xA;
	[tilespmem:s12], [sflag:$0x1] =	stream.linear.gather [hbm4b:s9+s3], $0x10, $0x38;
	[tilespmem:$0x880] =	vst v63  }
0x242: {  	s16 =	sshra.s32 s14, $0x1F;
	p5 =	slt.s32 s14, $0x1;
	p6 =	sne.s32 s15, $0x0  }
0x243: {  	s11 =	simm.s32 $0x1;
	s17 =	sshrl.u32 s16, $0x1C;
	p0 =	por !p5, !p6  }
0x244: {  	s18 =	sshll.u32 s13, $0x8;
	s10 =	sadd.s32 s17, s14;
	p0 =	por !p0, !p0  }
0x245: {  	s19 =	spop (v2sf);
	s10 =	sshra.s32 s10, $0x4;
	s11 =	simm.s32 @!p0 $0x0  }
0x246: {  	s9 =	sshll.u32 s13, $0x7;
	s10 =	ssub.s32 s10, s11;
	s11 =	sand.u32 $0xFFFFF800, s18  }
0x247: {  	(v2sf) =	vpush v9, $0xA;
	s9 =	sand.u32 $0x380, s9;
	s20 =	sshll.u32 s10, $0x7;
	s11 =	sadd.s32 s19, s11  }
0x248: {  	s10 =	sshll.u32 s10, $0x4;
	s21 =	sand.u32 $0xFFFFFC00, s20;
	s9 =	sor.u32 s9, s11  }
0x249: {  	s10 =	sand.u32 $0x70, s10;
	s9 =	sadd.s32 s21, s9  }
0x24a: {  	s22 =	sld [smem:$0x7E3];
	s9 =	sor.u32 s10, s9  }
0x24b: {  	s25 =	sld [smem:$0x7E4];
	s23 =	sshrl.u32 s9, $0x3;
	s24 =	sadd.s32 $0x900000, s9  }
0x24c: {  	s26 =	sld [smem:$0x7E5];
	s11 =	sadd.s32 s1, s23;
	s10 =	sshrl.u32 s24, $0x3  }
0x24d: {  	[tilespmem:s22], [sflag:$0x1] =	stream.linear.gather [hbm4b:s11+s3], $0x10, $0x38;
	[tilespmem:$0x880] =	vst v63  }
0x24e: {  	s9 =	sadd.s32 $0x1200000, s9;
	s10 =	sadd.s32 s1, s10;
	s28 =	spop (v2sf)  }
0x24f: {  	[tilespmem:s25], [sflag:$0x1] =	stream.linear.gather [hbm4b:s10+s3], $0x10, $0x38;
	[tilespmem:$0x880] =	vst v63  }
0x250: {  	s9 =	sshrl.u32 s9, $0x3;
	(v2sf) =	vpush v59, $0xB;
	s29 =	spop (v2sf)  }
0x251: {  	s9 =	sadd.s32 s1, s9;
	s30 =	sand.u32 $0xF, s29  }
0x252: {  	(v2sf) =	vpush v8, $0xB;
	[tilespmem:s26], [sflag:$0x1] =	stream.linear.gather [hbm4b:s9+s3], $0x10, $0x38;
	[tilespmem:$0x880] =	vst v63  }
0x253: {  	s31 =	sshra.s32 s29, $0x1F;
	p1 =	slt.s32 s29, $0x1;
	p2 =	sne.s32 s30, $0x0  }
0x254: {  	s11 =	simm.s32 $0x1;
	s12 =	sshrl.u32 s31, $0x1C;
	p0 =	por !p1, !p2  }
0x255: {  	s13 =	sshll.u32 s28, $0x8;
	s10 =	sadd.s32 s12, s29;
	p0 =	por !p0, !p0  }
0x256: {  	s14 =	spop (v2sf);
	s10 =	sshra.s32 s10, $0x4;
	s11 =	simm.s32 @!p0 $0x0  }
0x257: {  	s9 =	sshll.u32 s28, $0x7;
	s10 =	ssub.s32 s10, s11;
	s11 =	sand.u32 $0xFFFFF800, s13  }
0x258: {  	(v2sf) =	vpush v9, $0xB;
	s9 =	sand.u32 $0x380, s9;
	s15 =	sshll.u32 s10, $0x7;
	s11 =	sadd.s32 s14, s11  }
0x259: {  	s10 =	sshll.u32 s10, $0x4;
	s16 =	sand.u32 $0xFFFFFC00, s15;
	s9 =	sor.u32 s9, s11  }
0x25a: {  	s10 =	sand.u32 $0x70, s10;
	s9 =	sadd.s32 s16, s9  }
0x25b: {  	s17 =	sld [smem:$0x7E6];
	s9 =	sor.u32 s10, s9  }
0x25c: {  	s20 =	sld [smem:$0x7E7];
	s18 =	sshrl.u32 s9, $0x3;
	s19 =	sadd.s32 $0x900000, s9  }
0x25d: {  	s21 =	sld [smem:$0x7E8];
	s11 =	sadd.s32 s1, s18;
	s10 =	sshrl.u32 s19, $0x3  }
0x25e: {  	[tilespmem:s17], [sflag:$0x1] =	stream.linear.gather [hbm4b:s11+s3], $0x10, $0x38;
	[tilespmem:$0x880] =	vst v63  }
0x25f: {  	s9 =	sadd.s32 $0x1200000, s9;
	s10 =	sadd.s32 s1, s10;
	s22 =	spop (v2sf)  }
0x260: {  	[tilespmem:s20], [sflag:$0x1] =	stream.linear.gather [hbm4b:s10+s3], $0x10, $0x38;
	[tilespmem:$0x880] =	vst v63  }
0x261: {  	s9 =	sshrl.u32 s9, $0x3;
	(v2sf) =	vpush v59, $0xC;
	s23 =	spop (v2sf)  }
0x262: {  	s9 =	sadd.s32 s1, s9;
	s24 =	sand.u32 $0xF, s23  }
0x263: {  	(v2sf) =	vpush v8, $0xC;
	[tilespmem:s21], [sflag:$0x1] =	stream.linear.gather [hbm4b:s9+s3], $0x10, $0x38;
	[tilespmem:$0x880] =	vst v63  }
0x264: {  	s25 =	sshra.s32 s23, $0x1F;
	p3 =	slt.s32 s23, $0x1;
	p4 =	sne.s32 s24, $0x0  }
0x265: {  	s11 =	simm.s32 $0x1;
	s26 =	sshrl.u32 s25, $0x1C;
	p0 =	por !p3, !p4  }
0x266: {  	s28 =	sshll.u32 s22, $0x8;
	s10 =	sadd.s32 s26, s23;
	p0 =	por !p0, !p0  }
0x267: {  	s29 =	spop (v2sf);
	s10 =	sshra.s32 s10, $0x4;
	s11 =	simm.s32 @!p0 $0x0  }
0x268: {  	s9 =	sshll.u32 s22, $0x7;
	s10 =	ssub.s32 s10, s11;
	s11 =	sand.u32 $0xFFFFF800, s28  }
0x269: {  	(v2sf) =	vpush v9, $0xC;
	s9 =	sand.u32 $0x380, s9;
	s30 =	sshll.u32 s10, $0x7;
	s11 =	sadd.s32 s29, s11  }
0x26a: {  	s10 =	sshll.u32 s10, $0x4;
	s31 =	sand.u32 $0xFFFFFC00, s30;
	s9 =	sor.u32 s9, s11  }
0x26b: {  	s10 =	sand.u32 $0x70, s10;
	s9 =	sadd.s32 s31, s9  }
0x26c: {  	s13 =	sld [smem:$0x7E9];
	s9 =	sor.u32 s10, s9  }
0x26d: {  	s16 =	sld [smem:$0x7EA];
	s14 =	sshrl.u32 s9, $0x3;
	s15 =	sadd.s32 $0x900000, s9  }
0x26e: {  	s17 =	sld [smem:$0x7EB];
	s11 =	sadd.s32 s1, s14;
	s10 =	sshrl.u32 s15, $0x3  }
0x26f: {  	[tilespmem:s13], [sflag:$0x1] =	stream.linear.gather [hbm4b:s11+s3], $0x10, $0x38;
	[tilespmem:$0x880] =	vst v63  }
0x270: {  	s9 =	sadd.s32 $0x1200000, s9;
	s10 =	sadd.s32 s1, s10;
	s18 =	spop (v2sf)  }
0x271: {  	[tilespmem:s16], [sflag:$0x1] =	stream.linear.gather [hbm4b:s10+s3], $0x10, $0x38;
	[tilespmem:$0x880] =	vst v63  }
0x272: {  	s9 =	sshrl.u32 s9, $0x3;
	(v2sf) =	vpush v59, $0xD;
	s19 =	spop (v2sf)  }
0x273: {  	s9 =	sadd.s32 s1, s9;
	s20 =	sand.u32 $0xF, s19  }
0x274: {  	(v2sf) =	vpush v8, $0xD;
	[tilespmem:s17], [sflag:$0x1] =	stream.linear.gather [hbm4b:s9+s3], $0x10, $0x38;
	[tilespmem:$0x880] =	vst v63  }
0x275: {  	s21 =	sshra.s32 s19, $0x1F;
	p5 =	slt.s32 s19, $0x1;
	p6 =	sne.s32 s20, $0x0  }
0x276: {  	s11 =	simm.s32 $0x1;
	s22 =	sshrl.u32 s21, $0x1C;
	p0 =	por !p5, !p6  }
0x277: {  	s23 =	sshll.u32 s18, $0x8;
	s10 =	sadd.s32 s22, s19;
	p0 =	por !p0, !p0  }
0x278: {  	s24 =	spop (v2sf);
	s10 =	sshra.s32 s10, $0x4;
	s11 =	simm.s32 @!p0 $0x0  }
0x279: {  	s9 =	sshll.u32 s18, $0x7;
	s10 =	ssub.s32 s10, s11;
	s11 =	sand.u32 $0xFFFFF800, s23  }
0x27a: {  	(v2sf) =	vpush v9, $0xD;
	s9 =	sand.u32 $0x380, s9;
	s25 =	sshll.u32 s10, $0x7;
	s11 =	sadd.s32 s24, s11  }
0x27b: {  	s10 =	sshll.u32 s10, $0x4;
	s26 =	sand.u32 $0xFFFFFC00, s25;
	s9 =	sor.u32 s9, s11  }
0x27c: {  	s10 =	sand.u32 $0x70, s10;
	s9 =	sadd.s32 s26, s9  }
0x27d: {  	s28 =	sld [smem:$0x7EC];
	s9 =	sor.u32 s10, s9  }
0x27e: {  	s12 =	sld [smem:$0x7EE];
	s29 =	sshrl.u32 s9, $0x3;
	s30 =	sadd.s32 $0x900000, s9  }
0x27f: {  	s31 =	sld [smem:$0x7ED];
	s11 =	sadd.s32 s1, s29;
	s10 =	sshrl.u32 s30, $0x3  }
0x280: {  	[tilespmem:s28], [sflag:$0x1] =	stream.linear.gather [hbm4b:s11+s3], $0x10, $0x38;
	[tilespmem:$0x880] =	vst v63  }
0x281: {  	s9 =	sadd.s32 $0x1200000, s9;
	s10 =	sadd.s32 s1, s10;
	s13 =	spop (v2sf)  }
0x282: {  	[tilespmem:s31], [sflag:$0x1] =	stream.linear.gather [hbm4b:s10+s3], $0x10, $0x38;
	[tilespmem:$0x880] =	vst v63  }
0x283: {  	s9 =	sshrl.u32 s9, $0x3;
	(v2sf) =	vpush v59, $0xE;
	s14 =	spop (v2sf)  }
0x284: {  	s9 =	sadd.s32 s1, s9;
	s15 =	sand.u32 $0xF, s14  }
0x285: {  	(v2sf) =	vpush v8, $0xE;
	[tilespmem:s12], [sflag:$0x1] =	stream.linear.gather [hbm4b:s9+s3], $0x10, $0x38;
	[tilespmem:$0x880] =	vst v63  }
0x286: {  	s16 =	sshra.s32 s14, $0x1F;
	p1 =	slt.s32 s14, $0x1;
	p2 =	sne.s32 s15, $0x0  }
0x287: {  	s11 =	simm.s32 $0x1;
	s17 =	sshrl.u32 s16, $0x1C;
	p0 =	por !p1, !p2  }
0x288: {  	s18 =	sshll.u32 s13, $0x8;
	s10 =	sadd.s32 s17, s14;
	p0 =	por !p0, !p0  }
0x289: {  	s19 =	spop (v2sf);
	s10 =	sshra.s32 s10, $0x4;
	s11 =	simm.s32 @!p0 $0x0  }
0x28a: {  	s9 =	sshll.u32 s13, $0x7;
	s10 =	ssub.s32 s10, s11;
	s11 =	sand.u32 $0xFFFFF800, s18  }
0x28b: {  	(v2sf) =	vpush v9, $0xE;
	s9 =	sand.u32 $0x380, s9;
	s20 =	sshll.u32 s10, $0x7;
	s11 =	sadd.s32 s19, s11  }
0x28c: {  	s10 =	sshll.u32 s10, $0x4;
	s21 =	sand.u32 $0xFFFFFC00, s20;
	s9 =	sor.u32 s9, s11  }
0x28d: {  	s10 =	sand.u32 $0x70, s10;
	s9 =	sadd.s32 s21, s9  }
0x28e: {  	s22 =	sld [smem:$0x7EF];
	s9 =	sor.u32 s10, s9  }
0x28f: {  	s25 =	sld [smem:$0x7F0];
	s23 =	sshrl.u32 s9, $0x3;
	s24 =	sadd.s32 $0x900000, s9  }
0x290: {  	s26 =	sld [smem:$0x7F1];
	s11 =	sadd.s32 s1, s23;
	s10 =	sshrl.u32 s24, $0x3  }
0x291: {  	[tilespmem:s22], [sflag:$0x1] =	stream.linear.gather [hbm4b:s11+s3], $0x10, $0x38;
	[tilespmem:$0x880] =	vst v63  }
0x292: {  	s9 =	sadd.s32 $0x1200000, s9;
	s10 =	sadd.s32 s1, s10;
	s28 =	spop (v2sf)  }
0x293: {  	[tilespmem:s25], [sflag:$0x1] =	stream.linear.gather [hbm4b:s10+s3], $0x10, $0x38;
	[tilespmem:$0x880] =	vst v63  }
0x294: {  	s9 =	sshrl.u32 s9, $0x3;
	(v2sf) =	vpush v59, $0xF;
	s29 =	spop (v2sf)  }
0x295: {  	s9 =	sadd.s32 s1, s9;
	s30 =	sand.u32 $0xF, s29  }
0x296: {  	(v2sf) =	vpush v8, $0xF;
	[tilespmem:s26], [sflag:$0x1] =	stream.linear.gather [hbm4b:s9+s3], $0x10, $0x38;
	[tilespmem:$0x880] =	vst v63  }
0x297: {  	s31 =	sshra.s32 s29, $0x1F;
	p3 =	slt.s32 s29, $0x1;
	p4 =	sne.s32 s30, $0x0  }
0x298: {  	s11 =	simm.s32 $0x1;
	s13 =	sshrl.u32 s31, $0x1C;
	p0 =	por !p3, !p4  }
0x299: {  	s14 =	sshll.u32 s28, $0x8;
	s10 =	sadd.s32 s13, s29;
	p0 =	por !p0, !p0  }
0x29a: {  	s15 =	spop (v2sf);
	s10 =	sshra.s32 s10, $0x4;
	s11 =	simm.s32 @!p0 $0x0  }
0x29b: {  	s9 =	sshll.u32 s28, $0x7;
	s10 =	ssub.s32 s10, s11;
	s11 =	sand.u32 $0xFFFFF800, s14  }
0x29c: {  	s9 =	sand.u32 $0x380, s9;
	s16 =	sshll.u32 s10, $0x7;
	s11 =	sadd.s32 s15, s11  }
0x29d: {  	(v2sf) =	vpush v9, $0xF;
	s10 =	sshll.u32 s10, $0x4;
	s17 =	sand.u32 $0xFFFFFC00, s16;
	s9 =	sor.u32 s9, s11  }
0x29e: {  	s10 =	sand.u32 $0x70, s10;
	s9 =	sadd.s32 s17, s9  }
0x29f: {  	s18 =	sld [smem:$0x7F2];
	s9 =	sor.u32 s10, s9  }
0x2a0: {  	s21 =	sld [smem:$0x7F3];
	s19 =	sshrl.u32 s9, $0x3;
	s20 =	sadd.s32 $0x900000, s9  }
0x2a1: {  	s22 =	sld [smem:$0x7F4];
	s11 =	sadd.s32 s1, s19;
	s10 =	sshrl.u32 s20, $0x3  }
0x2a2: {  	[tilespmem:s18], [sflag:$0x1] =	stream.linear.gather [hbm4b:s11+s3], $0x10, $0x38;
	[tilespmem:$0x880] =	vst v63  }
0x2a3: {  	s9 =	sadd.s32 $0x1200000, s9;
	s10 =	sadd.s32 s1, s10;
	s23 =	spop (v2sf)  }
0x2a4: {  	[tilespmem:s21], [sflag:$0x1] =	stream.linear.gather [hbm4b:s10+s3], $0x10, $0x38;
	[tilespmem:$0x880] =	vst v63  }
0x2a5: {  	s9 =	sshrl.u32 s9, $0x3;
	s24 =	spop (v2sf)  }
0x2a6: {  	s9 =	sadd.s32 s1, s9;
	s25 =	sand.u32 $0xF, s24  }
0x2a7: {  	[tilespmem:s22], [sflag:$0x1] =	stream.linear.gather [hbm4b:s9+s3], $0x10, $0x38;
	[tilespmem:$0x880] =	vst v63  }
0x2a8: {  	s26 =	sshra.s32 s24, $0x1F;
	p5 =	slt.s32 s24, $0x1;
	p6 =	sne.s32 s25, $0x0  }
0x2a9: {  	s10 =	simm.s32 $0x1;
	s28 =	sshrl.u32 s26, $0x1C;
	p0 =	por !p5, !p6  }
0x2aa: {  	s29 =	sshll.u32 s23, $0x8;
	s9 =	sadd.s32 s28, s24;
	p0 =	por !p0, !p0  }
0x2ab: {  	s11 =	sshll.u32 s23, $0x7;
	s9 =	sshra.s32 s9, $0x4;
	s10 =	simm.s32 @!p0 $0x0  }
0x2ac: {  	s30 =	spop (v2sf);
	s9 =	ssub.s32 s9, s10;
	s10 =	sand.u32 $0xFFFFF800, s29  }
0x2ad: {  	s11 =	sand.u32 $0x380, s11;
	s31 =	sshll.u32 s9, $0x7;
	s10 =	sadd.s32 s30, s10  }
0x2ae: {  	s9 =	sshll.u32 s9, $0x4;
	s13 =	sand.u32 $0xFFFFFC00, s31;
	s10 =	sor.u32 s11, s10  }
0x2af: {  	s9 =	sand.u32 $0x70, s9;
	s10 =	sadd.s32 s13, s10  }
0x2b0: {  	s14 =	sld [smem:$0x7F5];
	s9 =	sor.u32 s9, s10  }
0x2b1: {  	s17 =	sld [smem:$0x7F6];
	s15 =	sshrl.u32 s9, $0x3;
	s16 =	sadd.s32 $0x900000, s9  }
0x2b2: {  	s9 =	sadd.s32 $0x1200000, s9;
	s11 =	sadd.s32 s1, s15;
	s10 =	sshrl.u32 s16, $0x3  }
0x2b3: {  	[tilespmem:s14], [sflag:$0x1] =	stream.linear.gather [hbm4b:s11+s3], $0x10, $0x38;
	[tilespmem:$0x880] =	vst v63  }
0x2b4: {  	s18 =	sld [smem:$0x7F7];
	s9 =	sshrl.u32 s9, $0x3;
	s10 =	sadd.s32 s1, s10  }
0x2b5: {  	[tilespmem:s17], [sflag:$0x1] =	stream.linear.gather [hbm4b:s10+s3], $0x10, $0x38;
	[tilespmem:$0x880] =	vst v63  }
0x2b6: {  	s9 =	sadd.s32 s1, s9  }
0x2b7: {  	[tilespmem:s18], [sflag:$0x1] =	stream.linear.gather [hbm4b:s9+s3], $0x10, $0x38;
	[tilespmem:$0x880] =	vst v63  }
0x2b8: {  	_ =	swait.ge [sflag:s7], $0x10  }
0x2b9: {  	[sflag:s7] =	ssyncset.done $0x0  }
0x2ba: {  	[sflag:s7] =	ssyncadd.s32 $0xFFFFFFF0  }
0x2bb: {  	_ =	swait.ge [sflag:s7], $0x10  }
0x2bc: {  	[sflag:s7] =	ssyncset.done $0x0  }
0x2bd: {  	[sflag:s7] =	ssyncadd.s32 $0xFFFFFFF0  }
0x2be: {  	_ =	swait.ge [sflag:s7], $0x10  }
0x2bf: {  	[sflag:s7] =	ssyncset.done $0x0  }
0x2c0: {  	[sflag:s7] =	ssyncadd.s32 $0xFFFFFFF0  }
0x2c1: {  	_ =	swait.ge [sflag:s7], $0x10  }
0x2c2: {  	[sflag:s7] =	ssyncset.done $0x0  }
0x2c3: {  	[sflag:s7] =	ssyncadd.s32 $0xFFFFFFF0  }
0x2c4: {  	_ =	swait.ge [sflag:s7], $0x10  }
0x2c5: {  	[sflag:s7] =	ssyncset.done $0x0  }
0x2c6: {  	[sflag:s7] =	ssyncadd.s32 $0xFFFFFFF0  }
0x2c7: {  	_ =	swait.ge [sflag:s7], $0x10  }
0x2c8: {  	[sflag:s7] =	ssyncset.done $0x0  }
0x2c9: {  	[sflag:s7] =	ssyncadd.s32 $0xFFFFFFF0  }
0x2ca: {  	_ =	swait.ge [sflag:s7], $0x10  }
0x2cb: {  	[sflag:s7] =	ssyncset.done $0x0  }
0x2cc: {  	[sflag:s7] =	ssyncadd.s32 $0xFFFFFFF0  }
0x2cd: {  	_ =	swait.ge [sflag:s7], $0x10  }
0x2ce: {  	[sflag:s7] =	ssyncset.done $0x0  }
0x2cf: {  	[sflag:s7] =	ssyncadd.s32 $0xFFFFFFF0  }
0x2d0: {  	_ =	swait.ge [sflag:s7], $0x10  }
0x2d1: {  	[sflag:s7] =	ssyncset.done $0x0  }
0x2d2: {  	[sflag:s7] =	ssyncadd.s32 $0xFFFFFFF0  }
0x2d3: {  	_ =	swait.ge [sflag:s7], $0x10  }
0x2d4: {  	[sflag:s7] =	ssyncset.done $0x0  }
0x2d5: {  	[sflag:s7] =	ssyncadd.s32 $0xFFFFFFF0  }
0x2d6: {  	_ =	swait.ge [sflag:s7], $0x10  }
0x2d7: {  	[sflag:s7] =	ssyncset.done $0x0  }
0x2d8: {  	[sflag:s7] =	ssyncadd.s32 $0xFFFFFFF0  }
0x2d9: {  	_ =	swait.ge [sflag:s7], $0x10  }
0x2da: {  	[sflag:s7] =	ssyncset.done $0x0  }
0x2db: {  	[sflag:s7] =	ssyncadd.s32 $0xFFFFFFF0  }
0x2dc: {  	_ =	swait.ge [sflag:s7], $0x10  }
0x2dd: {  	[sflag:s7] =	ssyncset.done $0x0  }
0x2de: {  	[sflag:s7] =	ssyncadd.s32 $0xFFFFFFF0  }
0x2df: {  	_ =	swait.ge [sflag:s7], $0x10  }
0x2e0: {  	[sflag:s7] =	ssyncset.done $0x0  }
0x2e1: {  	[sflag:s7] =	ssyncadd.s32 $0xFFFFFFF0  }
0x2e2: {  	_ =	swait.ge [sflag:s7], $0x10  }
0x2e3: {  	[sflag:s7] =	ssyncset.done $0x0  }
0x2e4: {  	[sflag:s7] =	ssyncadd.s32 $0xFFFFFFF0  }
0x2e5: {  	_ =	swait.ge [sflag:s7], $0x10  }
0x2e6: {  	[sflag:s7] =	ssyncset.done $0x0  }
0x2e7: {  	[sflag:s7] =	ssyncadd.s32 $0xFFFFFFF0  }
0x2e8: {  	_ =	swait.ge [sflag:s7], $0x10  }
0x2e9: {  	[sflag:s7] =	ssyncset.done $0x0  }
0x2ea: {  	[sflag:s7] =	ssyncadd.s32 $0xFFFFFFF0  }
0x2eb: {  	_ =	swait.ge [sflag:s7], $0x10  }
0x2ec: {  	[sflag:s7] =	ssyncset.done $0x0  }
0x2ed: {  	[sflag:s7] =	ssyncadd.s32 $0xFFFFFFF0  }
0x2ee: {  	_ =	swait.ge [sflag:s7], $0x10  }
0x2ef: {  	[sflag:s7] =	ssyncset.done $0x0  }
0x2f0: {  	[sflag:s7] =	ssyncadd.s32 $0xFFFFFFF0  }
0x2f1: {  	_ =	swait.ge [sflag:s7], $0x10  }
0x2f2: {  	[sflag:s7] =	ssyncset.done $0x0  }
0x2f3: {  	[sflag:s7] =	ssyncadd.s32 $0xFFFFFFF0  }
0x2f4: {  	_ =	swait.ge [sflag:s7], $0x10  }
0x2f5: {  	[sflag:s7] =	ssyncset.done $0x0  }
0x2f6: {  	[sflag:s7] =	ssyncadd.s32 $0xFFFFFFF0  }
0x2f7: {  	_ =	swait.ge [sflag:s7], $0x10  }
0x2f8: {  	[sflag:s7] =	ssyncset.done $0x0  }
0x2f9: {  	[sflag:s7] =	ssyncadd.s32 $0xFFFFFFF0  }
0x2fa: {  	_ =	swait.ge [sflag:s7], $0x10  }
0x2fb: {  	[sflag:s7] =	ssyncset.done $0x0  }
0x2fc: {  	[sflag:s7] =	ssyncadd.s32 $0xFFFFFFF0  }
0x2fd: {  	_ =	swait.ge [sflag:s7], $0x10  }
0x2fe: {  	[sflag:s7] =	ssyncset.done $0x0  }
0x2ff: {  	[sflag:s7] =	ssyncadd.s32 $0xFFFFFFF0  }
0x300: {  	_ =	swait.ge [sflag:s7], $0x10  }
0x301: {  	[sflag:s7] =	ssyncset.done $0x0  }
0x302: {  	[sflag:s7] =	ssyncadd.s32 $0xFFFFFFF0  }
0x303: {  	_ =	swait.ge [sflag:s7], $0x10  }
0x304: {  	[sflag:s7] =	ssyncset.done $0x0  }
0x305: {  	[sflag:s7] =	ssyncadd.s32 $0xFFFFFFF0  }
0x306: {  	_ =	swait.ge [sflag:s7], $0x10  }
0x307: {  	[sflag:s7] =	ssyncset.done $0x0  }
0x308: {  	[sflag:s7] =	ssyncadd.s32 $0xFFFFFFF0  }
0x309: {  	_ =	swait.ge [sflag:s7], $0x10  }
0x30a: {  	[sflag:s7] =	ssyncset.done $0x0  }
0x30b: {  	[sflag:s7] =	ssyncadd.s32 $0xFFFFFFF0  }
0x30c: {  	_ =	swait.ge [sflag:s7], $0x10  }
0x30d: {  	[sflag:s7] =	ssyncset.done $0x0  }
0x30e: {  	[sflag:s7] =	ssyncadd.s32 $0xFFFFFFF0  }
0x30f: {  	_ =	swait.ge [sflag:s7], $0x10  }
0x310: {  	[sflag:s7] =	ssyncset.done $0x0  }
0x311: {  	[sflag:s7] =	ssyncadd.s32 $0xFFFFFFF0  }
0x312: {  	_ =	swait.ge [sflag:s7], $0x10  }
0x313: {  	[sflag:s7] =	ssyncset.done $0x0  }
0x314: {  	[sflag:s7] =	ssyncadd.s32 $0xFFFFFFF0  }
0x315: {  	_ =	swait.ge [sflag:s7], $0x10  }
0x316: {  	[sflag:s7] =	ssyncset.done $0x0  }
0x317: {  	[sflag:s7] =	ssyncadd.s32 $0xFFFFFFF0  }
0x318: {  	_ =	swait.ge [sflag:s7], $0x10  }
0x319: {  	[sflag:s7] =	ssyncset.done $0x0  }
0x31a: {  	[sflag:s7] =	ssyncadd.s32 $0xFFFFFFF0  }
0x31b: {  	_ =	swait.ge [sflag:s7], $0x10  }
0x31c: {  	[sflag:s7] =	ssyncset.done $0x0  }
0x31d: {  	[sflag:s7] =	ssyncadd.s32 $0xFFFFFFF0  }
0x31e: {  	_ =	swait.ge [sflag:s7], $0x10  }
0x31f: {  	[sflag:s7] =	ssyncset.done $0x0  }
0x320: {  	[sflag:s7] =	ssyncadd.s32 $0xFFFFFFF0  }
0x321: {  	_ =	swait.ge [sflag:s7], $0x10  }
0x322: {  	[sflag:s7] =	ssyncset.done $0x0  }
0x323: {  	[sflag:s7] =	ssyncadd.s32 $0xFFFFFFF0  }
0x324: {  	_ =	swait.ge [sflag:s7], $0x10  }
0x325: {  	[sflag:s7] =	ssyncset.done $0x0  }
0x326: {  	[sflag:s7] =	ssyncadd.s32 $0xFFFFFFF0  }
0x327: {  	_ =	swait.ge [sflag:s7], $0x10  }
0x328: {  	[sflag:s7] =	ssyncset.done $0x0  }
0x329: {  	[sflag:s7] =	ssyncadd.s32 $0xFFFFFFF0  }
0x32a: {  	_ =	swait.ge [sflag:s7], $0x10  }
0x32b: {  	[sflag:s7] =	ssyncset.done $0x0  }
0x32c: {  	[sflag:s7] =	ssyncadd.s32 $0xFFFFFFF0  }
0x32d: {  	_ =	swait.ge [sflag:s7], $0x10  }
0x32e: {  	[sflag:s7] =	ssyncset.done $0x0  }
0x32f: {  	[sflag:s7] =	ssyncadd.s32 $0xFFFFFFF0  }
0x330: {  	_ =	swait.ge [sflag:s7], $0x10  }
0x331: {  	[sflag:s7] =	ssyncset.done $0x0  }
0x332: {  	[sflag:s7] =	ssyncadd.s32 $0xFFFFFFF0  }
0x333: {  	_ =	swait.ge [sflag:s7], $0x10  }
0x334: {  	[sflag:s7] =	ssyncset.done $0x0  }
0x335: {  	[sflag:s7] =	ssyncadd.s32 $0xFFFFFFF0  }
0x336: {  	_ =	swait.ge [sflag:s7], $0x10  }
0x337: {  	[sflag:s7] =	ssyncset.done $0x0  }
0x338: {  	[sflag:s7] =	ssyncadd.s32 $0xFFFFFFF0  }
0x339: {  	_ =	swait.ge [sflag:s7], $0x10  }
0x33a: {  	[sflag:s7] =	ssyncset.done $0x0  }
0x33b: {  	[sflag:s7] =	ssyncadd.s32 $0xFFFFFFF0  }
0x33c: {  	_ =	swait.ge [sflag:s7], $0x10  }
0x33d: {  	[sflag:s7] =	ssyncset.done $0x0  }
0x33e: {  	[sflag:s7] =	ssyncadd.s32 $0xFFFFFFF0  }
0x33f: {  	_ =	swait.ge [sflag:s7], $0x10  }
0x340: {  	[sflag:s7] =	ssyncset.done $0x0  }
0x341: {  	[sflag:s7] =	ssyncadd.s32 $0xFFFFFFF0  }
0x342: {  	_ =	swait.ge [sflag:s7], $0x10  }
0x343: {  	[sflag:s7] =	ssyncset.done $0x0  }
0x344: {  	[sflag:s7] =	ssyncadd.s32 $0xFFFFFFF0  }
0x345: {  	_ =	swait.ge [sflag:s7], $0x10  }
0x346: {  	[sflag:s7] =	ssyncset.done $0x0  }
0x347: {  	[sflag:s7] =	ssyncadd.s32 $0xFFFFFFF0  }
0x348: {  	_ =	swait.ge [sflag:s7], $0x10  }
0x349: {  	[sflag:s7] =	ssyncset.done $0x0  }
0x34a: {  	[sflag:s7] =	ssyncadd.s32 $0xFFFFFFF0  }
0x34b: {  	_ =	swait.ge [sflag:s7], $0x10  }
0x34c: {  	[sflag:s7] =	ssyncset.done $0x0  }
0x34d: {  	[sflag:s7] =	ssyncadd.s32 $0xFFFFFFF0  }
0x34e: {  	_ =	swait.ge [sflag:s7], $0x10  }
0x34f: {  	[sflag:s7] =	ssyncset.done $0x0  }
0x350: {  	[sflag:s7] =	ssyncadd.s32 $0xFFFFFFF0  }
0x351: {  	_ =	swait.ge [sflag:s7], $0x10  }
0x352: {  	[sflag:s7] =	ssyncset.done $0x0  }
0x353: {  	[sflag:s7] =	ssyncadd.s32 $0xFFFFFFF0  }
0x354: {  	_ =	swait.ge [sflag:s7], $0x10  }
0x355: {  	[sflag:s7] =	ssyncset.done $0x0  }
0x356: {  	[sflag:s7] =	ssyncadd.s32 $0xFFFFFFF0  }
0x357: {  	_ =	swait.ge [sflag:s7], $0x10  }
0x358: {  	[sflag:s7] =	ssyncset.done $0x0  }
0x359: {  	[sflag:s7] =	ssyncadd.s32 $0xFFFFFFF0  }
0x35a: {  	_ =	swait.ge [sflag:s7], $0x10  }
0x35b: {  	[sflag:s7] =	ssyncset.done $0x0  }
0x35c: {  	[sflag:s7] =	ssyncadd.s32 $0xFFFFFFF0  }
0x35d: {  	_ =	swait.ge [sflag:s7], $0x10  }
0x35e: {  	[sflag:s7] =	ssyncset.done $0x0  }
0x35f: {  	[sflag:s7] =	ssyncadd.s32 $0xFFFFFFF0  }
0x360: {  	_ =	swait.ge [sflag:s7], $0x10  }
0x361: {  	[sflag:s7] =	ssyncset.done $0x0  }
0x362: {  	[sflag:s7] =	ssyncadd.s32 $0xFFFFFFF0  }
0x363: {  	_ =	swait.ge [sflag:s7], $0x10  }
0x364: {  	[sflag:s7] =	ssyncset.done $0x0  }
0x365: {  	[sflag:s7] =	ssyncadd.s32 $0xFFFFFFF0  }
0x366: {  	_ =	swait.ge [sflag:s7], $0x10  }
0x367: {  	[sflag:s7] =	ssyncset.done $0x0  }
0x368: {  	[sflag:s7] =	ssyncadd.s32 $0xFFFFFFF0  }
0x369: {  	_ =	swait.ge [sflag:s7], $0x10  }
0x36a: {  	[sflag:s7] =	ssyncset.done $0x0  }
0x36b: {  	[sflag:s7] =	ssyncadd.s32 $0xFFFFFFF0  }
0x36c: {  	_ =	swait.ge [sflag:s7], $0x10  }
0x36d: {  	[sflag:s7] =	ssyncset.done $0x0  }
0x36e: {  	[sflag:s7] =	ssyncadd.s32 $0xFFFFFFF0  }
0x36f: {  	_ =	swait.ge [sflag:s7], $0x10  }
0x370: {  	[sflag:s7] =	ssyncset.done $0x0  }
0x371: {  	[sflag:s7] =	ssyncadd.s32 $0xFFFFFFF0  }
0x372: {  	_ =	swait.ge [sflag:s7], $0x10  }
0x373: {  	[sflag:s7] =	ssyncset.done $0x0  }
0x374: {  	[sflag:s7] =	ssyncadd.s32 $0xFFFFFFF0  }
0x375: {  	_ =	swait.ge [sflag:s7], $0x10  }
0x376: {  	[sflag:s7] =	ssyncset.done $0x0  }
0x377: {  	[sflag:s7] =	ssyncadd.s32 $0xFFFFFFF0  }
0x378: {  	_ =	swait.ge [sflag:s7], $0x10  }
0x379: {  	[sflag:s7] =	ssyncset.done $0x0  }
0x37a: {  	[sflag:s7] =	ssyncadd.s32 $0xFFFFFFF0  }
0x37b: {  	_ =	swait.ge [sflag:s7], $0x10  }
0x37c: {  	[sflag:s7] =	ssyncset.done $0x0  }
0x37d: {  	[sflag:s7] =	ssyncadd.s32 $0xFFFFFFF0  }
0x37e: {  	_ =	swait.ge [sflag:s7], $0x10  }
0x37f: {  	[sflag:s7] =	ssyncset.done $0x0  }
0x380: {  	[sflag:s7] =	ssyncadd.s32 $0xFFFFFFF0  }
0x381: {  	_ =	swait.ge [sflag:s7], $0x10  }
0x382: {  	[sflag:s7] =	ssyncset.done $0x0  }
0x383: {  	[sflag:s7] =	ssyncadd.s32 $0xFFFFFFF0  }
0x384: {  	_ =	swait.ge [sflag:s7], $0x10  }
0x385: {  	[sflag:s7] =	ssyncset.done $0x0  }
0x386: {  	[sflag:s7] =	ssyncadd.s32 $0xFFFFFFF0  }
0x387: {  	_ =	swait.ge [sflag:s7], $0x10  }
0x388: {  	[sflag:s7] =	ssyncset.done $0x0  }
0x389: {  	[sflag:s7] =	ssyncadd.s32 $0xFFFFFFF0  }
0x38a: {  	_ =	swait.ge [sflag:s7], $0x10  }
0x38b: {  	[sflag:s7] =	ssyncset.done $0x0  }
0x38c: {  	[sflag:s7] =	ssyncadd.s32 $0xFFFFFFF0  }
0x38d: {  	_ =	swait.ge [sflag:s7], $0x10  }
0x38e: {  	[sflag:s7] =	ssyncset.done $0x0  }
0x38f: {  	[sflag:s7] =	ssyncadd.s32 $0xFFFFFFF0  }
0x390: {  	_ =	swait.ge [sflag:s7], $0x10  }
0x391: {  	[sflag:s7] =	ssyncset.done $0x0  }
0x392: {  	[sflag:s7] =	ssyncadd.s32 $0xFFFFFFF0  }
0x393: {  	_ =	swait.ge [sflag:s7], $0x10  }
0x394: {  	[sflag:s7] =	ssyncset.done $0x0  }
0x395: {  	[sflag:s7] =	ssyncadd.s32 $0xFFFFFFF0  }
0x396: {  	_ =	swait.ge [sflag:s7], $0x10  }
0x397: {  	[sflag:s7] =	ssyncset.done $0x0  }
0x398: {  	[sflag:s7] =	ssyncadd.s32 $0xFFFFFFF0  }
0x399: {  	_ =	swait.ge [sflag:s7], $0x10  }
0x39a: {  	[sflag:s7] =	ssyncset.done $0x0  }
0x39b: {  	[sflag:s7] =	ssyncadd.s32 $0xFFFFFFF0  }
0x39c: {  	_ =	swait.ge [sflag:s7], $0x10  }
0x39d: {  	[sflag:s7] =	ssyncset.done $0x0  }
0x39e: {  	[sflag:s7] =	ssyncadd.s32 $0xFFFFFFF0  }
0x39f: {  	_ =	swait.ge [sflag:s7], $0x10  }
0x3a0: {  	[sflag:s7] =	ssyncset.done $0x0  }
0x3a1: {  	[sflag:s7] =	ssyncadd.s32 $0xFFFFFFF0  }
0x3a2: {  	_ =	swait.ge [sflag:s7], $0x10  }
0x3a3: {  	[sflag:s7] =	ssyncset.done $0x0  }
0x3a4: {  	[sflag:s7] =	ssyncadd.s32 $0xFFFFFFF0  }
0x3a5: {  	_ =	swait.ge [sflag:s7], $0x10  }
0x3a6: {  	[sflag:s7] =	ssyncset.done $0x0  }
0x3a7: {  	[sflag:s7] =	ssyncadd.s32 $0xFFFFFFF0  }
0x3a8: {  	_ =	swait.ge [sflag:s7], $0x10  }
0x3a9: {  	[sflag:s7] =	ssyncset.done $0x0  }
0x3aa: {  	[sflag:s7] =	ssyncadd.s32 $0xFFFFFFF0  }
0x3ab: {  	_ =	swait.ge [sflag:s7], $0x10  }
0x3ac: {  	[sflag:s7] =	ssyncset.done $0x0  }
0x3ad: {  	[sflag:s7] =	ssyncadd.s32 $0xFFFFFFF0  }
0x3ae: {  	_ =	swait.ge [sflag:s7], $0x10  }
0x3af: {  	[sflag:s7] =	ssyncset.done $0x0  }
0x3b0: {  	[sflag:s7] =	ssyncadd.s32 $0xFFFFFFF0  }
0x3b1: {  	_ =	swait.ge [sflag:s7], $0x10  }
0x3b2: {  	[sflag:s7] =	ssyncset.done $0x0  }
0x3b3: {  	[sflag:s7] =	ssyncadd.s32 $0xFFFFFFF0  }
0x3b4: {  	_ =	swait.ge [sflag:s7], $0x10  }
0x3b5: {  	[sflag:s7] =	ssyncset.done $0x0  }
0x3b6: {  	[sflag:s7] =	ssyncadd.s32 $0xFFFFFFF0  }
0x3b7: {  	_ =	swait.ge [sflag:s7], $0x10  }
0x3b8: {  	[sflag:s7] =	ssyncset.done $0x0  }
0x3b9: {  	[sflag:s7] =	ssyncadd.s32 $0xFFFFFFF0  }
0x3ba: {  	_ =	swait.ge [sflag:s7], $0x10  }
0x3bb: {  	[sflag:s7] =	ssyncset.done $0x0  }
0x3bc: {  	[sflag:s7] =	ssyncadd.s32 $0xFFFFFFF0  }
0x3bd: {  	_ =	swait.ge [sflag:s7], $0x10  }
0x3be: {  	[sflag:s7] =	ssyncset.done $0x0  }
0x3bf: {  	[sflag:s7] =	ssyncadd.s32 $0xFFFFFFF0  }
0x3c0: {  	_ =	swait.ge [sflag:s7], $0x10  }
0x3c1: {  	[sflag:s7] =	ssyncset.done $0x0  }
0x3c2: {  	[sflag:s7] =	ssyncadd.s32 $0xFFFFFFF0  }
0x3c3: {  	_ =	swait.ge [sflag:s7], $0x10  }
0x3c4: {  	[sflag:s7] =	ssyncset.done $0x0  }
0x3c5: {  	[sflag:s7] =	ssyncadd.s32 $0xFFFFFFF0  }
0x3c6: {  	_ =	swait.ge [sflag:s7], $0x10  }
0x3c7: {  	[sflag:s7] =	ssyncset.done $0x0  }
0x3c8: {  	[sflag:s7] =	ssyncadd.s32 $0xFFFFFFF0  }
0x3c9: {  	_ =	swait.ge [sflag:s7], $0x10  }
0x3ca: {  	[sflag:s7] =	ssyncset.done $0x0  }
0x3cb: {  	[sflag:s7] =	ssyncadd.s32 $0xFFFFFFF0  }
0x3cc: {  	_ =	swait.ge [sflag:s7], $0x10  }
0x3cd: {  	[sflag:s7] =	ssyncset.done $0x0  }
0x3ce: {  	[sflag:s7] =	ssyncadd.s32 $0xFFFFFFF0  }
0x3cf: {  	_ =	swait.ge [sflag:s7], $0x10  }
0x3d0: {  	[sflag:s7] =	ssyncset.done $0x0  }
0x3d1: {  	[sflag:s7] =	ssyncadd.s32 $0xFFFFFFF0  }
0x3d2: {  	v7 =	vand.u32 $0xF, v7;
	_ =	swait.ge [sflag:s7], $0x10  }
0x3d3: {  	v60 =	vor.u32 v0, v7;
	[sflag:s7] =	ssyncset.done $0x0  }
0x3d4: {  	[sflag:s7] =	ssyncadd.s32 $0xFFFFFFF0  }
0x3d5: {  	_ =	swait.ge [sflag:s7], $0x10  }
0x3d6: {  	[sflag:s7] =	ssyncset.done $0x0  }
0x3d7: {  	[sflag:s7] =	ssyncadd.s32 $0xFFFFFFF0  }
0x3d8: {  	v9 =	vld.idx.msk [tilespmem:v60+s8+$0x0], $0xffff  }
0x3d9: {  	v61 =	vor.u32 v2, v7;
	_ =	sdelay $0x3  }
0x3da: {  	[tilespmem:$0x800] =	vst v9  }
0x3db: {  	v9 =	vld.idx.msk [tilespmem:v61+s8+$0x0], $0xffff  }
0x3dc: {  	v7 =	vor.u32 v3, v7;
	_ =	sdelay $0x3  }
0x3dd: {  	[tilespmem:$0x820] =	vst v9  }
0x3de: {  	v8 =	vand.u32 $0xF, v8;
	v7 =	vld.idx.msk [tilespmem:v7+s8+$0x0], $0xffff  }
0x3df: {  	v62 =	vor.u32 v4, v8;
	_ =	sdelay $0x3  }
0x3e0: {  	[tilespmem:$0x840] =	vst v7  }
0x3e1: {  	v7 =	vld.idx.msk [tilespmem:v62+s8+$0x0], $0xffff  }
0x3e2: {  	v63 =	vor.u32 v5, v8;
	_ =	sdelay $0x3  }
0x3e3: {  	[tilespmem:$0x810] =	vst v7  }
0x3e4: {  	v7 =	vld.idx.msk [tilespmem:v63+s8+$0x0], $0xffff  }
0x3e5: {  	v8 =	vor.u32 v6, v8;
	_ =	sdelay $0x3  }
0x3e6: {  	[tilespmem:$0x830] =	vst v7  }
0x3e7: {  	v7 =	vld.idx.msk [tilespmem:v8+s8+$0x0], $0xffff;
	_ =	sdelay $0x2  }
0x3e8: {  	s20 =	sld [smem:$0x7F8];
	_ =	sdelay $0x1  }
0x3e9: {  	s19 =	rddreg [dreg:$0x6];
	[tilespmem:$0x850] =	vst v7  }
0x3ea: {  	[hbm4b:s19+s3] =	stream.linear.scatter [tilespmem:s20], [sflag:$0x2], $0x10, $0x38;
	[tilespmem:$0x880] =	vst v63  }
0x3eb: {  	_ =	swait.ge [sflag:s6], $0x10  }
0x3ec: {  	s22 =	sld [smem:$0x7F9]  }
0x3ed: {  	[sflag:s6] =	ssyncset.done $0x0  }
0x3ee: {  	s21 =	rddreg [dreg:$0x7];
	[sflag:s6] =	ssyncadd.s32 $0xFFFFFFF0  }
0x3ef: {  	[hbm4b:s21+s3] =	stream.linear.scatter [tilespmem:s22], [sflag:$0x2], $0x10, $0x38;
	[tilespmem:$0x880] =	vst v63  }
0x3f0: {  	_ =	swait.ge [sflag:s6], $0x10  }
0x3f1: {  	s24 =	sld [smem:$0x7FA]  }
0x3f2: {  	[sflag:s6] =	ssyncset.done $0x0  }
0x3f3: {  	s23 =	rddreg [dreg:$0x8];
	[sflag:s6] =	ssyncadd.s32 $0xFFFFFFF0  }
0x3f4: {  	[hbm4b:s23+s3] =	stream.linear.scatter [tilespmem:s24], [sflag:$0x2], $0x10, $0x38;
	[tilespmem:$0x880] =	vst v63  }
0x3f5: {  	_ =	swait.ge [sflag:s6], $0x10  }
0x3f6: {  	s26 =	sld [smem:$0x7FB]  }
0x3f7: {  	[sflag:s6] =	ssyncset.done $0x0  }
0x3f8: {  	s25 =	rddreg [dreg:$0x9];
	[sflag:s6] =	ssyncadd.s32 $0xFFFFFFF0  }
0x3f9: {  	[hbm4b:s25+s3] =	stream.linear.scatter [tilespmem:s26], [sflag:$0x2], $0x10, $0x38;
	[tilespmem:$0x880] =	vst v63  }
0x3fa: {  	_ =	swait.ge [sflag:s6], $0x10  }
0x3fb: {  	s29 =	sld [smem:$0x7FC]  }
0x3fc: {  	[sflag:s6] =	ssyncset.done $0x0  }
0x3fd: {  	s28 =	rddreg [dreg:$0xa];
	[sflag:s6] =	ssyncadd.s32 $0xFFFFFFF0  }
0x3fe: {  	[hbm4b:s28+s3] =	stream.linear.scatter [tilespmem:s29], [sflag:$0x2], $0x10, $0x38;
	[tilespmem:$0x880] =	vst v63  }
0x3ff: {  	_ =	swait.ge [sflag:s6], $0x10  }
0x400: {  	s31 =	sld [smem:$0x7FD]  }
0x401: {  	p0 =	sne.s32 s5, $0x1;
	[sflag:s6] =	ssyncset.done $0x0  }
.Ltmp0:
0x402: {  	s30 =	rddreg [dreg:$0xb];
	[sflag:s6] =	ssyncadd.s32 $0xFFFFFFF0;
	(pc) =	sbr.rel @p0 .LBB2_1-.Ltmp0, $4  }
0x403: {  	[hbm4b:s30+s3] =	stream.linear.scatter [tilespmem:s31], [sflag:$0x2], $0x10, $0x38;
	[tilespmem:$0x880] =	vst v63  }
0x404: {  	_ =	swait.ge [sflag:s6], $0x10  }
0x405: {  	[sflag:s6] =	ssyncset.done $0x0  }
0x406: {  	s5 =	sadd.s32 $0xFFFFFFFF, s5;
	[sflag:s6] =	ssyncadd.s32 $0xFFFFFFF0  }
0x407: {  	_ =	sfence.sel $0x180000  }
0x408: {  	[bflag:$0x0] =	sbarrier.arrive $0xFFFF  }
0x409: {  	p0 =	sne.s32 s0, $0x0;
	_ =	strace $0x90000047  }
0x40a: {  	s0 =	sadd.s32 @!p0 $0x100000, s2;
	[bflag:$0x2] =	sbarrier.arrive $0xFFFF  }
0x40b: {  	[sflag:s0] =	ssyncadd.tile.s32 @!p0 $0x1;
	_ =	shalt  }
.Lfunc_end2:
_tile_overlayer_lowered:
.L_overlay_start_2:
0x40c: {  	(tag) =	ssettag $0x2  }
0x40d: {  	s0 =	rddreg [dreg:$0x0];
	s2 =	stileid.u32  }
0x40e: {  	s1 =	rddreg [dreg:$0x1];
	p0 =	sne.s32 s2, $0x0  }
0x40f: {  	s3 =	rddreg [dreg:$0x2];
	[bflag:$0x3] =	sbarrier.arrive $0xFFFF;
	s2 =	simm.s32 @!p0 $0x1C02  }
0x410: {  	[timem:s3], [sflag:s2] =	dma.local @!p0 [hbm:s0], s1  }
0x411: {  	s0 =	simm.s32 @!p0 $0x2  }
0x412: {  	_ =	swait.ge @!p0 [sflag:s0], s1  }
0x413: {  	s1 =	ssub.s32 @!p0 $0x0, s1;
	[sflag:s0] =	ssyncset.done @!p0 $0x0  }
0x414: {  	[sflag:s0] =	ssyncadd.s32 @!p0 s1  }
0x415: {  	[bflag:$0x3] =	sbarrier.arrive $0xFFFF  }
0x416: {  	_ =	shalt  }

</sc_bundles>
